<compile_context>
chip_gen: v7x
topology: tpu7x:2x2x1
jax: 0.10.2.dev20260603
libtpu: 0.0.44.dev20260713+nightly
codegen_flags: <defaults>
</compile_context>

<pallas_src>
import functools

import jax
import jax.numpy as jnp
from jax import lax
from jax.experimental import pallas as pl
from jax.experimental.pallas import tpu as pltpu
from jax.experimental.pallas import tpu_sc as plsc

CONF_T = 0.2
IOU_T = 0.6
IOU_F = IOU_T / (1.0 + IOU_T)
MAX_DET = 300
MAX_WH = 4096.0
N = 5000
NCLS = 80
TW = 16
KPAD = 320
OPAD = 1824
BK = 16

C_SC, C_CF, C_RX1, C_RY1, C_RX2, C_RY2 = 0, 1, 2, 3, 4, 5
C_OX1, C_OY1, C_OX2, C_OY2, C_PA, C_PAE = 6, 7, 8, 9, 10, 11


def _score_box_kernel(p_ref, o_ref):
    x = p_ref[0]
    obj = x[:, 4:5]
    cls = x[:, 5:5 + NCLS]
    sall = obj * cls
    best = jnp.max(sall, axis=1, keepdims=True)
    ci = lax.broadcasted_iota(jnp.int32, sall.shape, 1)
    bcls = jnp.min(jnp.where(sall == best, ci, NCLS), axis=1, keepdims=True)
    clsf = bcls.astype(jnp.float32)
    score = jnp.where(best > CONF_T, best, 0.0)
    xc, yc, w, h = x[:, 0:1], x[:, 1:2], x[:, 2:3], x[:, 3:4]
    rx1 = xc - w / 2.0
    ry1 = yc - h / 2.0
    rx2 = xc + w / 2.0
    ry2 = yc + h / 2.0
    off = clsf * MAX_WH
    ox1 = rx1 + off
    oy1 = ry1 + off
    ox2 = rx2 + off
    oy2 = ry2 + off
    pa = ((ox2 - ox1) * (oy2 - oy1)) * IOU_F
    pae = pa + (IOU_F * 1e-9)
    for c, v in enumerate([score, clsf, rx1, ry1, rx2, ry2,
                           ox1, oy1, ox2, oy2, pa, pae]):
        o_ref[:, c:c + 1] = v


def _nms_scan(tab_h, order_h, out_h,
              tab_v, order_v, kx1, ky1, kx2, ky2, kpa, kidx, outbuf):
    cid = lax.axis_index("c")
    sid = lax.axis_index("s")

    @pl.when(jnp.logical_and(cid == 0, sid == 0))
    def _():
        pltpu.sync_copy(tab_h, tab_v)
        pltpu.sync_copy(order_h, order_v)

        lanes = lax.broadcasted_iota(jnp.int32, (16,), 0)
        sent = jnp.full((16,), 1e8, jnp.float32)
        zero16 = jnp.zeros((16,), jnp.float32)
        zero16i = jnp.zeros((16,), jnp.int32)

        def init_kept(i, _):
            idx = i * 16 + lanes
            plsc.store_scatter(kx1, [idx], sent)
            plsc.store_scatter(ky1, [idx], sent)
            plsc.store_scatter(kx2, [idx], sent)
            plsc.store_scatter(ky2, [idx], sent)
            plsc.store_scatter(kpa, [idx], zero16)
            plsc.store_scatter(kidx, [idx], zero16i)
            return 0
        lax.fori_loop(0, KPAD // 16, init_kept, 0)

        def init_out(i, _):
            plsc.store_scatter(outbuf, [i * 16 + lanes], zero16)
            return 0
        lax.fori_loop(0, OPAD // 16, init_out, 0)

        maxdetv = jnp.full((16,), MAX_DET, jnp.int32)
        neg = jnp.full((16,), -1e30, jnp.float32)

        def cond(st):
            i0, kk_s, stop = st
            return (i0 < N) & (kk_s < MAX_DET) & (stop == 0)

        def body(st):
            i0, kk_s, stop = st
            cand16 = plsc.load_gather(order_v, [i0 + lanes]) * TW
            sc16 = plsc.load_gather(tab_v, [cand16 + C_SC])
            bx1 = plsc.load_gather(tab_v, [cand16 + C_OX1])
            by1 = plsc.load_gather(tab_v, [cand16 + C_OY1])
            bx2 = plsc.load_gather(tab_v, [cand16 + C_OX2])
            by2 = plsc.load_gather(tab_v, [cand16 + C_OY2])
            bpa = plsc.load_gather(tab_v, [cand16 + C_PA])
            bmax = jnp.max(sc16)
            kksv = jnp.full((16,), kk_s, jnp.int32)
            nc = (kk_s + 63) // 64

            def splats(c):
                vci = plsc.load_gather(
                    order_v, [jnp.full((16,), i0 + c, jnp.int32)]) * TW
                vx1 = plsc.load_gather(tab_v, [vci + C_OX1])
                vy1 = plsc.load_gather(tab_v, [vci + C_OY1])
                vx2 = plsc.load_gather(tab_v, [vci + C_OX2])
                vy2 = plsc.load_gather(tab_v, [vci + C_OY2])
                vpae = plsc.load_gather(tab_v, [vci + C_PAE])
                vsc = plsc.load_gather(tab_v, [vci + C_SC])
                return vx1, vy1, vx2, vy2, vpae, vsc

            keepmask = jnp.zeros((16,), jnp.bool_)
            nblk = zero16i

            for g in range(4):
                sp = [splats(4 * g + j) for j in range(4)]

                def chunk(ci, accs, sp=sp):
                    base = ci * 64
                    accs = list(accs)
                    for u in range(4):
                        idx = base + u * 16 + lanes
                        qx1 = plsc.load_gather(kx1, [idx])
                        qy1 = plsc.load_gather(ky1, [idx])
                        qx2 = plsc.load_gather(kx2, [idx])
                        qy2 = plsc.load_gather(ky2, [idx])
                        qpa = plsc.load_gather(kpa, [idx])
                        for j in range(4):
                            vx1, vy1, vx2, vy2, _, _ = sp[j]
                            iw = jnp.minimum(vx2, qx2) - jnp.maximum(vx1, qx1)
                            ih = jnp.minimum(vy2, qy2) - jnp.maximum(vy1, qy1)
                            inter = (jnp.maximum(iw, 0.0)
                                     * jnp.maximum(ih, 0.0))
                            accs[j] = jnp.maximum(accs[j], inter - qpa)
                    return tuple(accs)

                accs = lax.fori_loop(0, nc, chunk, (neg, neg, neg, neg))

                for j in range(4):
                    c = 4 * g + j
                    vx1, vy1, vx2, vy2, vpae, vsc = sp[j]
                    memcnt = plsc.all_reduce_population_count(accs[j] > vpae)
                    iw = jnp.minimum(vx2, bx2) - jnp.maximum(vx1, bx1)
                    ih = jnp.minimum(vy2, by2) - jnp.maximum(vy1, by1)
                    inter = jnp.maximum(iw, 0.0) * jnp.maximum(ih, 0.0)
                    pairsup = (inter - bpa) > vpae
                    rel = pairsup & keepmask & (lanes < c)
                    paircnt = plsc.all_reduce_population_count(rel)
                    keep = ((memcnt == 0) & (paircnt == 0) & (vsc > 0.0)
                            & ((kksv + nblk) < maxdetv))
                    keepmask = keepmask | ((lanes == c) & keep)
                    nblk = nblk + keep.astype(jnp.int32)

            cum = plsc.cumsum(keepmask.astype(jnp.int32))
            dest = kksv + cum - 1
            plsc.store_scatter(kx1, [dest], bx1, mask=keepmask)
            plsc.store_scatter(ky1, [dest], by1, mask=keepmask)
            plsc.store_scatter(kx2, [dest], bx2, mask=keepmask)
            plsc.store_scatter(ky2, [dest], by2, mask=keepmask)
            plsc.store_scatter(kpa, [dest], bpa, mask=keepmask)
            plsc.store_scatter(kidx, [dest], cand16, mask=keepmask)

            kk_s2 = kk_s + jnp.max(cum)
            stop2 = (bmax <= 0.0).astype(jnp.int32)
            return (i0 + BK, kk_s2, stop2)

        i0f, kkf, _ = lax.while_loop(
            cond, body, (jnp.int32(0), jnp.int32(0), jnp.int32(0)))

        kkfv = zero16i + kkf

        def write_rows(i, _):
            rows = i * 16 + lanes
            msk = rows < kkfv
            vk = plsc.load_gather(kidx, [rows])
            for f, colc in enumerate([C_RX1, C_RY1, C_RX2, C_RY2, C_SC, C_CF]):
                val = plsc.load_gather(tab_v, [vk + colc])
                plsc.store_scatter(outbuf, [rows * 6 + f], val, mask=msk)
            return 0
        lax.fori_loop(0, (MAX_DET + 15) // 16, write_rows, 0)

        pltpu.sync_copy(outbuf.at[pl.ds(0, MAX_DET * 6)], out_h)


def kernel(preds, anchors, image_size):
    del anchors, image_size

    tab = pl.pallas_call(
        _score_box_kernel,
        out_shape=jax.ShapeDtypeStruct((N, TW), jnp.float32),
    )(preds)

    order = jnp.argsort(tab[:, 0], descending=True, stable=True).astype(jnp.int32)

    scan = functools.partial(
        pl.kernel,
        mesh=plsc.VectorSubcoreMesh(core_axis_name="c", subcore_axis_name="s"),
        out_type=jax.ShapeDtypeStruct((MAX_DET * 6,), jnp.float32),
        compiler_params=pltpu.CompilerParams(needs_layout_passes=False),
        scratch_types=[
            pltpu.VMEM((N * TW,), jnp.float32),
            pltpu.VMEM((N,), jnp.int32),
            pltpu.VMEM((KPAD,), jnp.float32),
            pltpu.VMEM((KPAD,), jnp.float32),
            pltpu.VMEM((KPAD,), jnp.float32),
            pltpu.VMEM((KPAD,), jnp.float32),
            pltpu.VMEM((KPAD,), jnp.float32),
            pltpu.VMEM((KPAD,), jnp.int32),
            pltpu.VMEM((OPAD,), jnp.float32),
        ],
    )(_nms_scan)

    det = scan(tab.reshape(N * TW), order)
    return det.reshape(1, MAX_DET, 6)

# --- scband reference (transcript-rebuilt; emitter-appended) ---
"""Pipeline reference for scband-post-process-16733192585466 (READ-ONLY COPY).

The authoritative reference and input builder live on the scoring server;
editing this copy changes nothing except your own understanding.
"""

import jax, jax.numpy as jnp
import numpy as np

CONF_THRES = 0.2
IOU_THRES = 0.6
MAX_DET = 300
MAX_WH = 4096.0


def setup_inputs(seed: int = 0) -> dict:
    key = jax.random.key(seed)
    k1, k2 = jax.random.split(key)
    preds = jax.random.uniform(k1, (1, 5000, 85), dtype=jnp.float32)
    anchors = jax.random.uniform(k2, (3, 2), dtype=jnp.float32)
    image_size = jnp.arange(2, dtype=jnp.int32) + 640
    return {"preds": preds, "anchors": anchors, "image_size": image_size}


def _xywh2xyxy(x):
    xc, yc, w, h = x[..., 0], x[..., 1], x[..., 2], x[..., 3]
    return jnp.stack([xc - w / 2.0, yc - h / 2.0, xc + w / 2.0, yc + h / 2.0], axis=-1)


def _box_iou(box, boxes):
    x1 = jnp.maximum(box[0], boxes[:, 0])
    y1 = jnp.maximum(box[1], boxes[:, 1])
    x2 = jnp.minimum(box[2], boxes[:, 2])
    y2 = jnp.minimum(box[3], boxes[:, 3])
    inter = jnp.clip(x2 - x1, 0.0) * jnp.clip(y2 - y1, 0.0)
    a1 = (box[2] - box[0]) * (box[3] - box[1])
    a2 = (boxes[:, 2] - boxes[:, 0]) * (boxes[:, 3] - boxes[:, 1])
    return inter / (a1 + a2 - inter + 1e-9)


def _nms_single(boxes, scores):
    def body(i, state):
        s, keep = state
        idx = jnp.argmax(s)
        valid = s[idx] > 0.0
        keep = keep.at[i].set(jnp.where(valid, idx.astype(jnp.int32), jnp.int32(-1)))
        ious = _box_iou(boxes[idx], boxes)
        sup = (ious > IOU_THRES) & valid
        s = jnp.where(sup, -1.0, s)
        s = s.at[idx].set(-1.0)
        return (s, keep)

    keep0 = jnp.full((MAX_DET,), -1, dtype=jnp.int32)
    _, keep = jax.lax.fori_loop(0, MAX_DET, body, (scores, keep0))
    return keep


def reference(preds, anchors, image_size):
    # handle_preds is abstract in the base class; the canonical concrete impl
    # decodes preds to [B, N, 5+nc] inference output. Here preds is already in
    # that layout, so handle_preds acts as identity pass-through.
    inf_out = preds
    dets = []
    for b in range(inf_out.shape[0]):
        x = inf_out[b]
        obj = x[:, 4]
        cls = x[:, 5:]
        scores_all = obj[:, None] * cls  # conf = obj_conf * cls_conf
        best = jnp.max(scores_all, axis=1)
        bcls = jnp.argmax(scores_all, axis=1)
        scores = jnp.where(best > CONF_THRES, best, 0.0)
        boxes = _xywh2xyxy(x[:, :4])
        # class-offset trick for class-aware NMS
        boxes_off = boxes + (bcls.astype(jnp.float32) * MAX_WH)[:, None]
        keep = _nms_single(jax.lax.stop_gradient(boxes_off), jax.lax.stop_gradient(scores))
        valid = keep >= 0
        ki = jnp.clip(keep, 0, boxes.shape[0] - 1)
        det = jnp.concatenate(
            [boxes[ki], scores[ki][:, None], bcls[ki].astype(jnp.float32)[:, None]], axis=1
        )
        det = jnp.where(valid[:, None], det, 0.0)
        dets.append(det)
    return jnp.stack(dets, axis=0)  # [B, MAX_DET, 6] = xyxy, conf, cls

if __name__ == "__main__":
    import jax
    _d = setup_inputs()
    print(jax.jit(kernel)(*tuple(_d.values())))

</pallas_src>

<mosaic_0001>
#map = affine_map<(d0, d1) -> (0)>
module attributes {stable_mosaic.version = 14 : i64} {
  func.func @_nms_scan(%arg0: i32, %arg1: i32, %arg2: memref<80000xf32, #tpu.memory_space<hbm>>, %arg3: memref<5000xi32, #tpu.memory_space<hbm>>, %arg4: memref<1800xf32, #tpu.memory_space<hbm>>, %arg5: memref<80000xf32, #tpu.memory_space<vmem>>, %arg6: memref<5000xi32, #tpu.memory_space<vmem>>, %arg7: memref<320xf32, #tpu.memory_space<vmem>>, %arg8: memref<320xf32, #tpu.memory_space<vmem>>, %arg9: memref<320xf32, #tpu.memory_space<vmem>>, %arg10: memref<320xf32, #tpu.memory_space<vmem>>, %arg11: memref<320xf32, #tpu.memory_space<vmem>>, %arg12: memref<320xi32, #tpu.memory_space<vmem>>, %arg13: memref<1824xf32, #tpu.memory_space<vmem>>) attributes {dimension_semantics = [#tpu.dimension_semantics<core_parallel>, #tpu.dimension_semantics<subcore_parallel>], iteration_bounds = array<i64: 2, 16>, scalar_prefetch = 0 : i64, scratch_operands = 9 : i64, tpu.core_type = #tpu.core_type<sc_vector_subcore>, window_params = [{transform_indices = #map}, {transform_indices = #map}, {transform_indices = #map}]} {
    %eq3A = arith.constant 0 : i32
    %eq3A_0 = arith.cmpi eq, %arg0, %eq3A : i32
    %eq3A_1 = arith.constant 0 : i32
    %eq3A_2 = arith.cmpi eq, %arg1, %eq3A_1 : i32
    %and3A = arith.andi %eq3A_0, %eq3A_2 : i1
    %convert_element_type3A = arith.extui %and3A : i1 to i32
    %cond3A = arith.constant 0 : i32
    %cond3A_3 = arith.cmpi ne, %convert_element_type3A, %cond3A : i32
    scf.if %cond3A_3 {
      "tpu.region"() ({
        %run_scoped3A = tpu.sem_alloc : memref<!tpu.dma_semaphore, #tpu.memory_space<semaphore_mem>>
        tpu.enqueue_dma source(%arg2 : memref<80000xf32, #tpu.memory_space<hbm>>) target(%arg5 : memref<80000xf32, #tpu.memory_space<vmem>>) target_semaphore(%run_scoped3A : memref<!tpu.dma_semaphore, #tpu.memory_space<semaphore_mem>>)
        tpu.wait_dma2 semaphore(%run_scoped3A : memref<!tpu.dma_semaphore, #tpu.memory_space<semaphore_mem>>) src(%arg2 : memref<80000xf32, #tpu.memory_space<hbm>>) dst(%arg5 : memref<80000xf32, #tpu.memory_space<vmem>>)
        tpu.yield
      }) : () -> ()
      "tpu.region"() ({
        %run_scoped3A = tpu.sem_alloc : memref<!tpu.dma_semaphore, #tpu.memory_space<semaphore_mem>>
        tpu.enqueue_dma source(%arg3 : memref<5000xi32, #tpu.memory_space<hbm>>) target(%arg6 : memref<5000xi32, #tpu.memory_space<vmem>>) target_semaphore(%run_scoped3A : memref<!tpu.dma_semaphore, #tpu.memory_space<semaphore_mem>>)
        tpu.wait_dma2 semaphore(%run_scoped3A : memref<!tpu.dma_semaphore, #tpu.memory_space<semaphore_mem>>) src(%arg3 : memref<5000xi32, #tpu.memory_space<hbm>>) dst(%arg6 : memref<5000xi32, #tpu.memory_space<vmem>>)
        tpu.yield
      }) : () -> ()
      %iota3A = tpu.iota {dimensions = array<i32: 0>} : vector<16xi32>
      %broadcast_in_dim3A = arith.constant 1.000000e+08 : f32
      %broadcast_in_dim3A_4 = vector.broadcast %broadcast_in_dim3A : f32 to vector<16xf32>
      %broadcast_in_dim3A_5 = arith.constant 0.000000e+00 : f32
      %broadcast_in_dim3A_6 = vector.broadcast %broadcast_in_dim3A_5 : f32 to vector<16xf32>
      %broadcast_in_dim3A_7 = arith.constant 0 : i32
      %broadcast_in_dim3A_8 = vector.broadcast %broadcast_in_dim3A_7 : i32 to vector<16xi32>
      %scan3A = arith.constant 0 : i32
      %scan3A_9 = arith.constant 0 : i32
      %scan3A_10 = arith.constant 20 : i32
      %scan3A_11 = arith.addi %scan3A_9, %scan3A_10 : i32
      %scan3A_12 = arith.constant 1 : i32
      %scan3A_13 = scf.for %scan3A_37 = %scan3A_9 to %scan3A_11 step %scan3A_12 iter_args(%scan3A_38 = %scan3A) -> (i32)  : i32 {
        %mul3A = arith.constant 16 : i32
        %mul3A_39 = arith.muli %scan3A_37, %mul3A : i32
        %add3A_40 = vector.broadcast %mul3A_39 : i32 to vector<16xi32>
        %add3A_41 = arith.addi %add3A_40, %iota3A : vector<16xi32>
        tpu.vector_store_idx %arg7[%add3A_41], %broadcast_in_dim3A_4 : memref<320xf32, #tpu.memory_space<vmem>>[vector<16xi32>], vector<16xf32>,
        tpu.vector_store_idx %arg8[%add3A_41], %broadcast_in_dim3A_4 : memref<320xf32, #tpu.memory_space<vmem>>[vector<16xi32>], vector<16xf32>,
        tpu.vector_store_idx %arg9[%add3A_41], %broadcast_in_dim3A_4 : memref<320xf32, #tpu.memory_space<vmem>>[vector<16xi32>], vector<16xf32>,
        tpu.vector_store_idx %arg10[%add3A_41], %broadcast_in_dim3A_4 : memref<320xf32, #tpu.memory_space<vmem>>[vector<16xi32>], vector<16xf32>,
        tpu.vector_store_idx %arg11[%add3A_41], %broadcast_in_dim3A_6 : memref<320xf32, #tpu.memory_space<vmem>>[vector<16xi32>], vector<16xf32>,
        tpu.vector_store_idx %arg12[%add3A_41], %broadcast_in_dim3A_8 : memref<320xi32, #tpu.memory_space<vmem>>[vector<16xi32>], vector<16xi32>,
        %scan3A_42 = arith.constant 0 : i32
        scf.yield %scan3A_42 : i32
      }
      %scan3A_14 = arith.constant 20 : i32
      %scan3A_15 = arith.constant 0 : i32
      %scan3A_16 = arith.constant 0 : i32
      %scan3A_17 = arith.constant 114 : i32
      %scan3A_18 = arith.addi %scan3A_16, %scan3A_17 : i32
      %scan3A_19 = arith.constant 1 : i32
      %scan3A_20 = scf.for %scan3A_37 = %scan3A_16 to %scan3A_18 step %scan3A_19 iter_args(%scan3A_38 = %scan3A_15) -> (i32)  : i32 {
        %mul3A = arith.constant 16 : i32
        %mul3A_39 = arith.muli %scan3A_37, %mul3A : i32
        %add3A_40 = vector.broadcast %mul3A_39 : i32 to vector<16xi32>
        %add3A_41 = arith.addi %add3A_40, %iota3A : vector<16xi32>
        tpu.vector_store_idx %arg13[%add3A_41], %broadcast_in_dim3A_6 : memref<1824xf32, #tpu.memory_space<vmem>>[vector<16xi32>], vector<16xf32>,
        %scan3A_42 = arith.constant 0 : i32
        scf.yield %scan3A_42 : i32
      }
      %scan3A_21 = arith.constant 114 : i32
      %broadcast_in_dim3A_22 = arith.constant 300 : i32
      %broadcast_in_dim3A_23 = vector.broadcast %broadcast_in_dim3A_22 : i32 to vector<16xi32>
      %broadcast_in_dim3A_24 = arith.constant -1.000000e+30 : f32
      %broadcast_in_dim3A_25 = vector.broadcast %broadcast_in_dim3A_24 : f32 to vector<16xf32>
      %while3A = arith.constant 0 : i32
      %while3A_26 = arith.constant 0 : i32
      %while3A_27 = arith.constant 0 : i32
      %while3A_28:3 = scf.while (%while3A_37 = %while3A, %while3A_38 = %while3A_26, %while3A_39 = %while3A_27) : (i32, i32, i32) -> (i32, i32, i32) {
        %lt3A = arith.constant 5000 : i32
        %lt3A_40 = arith.cmpi slt, %while3A_37, %lt3A : i32
        %lt3A_41 = arith.constant 300 : i32
        %lt3A_42 = arith.cmpi slt, %while3A_38, %lt3A_41 : i32
        %and3A_43 = arith.andi %lt3A_40, %lt3A_42 : i1
        %eq3A_44 = arith.constant 0 : i32
        %eq3A_45 = arith.cmpi eq, %while3A_39, %eq3A_44 : i32
        %and3A_46 = arith.andi %and3A_43, %eq3A_45 : i1
        scf.condition(%and3A_46) %while3A_37, %while3A_38, %while3A_39 : i32, i32, i32
      } do {
      ^bb0(%while3A_37: i32, %while3A_38: i32, %while3A_39: i32):
        %add3A_40 = vector.broadcast %while3A_37 : i32 to vector<16xi32>
        %add3A_41 = arith.addi %add3A_40, %iota3A : vector<16xi32>
        %gather3A = tpu.vector_load_idx %arg6[%add3A_41] : memref<5000xi32, #tpu.memory_space<vmem>>[vector<16xi32>], vector<16xi32>,
        %mul3A = arith.constant 16 : i32
        %mul3A_42 = vector.broadcast %mul3A : i32 to vector<16xi32>
        %mul3A_43 = arith.muli %gather3A, %mul3A_42 : vector<16xi32>
        %add3A_44 = arith.constant 0 : i32
        %add3A_45 = vector.broadcast %add3A_44 : i32 to vector<16xi32>
        %add3A_46 = arith.addi %mul3A_43, %add3A_45 : vector<16xi32>
        %gather3A_47 = tpu.vector_load_idx %arg5[%add3A_46] : memref<80000xf32, #tpu.memory_space<vmem>>[vector<16xi32>], vector<16xf32>,
        %add3A_48 = arith.constant 6 : i32
        %add3A_49 = vector.broadcast %add3A_48 : i32 to vector<16xi32>
        %add3A_50 = arith.addi %mul3A_43, %add3A_49 : vector<16xi32>
        %gather3A_51 = tpu.vector_load_idx %arg5[%add3A_50] : memref<80000xf32, #tpu.memory_space<vmem>>[vector<16xi32>], vector<16xf32>,
        %add3A_52 = arith.constant 7 : i32
        %add3A_53 = vector.broadcast %add3A_52 : i32 to vector<16xi32>
        %add3A_54 = arith.addi %mul3A_43, %add3A_53 : vector<16xi32>
        %gather3A_55 = tpu.vector_load_idx %arg5[%add3A_54] : memref<80000xf32, #tpu.memory_space<vmem>>[vector<16xi32>], vector<16xf32>,
        %add3A_56 = arith.constant 8 : i32
        %add3A_57 = vector.broadcast %add3A_56 : i32 to vector<16xi32>
        %add3A_58 = arith.addi %mul3A_43, %add3A_57 : vector<16xi32>
        %gather3A_59 = tpu.vector_load_idx %arg5[%add3A_58] : memref<80000xf32, #tpu.memory_space<vmem>>[vector<16xi32>], vector<16xf32>,
        %add3A_60 = arith.constant 9 : i32
        %add3A_61 = vector.broadcast %add3A_60 : i32 to vector<16xi32>
        %add3A_62 = arith.addi %mul3A_43, %add3A_61 : vector<16xi32>
        %gather3A_63 = tpu.vector_load_idx %arg5[%add3A_62] : memref<80000xf32, #tpu.memory_space<vmem>>[vector<16xi32>], vector<16xf32>,
        %add3A_64 = arith.constant 10 : i32
        %add3A_65 = vector.broadcast %add3A_64 : i32 to vector<16xi32>
        %add3A_66 = arith.addi %mul3A_43, %add3A_65 : vector<16xi32>
        %gather3A_67 = tpu.vector_load_idx %arg5[%add3A_66] : memref<80000xf32, #tpu.memory_space<vmem>>[vector<16xi32>], vector<16xf32>,
        %reduce_max3A = arith.constant true
        %reduce_max3A_68 = vector.broadcast %reduce_max3A : i1 to vector<16xi1>
        %reduce_max3A_69 = tpu.scan <max>, %gather3A_47 masked %reduce_max3A_68 : vector<16xf32>, vector<16xi1> -> vector<16xf32>
        %reduce_max3A_70 = vector.extract %reduce_max3A_69[15] : f32 from vector<16xf32>
        %broadcast_in_dim3A_71 = vector.broadcast %while3A_38 : i32 to vector<16xi32>
        %add3A_72 = arith.constant 63 : i32
        %add3A_73 = arith.addi %while3A_38, %add3A_72 : i32
        %jit3A = arith.constant 64 : i32
        %div3A = arith.divsi %add3A_73, %jit3A : i32
        %sign3A = arith.constant 0 : i32
        %sign3A_74 = arith.cmpi sgt, %add3A_73, %sign3A : i32
        %sign3A_75 = arith.extui %sign3A_74 : i1 to i32
        %sign3A_76 = arith.constant 0 : i32
        %sign3A_77 = arith.cmpi slt, %add3A_73, %sign3A_76 : i32
        %sign3A_78 = arith.extui %sign3A_77 : i1 to i32
        %sign3A_79 = arith.subi %sign3A_75, %sign3A_78 : i32
        %sign3A_80 = arith.constant 0 : i32
        %sign3A_81 = arith.cmpi sgt, %jit3A, %sign3A_80 : i32
        %sign3A_82 = arith.extui %sign3A_81 : i1 to i32
        %sign3A_83 = arith.constant 0 : i32
        %sign3A_84 = arith.cmpi slt, %jit3A, %sign3A_83 : i32
        %sign3A_85 = arith.extui %sign3A_84 : i1 to i32
        %sign3A_86 = arith.subi %sign3A_82, %sign3A_85 : i32
        %ne3A = arith.cmpi ne, %sign3A_79, %sign3A_86 : i32
        %rem3A = arith.remsi %add3A_73, %jit3A : i32
        %ne3A_87 = arith.constant 0 : i32
        %ne3A_88 = arith.cmpi ne, %rem3A, %ne3A_87 : i32
        %and3A_89 = arith.andi %ne3A, %ne3A_88 : i1
        %sub3A = arith.constant 1 : i32
        %sub3A_90 = arith.subi %div3A, %sub3A : i32
        %select_n3A = arith.select %and3A_89, %sub3A_90, %div3A : i32
        %broadcast_in_dim3A_91 = arith.constant false
        %broadcast_in_dim3A_92 = vector.broadcast %broadcast_in_dim3A_91 : i1 to vector<16xi1>
        %add3A_93 = arith.constant 0 : i32
        %add3A_94 = arith.addi %while3A_37, %add3A_93 : i32
        %broadcast_in_dim3A_95 = vector.broadcast %add3A_94 : i32 to vector<16xi32>
        %gather3A_96 = tpu.vector_load_idx %arg6[%broadcast_in_dim3A_95] : memref<5000xi32, #tpu.memory_space<vmem>>[vector<16xi32>], vector<16xi32>,
        %mul3A_97 = arith.constant 16 : i32
        %mul3A_98 = vector.broadcast %mul3A_97 : i32 to vector<16xi32>
        %mul3A_99 = arith.muli %gather3A_96, %mul3A_98 : vector<16xi32>
        %add3A_100 = arith.constant 6 : i32
        %add3A_101 = vector.broadcast %add3A_100 : i32 to vector<16xi32>
        %add3A_102 = arith.addi %mul3A_99, %add3A_101 : vector<16xi32>
        %gather3A_103 = tpu.vector_load_idx %arg5[%add3A_102] : memref<80000xf32, #tpu.memory_space<vmem>>[vector<16xi32>], vector<16xf32>,
        %add3A_104 = arith.constant 7 : i32
        %add3A_105 = vector.broadcast %add3A_104 : i32 to vector<16xi32>
        %add3A_106 = arith.addi %mul3A_99, %add3A_105 : vector<16xi32>
        %gather3A_107 = tpu.vector_load_idx %arg5[%add3A_106] : memref<80000xf32, #tpu.memory_space<vmem>>[vector<16xi32>], vector<16xf32>,
        %add3A_108 = arith.constant 8 : i32
        %add3A_109 = vector.broadcast %add3A_108 : i32 to vector<16xi32>
        %add3A_110 = arith.addi %mul3A_99, %add3A_109 : vector<16xi32>
        %gather3A_111 = tpu.vector_load_idx %arg5[%add3A_110] : memref<80000xf32, #tpu.memory_space<vmem>>[vector<16xi32>], vector<16xf32>,
        %add3A_112 = arith.constant 9 : i32
        %add3A_113 = vector.broadcast %add3A_112 : i32 to vector<16xi32>
        %add3A_114 = arith.addi %mul3A_99, %add3A_113 : vector<16xi32>
        %gather3A_115 = tpu.vector_load_idx %arg5[%add3A_114] : memref<80000xf32, #tpu.memory_space<vmem>>[vector<16xi32>], vector<16xf32>,
        %add3A_116 = arith.constant 11 : i32
        %add3A_117 = vector.broadcast %add3A_116 : i32 to vector<16xi32>
        %add3A_118 = arith.addi %mul3A_99, %add3A_117 : vector<16xi32>
        %gather3A_119 = tpu.vector_load_idx %arg5[%add3A_118] : memref<80000xf32, #tpu.memory_space<vmem>>[vector<16xi32>], vector<16xf32>,
        %add3A_120 = arith.constant 0 : i32
        %add3A_121 = vector.broadcast %add3A_120 : i32 to vector<16xi32>
        %add3A_122 = arith.addi %mul3A_99, %add3A_121 : vector<16xi32>
        %gather3A_123 = tpu.vector_load_idx %arg5[%add3A_122] : memref<80000xf32, #tpu.memory_space<vmem>>[vector<16xi32>], vector<16xf32>,
        %add3A_124 = arith.constant 1 : i32
        %add3A_125 = arith.addi %while3A_37, %add3A_124 : i32
        %broadcast_in_dim3A_126 = vector.broadcast %add3A_125 : i32 to vector<16xi32>
        %gather3A_127 = tpu.vector_load_idx %arg6[%broadcast_in_dim3A_126] : memref<5000xi32, #tpu.memory_space<vmem>>[vector<16xi32>], vector<16xi32>,
        %mul3A_128 = arith.constant 16 : i32
        %mul3A_129 = vector.broadcast %mul3A_128 : i32 to vector<16xi32>
        %mul3A_130 = arith.muli %gather3A_127, %mul3A_129 : vector<16xi32>
        %add3A_131 = arith.constant 6 : i32
        %add3A_132 = vector.broadcast %add3A_131 : i32 to vector<16xi32>
        %add3A_133 = arith.addi %mul3A_130, %add3A_132 : vector<16xi32>
        %gather3A_134 = tpu.vector_load_idx %arg5[%add3A_133] : memref<80000xf32, #tpu.memory_space<vmem>>[vector<16xi32>], vector<16xf32>,
        %add3A_135 = arith.constant 7 : i32
        %add3A_136 = vector.broadcast %add3A_135 : i32 to vector<16xi32>
        %add3A_137 = arith.addi %mul3A_130, %add3A_136 : vector<16xi32>
        %gather3A_138 = tpu.vector_load_idx %arg5[%add3A_137] : memref<80000xf32, #tpu.memory_space<vmem>>[vector<16xi32>], vector<16xf32>,
        %add3A_139 = arith.constant 8 : i32
        %add3A_140 = vector.broadcast %add3A_139 : i32 to vector<16xi32>
        %add3A_141 = arith.addi %mul3A_130, %add3A_140 : vector<16xi32>
        %gather3A_142 = tpu.vector_load_idx %arg5[%add3A_141] : memref<80000xf32, #tpu.memory_space<vmem>>[vector<16xi32>], vector<16xf32>,
        %add3A_143 = arith.constant 9 : i32
        %add3A_144 = vector.broadcast %add3A_143 : i32 to vector<16xi32>
        %add3A_145 = arith.addi %mul3A_130, %add3A_144 : vector<16xi32>
        %gather3A_146 = tpu.vector_load_idx %arg5[%add3A_145] : memref<80000xf32, #tpu.memory_space<vmem>>[vector<16xi32>], vector<16xf32>,
        %add3A_147 = arith.constant 11 : i32
        %add3A_148 = vector.broadcast %add3A_147 : i32 to vector<16xi32>
        %add3A_149 = arith.addi %mul3A_130, %add3A_148 : vector<16xi32>
        %gather3A_150 = tpu.vector_load_idx %arg5[%add3A_149] : memref<80000xf32, #tpu.memory_space<vmem>>[vector<16xi32>], vector<16xf32>,
        %add3A_151 = arith.constant 0 : i32
        %add3A_152 = vector.broadcast %add3A_151 : i32 to vector<16xi32>
        %add3A_153 = arith.addi %mul3A_130, %add3A_152 : vector<16xi32>
        %gather3A_154 = tpu.vector_load_idx %arg5[%add3A_153] : memref<80000xf32, #tpu.memory_space<vmem>>[vector<16xi32>], vector<16xf32>,
        %add3A_155 = arith.constant 2 : i32
        %add3A_156 = arith.addi %while3A_37, %add3A_155 : i32
        %broadcast_in_dim3A_157 = vector.broadcast %add3A_156 : i32 to vector<16xi32>
        %gather3A_158 = tpu.vector_load_idx %arg6[%broadcast_in_dim3A_157] : memref<5000xi32, #tpu.memory_space<vmem>>[vector<16xi32>], vector<16xi32>,
        %mul3A_159 = arith.constant 16 : i32
        %mul3A_160 = vector.broadcast %mul3A_159 : i32 to vector<16xi32>
        %mul3A_161 = arith.muli %gather3A_158, %mul3A_160 : vector<16xi32>
        %add3A_162 = arith.constant 6 : i32
        %add3A_163 = vector.broadcast %add3A_162 : i32 to vector<16xi32>
        %add3A_164 = arith.addi %mul3A_161, %add3A_163 : vector<16xi32>
        %gather3A_165 = tpu.vector_load_idx %arg5[%add3A_164] : memref<80000xf32, #tpu.memory_space<vmem>>[vector<16xi32>], vector<16xf32>,
        %add3A_166 = arith.constant 7 : i32
        %add3A_167 = vector.broadcast %add3A_166 : i32 to vector<16xi32>
        %add3A_168 = arith.addi %mul3A_161, %add3A_167 : vector<16xi32>
        %gather3A_169 = tpu.vector_load_idx %arg5[%add3A_168] : memref<80000xf32, #tpu.memory_space<vmem>>[vector<16xi32>], vector<16xf32>,
        %add3A_170 = arith.constant 8 : i32
        %add3A_171 = vector.broadcast %add3A_170 : i32 to vector<16xi32>
        %add3A_172 = arith.addi %mul3A_161, %add3A_171 : vector<16xi32>
        %gather3A_173 = tpu.vector_load_idx %arg5[%add3A_172] : memref<80000xf32, #tpu.memory_space<vmem>>[vector<16xi32>], vector<16xf32>,
        %add3A_174 = arith.constant 9 : i32
        %add3A_175 = vector.broadcast %add3A_174 : i32 to vector<16xi32>
        %add3A_176 = arith.addi %mul3A_161, %add3A_175 : vector<16xi32>
        %gather3A_177 = tpu.vector_load_idx %arg5[%add3A_176] : memref<80000xf32, #tpu.memory_space<vmem>>[vector<16xi32>], vector<16xf32>,
        %add3A_178 = arith.constant 11 : i32
        %add3A_179 = vector.broadcast %add3A_178 : i32 to vector<16xi32>
        %add3A_180 = arith.addi %mul3A_161, %add3A_179 : vector<16xi32>
        %gather3A_181 = tpu.vector_load_idx %arg5[%add3A_180] : memref<80000xf32, #tpu.memory_space<vmem>>[vector<16xi32>], vector<16xf32>,
        %add3A_182 = arith.constant 0 : i32
        %add3A_183 = vector.broadcast %add3A_182 : i32 to vector<16xi32>
        %add3A_184 = arith.addi %mul3A_161, %add3A_183 : vector<16xi32>
        %gather3A_185 = tpu.vector_load_idx %arg5[%add3A_184] : memref<80000xf32, #tpu.memory_space<vmem>>[vector<16xi32>], vector<16xf32>,
        %add3A_186 = arith.constant 3 : i32
        %add3A_187 = arith.addi %while3A_37, %add3A_186 : i32
        %broadcast_in_dim3A_188 = vector.broadcast %add3A_187 : i32 to vector<16xi32>
        %gather3A_189 = tpu.vector_load_idx %arg6[%broadcast_in_dim3A_188] : memref<5000xi32, #tpu.memory_space<vmem>>[vector<16xi32>], vector<16xi32>,
        %mul3A_190 = arith.constant 16 : i32
        %mul3A_191 = vector.broadcast %mul3A_190 : i32 to vector<16xi32>
        %mul3A_192 = arith.muli %gather3A_189, %mul3A_191 : vector<16xi32>
        %add3A_193 = arith.constant 6 : i32
        %add3A_194 = vector.broadcast %add3A_193 : i32 to vector<16xi32>
        %add3A_195 = arith.addi %mul3A_192, %add3A_194 : vector<16xi32>
        %gather3A_196 = tpu.vector_load_idx %arg5[%add3A_195] : memref<80000xf32, #tpu.memory_space<vmem>>[vector<16xi32>], vector<16xf32>,
        %add3A_197 = arith.constant 7 : i32
        %add3A_198 = vector.broadcast %add3A_197 : i32 to vector<16xi32>
        %add3A_199 = arith.addi %mul3A_192, %add3A_198 : vector<16xi32>
        %gather3A_200 = tpu.vector_load_idx %arg5[%add3A_199] : memref<80000xf32, #tpu.memory_space<vmem>>[vector<16xi32>], vector<16xf32>,
        %add3A_201 = arith.constant 8 : i32
        %add3A_202 = vector.broadcast %add3A_201 : i32 to vector<16xi32>
        %add3A_203 = arith.addi %mul3A_192, %add3A_202 : vector<16xi32>
        %gather3A_204 = tpu.vector_load_idx %arg5[%add3A_203] : memref<80000xf32, #tpu.memory_space<vmem>>[vector<16xi32>], vector<16xf32>,
        %add3A_205 = arith.constant 9 : i32
        %add3A_206 = vector.broadcast %add3A_205 : i32 to vector<16xi32>
        %add3A_207 = arith.addi %mul3A_192, %add3A_206 : vector<16xi32>
        %gather3A_208 = tpu.vector_load_idx %arg5[%add3A_207] : memref<80000xf32, #tpu.memory_space<vmem>>[vector<16xi32>], vector<16xf32>,
        %add3A_209 = arith.constant 11 : i32
        %add3A_210 = vector.broadcast %add3A_209 : i32 to vector<16xi32>
        %add3A_211 = arith.addi %mul3A_192, %add3A_210 : vector<16xi32>
        %gather3A_212 = tpu.vector_load_idx %arg5[%add3A_211] : memref<80000xf32, #tpu.memory_space<vmem>>[vector<16xi32>], vector<16xf32>,
        %add3A_213 = arith.constant 0 : i32
        %add3A_214 = vector.broadcast %add3A_213 : i32 to vector<16xi32>
        %add3A_215 = arith.addi %mul3A_192, %add3A_214 : vector<16xi32>
        %gather3A_216 = tpu.vector_load_idx %arg5[%add3A_215] : memref<80000xf32, #tpu.memory_space<vmem>>[vector<16xi32>], vector<16xf32>,
        %while3A_217 = arith.constant 0 : i32
        %while3A_218 = arith.subi %select_n3A, %while3A_217 : i32
        %while3A_219 = arith.addi %while3A_217, %while3A_218 : i32
        %while3A_220 = arith.constant 1 : i32
        %while3A_221 = arith.divsi %while3A_218, %while3A_220 : i32
        %while3A_222 = arith.muli %while3A_221, %while3A_220 : i32
        %while3A_223 = arith.addi %while3A_217, %while3A_222 : i32
        %while3A_224 = arith.constant 1 : i32
        %while3A_225:4 = scf.for %while3A_1351 = %while3A_217 to %while3A_223 step %while3A_224 iter_args(%while3A_1352 = %broadcast_in_dim3A_25, %while3A_1353 = %broadcast_in_dim3A_25, %while3A_1354 = %broadcast_in_dim3A_25, %while3A_1355 = %broadcast_in_dim3A_25) -> (vector<16xf32>, vector<16xf32>, vector<16xf32>, vector<16xf32>)  : i32 {
          %mul3A_1356 = arith.constant 64 : i32
          %mul3A_1357 = arith.muli %while3A_1351, %mul3A_1356 : i32
          %add3A_1358 = arith.constant 0 : i32
          %add3A_1359 = arith.addi %mul3A_1357, %add3A_1358 : i32
          %add3A_1360 = vector.broadcast %add3A_1359 : i32 to vector<16xi32>
          %add3A_1361 = arith.addi %add3A_1360, %iota3A : vector<16xi32>
          %gather3A_1362 = tpu.vector_load_idx %arg7[%add3A_1361] : memref<320xf32, #tpu.memory_space<vmem>>[vector<16xi32>], vector<16xf32>,
          %gather3A_1363 = tpu.vector_load_idx %arg8[%add3A_1361] : memref<320xf32, #tpu.memory_space<vmem>>[vector<16xi32>], vector<16xf32>,
          %gather3A_1364 = tpu.vector_load_idx %arg9[%add3A_1361] : memref<320xf32, #tpu.memory_space<vmem>>[vector<16xi32>], vector<16xf32>,
          %gather3A_1365 = tpu.vector_load_idx %arg10[%add3A_1361] : memref<320xf32, #tpu.memory_space<vmem>>[vector<16xi32>], vector<16xf32>,
          %gather3A_1366 = tpu.vector_load_idx %arg11[%add3A_1361] : memref<320xf32, #tpu.memory_space<vmem>>[vector<16xi32>], vector<16xf32>,
          %min3A_1367 = arith.minimumf %gather3A_111, %gather3A_1364 : vector<16xf32>
          %max3A_1368 = arith.maximumf %gather3A_103, %gather3A_1362 : vector<16xf32>
          %sub3A_1369 = arith.subf %min3A_1367, %max3A_1368 : vector<16xf32>
          %min3A_1370 = arith.minimumf %gather3A_115, %gather3A_1365 : vector<16xf32>
          %max3A_1371 = arith.maximumf %gather3A_107, %gather3A_1363 : vector<16xf32>
          %sub3A_1372 = arith.subf %min3A_1370, %max3A_1371 : vector<16xf32>
          %max3A_1373 = arith.constant 0.000000e+00 : f32
          %max3A_1374 = vector.broadcast %max3A_1373 : f32 to vector<16xf32>
          %max3A_1375 = arith.maximumf %sub3A_1369, %max3A_1374 : vector<16xf32>
          %max3A_1376 = arith.constant 0.000000e+00 : f32
          %max3A_1377 = vector.broadcast %max3A_1376 : f32 to vector<16xf32>
          %max3A_1378 = arith.maximumf %sub3A_1372, %max3A_1377 : vector<16xf32>
          %mul3A_1379 = arith.mulf %max3A_1375, %max3A_1378 : vector<16xf32>
          %sub3A_1380 = arith.subf %mul3A_1379, %gather3A_1366 : vector<16xf32>
          %max3A_1381 = arith.maximumf %while3A_1352, %sub3A_1380 : vector<16xf32>
          %min3A_1382 = arith.minimumf %gather3A_142, %gather3A_1364 : vector<16xf32>
          %max3A_1383 = arith.maximumf %gather3A_134, %gather3A_1362 : vector<16xf32>
          %sub3A_1384 = arith.subf %min3A_1382, %max3A_1383 : vector<16xf32>
          %min3A_1385 = arith.minimumf %gather3A_146, %gather3A_1365 : vector<16xf32>
          %max3A_1386 = arith.maximumf %gather3A_138, %gather3A_1363 : vector<16xf32>
          %sub3A_1387 = arith.subf %min3A_1385, %max3A_1386 : vector<16xf32>
          %max3A_1388 = arith.constant 0.000000e+00 : f32
          %max3A_1389 = vector.broadcast %max3A_1388 : f32 to vector<16xf32>
          %max3A_1390 = arith.maximumf %sub3A_1384, %max3A_1389 : vector<16xf32>
          %max3A_1391 = arith.constant 0.000000e+00 : f32
          %max3A_1392 = vector.broadcast %max3A_1391 : f32 to vector<16xf32>
          %max3A_1393 = arith.maximumf %sub3A_1387, %max3A_1392 : vector<16xf32>
          %mul3A_1394 = arith.mulf %max3A_1390, %max3A_1393 : vector<16xf32>
          %sub3A_1395 = arith.subf %mul3A_1394, %gather3A_1366 : vector<16xf32>
          %max3A_1396 = arith.maximumf %while3A_1353, %sub3A_1395 : vector<16xf32>
          %min3A_1397 = arith.minimumf %gather3A_173, %gather3A_1364 : vector<16xf32>
          %max3A_1398 = arith.maximumf %gather3A_165, %gather3A_1362 : vector<16xf32>
          %sub3A_1399 = arith.subf %min3A_1397, %max3A_1398 : vector<16xf32>
          %min3A_1400 = arith.minimumf %gather3A_177, %gather3A_1365 : vector<16xf32>
          %max3A_1401 = arith.maximumf %gather3A_169, %gather3A_1363 : vector<16xf32>
          %sub3A_1402 = arith.subf %min3A_1400, %max3A_1401 : vector<16xf32>
          %max3A_1403 = arith.constant 0.000000e+00 : f32
          %max3A_1404 = vector.broadcast %max3A_1403 : f32 to vector<16xf32>
          %max3A_1405 = arith.maximumf %sub3A_1399, %max3A_1404 : vector<16xf32>
          %max3A_1406 = arith.constant 0.000000e+00 : f32
          %max3A_1407 = vector.broadcast %max3A_1406 : f32 to vector<16xf32>
          %max3A_1408 = arith.maximumf %sub3A_1402, %max3A_1407 : vector<16xf32>
          %mul3A_1409 = arith.mulf %max3A_1405, %max3A_1408 : vector<16xf32>
          %sub3A_1410 = arith.subf %mul3A_1409, %gather3A_1366 : vector<16xf32>
          %max3A_1411 = arith.maximumf %while3A_1354, %sub3A_1410 : vector<16xf32>
          %min3A_1412 = arith.minimumf %gather3A_204, %gather3A_1364 : vector<16xf32>
          %max3A_1413 = arith.maximumf %gather3A_196, %gather3A_1362 : vector<16xf32>
          %sub3A_1414 = arith.subf %min3A_1412, %max3A_1413 : vector<16xf32>
          %min3A_1415 = arith.minimumf %gather3A_208, %gather3A_1365 : vector<16xf32>
          %max3A_1416 = arith.maximumf %gather3A_200, %gather3A_1363 : vector<16xf32>
          %sub3A_1417 = arith.subf %min3A_1415, %max3A_1416 : vector<16xf32>
          %max3A_1418 = arith.constant 0.000000e+00 : f32
          %max3A_1419 = vector.broadcast %max3A_1418 : f32 to vector<16xf32>
          %max3A_1420 = arith.maximumf %sub3A_1414, %max3A_1419 : vector<16xf32>
          %max3A_1421 = arith.constant 0.000000e+00 : f32
          %max3A_1422 = vector.broadcast %max3A_1421 : f32 to vector<16xf32>
          %max3A_1423 = arith.maximumf %sub3A_1417, %max3A_1422 : vector<16xf32>
          %mul3A_1424 = arith.mulf %max3A_1420, %max3A_1423 : vector<16xf32>
          %sub3A_1425 = arith.subf %mul3A_1424, %gather3A_1366 : vector<16xf32>
          %max3A_1426 = arith.maximumf %while3A_1355, %sub3A_1425 : vector<16xf32>
          %add3A_1427 = arith.constant 16 : i32
          %add3A_1428 = arith.addi %mul3A_1357, %add3A_1427 : i32
          %add3A_1429 = vector.broadcast %add3A_1428 : i32 to vector<16xi32>
          %add3A_1430 = arith.addi %add3A_1429, %iota3A : vector<16xi32>
          %gather3A_1431 = tpu.vector_load_idx %arg7[%add3A_1430] : memref<320xf32, #tpu.memory_space<vmem>>[vector<16xi32>], vector<16xf32>,
          %gather3A_1432 = tpu.vector_load_idx %arg8[%add3A_1430] : memref<320xf32, #tpu.memory_space<vmem>>[vector<16xi32>], vector<16xf32>,
          %gather3A_1433 = tpu.vector_load_idx %arg9[%add3A_1430] : memref<320xf32, #tpu.memory_space<vmem>>[vector<16xi32>], vector<16xf32>,
          %gather3A_1434 = tpu.vector_load_idx %arg10[%add3A_1430] : memref<320xf32, #tpu.memory_space<vmem>>[vector<16xi32>], vector<16xf32>,
          %gather3A_1435 = tpu.vector_load_idx %arg11[%add3A_1430] : memref<320xf32, #tpu.memory_space<vmem>>[vector<16xi32>], vector<16xf32>,
          %min3A_1436 = arith.minimumf %gather3A_111, %gather3A_1433 : vector<16xf32>
          %max3A_1437 = arith.maximumf %gather3A_103, %gather3A_1431 : vector<16xf32>
          %sub3A_1438 = arith.subf %min3A_1436, %max3A_1437 : vector<16xf32>
          %min3A_1439 = arith.minimumf %gather3A_115, %gather3A_1434 : vector<16xf32>
          %max3A_1440 = arith.maximumf %gather3A_107, %gather3A_1432 : vector<16xf32>
          %sub3A_1441 = arith.subf %min3A_1439, %max3A_1440 : vector<16xf32>
          %max3A_1442 = arith.constant 0.000000e+00 : f32
          %max3A_1443 = vector.broadcast %max3A_1442 : f32 to vector<16xf32>
          %max3A_1444 = arith.maximumf %sub3A_1438, %max3A_1443 : vector<16xf32>
          %max3A_1445 = arith.constant 0.000000e+00 : f32
          %max3A_1446 = vector.broadcast %max3A_1445 : f32 to vector<16xf32>
          %max3A_1447 = arith.maximumf %sub3A_1441, %max3A_1446 : vector<16xf32>
          %mul3A_1448 = arith.mulf %max3A_1444, %max3A_1447 : vector<16xf32>
          %sub3A_1449 = arith.subf %mul3A_1448, %gather3A_1435 : vector<16xf32>
          %max3A_1450 = arith.maximumf %max3A_1381, %sub3A_1449 : vector<16xf32>
          %min3A_1451 = arith.minimumf %gather3A_142, %gather3A_1433 : vector<16xf32>
          %max3A_1452 = arith.maximumf %gather3A_134, %gather3A_1431 : vector<16xf32>
          %sub3A_1453 = arith.subf %min3A_1451, %max3A_1452 : vector<16xf32>
          %min3A_1454 = arith.minimumf %gather3A_146, %gather3A_1434 : vector<16xf32>
          %max3A_1455 = arith.maximumf %gather3A_138, %gather3A_1432 : vector<16xf32>
          %sub3A_1456 = arith.subf %min3A_1454, %max3A_1455 : vector<16xf32>
          %max3A_1457 = arith.constant 0.000000e+00 : f32
          %max3A_1458 = vector.broadcast %max3A_1457 : f32 to vector<16xf32>
          %max3A_1459 = arith.maximumf %sub3A_1453, %max3A_1458 : vector<16xf32>
          %max3A_1460 = arith.constant 0.000000e+00 : f32
          %max3A_1461 = vector.broadcast %max3A_1460 : f32 to vector<16xf32>
          %max3A_1462 = arith.maximumf %sub3A_1456, %max3A_1461 : vector<16xf32>
          %mul3A_1463 = arith.mulf %max3A_1459, %max3A_1462 : vector<16xf32>
          %sub3A_1464 = arith.subf %mul3A_1463, %gather3A_1435 : vector<16xf32>
          %max3A_1465 = arith.maximumf %max3A_1396, %sub3A_1464 : vector<16xf32>
          %min3A_1466 = arith.minimumf %gather3A_173, %gather3A_1433 : vector<16xf32>
          %max3A_1467 = arith.maximumf %gather3A_165, %gather3A_1431 : vector<16xf32>
          %sub3A_1468 = arith.subf %min3A_1466, %max3A_1467 : vector<16xf32>
          %min3A_1469 = arith.minimumf %gather3A_177, %gather3A_1434 : vector<16xf32>
          %max3A_1470 = arith.maximumf %gather3A_169, %gather3A_1432 : vector<16xf32>
          %sub3A_1471 = arith.subf %min3A_1469, %max3A_1470 : vector<16xf32>
          %max3A_1472 = arith.constant 0.000000e+00 : f32
          %max3A_1473 = vector.broadcast %max3A_1472 : f32 to vector<16xf32>
          %max3A_1474 = arith.maximumf %sub3A_1468, %max3A_1473 : vector<16xf32>
          %max3A_1475 = arith.constant 0.000000e+00 : f32
          %max3A_1476 = vector.broadcast %max3A_1475 : f32 to vector<16xf32>
          %max3A_1477 = arith.maximumf %sub3A_1471, %max3A_1476 : vector<16xf32>
          %mul3A_1478 = arith.mulf %max3A_1474, %max3A_1477 : vector<16xf32>
          %sub3A_1479 = arith.subf %mul3A_1478, %gather3A_1435 : vector<16xf32>
          %max3A_1480 = arith.maximumf %max3A_1411, %sub3A_1479 : vector<16xf32>
          %min3A_1481 = arith.minimumf %gather3A_204, %gather3A_1433 : vector<16xf32>
          %max3A_1482 = arith.maximumf %gather3A_196, %gather3A_1431 : vector<16xf32>
          %sub3A_1483 = arith.subf %min3A_1481, %max3A_1482 : vector<16xf32>
          %min3A_1484 = arith.minimumf %gather3A_208, %gather3A_1434 : vector<16xf32>
          %max3A_1485 = arith.maximumf %gather3A_200, %gather3A_1432 : vector<16xf32>
          %sub3A_1486 = arith.subf %min3A_1484, %max3A_1485 : vector<16xf32>
          %max3A_1487 = arith.constant 0.000000e+00 : f32
          %max3A_1488 = vector.broadcast %max3A_1487 : f32 to vector<16xf32>
          %max3A_1489 = arith.maximumf %sub3A_1483, %max3A_1488 : vector<16xf32>
          %max3A_1490 = arith.constant 0.000000e+00 : f32
          %max3A_1491 = vector.broadcast %max3A_1490 : f32 to vector<16xf32>
          %max3A_1492 = arith.maximumf %sub3A_1486, %max3A_1491 : vector<16xf32>
          %mul3A_1493 = arith.mulf %max3A_1489, %max3A_1492 : vector<16xf32>
          %sub3A_1494 = arith.subf %mul3A_1493, %gather3A_1435 : vector<16xf32>
          %max3A_1495 = arith.maximumf %max3A_1426, %sub3A_1494 : vector<16xf32>
          %add3A_1496 = arith.constant 32 : i32
          %add3A_1497 = arith.addi %mul3A_1357, %add3A_1496 : i32
          %add3A_1498 = vector.broadcast %add3A_1497 : i32 to vector<16xi32>
          %add3A_1499 = arith.addi %add3A_1498, %iota3A : vector<16xi32>
          %gather3A_1500 = tpu.vector_load_idx %arg7[%add3A_1499] : memref<320xf32, #tpu.memory_space<vmem>>[vector<16xi32>], vector<16xf32>,
          %gather3A_1501 = tpu.vector_load_idx %arg8[%add3A_1499] : memref<320xf32, #tpu.memory_space<vmem>>[vector<16xi32>], vector<16xf32>,
          %gather3A_1502 = tpu.vector_load_idx %arg9[%add3A_1499] : memref<320xf32, #tpu.memory_space<vmem>>[vector<16xi32>], vector<16xf32>,
          %gather3A_1503 = tpu.vector_load_idx %arg10[%add3A_1499] : memref<320xf32, #tpu.memory_space<vmem>>[vector<16xi32>], vector<16xf32>,
          %gather3A_1504 = tpu.vector_load_idx %arg11[%add3A_1499] : memref<320xf32, #tpu.memory_space<vmem>>[vector<16xi32>], vector<16xf32>,
          %min3A_1505 = arith.minimumf %gather3A_111, %gather3A_1502 : vector<16xf32>
          %max3A_1506 = arith.maximumf %gather3A_103, %gather3A_1500 : vector<16xf32>
          %sub3A_1507 = arith.subf %min3A_1505, %max3A_1506 : vector<16xf32>
          %min3A_1508 = arith.minimumf %gather3A_115, %gather3A_1503 : vector<16xf32>
          %max3A_1509 = arith.maximumf %gather3A_107, %gather3A_1501 : vector<16xf32>
          %sub3A_1510 = arith.subf %min3A_1508, %max3A_1509 : vector<16xf32>
          %max3A_1511 = arith.constant 0.000000e+00 : f32
          %max3A_1512 = vector.broadcast %max3A_1511 : f32 to vector<16xf32>
          %max3A_1513 = arith.maximumf %sub3A_1507, %max3A_1512 : vector<16xf32>
          %max3A_1514 = arith.constant 0.000000e+00 : f32
          %max3A_1515 = vector.broadcast %max3A_1514 : f32 to vector<16xf32>
          %max3A_1516 = arith.maximumf %sub3A_1510, %max3A_1515 : vector<16xf32>
          %mul3A_1517 = arith.mulf %max3A_1513, %max3A_1516 : vector<16xf32>
          %sub3A_1518 = arith.subf %mul3A_1517, %gather3A_1504 : vector<16xf32>
          %max3A_1519 = arith.maximumf %max3A_1450, %sub3A_1518 : vector<16xf32>
          %min3A_1520 = arith.minimumf %gather3A_142, %gather3A_1502 : vector<16xf32>
          %max3A_1521 = arith.maximumf %gather3A_134, %gather3A_1500 : vector<16xf32>
          %sub3A_1522 = arith.subf %min3A_1520, %max3A_1521 : vector<16xf32>
          %min3A_1523 = arith.minimumf %gather3A_146, %gather3A_1503 : vector<16xf32>
          %max3A_1524 = arith.maximumf %gather3A_138, %gather3A_1501 : vector<16xf32>
          %sub3A_1525 = arith.subf %min3A_1523, %max3A_1524 : vector<16xf32>
          %max3A_1526 = arith.constant 0.000000e+00 : f32
          %max3A_1527 = vector.broadcast %max3A_1526 : f32 to vector<16xf32>
          %max3A_1528 = arith.maximumf %sub3A_1522, %max3A_1527 : vector<16xf32>
          %max3A_1529 = arith.constant 0.000000e+00 : f32
          %max3A_1530 = vector.broadcast %max3A_1529 : f32 to vector<16xf32>
          %max3A_1531 = arith.maximumf %sub3A_1525, %max3A_1530 : vector<16xf32>
          %mul3A_1532 = arith.mulf %max3A_1528, %max3A_1531 : vector<16xf32>
          %sub3A_1533 = arith.subf %mul3A_1532, %gather3A_1504 : vector<16xf32>
          %max3A_1534 = arith.maximumf %max3A_1465, %sub3A_1533 : vector<16xf32>
          %min3A_1535 = arith.minimumf %gather3A_173, %gather3A_1502 : vector<16xf32>
          %max3A_1536 = arith.maximumf %gather3A_165, %gather3A_1500 : vector<16xf32>
          %sub3A_1537 = arith.subf %min3A_1535, %max3A_1536 : vector<16xf32>
          %min3A_1538 = arith.minimumf %gather3A_177, %gather3A_1503 : vector<16xf32>
          %max3A_1539 = arith.maximumf %gather3A_169, %gather3A_1501 : vector<16xf32>
          %sub3A_1540 = arith.subf %min3A_1538, %max3A_1539 : vector<16xf32>
          %max3A_1541 = arith.constant 0.000000e+00 : f32
          %max3A_1542 = vector.broadcast %max3A_1541 : f32 to vector<16xf32>
          %max3A_1543 = arith.maximumf %sub3A_1537, %max3A_1542 : vector<16xf32>
          %max3A_1544 = arith.constant 0.000000e+00 : f32
          %max3A_1545 = vector.broadcast %max3A_1544 : f32 to vector<16xf32>
          %max3A_1546 = arith.maximumf %sub3A_1540, %max3A_1545 : vector<16xf32>
          %mul3A_1547 = arith.mulf %max3A_1543, %max3A_1546 : vector<16xf32>
          %sub3A_1548 = arith.subf %mul3A_1547, %gather3A_1504 : vector<16xf32>
          %max3A_1549 = arith.maximumf %max3A_1480, %sub3A_1548 : vector<16xf32>
          %min3A_1550 = arith.minimumf %gather3A_204, %gather3A_1502 : vector<16xf32>
          %max3A_1551 = arith.maximumf %gather3A_196, %gather3A_1500 : vector<16xf32>
          %sub3A_1552 = arith.subf %min3A_1550, %max3A_1551 : vector<16xf32>
          %min3A_1553 = arith.minimumf %gather3A_208, %gather3A_1503 : vector<16xf32>
          %max3A_1554 = arith.maximumf %gather3A_200, %gather3A_1501 : vector<16xf32>
          %sub3A_1555 = arith.subf %min3A_1553, %max3A_1554 : vector<16xf32>
          %max3A_1556 = arith.constant 0.000000e+00 : f32
          %max3A_1557 = vector.broadcast %max3A_1556 : f32 to vector<16xf32>
          %max3A_1558 = arith.maximumf %sub3A_1552, %max3A_1557 : vector<16xf32>
          %max3A_1559 = arith.constant 0.000000e+00 : f32
          %max3A_1560 = vector.broadcast %max3A_1559 : f32 to vector<16xf32>
          %max3A_1561 = arith.maximumf %sub3A_1555, %max3A_1560 : vector<16xf32>
          %mul3A_1562 = arith.mulf %max3A_1558, %max3A_1561 : vector<16xf32>
          %sub3A_1563 = arith.subf %mul3A_1562, %gather3A_1504 : vector<16xf32>
          %max3A_1564 = arith.maximumf %max3A_1495, %sub3A_1563 : vector<16xf32>
          %add3A_1565 = arith.constant 48 : i32
          %add3A_1566 = arith.addi %mul3A_1357, %add3A_1565 : i32
          %add3A_1567 = vector.broadcast %add3A_1566 : i32 to vector<16xi32>
          %add3A_1568 = arith.addi %add3A_1567, %iota3A : vector<16xi32>
          %gather3A_1569 = tpu.vector_load_idx %arg7[%add3A_1568] : memref<320xf32, #tpu.memory_space<vmem>>[vector<16xi32>], vector<16xf32>,
          %gather3A_1570 = tpu.vector_load_idx %arg8[%add3A_1568] : memref<320xf32, #tpu.memory_space<vmem>>[vector<16xi32>], vector<16xf32>,
          %gather3A_1571 = tpu.vector_load_idx %arg9[%add3A_1568] : memref<320xf32, #tpu.memory_space<vmem>>[vector<16xi32>], vector<16xf32>,
          %gather3A_1572 = tpu.vector_load_idx %arg10[%add3A_1568] : memref<320xf32, #tpu.memory_space<vmem>>[vector<16xi32>], vector<16xf32>,
          %gather3A_1573 = tpu.vector_load_idx %arg11[%add3A_1568] : memref<320xf32, #tpu.memory_space<vmem>>[vector<16xi32>], vector<16xf32>,
          %min3A_1574 = arith.minimumf %gather3A_111, %gather3A_1571 : vector<16xf32>
          %max3A_1575 = arith.maximumf %gather3A_103, %gather3A_1569 : vector<16xf32>
          %sub3A_1576 = arith.subf %min3A_1574, %max3A_1575 : vector<16xf32>
          %min3A_1577 = arith.minimumf %gather3A_115, %gather3A_1572 : vector<16xf32>
          %max3A_1578 = arith.maximumf %gather3A_107, %gather3A_1570 : vector<16xf32>
          %sub3A_1579 = arith.subf %min3A_1577, %max3A_1578 : vector<16xf32>
          %max3A_1580 = arith.constant 0.000000e+00 : f32
          %max3A_1581 = vector.broadcast %max3A_1580 : f32 to vector<16xf32>
          %max3A_1582 = arith.maximumf %sub3A_1576, %max3A_1581 : vector<16xf32>
          %max3A_1583 = arith.constant 0.000000e+00 : f32
          %max3A_1584 = vector.broadcast %max3A_1583 : f32 to vector<16xf32>
          %max3A_1585 = arith.maximumf %sub3A_1579, %max3A_1584 : vector<16xf32>
          %mul3A_1586 = arith.mulf %max3A_1582, %max3A_1585 : vector<16xf32>
          %sub3A_1587 = arith.subf %mul3A_1586, %gather3A_1573 : vector<16xf32>
          %max3A_1588 = arith.maximumf %max3A_1519, %sub3A_1587 : vector<16xf32>
          %min3A_1589 = arith.minimumf %gather3A_142, %gather3A_1571 : vector<16xf32>
          %max3A_1590 = arith.maximumf %gather3A_134, %gather3A_1569 : vector<16xf32>
          %sub3A_1591 = arith.subf %min3A_1589, %max3A_1590 : vector<16xf32>
          %min3A_1592 = arith.minimumf %gather3A_146, %gather3A_1572 : vector<16xf32>
          %max3A_1593 = arith.maximumf %gather3A_138, %gather3A_1570 : vector<16xf32>
          %sub3A_1594 = arith.subf %min3A_1592, %max3A_1593 : vector<16xf32>
          %max3A_1595 = arith.constant 0.000000e+00 : f32
          %max3A_1596 = vector.broadcast %max3A_1595 : f32 to vector<16xf32>
          %max3A_1597 = arith.maximumf %sub3A_1591, %max3A_1596 : vector<16xf32>
          %max3A_1598 = arith.constant 0.000000e+00 : f32
          %max3A_1599 = vector.broadcast %max3A_1598 : f32 to vector<16xf32>
          %max3A_1600 = arith.maximumf %sub3A_1594, %max3A_1599 : vector<16xf32>
          %mul3A_1601 = arith.mulf %max3A_1597, %max3A_1600 : vector<16xf32>
          %sub3A_1602 = arith.subf %mul3A_1601, %gather3A_1573 : vector<16xf32>
          %max3A_1603 = arith.maximumf %max3A_1534, %sub3A_1602 : vector<16xf32>
          %min3A_1604 = arith.minimumf %gather3A_173, %gather3A_1571 : vector<16xf32>
          %max3A_1605 = arith.maximumf %gather3A_165, %gather3A_1569 : vector<16xf32>
          %sub3A_1606 = arith.subf %min3A_1604, %max3A_1605 : vector<16xf32>
          %min3A_1607 = arith.minimumf %gather3A_177, %gather3A_1572 : vector<16xf32>
          %max3A_1608 = arith.maximumf %gather3A_169, %gather3A_1570 : vector<16xf32>
          %sub3A_1609 = arith.subf %min3A_1607, %max3A_1608 : vector<16xf32>
          %max3A_1610 = arith.constant 0.000000e+00 : f32
          %max3A_1611 = vector.broadcast %max3A_1610 : f32 to vector<16xf32>
          %max3A_1612 = arith.maximumf %sub3A_1606, %max3A_1611 : vector<16xf32>
          %max3A_1613 = arith.constant 0.000000e+00 : f32
          %max3A_1614 = vector.broadcast %max3A_1613 : f32 to vector<16xf32>
          %max3A_1615 = arith.maximumf %sub3A_1609, %max3A_1614 : vector<16xf32>
          %mul3A_1616 = arith.mulf %max3A_1612, %max3A_1615 : vector<16xf32>
          %sub3A_1617 = arith.subf %mul3A_1616, %gather3A_1573 : vector<16xf32>
          %max3A_1618 = arith.maximumf %max3A_1549, %sub3A_1617 : vector<16xf32>
          %min3A_1619 = arith.minimumf %gather3A_204, %gather3A_1571 : vector<16xf32>
          %max3A_1620 = arith.maximumf %gather3A_196, %gather3A_1569 : vector<16xf32>
          %sub3A_1621 = arith.subf %min3A_1619, %max3A_1620 : vector<16xf32>
          %min3A_1622 = arith.minimumf %gather3A_208, %gather3A_1572 : vector<16xf32>
          %max3A_1623 = arith.maximumf %gather3A_200, %gather3A_1570 : vector<16xf32>
          %sub3A_1624 = arith.subf %min3A_1622, %max3A_1623 : vector<16xf32>
          %max3A_1625 = arith.constant 0.000000e+00 : f32
          %max3A_1626 = vector.broadcast %max3A_1625 : f32 to vector<16xf32>
          %max3A_1627 = arith.maximumf %sub3A_1621, %max3A_1626 : vector<16xf32>
          %max3A_1628 = arith.constant 0.000000e+00 : f32
          %max3A_1629 = vector.broadcast %max3A_1628 : f32 to vector<16xf32>
          %max3A_1630 = arith.maximumf %sub3A_1624, %max3A_1629 : vector<16xf32>
          %mul3A_1631 = arith.mulf %max3A_1627, %max3A_1630 : vector<16xf32>
          %sub3A_1632 = arith.subf %mul3A_1631, %gather3A_1573 : vector<16xf32>
          %max3A_1633 = arith.maximumf %max3A_1564, %sub3A_1632 : vector<16xf32>
          scf.yield %max3A_1588, %max3A_1603, %max3A_1618, %max3A_1633 : vector<16xf32>, vector<16xf32>, vector<16xf32>, vector<16xf32>
        }
        %while3A_226 = arith.constant 1 : i32
        %while3A_227:4 = scf.for %while3A_1351 = %while3A_223 to %while3A_219 step %while3A_226 iter_args(%while3A_1352 = %while3A_225#0, %while3A_1353 = %while3A_225#1, %while3A_1354 = %while3A_225#2, %while3A_1355 = %while3A_225#3) -> (vector<16xf32>, vector<16xf32>, vector<16xf32>, vector<16xf32>)  : i32 {
          %mul3A_1356 = arith.constant 64 : i32
          %mul3A_1357 = arith.muli %while3A_1351, %mul3A_1356 : i32
          %add3A_1358 = arith.constant 0 : i32
          %add3A_1359 = arith.addi %mul3A_1357, %add3A_1358 : i32
          %add3A_1360 = vector.broadcast %add3A_1359 : i32 to vector<16xi32>
          %add3A_1361 = arith.addi %add3A_1360, %iota3A : vector<16xi32>
          %gather3A_1362 = tpu.vector_load_idx %arg7[%add3A_1361] : memref<320xf32, #tpu.memory_space<vmem>>[vector<16xi32>], vector<16xf32>,
          %gather3A_1363 = tpu.vector_load_idx %arg8[%add3A_1361] : memref<320xf32, #tpu.memory_space<vmem>>[vector<16xi32>], vector<16xf32>,
          %gather3A_1364 = tpu.vector_load_idx %arg9[%add3A_1361] : memref<320xf32, #tpu.memory_space<vmem>>[vector<16xi32>], vector<16xf32>,
          %gather3A_1365 = tpu.vector_load_idx %arg10[%add3A_1361] : memref<320xf32, #tpu.memory_space<vmem>>[vector<16xi32>], vector<16xf32>,
          %gather3A_1366 = tpu.vector_load_idx %arg11[%add3A_1361] : memref<320xf32, #tpu.memory_space<vmem>>[vector<16xi32>], vector<16xf32>,
          %min3A_1367 = arith.minimumf %gather3A_111, %gather3A_1364 : vector<16xf32>
          %max3A_1368 = arith.maximumf %gather3A_103, %gather3A_1362 : vector<16xf32>
          %sub3A_1369 = arith.subf %min3A_1367, %max3A_1368 : vector<16xf32>
          %min3A_1370 = arith.minimumf %gather3A_115, %gather3A_1365 : vector<16xf32>
          %max3A_1371 = arith.maximumf %gather3A_107, %gather3A_1363 : vector<16xf32>
          %sub3A_1372 = arith.subf %min3A_1370, %max3A_1371 : vector<16xf32>
          %max3A_1373 = arith.constant 0.000000e+00 : f32
          %max3A_1374 = vector.broadcast %max3A_1373 : f32 to vector<16xf32>
          %max3A_1375 = arith.maximumf %sub3A_1369, %max3A_1374 : vector<16xf32>
          %max3A_1376 = arith.constant 0.000000e+00 : f32
          %max3A_1377 = vector.broadcast %max3A_1376 : f32 to vector<16xf32>
          %max3A_1378 = arith.maximumf %sub3A_1372, %max3A_1377 : vector<16xf32>
          %mul3A_1379 = arith.mulf %max3A_1375, %max3A_1378 : vector<16xf32>
          %sub3A_1380 = arith.subf %mul3A_1379, %gather3A_1366 : vector<16xf32>
          %max3A_1381 = arith.maximumf %while3A_1352, %sub3A_1380 : vector<16xf32>
          %min3A_1382 = arith.minimumf %gather3A_142, %gather3A_1364 : vector<16xf32>
          %max3A_1383 = arith.maximumf %gather3A_134, %gather3A_1362 : vector<16xf32>
          %sub3A_1384 = arith.subf %min3A_1382, %max3A_1383 : vector<16xf32>
          %min3A_1385 = arith.minimumf %gather3A_146, %gather3A_1365 : vector<16xf32>
          %max3A_1386 = arith.maximumf %gather3A_138, %gather3A_1363 : vector<16xf32>
          %sub3A_1387 = arith.subf %min3A_1385, %max3A_1386 : vector<16xf32>
          %max3A_1388 = arith.constant 0.000000e+00 : f32
          %max3A_1389 = vector.broadcast %max3A_1388 : f32 to vector<16xf32>
          %max3A_1390 = arith.maximumf %sub3A_1384, %max3A_1389 : vector<16xf32>
          %max3A_1391 = arith.constant 0.000000e+00 : f32
          %max3A_1392 = vector.broadcast %max3A_1391 : f32 to vector<16xf32>
          %max3A_1393 = arith.maximumf %sub3A_1387, %max3A_1392 : vector<16xf32>
          %mul3A_1394 = arith.mulf %max3A_1390, %max3A_1393 : vector<16xf32>
          %sub3A_1395 = arith.subf %mul3A_1394, %gather3A_1366 : vector<16xf32>
          %max3A_1396 = arith.maximumf %while3A_1353, %sub3A_1395 : vector<16xf32>
          %min3A_1397 = arith.minimumf %gather3A_173, %gather3A_1364 : vector<16xf32>
          %max3A_1398 = arith.maximumf %gather3A_165, %gather3A_1362 : vector<16xf32>
          %sub3A_1399 = arith.subf %min3A_1397, %max3A_1398 : vector<16xf32>
          %min3A_1400 = arith.minimumf %gather3A_177, %gather3A_1365 : vector<16xf32>
          %max3A_1401 = arith.maximumf %gather3A_169, %gather3A_1363 : vector<16xf32>
          %sub3A_1402 = arith.subf %min3A_1400, %max3A_1401 : vector<16xf32>
          %max3A_1403 = arith.constant 0.000000e+00 : f32
          %max3A_1404 = vector.broadcast %max3A_1403 : f32 to vector<16xf32>
          %max3A_1405 = arith.maximumf %sub3A_1399, %max3A_1404 : vector<16xf32>
          %max3A_1406 = arith.constant 0.000000e+00 : f32
          %max3A_1407 = vector.broadcast %max3A_1406 : f32 to vector<16xf32>
          %max3A_1408 = arith.maximumf %sub3A_1402, %max3A_1407 : vector<16xf32>
          %mul3A_1409 = arith.mulf %max3A_1405, %max3A_1408 : vector<16xf32>
          %sub3A_1410 = arith.subf %mul3A_1409, %gather3A_1366 : vector<16xf32>
          %max3A_1411 = arith.maximumf %while3A_1354, %sub3A_1410 : vector<16xf32>
          %min3A_1412 = arith.minimumf %gather3A_204, %gather3A_1364 : vector<16xf32>
          %max3A_1413 = arith.maximumf %gather3A_196, %gather3A_1362 : vector<16xf32>
          %sub3A_1414 = arith.subf %min3A_1412, %max3A_1413 : vector<16xf32>
          %min3A_1415 = arith.minimumf %gather3A_208, %gather3A_1365 : vector<16xf32>
          %max3A_1416 = arith.maximumf %gather3A_200, %gather3A_1363 : vector<16xf32>
          %sub3A_1417 = arith.subf %min3A_1415, %max3A_1416 : vector<16xf32>
          %max3A_1418 = arith.constant 0.000000e+00 : f32
          %max3A_1419 = vector.broadcast %max3A_1418 : f32 to vector<16xf32>
          %max3A_1420 = arith.maximumf %sub3A_1414, %max3A_1419 : vector<16xf32>
          %max3A_1421 = arith.constant 0.000000e+00 : f32
          %max3A_1422 = vector.broadcast %max3A_1421 : f32 to vector<16xf32>
          %max3A_1423 = arith.maximumf %sub3A_1417, %max3A_1422 : vector<16xf32>
          %mul3A_1424 = arith.mulf %max3A_1420, %max3A_1423 : vector<16xf32>
          %sub3A_1425 = arith.subf %mul3A_1424, %gather3A_1366 : vector<16xf32>
          %max3A_1426 = arith.maximumf %while3A_1355, %sub3A_1425 : vector<16xf32>
          %add3A_1427 = arith.constant 16 : i32
          %add3A_1428 = arith.addi %mul3A_1357, %add3A_1427 : i32
          %add3A_1429 = vector.broadcast %add3A_1428 : i32 to vector<16xi32>
          %add3A_1430 = arith.addi %add3A_1429, %iota3A : vector<16xi32>
          %gather3A_1431 = tpu.vector_load_idx %arg7[%add3A_1430] : memref<320xf32, #tpu.memory_space<vmem>>[vector<16xi32>], vector<16xf32>,
          %gather3A_1432 = tpu.vector_load_idx %arg8[%add3A_1430] : memref<320xf32, #tpu.memory_space<vmem>>[vector<16xi32>], vector<16xf32>,
          %gather3A_1433 = tpu.vector_load_idx %arg9[%add3A_1430] : memref<320xf32, #tpu.memory_space<vmem>>[vector<16xi32>], vector<16xf32>,
          %gather3A_1434 = tpu.vector_load_idx %arg10[%add3A_1430] : memref<320xf32, #tpu.memory_space<vmem>>[vector<16xi32>], vector<16xf32>,
          %gather3A_1435 = tpu.vector_load_idx %arg11[%add3A_1430] : memref<320xf32, #tpu.memory_space<vmem>>[vector<16xi32>], vector<16xf32>,
          %min3A_1436 = arith.minimumf %gather3A_111, %gather3A_1433 : vector<16xf32>
          %max3A_1437 = arith.maximumf %gather3A_103, %gather3A_1431 : vector<16xf32>
          %sub3A_1438 = arith.subf %min3A_1436, %max3A_1437 : vector<16xf32>
          %min3A_1439 = arith.minimumf %gather3A_115, %gather3A_1434 : vector<16xf32>
          %max3A_1440 = arith.maximumf %gather3A_107, %gather3A_1432 : vector<16xf32>
          %sub3A_1441 = arith.subf %min3A_1439, %max3A_1440 : vector<16xf32>
          %max3A_1442 = arith.constant 0.000000e+00 : f32
          %max3A_1443 = vector.broadcast %max3A_1442 : f32 to vector<16xf32>
          %max3A_1444 = arith.maximumf %sub3A_1438, %max3A_1443 : vector<16xf32>
          %max3A_1445 = arith.constant 0.000000e+00 : f32
          %max3A_1446 = vector.broadcast %max3A_1445 : f32 to vector<16xf32>
          %max3A_1447 = arith.maximumf %sub3A_1441, %max3A_1446 : vector<16xf32>
          %mul3A_1448 = arith.mulf %max3A_1444, %max3A_1447 : vector<16xf32>
          %sub3A_1449 = arith.subf %mul3A_1448, %gather3A_1435 : vector<16xf32>
          %max3A_1450 = arith.maximumf %max3A_1381, %sub3A_1449 : vector<16xf32>
          %min3A_1451 = arith.minimumf %gather3A_142, %gather3A_1433 : vector<16xf32>
          %max3A_1452 = arith.maximumf %gather3A_134, %gather3A_1431 : vector<16xf32>
          %sub3A_1453 = arith.subf %min3A_1451, %max3A_1452 : vector<16xf32>
          %min3A_1454 = arith.minimumf %gather3A_146, %gather3A_1434 : vector<16xf32>
          %max3A_1455 = arith.maximumf %gather3A_138, %gather3A_1432 : vector<16xf32>
          %sub3A_1456 = arith.subf %min3A_1454, %max3A_1455 : vector<16xf32>
          %max3A_1457 = arith.constant 0.000000e+00 : f32
          %max3A_1458 = vector.broadcast %max3A_1457 : f32 to vector<16xf32>
          %max3A_1459 = arith.maximumf %sub3A_1453, %max3A_1458 : vector<16xf32>
          %max3A_1460 = arith.constant 0.000000e+00 : f32
          %max3A_1461 = vector.broadcast %max3A_1460 : f32 to vector<16xf32>
          %max3A_1462 = arith.maximumf %sub3A_1456, %max3A_1461 : vector<16xf32>
          %mul3A_1463 = arith.mulf %max3A_1459, %max3A_1462 : vector<16xf32>
          %sub3A_1464 = arith.subf %mul3A_1463, %gather3A_1435 : vector<16xf32>
          %max3A_1465 = arith.maximumf %max3A_1396, %sub3A_1464 : vector<16xf32>
          %min3A_1466 = arith.minimumf %gather3A_173, %gather3A_1433 : vector<16xf32>
          %max3A_1467 = arith.maximumf %gather3A_165, %gather3A_1431 : vector<16xf32>
          %sub3A_1468 = arith.subf %min3A_1466, %max3A_1467 : vector<16xf32>
          %min3A_1469 = arith.minimumf %gather3A_177, %gather3A_1434 : vector<16xf32>
          %max3A_1470 = arith.maximumf %gather3A_169, %gather3A_1432 : vector<16xf32>
          %sub3A_1471 = arith.subf %min3A_1469, %max3A_1470 : vector<16xf32>
          %max3A_1472 = arith.constant 0.000000e+00 : f32
          %max3A_1473 = vector.broadcast %max3A_1472 : f32 to vector<16xf32>
          %max3A_1474 = arith.maximumf %sub3A_1468, %max3A_1473 : vector<16xf32>
          %max3A_1475 = arith.constant 0.000000e+00 : f32
          %max3A_1476 = vector.broadcast %max3A_1475 : f32 to vector<16xf32>
          %max3A_1477 = arith.maximumf %sub3A_1471, %max3A_1476 : vector<16xf32>
          %mul3A_1478 = arith.mulf %max3A_1474, %max3A_1477 : vector<16xf32>
          %sub3A_1479 = arith.subf %mul3A_1478, %gather3A_1435 : vector<16xf32>
          %max3A_1480 = arith.maximumf %max3A_1411, %sub3A_1479 : vector<16xf32>
          %min3A_1481 = arith.minimumf %gather3A_204, %gather3A_1433 : vector<16xf32>
          %max3A_1482 = arith.maximumf %gather3A_196, %gather3A_1431 : vector<16xf32>
          %sub3A_1483 = arith.subf %min3A_1481, %max3A_1482 : vector<16xf32>
          %min3A_1484 = arith.minimumf %gather3A_208, %gather3A_1434 : vector<16xf32>
          %max3A_1485 = arith.maximumf %gather3A_200, %gather3A_1432 : vector<16xf32>
          %sub3A_1486 = arith.subf %min3A_1484, %max3A_1485 : vector<16xf32>
          %max3A_1487 = arith.constant 0.000000e+00 : f32
          %max3A_1488 = vector.broadcast %max3A_1487 : f32 to vector<16xf32>
          %max3A_1489 = arith.maximumf %sub3A_1483, %max3A_1488 : vector<16xf32>
          %max3A_1490 = arith.constant 0.000000e+00 : f32
          %max3A_1491 = vector.broadcast %max3A_1490 : f32 to vector<16xf32>
          %max3A_1492 = arith.maximumf %sub3A_1486, %max3A_1491 : vector<16xf32>
          %mul3A_1493 = arith.mulf %max3A_1489, %max3A_1492 : vector<16xf32>
          %sub3A_1494 = arith.subf %mul3A_1493, %gather3A_1435 : vector<16xf32>
          %max3A_1495 = arith.maximumf %max3A_1426, %sub3A_1494 : vector<16xf32>
          %add3A_1496 = arith.constant 32 : i32
          %add3A_1497 = arith.addi %mul3A_1357, %add3A_1496 : i32
          %add3A_1498 = vector.broadcast %add3A_1497 : i32 to vector<16xi32>
          %add3A_1499 = arith.addi %add3A_1498, %iota3A : vector<16xi32>
          %gather3A_1500 = tpu.vector_load_idx %arg7[%add3A_1499] : memref<320xf32, #tpu.memory_space<vmem>>[vector<16xi32>], vector<16xf32>,
          %gather3A_1501 = tpu.vector_load_idx %arg8[%add3A_1499] : memref<320xf32, #tpu.memory_space<vmem>>[vector<16xi32>], vector<16xf32>,
          %gather3A_1502 = tpu.vector_load_idx %arg9[%add3A_1499] : memref<320xf32, #tpu.memory_space<vmem>>[vector<16xi32>], vector<16xf32>,
          %gather3A_1503 = tpu.vector_load_idx %arg10[%add3A_1499] : memref<320xf32, #tpu.memory_space<vmem>>[vector<16xi32>], vector<16xf32>,
          %gather3A_1504 = tpu.vector_load_idx %arg11[%add3A_1499] : memref<320xf32, #tpu.memory_space<vmem>>[vector<16xi32>], vector<16xf32>,
          %min3A_1505 = arith.minimumf %gather3A_111, %gather3A_1502 : vector<16xf32>
          %max3A_1506 = arith.maximumf %gather3A_103, %gather3A_1500 : vector<16xf32>
          %sub3A_1507 = arith.subf %min3A_1505, %max3A_1506 : vector<16xf32>
          %min3A_1508 = arith.minimumf %gather3A_115, %gather3A_1503 : vector<16xf32>
          %max3A_1509 = arith.maximumf %gather3A_107, %gather3A_1501 : vector<16xf32>
          %sub3A_1510 = arith.subf %min3A_1508, %max3A_1509 : vector<16xf32>
          %max3A_1511 = arith.constant 0.000000e+00 : f32
          %max3A_1512 = vector.broadcast %max3A_1511 : f32 to vector<16xf32>
          %max3A_1513 = arith.maximumf %sub3A_1507, %max3A_1512 : vector<16xf32>
          %max3A_1514 = arith.constant 0.000000e+00 : f32
          %max3A_1515 = vector.broadcast %max3A_1514 : f32 to vector<16xf32>
          %max3A_1516 = arith.maximumf %sub3A_1510, %max3A_1515 : vector<16xf32>
          %mul3A_1517 = arith.mulf %max3A_1513, %max3A_1516 : vector<16xf32>
          %sub3A_1518 = arith.subf %mul3A_1517, %gather3A_1504 : vector<16xf32>
          %max3A_1519 = arith.maximumf %max3A_1450, %sub3A_1518 : vector<16xf32>
          %min3A_1520 = arith.minimumf %gather3A_142, %gather3A_1502 : vector<16xf32>
          %max3A_1521 = arith.maximumf %gather3A_134, %gather3A_1500 : vector<16xf32>
          %sub3A_1522 = arith.subf %min3A_1520, %max3A_1521 : vector<16xf32>
          %min3A_1523 = arith.minimumf %gather3A_146, %gather3A_1503 : vector<16xf32>
          %max3A_1524 = arith.maximumf %gather3A_138, %gather3A_1501 : vector<16xf32>
          %sub3A_1525 = arith.subf %min3A_1523, %max3A_1524 : vector<16xf32>
          %max3A_1526 = arith.constant 0.000000e+00 : f32
          %max3A_1527 = vector.broadcast %max3A_1526 : f32 to vector<16xf32>
          %max3A_1528 = arith.maximumf %sub3A_1522, %max3A_1527 : vector<16xf32>
          %max3A_1529 = arith.constant 0.000000e+00 : f32
          %max3A_1530 = vector.broadcast %max3A_1529 : f32 to vector<16xf32>
          %max3A_1531 = arith.maximumf %sub3A_1525, %max3A_1530 : vector<16xf32>
          %mul3A_1532 = arith.mulf %max3A_1528, %max3A_1531 : vector<16xf32>
          %sub3A_1533 = arith.subf %mul3A_1532, %gather3A_1504 : vector<16xf32>
          %max3A_1534 = arith.maximumf %max3A_1465, %sub3A_1533 : vector<16xf32>
          %min3A_1535 = arith.minimumf %gather3A_173, %gather3A_1502 : vector<16xf32>
          %max3A_1536 = arith.maximumf %gather3A_165, %gather3A_1500 : vector<16xf32>
          %sub3A_1537 = arith.subf %min3A_1535, %max3A_1536 : vector<16xf32>
          %min3A_1538 = arith.minimumf %gather3A_177, %gather3A_1503 : vector<16xf32>
          %max3A_1539 = arith.maximumf %gather3A_169, %gather3A_1501 : vector<16xf32>
          %sub3A_1540 = arith.subf %min3A_1538, %max3A_1539 : vector<16xf32>
          %max3A_1541 = arith.constant 0.000000e+00 : f32
          %max3A_1542 = vector.broadcast %max3A_1541 : f32 to vector<16xf32>
          %max3A_1543 = arith.maximumf %sub3A_1537, %max3A_1542 : vector<16xf32>
          %max3A_1544 = arith.constant 0.000000e+00 : f32
          %max3A_1545 = vector.broadcast %max3A_1544 : f32 to vector<16xf32>
          %max3A_1546 = arith.maximumf %sub3A_1540, %max3A_1545 : vector<16xf32>
          %mul3A_1547 = arith.mulf %max3A_1543, %max3A_1546 : vector<16xf32>
          %sub3A_1548 = arith.subf %mul3A_1547, %gather3A_1504 : vector<16xf32>
          %max3A_1549 = arith.maximumf %max3A_1480, %sub3A_1548 : vector<16xf32>
          %min3A_1550 = arith.minimumf %gather3A_204, %gather3A_1502 : vector<16xf32>
          %max3A_1551 = arith.maximumf %gather3A_196, %gather3A_1500 : vector<16xf32>
          %sub3A_1552 = arith.subf %min3A_1550, %max3A_1551 : vector<16xf32>
          %min3A_1553 = arith.minimumf %gather3A_208, %gather3A_1503 : vector<16xf32>
          %max3A_1554 = arith.maximumf %gather3A_200, %gather3A_1501 : vector<16xf32>
          %sub3A_1555 = arith.subf %min3A_1553, %max3A_1554 : vector<16xf32>
          %max3A_1556 = arith.constant 0.000000e+00 : f32
          %max3A_1557 = vector.broadcast %max3A_1556 : f32 to vector<16xf32>
          %max3A_1558 = arith.maximumf %sub3A_1552, %max3A_1557 : vector<16xf32>
          %max3A_1559 = arith.constant 0.000000e+00 : f32
          %max3A_1560 = vector.broadcast %max3A_1559 : f32 to vector<16xf32>
          %max3A_1561 = arith.maximumf %sub3A_1555, %max3A_1560 : vector<16xf32>
          %mul3A_1562 = arith.mulf %max3A_1558, %max3A_1561 : vector<16xf32>
          %sub3A_1563 = arith.subf %mul3A_1562, %gather3A_1504 : vector<16xf32>
          %max3A_1564 = arith.maximumf %max3A_1495, %sub3A_1563 : vector<16xf32>
          %add3A_1565 = arith.constant 48 : i32
          %add3A_1566 = arith.addi %mul3A_1357, %add3A_1565 : i32
          %add3A_1567 = vector.broadcast %add3A_1566 : i32 to vector<16xi32>
          %add3A_1568 = arith.addi %add3A_1567, %iota3A : vector<16xi32>
          %gather3A_1569 = tpu.vector_load_idx %arg7[%add3A_1568] : memref<320xf32, #tpu.memory_space<vmem>>[vector<16xi32>], vector<16xf32>,
          %gather3A_1570 = tpu.vector_load_idx %arg8[%add3A_1568] : memref<320xf32, #tpu.memory_space<vmem>>[vector<16xi32>], vector<16xf32>,
          %gather3A_1571 = tpu.vector_load_idx %arg9[%add3A_1568] : memref<320xf32, #tpu.memory_space<vmem>>[vector<16xi32>], vector<16xf32>,
          %gather3A_1572 = tpu.vector_load_idx %arg10[%add3A_1568] : memref<320xf32, #tpu.memory_space<vmem>>[vector<16xi32>], vector<16xf32>,
          %gather3A_1573 = tpu.vector_load_idx %arg11[%add3A_1568] : memref<320xf32, #tpu.memory_space<vmem>>[vector<16xi32>], vector<16xf32>,
          %min3A_1574 = arith.minimumf %gather3A_111, %gather3A_1571 : vector<16xf32>
          %max3A_1575 = arith.maximumf %gather3A_103, %gather3A_1569 : vector<16xf32>
          %sub3A_1576 = arith.subf %min3A_1574, %max3A_1575 : vector<16xf32>
          %min3A_1577 = arith.minimumf %gather3A_115, %gather3A_1572 : vector<16xf32>
          %max3A_1578 = arith.maximumf %gather3A_107, %gather3A_1570 : vector<16xf32>
          %sub3A_1579 = arith.subf %min3A_1577, %max3A_1578 : vector<16xf32>
          %max3A_1580 = arith.constant 0.000000e+00 : f32
          %max3A_1581 = vector.broadcast %max3A_1580 : f32 to vector<16xf32>
          %max3A_1582 = arith.maximumf %sub3A_1576, %max3A_1581 : vector<16xf32>
          %max3A_1583 = arith.constant 0.000000e+00 : f32
          %max3A_1584 = vector.broadcast %max3A_1583 : f32 to vector<16xf32>
          %max3A_1585 = arith.maximumf %sub3A_1579, %max3A_1584 : vector<16xf32>
          %mul3A_1586 = arith.mulf %max3A_1582, %max3A_1585 : vector<16xf32>
          %sub3A_1587 = arith.subf %mul3A_1586, %gather3A_1573 : vector<16xf32>
          %max3A_1588 = arith.maximumf %max3A_1519, %sub3A_1587 : vector<16xf32>
          %min3A_1589 = arith.minimumf %gather3A_142, %gather3A_1571 : vector<16xf32>
          %max3A_1590 = arith.maximumf %gather3A_134, %gather3A_1569 : vector<16xf32>
          %sub3A_1591 = arith.subf %min3A_1589, %max3A_1590 : vector<16xf32>
          %min3A_1592 = arith.minimumf %gather3A_146, %gather3A_1572 : vector<16xf32>
          %max3A_1593 = arith.maximumf %gather3A_138, %gather3A_1570 : vector<16xf32>
          %sub3A_1594 = arith.subf %min3A_1592, %max3A_1593 : vector<16xf32>
          %max3A_1595 = arith.constant 0.000000e+00 : f32
          %max3A_1596 = vector.broadcast %max3A_1595 : f32 to vector<16xf32>
          %max3A_1597 = arith.maximumf %sub3A_1591, %max3A_1596 : vector<16xf32>
          %max3A_1598 = arith.constant 0.000000e+00 : f32
          %max3A_1599 = vector.broadcast %max3A_1598 : f32 to vector<16xf32>
          %max3A_1600 = arith.maximumf %sub3A_1594, %max3A_1599 : vector<16xf32>
          %mul3A_1601 = arith.mulf %max3A_1597, %max3A_1600 : vector<16xf32>
          %sub3A_1602 = arith.subf %mul3A_1601, %gather3A_1573 : vector<16xf32>
          %max3A_1603 = arith.maximumf %max3A_1534, %sub3A_1602 : vector<16xf32>
          %min3A_1604 = arith.minimumf %gather3A_173, %gather3A_1571 : vector<16xf32>
          %max3A_1605 = arith.maximumf %gather3A_165, %gather3A_1569 : vector<16xf32>
          %sub3A_1606 = arith.subf %min3A_1604, %max3A_1605 : vector<16xf32>
          %min3A_1607 = arith.minimumf %gather3A_177, %gather3A_1572 : vector<16xf32>
          %max3A_1608 = arith.maximumf %gather3A_169, %gather3A_1570 : vector<16xf32>
          %sub3A_1609 = arith.subf %min3A_1607, %max3A_1608 : vector<16xf32>
          %max3A_1610 = arith.constant 0.000000e+00 : f32
          %max3A_1611 = vector.broadcast %max3A_1610 : f32 to vector<16xf32>
          %max3A_1612 = arith.maximumf %sub3A_1606, %max3A_1611 : vector<16xf32>
          %max3A_1613 = arith.constant 0.000000e+00 : f32
          %max3A_1614 = vector.broadcast %max3A_1613 : f32 to vector<16xf32>
          %max3A_1615 = arith.maximumf %sub3A_1609, %max3A_1614 : vector<16xf32>
          %mul3A_1616 = arith.mulf %max3A_1612, %max3A_1615 : vector<16xf32>
          %sub3A_1617 = arith.subf %mul3A_1616, %gather3A_1573 : vector<16xf32>
          %max3A_1618 = arith.maximumf %max3A_1549, %sub3A_1617 : vector<16xf32>
          %min3A_1619 = arith.minimumf %gather3A_204, %gather3A_1571 : vector<16xf32>
          %max3A_1620 = arith.maximumf %gather3A_196, %gather3A_1569 : vector<16xf32>
          %sub3A_1621 = arith.subf %min3A_1619, %max3A_1620 : vector<16xf32>
          %min3A_1622 = arith.minimumf %gather3A_208, %gather3A_1572 : vector<16xf32>
          %max3A_1623 = arith.maximumf %gather3A_200, %gather3A_1570 : vector<16xf32>
          %sub3A_1624 = arith.subf %min3A_1622, %max3A_1623 : vector<16xf32>
          %max3A_1625 = arith.constant 0.000000e+00 : f32
          %max3A_1626 = vector.broadcast %max3A_1625 : f32 to vector<16xf32>
          %max3A_1627 = arith.maximumf %sub3A_1621, %max3A_1626 : vector<16xf32>
          %max3A_1628 = arith.constant 0.000000e+00 : f32
          %max3A_1629 = vector.broadcast %max3A_1628 : f32 to vector<16xf32>
          %max3A_1630 = arith.maximumf %sub3A_1624, %max3A_1629 : vector<16xf32>
          %mul3A_1631 = arith.mulf %max3A_1627, %max3A_1630 : vector<16xf32>
          %sub3A_1632 = arith.subf %mul3A_1631, %gather3A_1573 : vector<16xf32>
          %max3A_1633 = arith.maximumf %max3A_1564, %sub3A_1632 : vector<16xf32>
          scf.yield %max3A_1588, %max3A_1603, %max3A_1618, %max3A_1633 : vector<16xf32>, vector<16xf32>, vector<16xf32>, vector<16xf32>
        }
        %gt3A = arith.cmpf ogt, %while3A_227#0, %gather3A_119 : vector<16xf32>
        %all_reduce_population_count3A = tpu.all_reduce %gt3A {dim = 0 : i64, kind = #tpu.reduction_kind<sum>} : vector<16xi1> -> vector<16xi32>
        %min3A = arith.minimumf %gather3A_111, %gather3A_59 : vector<16xf32>
        %max3A = arith.maximumf %gather3A_103, %gather3A_51 : vector<16xf32>
        %sub3A_228 = arith.subf %min3A, %max3A : vector<16xf32>
        %min3A_229 = arith.minimumf %gather3A_115, %gather3A_63 : vector<16xf32>
        %max3A_230 = arith.maximumf %gather3A_107, %gather3A_55 : vector<16xf32>
        %sub3A_231 = arith.subf %min3A_229, %max3A_230 : vector<16xf32>
        %max3A_232 = arith.constant 0.000000e+00 : f32
        %max3A_233 = vector.broadcast %max3A_232 : f32 to vector<16xf32>
        %max3A_234 = arith.maximumf %sub3A_228, %max3A_233 : vector<16xf32>
        %max3A_235 = arith.constant 0.000000e+00 : f32
        %max3A_236 = vector.broadcast %max3A_235 : f32 to vector<16xf32>
        %max3A_237 = arith.maximumf %sub3A_231, %max3A_236 : vector<16xf32>
        %mul3A_238 = arith.mulf %max3A_234, %max3A_237 : vector<16xf32>
        %sub3A_239 = arith.subf %mul3A_238, %gather3A_67 : vector<16xf32>
        %gt3A_240 = arith.cmpf ogt, %sub3A_239, %gather3A_119 : vector<16xf32>
        %and3A_241 = arith.andi %gt3A_240, %broadcast_in_dim3A_92 : vector<16xi1>
        %lt3A = arith.constant 0 : i32
        %lt3A_242 = vector.broadcast %lt3A : i32 to vector<16xi32>
        %lt3A_243 = arith.cmpi slt, %iota3A, %lt3A_242 : vector<16xi32>
        %and3A_244 = arith.andi %and3A_241, %lt3A_243 : vector<16xi1>
        %all_reduce_population_count3A_245 = tpu.all_reduce %and3A_244 {dim = 0 : i64, kind = #tpu.reduction_kind<sum>} : vector<16xi1> -> vector<16xi32>
        %eq3A_246 = arith.constant 0 : i32
        %eq3A_247 = vector.broadcast %eq3A_246 : i32 to vector<16xi32>
        %eq3A_248 = arith.cmpi eq, %all_reduce_population_count3A, %eq3A_247 : vector<16xi32>
        %eq3A_249 = arith.constant 0 : i32
        %eq3A_250 = vector.broadcast %eq3A_249 : i32 to vector<16xi32>
        %eq3A_251 = arith.cmpi eq, %all_reduce_population_count3A_245, %eq3A_250 : vector<16xi32>
        %and3A_252 = arith.andi %eq3A_248, %eq3A_251 : vector<16xi1>
        %gt3A_253 = arith.constant 0.000000e+00 : f32
        %gt3A_254 = vector.broadcast %gt3A_253 : f32 to vector<16xf32>
        %gt3A_255 = arith.cmpf ogt, %gather3A_123, %gt3A_254 : vector<16xf32>
        %and3A_256 = arith.andi %and3A_252, %gt3A_255 : vector<16xi1>
        %add3A_257 = arith.addi %broadcast_in_dim3A_71, %broadcast_in_dim3A_8 : vector<16xi32>
        %lt3A_258 = arith.cmpi slt, %add3A_257, %broadcast_in_dim3A_23 : vector<16xi32>
        %and3A_259 = arith.andi %and3A_256, %lt3A_258 : vector<16xi1>
        %eq3A_260 = arith.constant 0 : i32
        %eq3A_261 = vector.broadcast %eq3A_260 : i32 to vector<16xi32>
        %eq3A_262 = arith.cmpi eq, %iota3A, %eq3A_261 : vector<16xi32>
        %and3A_263 = arith.andi %eq3A_262, %and3A_259 : vector<16xi1>
        %or3A = arith.ori %broadcast_in_dim3A_92, %and3A_263 : vector<16xi1>
        %convert_element_type3A_264 = arith.extui %and3A_259 : vector<16xi1> to vector<16xi32>
        %add3A_265 = arith.addi %broadcast_in_dim3A_8, %convert_element_type3A_264 : vector<16xi32>
        %gt3A_266 = arith.cmpf ogt, %while3A_227#1, %gather3A_150 : vector<16xf32>
        %all_reduce_population_count3A_267 = tpu.all_reduce %gt3A_266 {dim = 0 : i64, kind = #tpu.reduction_kind<sum>} : vector<16xi1> -> vector<16xi32>
        %min3A_268 = arith.minimumf %gather3A_142, %gather3A_59 : vector<16xf32>
        %max3A_269 = arith.maximumf %gather3A_134, %gather3A_51 : vector<16xf32>
        %sub3A_270 = arith.subf %min3A_268, %max3A_269 : vector<16xf32>
        %min3A_271 = arith.minimumf %gather3A_146, %gather3A_63 : vector<16xf32>
        %max3A_272 = arith.maximumf %gather3A_138, %gather3A_55 : vector<16xf32>
        %sub3A_273 = arith.subf %min3A_271, %max3A_272 : vector<16xf32>
        %max3A_274 = arith.constant 0.000000e+00 : f32
        %max3A_275 = vector.broadcast %max3A_274 : f32 to vector<16xf32>
        %max3A_276 = arith.maximumf %sub3A_270, %max3A_275 : vector<16xf32>
        %max3A_277 = arith.constant 0.000000e+00 : f32
        %max3A_278 = vector.broadcast %max3A_277 : f32 to vector<16xf32>
        %max3A_279 = arith.maximumf %sub3A_273, %max3A_278 : vector<16xf32>
        %mul3A_280 = arith.mulf %max3A_276, %max3A_279 : vector<16xf32>
        %sub3A_281 = arith.subf %mul3A_280, %gather3A_67 : vector<16xf32>
        %gt3A_282 = arith.cmpf ogt, %sub3A_281, %gather3A_150 : vector<16xf32>
        %and3A_283 = arith.andi %gt3A_282, %or3A : vector<16xi1>
        %lt3A_284 = arith.constant 1 : i32
        %lt3A_285 = vector.broadcast %lt3A_284 : i32 to vector<16xi32>
        %lt3A_286 = arith.cmpi slt, %iota3A, %lt3A_285 : vector<16xi32>
        %and3A_287 = arith.andi %and3A_283, %lt3A_286 : vector<16xi1>
        %all_reduce_population_count3A_288 = tpu.all_reduce %and3A_287 {dim = 0 : i64, kind = #tpu.reduction_kind<sum>} : vector<16xi1> -> vector<16xi32>
        %eq3A_289 = arith.constant 0 : i32
        %eq3A_290 = vector.broadcast %eq3A_289 : i32 to vector<16xi32>
        %eq3A_291 = arith.cmpi eq, %all_reduce_population_count3A_267, %eq3A_290 : vector<16xi32>
        %eq3A_292 = arith.constant 0 : i32
        %eq3A_293 = vector.broadcast %eq3A_292 : i32 to vector<16xi32>
        %eq3A_294 = arith.cmpi eq, %all_reduce_population_count3A_288, %eq3A_293 : vector<16xi32>
        %and3A_295 = arith.andi %eq3A_291, %eq3A_294 : vector<16xi1>
        %gt3A_296 = arith.constant 0.000000e+00 : f32
        %gt3A_297 = vector.broadcast %gt3A_296 : f32 to vector<16xf32>
        %gt3A_298 = arith.cmpf ogt, %gather3A_154, %gt3A_297 : vector<16xf32>
        %and3A_299 = arith.andi %and3A_295, %gt3A_298 : vector<16xi1>
        %add3A_300 = arith.addi %broadcast_in_dim3A_71, %add3A_265 : vector<16xi32>
        %lt3A_301 = arith.cmpi slt, %add3A_300, %broadcast_in_dim3A_23 : vector<16xi32>
        %and3A_302 = arith.andi %and3A_299, %lt3A_301 : vector<16xi1>
        %eq3A_303 = arith.constant 1 : i32
        %eq3A_304 = vector.broadcast %eq3A_303 : i32 to vector<16xi32>
        %eq3A_305 = arith.cmpi eq, %iota3A, %eq3A_304 : vector<16xi32>
        %and3A_306 = arith.andi %eq3A_305, %and3A_302 : vector<16xi1>
        %or3A_307 = arith.ori %or3A, %and3A_306 : vector<16xi1>
        %convert_element_type3A_308 = arith.extui %and3A_302 : vector<16xi1> to vector<16xi32>
        %add3A_309 = arith.addi %add3A_265, %convert_element_type3A_308 : vector<16xi32>
        %gt3A_310 = arith.cmpf ogt, %while3A_227#2, %gather3A_181 : vector<16xf32>
        %all_reduce_population_count3A_311 = tpu.all_reduce %gt3A_310 {dim = 0 : i64, kind = #tpu.reduction_kind<sum>} : vector<16xi1> -> vector<16xi32>
        %min3A_312 = arith.minimumf %gather3A_173, %gather3A_59 : vector<16xf32>
        %max3A_313 = arith.maximumf %gather3A_165, %gather3A_51 : vector<16xf32>
        %sub3A_314 = arith.subf %min3A_312, %max3A_313 : vector<16xf32>
        %min3A_315 = arith.minimumf %gather3A_177, %gather3A_63 : vector<16xf32>
        %max3A_316 = arith.maximumf %gather3A_169, %gather3A_55 : vector<16xf32>
        %sub3A_317 = arith.subf %min3A_315, %max3A_316 : vector<16xf32>
        %max3A_318 = arith.constant 0.000000e+00 : f32
        %max3A_319 = vector.broadcast %max3A_318 : f32 to vector<16xf32>
        %max3A_320 = arith.maximumf %sub3A_314, %max3A_319 : vector<16xf32>
        %max3A_321 = arith.constant 0.000000e+00 : f32
        %max3A_322 = vector.broadcast %max3A_321 : f32 to vector<16xf32>
        %max3A_323 = arith.maximumf %sub3A_317, %max3A_322 : vector<16xf32>
        %mul3A_324 = arith.mulf %max3A_320, %max3A_323 : vector<16xf32>
        %sub3A_325 = arith.subf %mul3A_324, %gather3A_67 : vector<16xf32>
        %gt3A_326 = arith.cmpf ogt, %sub3A_325, %gather3A_181 : vector<16xf32>
        %and3A_327 = arith.andi %gt3A_326, %or3A_307 : vector<16xi1>
        %lt3A_328 = arith.constant 2 : i32
        %lt3A_329 = vector.broadcast %lt3A_328 : i32 to vector<16xi32>
        %lt3A_330 = arith.cmpi slt, %iota3A, %lt3A_329 : vector<16xi32>
        %and3A_331 = arith.andi %and3A_327, %lt3A_330 : vector<16xi1>
        %all_reduce_population_count3A_332 = tpu.all_reduce %and3A_331 {dim = 0 : i64, kind = #tpu.reduction_kind<sum>} : vector<16xi1> -> vector<16xi32>
        %eq3A_333 = arith.constant 0 : i32
        %eq3A_334 = vector.broadcast %eq3A_333 : i32 to vector<16xi32>
        %eq3A_335 = arith.cmpi eq, %all_reduce_population_count3A_311, %eq3A_334 : vector<16xi32>
        %eq3A_336 = arith.constant 0 : i32
        %eq3A_337 = vector.broadcast %eq3A_336 : i32 to vector<16xi32>
        %eq3A_338 = arith.cmpi eq, %all_reduce_population_count3A_332, %eq3A_337 : vector<16xi32>
        %and3A_339 = arith.andi %eq3A_335, %eq3A_338 : vector<16xi1>
        %gt3A_340 = arith.constant 0.000000e+00 : f32
        %gt3A_341 = vector.broadcast %gt3A_340 : f32 to vector<16xf32>
        %gt3A_342 = arith.cmpf ogt, %gather3A_185, %gt3A_341 : vector<16xf32>
        %and3A_343 = arith.andi %and3A_339, %gt3A_342 : vector<16xi1>
        %add3A_344 = arith.addi %broadcast_in_dim3A_71, %add3A_309 : vector<16xi32>
        %lt3A_345 = arith.cmpi slt, %add3A_344, %broadcast_in_dim3A_23 : vector<16xi32>
        %and3A_346 = arith.andi %and3A_343, %lt3A_345 : vector<16xi1>
        %eq3A_347 = arith.constant 2 : i32
        %eq3A_348 = vector.broadcast %eq3A_347 : i32 to vector<16xi32>
        %eq3A_349 = arith.cmpi eq, %iota3A, %eq3A_348 : vector<16xi32>
        %and3A_350 = arith.andi %eq3A_349, %and3A_346 : vector<16xi1>
        %or3A_351 = arith.ori %or3A_307, %and3A_350 : vector<16xi1>
        %convert_element_type3A_352 = arith.extui %and3A_346 : vector<16xi1> to vector<16xi32>
        %add3A_353 = arith.addi %add3A_309, %convert_element_type3A_352 : vector<16xi32>
        %gt3A_354 = arith.cmpf ogt, %while3A_227#3, %gather3A_212 : vector<16xf32>
        %all_reduce_population_count3A_355 = tpu.all_reduce %gt3A_354 {dim = 0 : i64, kind = #tpu.reduction_kind<sum>} : vector<16xi1> -> vector<16xi32>
        %min3A_356 = arith.minimumf %gather3A_204, %gather3A_59 : vector<16xf32>
        %max3A_357 = arith.maximumf %gather3A_196, %gather3A_51 : vector<16xf32>
        %sub3A_358 = arith.subf %min3A_356, %max3A_357 : vector<16xf32>
        %min3A_359 = arith.minimumf %gather3A_208, %gather3A_63 : vector<16xf32>
        %max3A_360 = arith.maximumf %gather3A_200, %gather3A_55 : vector<16xf32>
        %sub3A_361 = arith.subf %min3A_359, %max3A_360 : vector<16xf32>
        %max3A_362 = arith.constant 0.000000e+00 : f32
        %max3A_363 = vector.broadcast %max3A_362 : f32 to vector<16xf32>
        %max3A_364 = arith.maximumf %sub3A_358, %max3A_363 : vector<16xf32>
        %max3A_365 = arith.constant 0.000000e+00 : f32
        %max3A_366 = vector.broadcast %max3A_365 : f32 to vector<16xf32>
        %max3A_367 = arith.maximumf %sub3A_361, %max3A_366 : vector<16xf32>
        %mul3A_368 = arith.mulf %max3A_364, %max3A_367 : vector<16xf32>
        %sub3A_369 = arith.subf %mul3A_368, %gather3A_67 : vector<16xf32>
        %gt3A_370 = arith.cmpf ogt, %sub3A_369, %gather3A_212 : vector<16xf32>
        %and3A_371 = arith.andi %gt3A_370, %or3A_351 : vector<16xi1>
        %lt3A_372 = arith.constant 3 : i32
        %lt3A_373 = vector.broadcast %lt3A_372 : i32 to vector<16xi32>
        %lt3A_374 = arith.cmpi slt, %iota3A, %lt3A_373 : vector<16xi32>
        %and3A_375 = arith.andi %and3A_371, %lt3A_374 : vector<16xi1>
        %all_reduce_population_count3A_376 = tpu.all_reduce %and3A_375 {dim = 0 : i64, kind = #tpu.reduction_kind<sum>} : vector<16xi1> -> vector<16xi32>
        %eq3A_377 = arith.constant 0 : i32
        %eq3A_378 = vector.broadcast %eq3A_377 : i32 to vector<16xi32>
        %eq3A_379 = arith.cmpi eq, %all_reduce_population_count3A_355, %eq3A_378 : vector<16xi32>
        %eq3A_380 = arith.constant 0 : i32
        %eq3A_381 = vector.broadcast %eq3A_380 : i32 to vector<16xi32>
        %eq3A_382 = arith.cmpi eq, %all_reduce_population_count3A_376, %eq3A_381 : vector<16xi32>
        %and3A_383 = arith.andi %eq3A_379, %eq3A_382 : vector<16xi1>
        %gt3A_384 = arith.constant 0.000000e+00 : f32
        %gt3A_385 = vector.broadcast %gt3A_384 : f32 to vector<16xf32>
        %gt3A_386 = arith.cmpf ogt, %gather3A_216, %gt3A_385 : vector<16xf32>
        %and3A_387 = arith.andi %and3A_383, %gt3A_386 : vector<16xi1>
        %add3A_388 = arith.addi %broadcast_in_dim3A_71, %add3A_353 : vector<16xi32>
        %lt3A_389 = arith.cmpi slt, %add3A_388, %broadcast_in_dim3A_23 : vector<16xi32>
        %and3A_390 = arith.andi %and3A_387, %lt3A_389 : vector<16xi1>
        %eq3A_391 = arith.constant 3 : i32
        %eq3A_392 = vector.broadcast %eq3A_391 : i32 to vector<16xi32>
        %eq3A_393 = arith.cmpi eq, %iota3A, %eq3A_392 : vector<16xi32>
        %and3A_394 = arith.andi %eq3A_393, %and3A_390 : vector<16xi1>
        %or3A_395 = arith.ori %or3A_351, %and3A_394 : vector<16xi1>
        %convert_element_type3A_396 = arith.extui %and3A_390 : vector<16xi1> to vector<16xi32>
        %add3A_397 = arith.addi %add3A_353, %convert_element_type3A_396 : vector<16xi32>
        %add3A_398 = arith.constant 4 : i32
        %add3A_399 = arith.addi %while3A_37, %add3A_398 : i32
        %broadcast_in_dim3A_400 = vector.broadcast %add3A_399 : i32 to vector<16xi32>
        %gather3A_401 = tpu.vector_load_idx %arg6[%broadcast_in_dim3A_400] : memref<5000xi32, #tpu.memory_space<vmem>>[vector<16xi32>], vector<16xi32>,
        %mul3A_402 = arith.constant 16 : i32
        %mul3A_403 = vector.broadcast %mul3A_402 : i32 to vector<16xi32>
        %mul3A_404 = arith.muli %gather3A_401, %mul3A_403 : vector<16xi32>
        %add3A_405 = arith.constant 6 : i32
        %add3A_406 = vector.broadcast %add3A_405 : i32 to vector<16xi32>
        %add3A_407 = arith.addi %mul3A_404, %add3A_406 : vector<16xi32>
        %gather3A_408 = tpu.vector_load_idx %arg5[%add3A_407] : memref<80000xf32, #tpu.memory_space<vmem>>[vector<16xi32>], vector<16xf32>,
        %add3A_409 = arith.constant 7 : i32
        %add3A_410 = vector.broadcast %add3A_409 : i32 to vector<16xi32>
        %add3A_411 = arith.addi %mul3A_404, %add3A_410 : vector<16xi32>
        %gather3A_412 = tpu.vector_load_idx %arg5[%add3A_411] : memref<80000xf32, #tpu.memory_space<vmem>>[vector<16xi32>], vector<16xf32>,
        %add3A_413 = arith.constant 8 : i32
        %add3A_414 = vector.broadcast %add3A_413 : i32 to vector<16xi32>
        %add3A_415 = arith.addi %mul3A_404, %add3A_414 : vector<16xi32>
        %gather3A_416 = tpu.vector_load_idx %arg5[%add3A_415] : memref<80000xf32, #tpu.memory_space<vmem>>[vector<16xi32>], vector<16xf32>,
        %add3A_417 = arith.constant 9 : i32
        %add3A_418 = vector.broadcast %add3A_417 : i32 to vector<16xi32>
        %add3A_419 = arith.addi %mul3A_404, %add3A_418 : vector<16xi32>
        %gather3A_420 = tpu.vector_load_idx %arg5[%add3A_419] : memref<80000xf32, #tpu.memory_space<vmem>>[vector<16xi32>], vector<16xf32>,
        %add3A_421 = arith.constant 11 : i32
        %add3A_422 = vector.broadcast %add3A_421 : i32 to vector<16xi32>
        %add3A_423 = arith.addi %mul3A_404, %add3A_422 : vector<16xi32>
        %gather3A_424 = tpu.vector_load_idx %arg5[%add3A_423] : memref<80000xf32, #tpu.memory_space<vmem>>[vector<16xi32>], vector<16xf32>,
        %add3A_425 = arith.constant 0 : i32
        %add3A_426 = vector.broadcast %add3A_425 : i32 to vector<16xi32>
        %add3A_427 = arith.addi %mul3A_404, %add3A_426 : vector<16xi32>
        %gather3A_428 = tpu.vector_load_idx %arg5[%add3A_427] : memref<80000xf32, #tpu.memory_space<vmem>>[vector<16xi32>], vector<16xf32>,
        %add3A_429 = arith.constant 5 : i32
        %add3A_430 = arith.addi %while3A_37, %add3A_429 : i32
        %broadcast_in_dim3A_431 = vector.broadcast %add3A_430 : i32 to vector<16xi32>
        %gather3A_432 = tpu.vector_load_idx %arg6[%broadcast_in_dim3A_431] : memref<5000xi32, #tpu.memory_space<vmem>>[vector<16xi32>], vector<16xi32>,
        %mul3A_433 = arith.constant 16 : i32
        %mul3A_434 = vector.broadcast %mul3A_433 : i32 to vector<16xi32>
        %mul3A_435 = arith.muli %gather3A_432, %mul3A_434 : vector<16xi32>
        %add3A_436 = arith.constant 6 : i32
        %add3A_437 = vector.broadcast %add3A_436 : i32 to vector<16xi32>
        %add3A_438 = arith.addi %mul3A_435, %add3A_437 : vector<16xi32>
        %gather3A_439 = tpu.vector_load_idx %arg5[%add3A_438] : memref<80000xf32, #tpu.memory_space<vmem>>[vector<16xi32>], vector<16xf32>,
        %add3A_440 = arith.constant 7 : i32
        %add3A_441 = vector.broadcast %add3A_440 : i32 to vector<16xi32>
        %add3A_442 = arith.addi %mul3A_435, %add3A_441 : vector<16xi32>
        %gather3A_443 = tpu.vector_load_idx %arg5[%add3A_442] : memref<80000xf32, #tpu.memory_space<vmem>>[vector<16xi32>], vector<16xf32>,
        %add3A_444 = arith.constant 8 : i32
        %add3A_445 = vector.broadcast %add3A_444 : i32 to vector<16xi32>
        %add3A_446 = arith.addi %mul3A_435, %add3A_445 : vector<16xi32>
        %gather3A_447 = tpu.vector_load_idx %arg5[%add3A_446] : memref<80000xf32, #tpu.memory_space<vmem>>[vector<16xi32>], vector<16xf32>,
        %add3A_448 = arith.constant 9 : i32
        %add3A_449 = vector.broadcast %add3A_448 : i32 to vector<16xi32>
        %add3A_450 = arith.addi %mul3A_435, %add3A_449 : vector<16xi32>
        %gather3A_451 = tpu.vector_load_idx %arg5[%add3A_450] : memref<80000xf32, #tpu.memory_space<vmem>>[vector<16xi32>], vector<16xf32>,
        %add3A_452 = arith.constant 11 : i32
        %add3A_453 = vector.broadcast %add3A_452 : i32 to vector<16xi32>
        %add3A_454 = arith.addi %mul3A_435, %add3A_453 : vector<16xi32>
        %gather3A_455 = tpu.vector_load_idx %arg5[%add3A_454] : memref<80000xf32, #tpu.memory_space<vmem>>[vector<16xi32>], vector<16xf32>,
        %add3A_456 = arith.constant 0 : i32
        %add3A_457 = vector.broadcast %add3A_456 : i32 to vector<16xi32>
        %add3A_458 = arith.addi %mul3A_435, %add3A_457 : vector<16xi32>
        %gather3A_459 = tpu.vector_load_idx %arg5[%add3A_458] : memref<80000xf32, #tpu.memory_space<vmem>>[vector<16xi32>], vector<16xf32>,
        %add3A_460 = arith.constant 6 : i32
        %add3A_461 = arith.addi %while3A_37, %add3A_460 : i32
        %broadcast_in_dim3A_462 = vector.broadcast %add3A_461 : i32 to vector<16xi32>
        %gather3A_463 = tpu.vector_load_idx %arg6[%broadcast_in_dim3A_462] : memref<5000xi32, #tpu.memory_space<vmem>>[vector<16xi32>], vector<16xi32>,
        %mul3A_464 = arith.constant 16 : i32
        %mul3A_465 = vector.broadcast %mul3A_464 : i32 to vector<16xi32>
        %mul3A_466 = arith.muli %gather3A_463, %mul3A_465 : vector<16xi32>
        %add3A_467 = arith.constant 6 : i32
        %add3A_468 = vector.broadcast %add3A_467 : i32 to vector<16xi32>
        %add3A_469 = arith.addi %mul3A_466, %add3A_468 : vector<16xi32>
        %gather3A_470 = tpu.vector_load_idx %arg5[%add3A_469] : memref<80000xf32, #tpu.memory_space<vmem>>[vector<16xi32>], vector<16xf32>,
        %add3A_471 = arith.constant 7 : i32
        %add3A_472 = vector.broadcast %add3A_471 : i32 to vector<16xi32>
        %add3A_473 = arith.addi %mul3A_466, %add3A_472 : vector<16xi32>
        %gather3A_474 = tpu.vector_load_idx %arg5[%add3A_473] : memref<80000xf32, #tpu.memory_space<vmem>>[vector<16xi32>], vector<16xf32>,
        %add3A_475 = arith.constant 8 : i32
        %add3A_476 = vector.broadcast %add3A_475 : i32 to vector<16xi32>
        %add3A_477 = arith.addi %mul3A_466, %add3A_476 : vector<16xi32>
        %gather3A_478 = tpu.vector_load_idx %arg5[%add3A_477] : memref<80000xf32, #tpu.memory_space<vmem>>[vector<16xi32>], vector<16xf32>,
        %add3A_479 = arith.constant 9 : i32
        %add3A_480 = vector.broadcast %add3A_479 : i32 to vector<16xi32>
        %add3A_481 = arith.addi %mul3A_466, %add3A_480 : vector<16xi32>
        %gather3A_482 = tpu.vector_load_idx %arg5[%add3A_481] : memref<80000xf32, #tpu.memory_space<vmem>>[vector<16xi32>], vector<16xf32>,
        %add3A_483 = arith.constant 11 : i32
        %add3A_484 = vector.broadcast %add3A_483 : i32 to vector<16xi32>
        %add3A_485 = arith.addi %mul3A_466, %add3A_484 : vector<16xi32>
        %gather3A_486 = tpu.vector_load_idx %arg5[%add3A_485] : memref<80000xf32, #tpu.memory_space<vmem>>[vector<16xi32>], vector<16xf32>,
        %add3A_487 = arith.constant 0 : i32
        %add3A_488 = vector.broadcast %add3A_487 : i32 to vector<16xi32>
        %add3A_489 = arith.addi %mul3A_466, %add3A_488 : vector<16xi32>
        %gather3A_490 = tpu.vector_load_idx %arg5[%add3A_489] : memref<80000xf32, #tpu.memory_space<vmem>>[vector<16xi32>], vector<16xf32>,
        %add3A_491 = arith.constant 7 : i32
        %add3A_492 = arith.addi %while3A_37, %add3A_491 : i32
        %broadcast_in_dim3A_493 = vector.broadcast %add3A_492 : i32 to vector<16xi32>
        %gather3A_494 = tpu.vector_load_idx %arg6[%broadcast_in_dim3A_493] : memref<5000xi32, #tpu.memory_space<vmem>>[vector<16xi32>], vector<16xi32>,
        %mul3A_495 = arith.constant 16 : i32
        %mul3A_496 = vector.broadcast %mul3A_495 : i32 to vector<16xi32>
        %mul3A_497 = arith.muli %gather3A_494, %mul3A_496 : vector<16xi32>
        %add3A_498 = arith.constant 6 : i32
        %add3A_499 = vector.broadcast %add3A_498 : i32 to vector<16xi32>
        %add3A_500 = arith.addi %mul3A_497, %add3A_499 : vector<16xi32>
        %gather3A_501 = tpu.vector_load_idx %arg5[%add3A_500] : memref<80000xf32, #tpu.memory_space<vmem>>[vector<16xi32>], vector<16xf32>,
        %add3A_502 = arith.constant 7 : i32
        %add3A_503 = vector.broadcast %add3A_502 : i32 to vector<16xi32>
        %add3A_504 = arith.addi %mul3A_497, %add3A_503 : vector<16xi32>
        %gather3A_505 = tpu.vector_load_idx %arg5[%add3A_504] : memref<80000xf32, #tpu.memory_space<vmem>>[vector<16xi32>], vector<16xf32>,
        %add3A_506 = arith.constant 8 : i32
        %add3A_507 = vector.broadcast %add3A_506 : i32 to vector<16xi32>
        %add3A_508 = arith.addi %mul3A_497, %add3A_507 : vector<16xi32>
        %gather3A_509 = tpu.vector_load_idx %arg5[%add3A_508] : memref<80000xf32, #tpu.memory_space<vmem>>[vector<16xi32>], vector<16xf32>,
        %add3A_510 = arith.constant 9 : i32
        %add3A_511 = vector.broadcast %add3A_510 : i32 to vector<16xi32>
        %add3A_512 = arith.addi %mul3A_497, %add3A_511 : vector<16xi32>
        %gather3A_513 = tpu.vector_load_idx %arg5[%add3A_512] : memref<80000xf32, #tpu.memory_space<vmem>>[vector<16xi32>], vector<16xf32>,
        %add3A_514 = arith.constant 11 : i32
        %add3A_515 = vector.broadcast %add3A_514 : i32 to vector<16xi32>
        %add3A_516 = arith.addi %mul3A_497, %add3A_515 : vector<16xi32>
        %gather3A_517 = tpu.vector_load_idx %arg5[%add3A_516] : memref<80000xf32, #tpu.memory_space<vmem>>[vector<16xi32>], vector<16xf32>,
        %add3A_518 = arith.constant 0 : i32
        %add3A_519 = vector.broadcast %add3A_518 : i32 to vector<16xi32>
        %add3A_520 = arith.addi %mul3A_497, %add3A_519 : vector<16xi32>
        %gather3A_521 = tpu.vector_load_idx %arg5[%add3A_520] : memref<80000xf32, #tpu.memory_space<vmem>>[vector<16xi32>], vector<16xf32>,
        %while3A_522 = arith.constant 0 : i32
        %while3A_523 = arith.subi %select_n3A, %while3A_522 : i32
        %while3A_524 = arith.addi %while3A_522, %while3A_523 : i32
        %while3A_525 = arith.constant 1 : i32
        %while3A_526 = arith.divsi %while3A_523, %while3A_525 : i32
        %while3A_527 = arith.muli %while3A_526, %while3A_525 : i32
        %while3A_528 = arith.addi %while3A_522, %while3A_527 : i32
        %while3A_529 = arith.constant 1 : i32
        %while3A_530:4 = scf.for %while3A_1351 = %while3A_522 to %while3A_528 step %while3A_529 iter_args(%while3A_1352 = %broadcast_in_dim3A_25, %while3A_1353 = %broadcast_in_dim3A_25, %while3A_1354 = %broadcast_in_dim3A_25, %while3A_1355 = %broadcast_in_dim3A_25) -> (vector<16xf32>, vector<16xf32>, vector<16xf32>, vector<16xf32>)  : i32 {
          %mul3A_1356 = arith.constant 64 : i32
          %mul3A_1357 = arith.muli %while3A_1351, %mul3A_1356 : i32
          %add3A_1358 = arith.constant 0 : i32
          %add3A_1359 = arith.addi %mul3A_1357, %add3A_1358 : i32
          %add3A_1360 = vector.broadcast %add3A_1359 : i32 to vector<16xi32>
          %add3A_1361 = arith.addi %add3A_1360, %iota3A : vector<16xi32>
          %gather3A_1362 = tpu.vector_load_idx %arg7[%add3A_1361] : memref<320xf32, #tpu.memory_space<vmem>>[vector<16xi32>], vector<16xf32>,
          %gather3A_1363 = tpu.vector_load_idx %arg8[%add3A_1361] : memref<320xf32, #tpu.memory_space<vmem>>[vector<16xi32>], vector<16xf32>,
          %gather3A_1364 = tpu.vector_load_idx %arg9[%add3A_1361] : memref<320xf32, #tpu.memory_space<vmem>>[vector<16xi32>], vector<16xf32>,
          %gather3A_1365 = tpu.vector_load_idx %arg10[%add3A_1361] : memref<320xf32, #tpu.memory_space<vmem>>[vector<16xi32>], vector<16xf32>,
          %gather3A_1366 = tpu.vector_load_idx %arg11[%add3A_1361] : memref<320xf32, #tpu.memory_space<vmem>>[vector<16xi32>], vector<16xf32>,
          %min3A_1367 = arith.minimumf %gather3A_416, %gather3A_1364 : vector<16xf32>
          %max3A_1368 = arith.maximumf %gather3A_408, %gather3A_1362 : vector<16xf32>
          %sub3A_1369 = arith.subf %min3A_1367, %max3A_1368 : vector<16xf32>
          %min3A_1370 = arith.minimumf %gather3A_420, %gather3A_1365 : vector<16xf32>
          %max3A_1371 = arith.maximumf %gather3A_412, %gather3A_1363 : vector<16xf32>
          %sub3A_1372 = arith.subf %min3A_1370, %max3A_1371 : vector<16xf32>
          %max3A_1373 = arith.constant 0.000000e+00 : f32
          %max3A_1374 = vector.broadcast %max3A_1373 : f32 to vector<16xf32>
          %max3A_1375 = arith.maximumf %sub3A_1369, %max3A_1374 : vector<16xf32>
          %max3A_1376 = arith.constant 0.000000e+00 : f32
          %max3A_1377 = vector.broadcast %max3A_1376 : f32 to vector<16xf32>
          %max3A_1378 = arith.maximumf %sub3A_1372, %max3A_1377 : vector<16xf32>
          %mul3A_1379 = arith.mulf %max3A_1375, %max3A_1378 : vector<16xf32>
          %sub3A_1380 = arith.subf %mul3A_1379, %gather3A_1366 : vector<16xf32>
          %max3A_1381 = arith.maximumf %while3A_1352, %sub3A_1380 : vector<16xf32>
          %min3A_1382 = arith.minimumf %gather3A_447, %gather3A_1364 : vector<16xf32>
          %max3A_1383 = arith.maximumf %gather3A_439, %gather3A_1362 : vector<16xf32>
          %sub3A_1384 = arith.subf %min3A_1382, %max3A_1383 : vector<16xf32>
          %min3A_1385 = arith.minimumf %gather3A_451, %gather3A_1365 : vector<16xf32>
          %max3A_1386 = arith.maximumf %gather3A_443, %gather3A_1363 : vector<16xf32>
          %sub3A_1387 = arith.subf %min3A_1385, %max3A_1386 : vector<16xf32>
          %max3A_1388 = arith.constant 0.000000e+00 : f32
          %max3A_1389 = vector.broadcast %max3A_1388 : f32 to vector<16xf32>
          %max3A_1390 = arith.maximumf %sub3A_1384, %max3A_1389 : vector<16xf32>
          %max3A_1391 = arith.constant 0.000000e+00 : f32
          %max3A_1392 = vector.broadcast %max3A_1391 : f32 to vector<16xf32>
          %max3A_1393 = arith.maximumf %sub3A_1387, %max3A_1392 : vector<16xf32>
          %mul3A_1394 = arith.mulf %max3A_1390, %max3A_1393 : vector<16xf32>
          %sub3A_1395 = arith.subf %mul3A_1394, %gather3A_1366 : vector<16xf32>
          %max3A_1396 = arith.maximumf %while3A_1353, %sub3A_1395 : vector<16xf32>
          %min3A_1397 = arith.minimumf %gather3A_478, %gather3A_1364 : vector<16xf32>
          %max3A_1398 = arith.maximumf %gather3A_470, %gather3A_1362 : vector<16xf32>
          %sub3A_1399 = arith.subf %min3A_1397, %max3A_1398 : vector<16xf32>
          %min3A_1400 = arith.minimumf %gather3A_482, %gather3A_1365 : vector<16xf32>
          %max3A_1401 = arith.maximumf %gather3A_474, %gather3A_1363 : vector<16xf32>
          %sub3A_1402 = arith.subf %min3A_1400, %max3A_1401 : vector<16xf32>
          %max3A_1403 = arith.constant 0.000000e+00 : f32
          %max3A_1404 = vector.broadcast %max3A_1403 : f32 to vector<16xf32>
          %max3A_1405 = arith.maximumf %sub3A_1399, %max3A_1404 : vector<16xf32>
          %max3A_1406 = arith.constant 0.000000e+00 : f32
          %max3A_1407 = vector.broadcast %max3A_1406 : f32 to vector<16xf32>
          %max3A_1408 = arith.maximumf %sub3A_1402, %max3A_1407 : vector<16xf32>
          %mul3A_1409 = arith.mulf %max3A_1405, %max3A_1408 : vector<16xf32>
          %sub3A_1410 = arith.subf %mul3A_1409, %gather3A_1366 : vector<16xf32>
          %max3A_1411 = arith.maximumf %while3A_1354, %sub3A_1410 : vector<16xf32>
          %min3A_1412 = arith.minimumf %gather3A_509, %gather3A_1364 : vector<16xf32>
          %max3A_1413 = arith.maximumf %gather3A_501, %gather3A_1362 : vector<16xf32>
          %sub3A_1414 = arith.subf %min3A_1412, %max3A_1413 : vector<16xf32>
          %min3A_1415 = arith.minimumf %gather3A_513, %gather3A_1365 : vector<16xf32>
          %max3A_1416 = arith.maximumf %gather3A_505, %gather3A_1363 : vector<16xf32>
          %sub3A_1417 = arith.subf %min3A_1415, %max3A_1416 : vector<16xf32>
          %max3A_1418 = arith.constant 0.000000e+00 : f32
          %max3A_1419 = vector.broadcast %max3A_1418 : f32 to vector<16xf32>
          %max3A_1420 = arith.maximumf %sub3A_1414, %max3A_1419 : vector<16xf32>
          %max3A_1421 = arith.constant 0.000000e+00 : f32
          %max3A_1422 = vector.broadcast %max3A_1421 : f32 to vector<16xf32>
          %max3A_1423 = arith.maximumf %sub3A_1417, %max3A_1422 : vector<16xf32>
          %mul3A_1424 = arith.mulf %max3A_1420, %max3A_1423 : vector<16xf32>
          %sub3A_1425 = arith.subf %mul3A_1424, %gather3A_1366 : vector<16xf32>
          %max3A_1426 = arith.maximumf %while3A_1355, %sub3A_1425 : vector<16xf32>
          %add3A_1427 = arith.constant 16 : i32
          %add3A_1428 = arith.addi %mul3A_1357, %add3A_1427 : i32
          %add3A_1429 = vector.broadcast %add3A_1428 : i32 to vector<16xi32>
          %add3A_1430 = arith.addi %add3A_1429, %iota3A : vector<16xi32>
          %gather3A_1431 = tpu.vector_load_idx %arg7[%add3A_1430] : memref<320xf32, #tpu.memory_space<vmem>>[vector<16xi32>], vector<16xf32>,
          %gather3A_1432 = tpu.vector_load_idx %arg8[%add3A_1430] : memref<320xf32, #tpu.memory_space<vmem>>[vector<16xi32>], vector<16xf32>,
          %gather3A_1433 = tpu.vector_load_idx %arg9[%add3A_1430] : memref<320xf32, #tpu.memory_space<vmem>>[vector<16xi32>], vector<16xf32>,
          %gather3A_1434 = tpu.vector_load_idx %arg10[%add3A_1430] : memref<320xf32, #tpu.memory_space<vmem>>[vector<16xi32>], vector<16xf32>,
          %gather3A_1435 = tpu.vector_load_idx %arg11[%add3A_1430] : memref<320xf32, #tpu.memory_space<vmem>>[vector<16xi32>], vector<16xf32>,
          %min3A_1436 = arith.minimumf %gather3A_416, %gather3A_1433 : vector<16xf32>
          %max3A_1437 = arith.maximumf %gather3A_408, %gather3A_1431 : vector<16xf32>
          %sub3A_1438 = arith.subf %min3A_1436, %max3A_1437 : vector<16xf32>
          %min3A_1439 = arith.minimumf %gather3A_420, %gather3A_1434 : vector<16xf32>
          %max3A_1440 = arith.maximumf %gather3A_412, %gather3A_1432 : vector<16xf32>
          %sub3A_1441 = arith.subf %min3A_1439, %max3A_1440 : vector<16xf32>
          %max3A_1442 = arith.constant 0.000000e+00 : f32
          %max3A_1443 = vector.broadcast %max3A_1442 : f32 to vector<16xf32>
          %max3A_1444 = arith.maximumf %sub3A_1438, %max3A_1443 : vector<16xf32>
          %max3A_1445 = arith.constant 0.000000e+00 : f32
          %max3A_1446 = vector.broadcast %max3A_1445 : f32 to vector<16xf32>
          %max3A_1447 = arith.maximumf %sub3A_1441, %max3A_1446 : vector<16xf32>
          %mul3A_1448 = arith.mulf %max3A_1444, %max3A_1447 : vector<16xf32>
          %sub3A_1449 = arith.subf %mul3A_1448, %gather3A_1435 : vector<16xf32>
          %max3A_1450 = arith.maximumf %max3A_1381, %sub3A_1449 : vector<16xf32>
          %min3A_1451 = arith.minimumf %gather3A_447, %gather3A_1433 : vector<16xf32>
          %max3A_1452 = arith.maximumf %gather3A_439, %gather3A_1431 : vector<16xf32>
          %sub3A_1453 = arith.subf %min3A_1451, %max3A_1452 : vector<16xf32>
          %min3A_1454 = arith.minimumf %gather3A_451, %gather3A_1434 : vector<16xf32>
          %max3A_1455 = arith.maximumf %gather3A_443, %gather3A_1432 : vector<16xf32>
          %sub3A_1456 = arith.subf %min3A_1454, %max3A_1455 : vector<16xf32>
          %max3A_1457 = arith.constant 0.000000e+00 : f32
          %max3A_1458 = vector.broadcast %max3A_1457 : f32 to vector<16xf32>
          %max3A_1459 = arith.maximumf %sub3A_1453, %max3A_1458 : vector<16xf32>
          %max3A_1460 = arith.constant 0.000000e+00 : f32
          %max3A_1461 = vector.broadcast %max3A_1460 : f32 to vector<16xf32>
          %max3A_1462 = arith.maximumf %sub3A_1456, %max3A_1461 : vector<16xf32>
          %mul3A_1463 = arith.mulf %max3A_1459, %max3A_1462 : vector<16xf32>
          %sub3A_1464 = arith.subf %mul3A_1463, %gather3A_1435 : vector<16xf32>
          %max3A_1465 = arith.maximumf %max3A_1396, %sub3A_1464 : vector<16xf32>
          %min3A_1466 = arith.minimumf %gather3A_478, %gather3A_1433 : vector<16xf32>
          %max3A_1467 = arith.maximumf %gather3A_470, %gather3A_1431 : vector<16xf32>
          %sub3A_1468 = arith.subf %min3A_1466, %max3A_1467 : vector<16xf32>
          %min3A_1469 = arith.minimumf %gather3A_482, %gather3A_1434 : vector<16xf32>
          %max3A_1470 = arith.maximumf %gather3A_474, %gather3A_1432 : vector<16xf32>
          %sub3A_1471 = arith.subf %min3A_1469, %max3A_1470 : vector<16xf32>
          %max3A_1472 = arith.constant 0.000000e+00 : f32
          %max3A_1473 = vector.broadcast %max3A_1472 : f32 to vector<16xf32>
          %max3A_1474 = arith.maximumf %sub3A_1468, %max3A_1473 : vector<16xf32>
          %max3A_1475 = arith.constant 0.000000e+00 : f32
          %max3A_1476 = vector.broadcast %max3A_1475 : f32 to vector<16xf32>
          %max3A_1477 = arith.maximumf %sub3A_1471, %max3A_1476 : vector<16xf32>
          %mul3A_1478 = arith.mulf %max3A_1474, %max3A_1477 : vector<16xf32>
          %sub3A_1479 = arith.subf %mul3A_1478, %gather3A_1435 : vector<16xf32>
          %max3A_1480 = arith.maximumf %max3A_1411, %sub3A_1479 : vector<16xf32>
          %min3A_1481 = arith.minimumf %gather3A_509, %gather3A_1433 : vector<16xf32>
          %max3A_1482 = arith.maximumf %gather3A_501, %gather3A_1431 : vector<16xf32>
          %sub3A_1483 = arith.subf %min3A_1481, %max3A_1482 : vector<16xf32>
          %min3A_1484 = arith.minimumf %gather3A_513, %gather3A_1434 : vector<16xf32>
          %max3A_1485 = arith.maximumf %gather3A_505, %gather3A_1432 : vector<16xf32>
          %sub3A_1486 = arith.subf %min3A_1484, %max3A_1485 : vector<16xf32>
          %max3A_1487 = arith.constant 0.000000e+00 : f32
          %max3A_1488 = vector.broadcast %max3A_1487 : f32 to vector<16xf32>
          %max3A_1489 = arith.maximumf %sub3A_1483, %max3A_1488 : vector<16xf32>
          %max3A_1490 = arith.constant 0.000000e+00 : f32
          %max3A_1491 = vector.broadcast %max3A_1490 : f32 to vector<16xf32>
          %max3A_1492 = arith.maximumf %sub3A_1486, %max3A_1491 : vector<16xf32>
          %mul3A_1493 = arith.mulf %max3A_1489, %max3A_1492 : vector<16xf32>
          %sub3A_1494 = arith.subf %mul3A_1493, %gather3A_1435 : vector<16xf32>
          %max3A_1495 = arith.maximumf %max3A_1426, %sub3A_1494 : vector<16xf32>
          %add3A_1496 = arith.constant 32 : i32
          %add3A_1497 = arith.addi %mul3A_1357, %add3A_1496 : i32
          %add3A_1498 = vector.broadcast %add3A_1497 : i32 to vector<16xi32>
          %add3A_1499 = arith.addi %add3A_1498, %iota3A : vector<16xi32>
          %gather3A_1500 = tpu.vector_load_idx %arg7[%add3A_1499] : memref<320xf32, #tpu.memory_space<vmem>>[vector<16xi32>], vector<16xf32>,
          %gather3A_1501 = tpu.vector_load_idx %arg8[%add3A_1499] : memref<320xf32, #tpu.memory_space<vmem>>[vector<16xi32>], vector<16xf32>,
          %gather3A_1502 = tpu.vector_load_idx %arg9[%add3A_1499] : memref<320xf32, #tpu.memory_space<vmem>>[vector<16xi32>], vector<16xf32>,
          %gather3A_1503 = tpu.vector_load_idx %arg10[%add3A_1499] : memref<320xf32, #tpu.memory_space<vmem>>[vector<16xi32>], vector<16xf32>,
          %gather3A_1504 = tpu.vector_load_idx %arg11[%add3A_1499] : memref<320xf32, #tpu.memory_space<vmem>>[vector<16xi32>], vector<16xf32>,
          %min3A_1505 = arith.minimumf %gather3A_416, %gather3A_1502 : vector<16xf32>
          %max3A_1506 = arith.maximumf %gather3A_408, %gather3A_1500 : vector<16xf32>
          %sub3A_1507 = arith.subf %min3A_1505, %max3A_1506 : vector<16xf32>
          %min3A_1508 = arith.minimumf %gather3A_420, %gather3A_1503 : vector<16xf32>
          %max3A_1509 = arith.maximumf %gather3A_412, %gather3A_1501 : vector<16xf32>
          %sub3A_1510 = arith.subf %min3A_1508, %max3A_1509 : vector<16xf32>
          %max3A_1511 = arith.constant 0.000000e+00 : f32
          %max3A_1512 = vector.broadcast %max3A_1511 : f32 to vector<16xf32>
          %max3A_1513 = arith.maximumf %sub3A_1507, %max3A_1512 : vector<16xf32>
          %max3A_1514 = arith.constant 0.000000e+00 : f32
          %max3A_1515 = vector.broadcast %max3A_1514 : f32 to vector<16xf32>
          %max3A_1516 = arith.maximumf %sub3A_1510, %max3A_1515 : vector<16xf32>
          %mul3A_1517 = arith.mulf %max3A_1513, %max3A_1516 : vector<16xf32>
          %sub3A_1518 = arith.subf %mul3A_1517, %gather3A_1504 : vector<16xf32>
          %max3A_1519 = arith.maximumf %max3A_1450, %sub3A_1518 : vector<16xf32>
          %min3A_1520 = arith.minimumf %gather3A_447, %gather3A_1502 : vector<16xf32>
          %max3A_1521 = arith.maximumf %gather3A_439, %gather3A_1500 : vector<16xf32>
          %sub3A_1522 = arith.subf %min3A_1520, %max3A_1521 : vector<16xf32>
          %min3A_1523 = arith.minimumf %gather3A_451, %gather3A_1503 : vector<16xf32>
          %max3A_1524 = arith.maximumf %gather3A_443, %gather3A_1501 : vector<16xf32>
          %sub3A_1525 = arith.subf %min3A_1523, %max3A_1524 : vector<16xf32>
          %max3A_1526 = arith.constant 0.000000e+00 : f32
          %max3A_1527 = vector.broadcast %max3A_1526 : f32 to vector<16xf32>
          %max3A_1528 = arith.maximumf %sub3A_1522, %max3A_1527 : vector<16xf32>
          %max3A_1529 = arith.constant 0.000000e+00 : f32
          %max3A_1530 = vector.broadcast %max3A_1529 : f32 to vector<16xf32>
          %max3A_1531 = arith.maximumf %sub3A_1525, %max3A_1530 : vector<16xf32>
          %mul3A_1532 = arith.mulf %max3A_1528, %max3A_1531 : vector<16xf32>
          %sub3A_1533 = arith.subf %mul3A_1532, %gather3A_1504 : vector<16xf32>
          %max3A_1534 = arith.maximumf %max3A_1465, %sub3A_1533 : vector<16xf32>
          %min3A_1535 = arith.minimumf %gather3A_478, %gather3A_1502 : vector<16xf32>
          %max3A_1536 = arith.maximumf %gather3A_470, %gather3A_1500 : vector<16xf32>
          %sub3A_1537 = arith.subf %min3A_1535, %max3A_1536 : vector<16xf32>
          %min3A_1538 = arith.minimumf %gather3A_482, %gather3A_1503 : vector<16xf32>
          %max3A_1539 = arith.maximumf %gather3A_474, %gather3A_1501 : vector<16xf32>
          %sub3A_1540 = arith.subf %min3A_1538, %max3A_1539 : vector<16xf32>
          %max3A_1541 = arith.constant 0.000000e+00 : f32
          %max3A_1542 = vector.broadcast %max3A_1541 : f32 to vector<16xf32>
          %max3A_1543 = arith.maximumf %sub3A_1537, %max3A_1542 : vector<16xf32>
          %max3A_1544 = arith.constant 0.000000e+00 : f32
          %max3A_1545 = vector.broadcast %max3A_1544 : f32 to vector<16xf32>
          %max3A_1546 = arith.maximumf %sub3A_1540, %max3A_1545 : vector<16xf32>
          %mul3A_1547 = arith.mulf %max3A_1543, %max3A_1546 : vector<16xf32>
          %sub3A_1548 = arith.subf %mul3A_1547, %gather3A_1504 : vector<16xf32>
          %max3A_1549 = arith.maximumf %max3A_1480, %sub3A_1548 : vector<16xf32>
          %min3A_1550 = arith.minimumf %gather3A_509, %gather3A_1502 : vector<16xf32>
          %max3A_1551 = arith.maximumf %gather3A_501, %gather3A_1500 : vector<16xf32>
          %sub3A_1552 = arith.subf %min3A_1550, %max3A_1551 : vector<16xf32>
          %min3A_1553 = arith.minimumf %gather3A_513, %gather3A_1503 : vector<16xf32>
          %max3A_1554 = arith.maximumf %gather3A_505, %gather3A_1501 : vector<16xf32>
          %sub3A_1555 = arith.subf %min3A_1553, %max3A_1554 : vector<16xf32>
          %max3A_1556 = arith.constant 0.000000e+00 : f32
          %max3A_1557 = vector.broadcast %max3A_1556 : f32 to vector<16xf32>
          %max3A_1558 = arith.maximumf %sub3A_1552, %max3A_1557 : vector<16xf32>
          %max3A_1559 = arith.constant 0.000000e+00 : f32
          %max3A_1560 = vector.broadcast %max3A_1559 : f32 to vector<16xf32>
          %max3A_1561 = arith.maximumf %sub3A_1555, %max3A_1560 : vector<16xf32>
          %mul3A_1562 = arith.mulf %max3A_1558, %max3A_1561 : vector<16xf32>
          %sub3A_1563 = arith.subf %mul3A_1562, %gather3A_1504 : vector<16xf32>
          %max3A_1564 = arith.maximumf %max3A_1495, %sub3A_1563 : vector<16xf32>
          %add3A_1565 = arith.constant 48 : i32
          %add3A_1566 = arith.addi %mul3A_1357, %add3A_1565 : i32
          %add3A_1567 = vector.broadcast %add3A_1566 : i32 to vector<16xi32>
          %add3A_1568 = arith.addi %add3A_1567, %iota3A : vector<16xi32>
          %gather3A_1569 = tpu.vector_load_idx %arg7[%add3A_1568] : memref<320xf32, #tpu.memory_space<vmem>>[vector<16xi32>], vector<16xf32>,
          %gather3A_1570 = tpu.vector_load_idx %arg8[%add3A_1568] : memref<320xf32, #tpu.memory_space<vmem>>[vector<16xi32>], vector<16xf32>,
          %gather3A_1571 = tpu.vector_load_idx %arg9[%add3A_1568] : memref<320xf32, #tpu.memory_space<vmem>>[vector<16xi32>], vector<16xf32>,
          %gather3A_1572 = tpu.vector_load_idx %arg10[%add3A_1568] : memref<320xf32, #tpu.memory_space<vmem>>[vector<16xi32>], vector<16xf32>,
          %gather3A_1573 = tpu.vector_load_idx %arg11[%add3A_1568] : memref<320xf32, #tpu.memory_space<vmem>>[vector<16xi32>], vector<16xf32>,
          %min3A_1574 = arith.minimumf %gather3A_416, %gather3A_1571 : vector<16xf32>
          %max3A_1575 = arith.maximumf %gather3A_408, %gather3A_1569 : vector<16xf32>
          %sub3A_1576 = arith.subf %min3A_1574, %max3A_1575 : vector<16xf32>
          %min3A_1577 = arith.minimumf %gather3A_420, %gather3A_1572 : vector<16xf32>
          %max3A_1578 = arith.maximumf %gather3A_412, %gather3A_1570 : vector<16xf32>
          %sub3A_1579 = arith.subf %min3A_1577, %max3A_1578 : vector<16xf32>
          %max3A_1580 = arith.constant 0.000000e+00 : f32
          %max3A_1581 = vector.broadcast %max3A_1580 : f32 to vector<16xf32>
          %max3A_1582 = arith.maximumf %sub3A_1576, %max3A_1581 : vector<16xf32>
          %max3A_1583 = arith.constant 0.000000e+00 : f32
          %max3A_1584 = vector.broadcast %max3A_1583 : f32 to vector<16xf32>
          %max3A_1585 = arith.maximumf %sub3A_1579, %max3A_1584 : vector<16xf32>
          %mul3A_1586 = arith.mulf %max3A_1582, %max3A_1585 : vector<16xf32>
          %sub3A_1587 = arith.subf %mul3A_1586, %gather3A_1573 : vector<16xf32>
          %max3A_1588 = arith.maximumf %max3A_1519, %sub3A_1587 : vector<16xf32>
          %min3A_1589 = arith.minimumf %gather3A_447, %gather3A_1571 : vector<16xf32>
          %max3A_1590 = arith.maximumf %gather3A_439, %gather3A_1569 : vector<16xf32>
          %sub3A_1591 = arith.subf %min3A_1589, %max3A_1590 : vector<16xf32>
          %min3A_1592 = arith.minimumf %gather3A_451, %gather3A_1572 : vector<16xf32>
          %max3A_1593 = arith.maximumf %gather3A_443, %gather3A_1570 : vector<16xf32>
          %sub3A_1594 = arith.subf %min3A_1592, %max3A_1593 : vector<16xf32>
          %max3A_1595 = arith.constant 0.000000e+00 : f32
          %max3A_1596 = vector.broadcast %max3A_1595 : f32 to vector<16xf32>
          %max3A_1597 = arith.maximumf %sub3A_1591, %max3A_1596 : vector<16xf32>
          %max3A_1598 = arith.constant 0.000000e+00 : f32
          %max3A_1599 = vector.broadcast %max3A_1598 : f32 to vector<16xf32>
          %max3A_1600 = arith.maximumf %sub3A_1594, %max3A_1599 : vector<16xf32>
          %mul3A_1601 = arith.mulf %max3A_1597, %max3A_1600 : vector<16xf32>
          %sub3A_1602 = arith.subf %mul3A_1601, %gather3A_1573 : vector<16xf32>
          %max3A_1603 = arith.maximumf %max3A_1534, %sub3A_1602 : vector<16xf32>
          %min3A_1604 = arith.minimumf %gather3A_478, %gather3A_1571 : vector<16xf32>
          %max3A_1605 = arith.maximumf %gather3A_470, %gather3A_1569 : vector<16xf32>
          %sub3A_1606 = arith.subf %min3A_1604, %max3A_1605 : vector<16xf32>
          %min3A_1607 = arith.minimumf %gather3A_482, %gather3A_1572 : vector<16xf32>
          %max3A_1608 = arith.maximumf %gather3A_474, %gather3A_1570 : vector<16xf32>
          %sub3A_1609 = arith.subf %min3A_1607, %max3A_1608 : vector<16xf32>
          %max3A_1610 = arith.constant 0.000000e+00 : f32
          %max3A_1611 = vector.broadcast %max3A_1610 : f32 to vector<16xf32>
          %max3A_1612 = arith.maximumf %sub3A_1606, %max3A_1611 : vector<16xf32>
          %max3A_1613 = arith.constant 0.000000e+00 : f32
          %max3A_1614 = vector.broadcast %max3A_1613 : f32 to vector<16xf32>
          %max3A_1615 = arith.maximumf %sub3A_1609, %max3A_1614 : vector<16xf32>
          %mul3A_1616 = arith.mulf %max3A_1612, %max3A_1615 : vector<16xf32>
          %sub3A_1617 = arith.subf %mul3A_1616, %gather3A_1573 : vector<16xf32>
          %max3A_1618 = arith.maximumf %max3A_1549, %sub3A_1617 : vector<16xf32>
          %min3A_1619 = arith.minimumf %gather3A_509, %gather3A_1571 : vector<16xf32>
          %max3A_1620 = arith.maximumf %gather3A_501, %gather3A_1569 : vector<16xf32>
          %sub3A_1621 = arith.subf %min3A_1619, %max3A_1620 : vector<16xf32>
          %min3A_1622 = arith.minimumf %gather3A_513, %gather3A_1572 : vector<16xf32>
          %max3A_1623 = arith.maximumf %gather3A_505, %gather3A_1570 : vector<16xf32>
          %sub3A_1624 = arith.subf %min3A_1622, %max3A_1623 : vector<16xf32>
          %max3A_1625 = arith.constant 0.000000e+00 : f32
          %max3A_1626 = vector.broadcast %max3A_1625 : f32 to vector<16xf32>
          %max3A_1627 = arith.maximumf %sub3A_1621, %max3A_1626 : vector<16xf32>
          %max3A_1628 = arith.constant 0.000000e+00 : f32
          %max3A_1629 = vector.broadcast %max3A_1628 : f32 to vector<16xf32>
          %max3A_1630 = arith.maximumf %sub3A_1624, %max3A_1629 : vector<16xf32>
          %mul3A_1631 = arith.mulf %max3A_1627, %max3A_1630 : vector<16xf32>
          %sub3A_1632 = arith.subf %mul3A_1631, %gather3A_1573 : vector<16xf32>
          %max3A_1633 = arith.maximumf %max3A_1564, %sub3A_1632 : vector<16xf32>
          scf.yield %max3A_1588, %max3A_1603, %max3A_1618, %max3A_1633 : vector<16xf32>, vector<16xf32>, vector<16xf32>, vector<16xf32>
        }
        %while3A_531 = arith.constant 1 : i32
        %while3A_532:4 = scf.for %while3A_1351 = %while3A_528 to %while3A_524 step %while3A_531 iter_args(%while3A_1352 = %while3A_530#0, %while3A_1353 = %while3A_530#1, %while3A_1354 = %while3A_530#2, %while3A_1355 = %while3A_530#3) -> (vector<16xf32>, vector<16xf32>, vector<16xf32>, vector<16xf32>)  : i32 {
          %mul3A_1356 = arith.constant 64 : i32
          %mul3A_1357 = arith.muli %while3A_1351, %mul3A_1356 : i32
          %add3A_1358 = arith.constant 0 : i32
          %add3A_1359 = arith.addi %mul3A_1357, %add3A_1358 : i32
          %add3A_1360 = vector.broadcast %add3A_1359 : i32 to vector<16xi32>
          %add3A_1361 = arith.addi %add3A_1360, %iota3A : vector<16xi32>
          %gather3A_1362 = tpu.vector_load_idx %arg7[%add3A_1361] : memref<320xf32, #tpu.memory_space<vmem>>[vector<16xi32>], vector<16xf32>,
          %gather3A_1363 = tpu.vector_load_idx %arg8[%add3A_1361] : memref<320xf32, #tpu.memory_space<vmem>>[vector<16xi32>], vector<16xf32>,
          %gather3A_1364 = tpu.vector_load_idx %arg9[%add3A_1361] : memref<320xf32, #tpu.memory_space<vmem>>[vector<16xi32>], vector<16xf32>,
          %gather3A_1365 = tpu.vector_load_idx %arg10[%add3A_1361] : memref<320xf32, #tpu.memory_space<vmem>>[vector<16xi32>], vector<16xf32>,
          %gather3A_1366 = tpu.vector_load_idx %arg11[%add3A_1361] : memref<320xf32, #tpu.memory_space<vmem>>[vector<16xi32>], vector<16xf32>,
          %min3A_1367 = arith.minimumf %gather3A_416, %gather3A_1364 : vector<16xf32>
          %max3A_1368 = arith.maximumf %gather3A_408, %gather3A_1362 : vector<16xf32>
          %sub3A_1369 = arith.subf %min3A_1367, %max3A_1368 : vector<16xf32>
          %min3A_1370 = arith.minimumf %gather3A_420, %gather3A_1365 : vector<16xf32>
          %max3A_1371 = arith.maximumf %gather3A_412, %gather3A_1363 : vector<16xf32>
          %sub3A_1372 = arith.subf %min3A_1370, %max3A_1371 : vector<16xf32>
          %max3A_1373 = arith.constant 0.000000e+00 : f32
          %max3A_1374 = vector.broadcast %max3A_1373 : f32 to vector<16xf32>
          %max3A_1375 = arith.maximumf %sub3A_1369, %max3A_1374 : vector<16xf32>
          %max3A_1376 = arith.constant 0.000000e+00 : f32
          %max3A_1377 = vector.broadcast %max3A_1376 : f32 to vector<16xf32>
          %max3A_1378 = arith.maximumf %sub3A_1372, %max3A_1377 : vector<16xf32>
          %mul3A_1379 = arith.mulf %max3A_1375, %max3A_1378 : vector<16xf32>
          %sub3A_1380 = arith.subf %mul3A_1379, %gather3A_1366 : vector<16xf32>
          %max3A_1381 = arith.maximumf %while3A_1352, %sub3A_1380 : vector<16xf32>
          %min3A_1382 = arith.minimumf %gather3A_447, %gather3A_1364 : vector<16xf32>
          %max3A_1383 = arith.maximumf %gather3A_439, %gather3A_1362 : vector<16xf32>
          %sub3A_1384 = arith.subf %min3A_1382, %max3A_1383 : vector<16xf32>
          %min3A_1385 = arith.minimumf %gather3A_451, %gather3A_1365 : vector<16xf32>
          %max3A_1386 = arith.maximumf %gather3A_443, %gather3A_1363 : vector<16xf32>
          %sub3A_1387 = arith.subf %min3A_1385, %max3A_1386 : vector<16xf32>
          %max3A_1388 = arith.constant 0.000000e+00 : f32
          %max3A_1389 = vector.broadcast %max3A_1388 : f32 to vector<16xf32>
          %max3A_1390 = arith.maximumf %sub3A_1384, %max3A_1389 : vector<16xf32>
          %max3A_1391 = arith.constant 0.000000e+00 : f32
          %max3A_1392 = vector.broadcast %max3A_1391 : f32 to vector<16xf32>
          %max3A_1393 = arith.maximumf %sub3A_1387, %max3A_1392 : vector<16xf32>
          %mul3A_1394 = arith.mulf %max3A_1390, %max3A_1393 : vector<16xf32>
          %sub3A_1395 = arith.subf %mul3A_1394, %gather3A_1366 : vector<16xf32>
          %max3A_1396 = arith.maximumf %while3A_1353, %sub3A_1395 : vector<16xf32>
          %min3A_1397 = arith.minimumf %gather3A_478, %gather3A_1364 : vector<16xf32>
          %max3A_1398 = arith.maximumf %gather3A_470, %gather3A_1362 : vector<16xf32>
          %sub3A_1399 = arith.subf %min3A_1397, %max3A_1398 : vector<16xf32>
          %min3A_1400 = arith.minimumf %gather3A_482, %gather3A_1365 : vector<16xf32>
          %max3A_1401 = arith.maximumf %gather3A_474, %gather3A_1363 : vector<16xf32>
          %sub3A_1402 = arith.subf %min3A_1400, %max3A_1401 : vector<16xf32>
          %max3A_1403 = arith.constant 0.000000e+00 : f32
          %max3A_1404 = vector.broadcast %max3A_1403 : f32 to vector<16xf32>
          %max3A_1405 = arith.maximumf %sub3A_1399, %max3A_1404 : vector<16xf32>
          %max3A_1406 = arith.constant 0.000000e+00 : f32
          %max3A_1407 = vector.broadcast %max3A_1406 : f32 to vector<16xf32>
          %max3A_1408 = arith.maximumf %sub3A_1402, %max3A_1407 : vector<16xf32>
          %mul3A_1409 = arith.mulf %max3A_1405, %max3A_1408 : vector<16xf32>
          %sub3A_1410 = arith.subf %mul3A_1409, %gather3A_1366 : vector<16xf32>
          %max3A_1411 = arith.maximumf %while3A_1354, %sub3A_1410 : vector<16xf32>
          %min3A_1412 = arith.minimumf %gather3A_509, %gather3A_1364 : vector<16xf32>
          %max3A_1413 = arith.maximumf %gather3A_501, %gather3A_1362 : vector<16xf32>
          %sub3A_1414 = arith.subf %min3A_1412, %max3A_1413 : vector<16xf32>
          %min3A_1415 = arith.minimumf %gather3A_513, %gather3A_1365 : vector<16xf32>
          %max3A_1416 = arith.maximumf %gather3A_505, %gather3A_1363 : vector<16xf32>
          %sub3A_1417 = arith.subf %min3A_1415, %max3A_1416 : vector<16xf32>
          %max3A_1418 = arith.constant 0.000000e+00 : f32
          %max3A_1419 = vector.broadcast %max3A_1418 : f32 to vector<16xf32>
          %max3A_1420 = arith.maximumf %sub3A_1414, %max3A_1419 : vector<16xf32>
          %max3A_1421 = arith.constant 0.000000e+00 : f32
          %max3A_1422 = vector.broadcast %max3A_1421 : f32 to vector<16xf32>
          %max3A_1423 = arith.maximumf %sub3A_1417, %max3A_1422 : vector<16xf32>
          %mul3A_1424 = arith.mulf %max3A_1420, %max3A_1423 : vector<16xf32>
          %sub3A_1425 = arith.subf %mul3A_1424, %gather3A_1366 : vector<16xf32>
          %max3A_1426 = arith.maximumf %while3A_1355, %sub3A_1425 : vector<16xf32>
          %add3A_1427 = arith.constant 16 : i32
          %add3A_1428 = arith.addi %mul3A_1357, %add3A_1427 : i32
          %add3A_1429 = vector.broadcast %add3A_1428 : i32 to vector<16xi32>
          %add3A_1430 = arith.addi %add3A_1429, %iota3A : vector<16xi32>
          %gather3A_1431 = tpu.vector_load_idx %arg7[%add3A_1430] : memref<320xf32, #tpu.memory_space<vmem>>[vector<16xi32>], vector<16xf32>,
          %gather3A_1432 = tpu.vector_load_idx %arg8[%add3A_1430] : memref<320xf32, #tpu.memory_space<vmem>>[vector<16xi32>], vector<16xf32>,
          %gather3A_1433 = tpu.vector_load_idx %arg9[%add3A_1430] : memref<320xf32, #tpu.memory_space<vmem>>[vector<16xi32>], vector<16xf32>,
          %gather3A_1434 = tpu.vector_load_idx %arg10[%add3A_1430] : memref<320xf32, #tpu.memory_space<vmem>>[vector<16xi32>], vector<16xf32>,
          %gather3A_1435 = tpu.vector_load_idx %arg11[%add3A_1430] : memref<320xf32, #tpu.memory_space<vmem>>[vector<16xi32>], vector<16xf32>,
          %min3A_1436 = arith.minimumf %gather3A_416, %gather3A_1433 : vector<16xf32>
          %max3A_1437 = arith.maximumf %gather3A_408, %gather3A_1431 : vector<16xf32>
          %sub3A_1438 = arith.subf %min3A_1436, %max3A_1437 : vector<16xf32>
          %min3A_1439 = arith.minimumf %gather3A_420, %gather3A_1434 : vector<16xf32>
          %max3A_1440 = arith.maximumf %gather3A_412, %gather3A_1432 : vector<16xf32>
          %sub3A_1441 = arith.subf %min3A_1439, %max3A_1440 : vector<16xf32>
          %max3A_1442 = arith.constant 0.000000e+00 : f32
          %max3A_1443 = vector.broadcast %max3A_1442 : f32 to vector<16xf32>
          %max3A_1444 = arith.maximumf %sub3A_1438, %max3A_1443 : vector<16xf32>
          %max3A_1445 = arith.constant 0.000000e+00 : f32
          %max3A_1446 = vector.broadcast %max3A_1445 : f32 to vector<16xf32>
          %max3A_1447 = arith.maximumf %sub3A_1441, %max3A_1446 : vector<16xf32>
          %mul3A_1448 = arith.mulf %max3A_1444, %max3A_1447 : vector<16xf32>
          %sub3A_1449 = arith.subf %mul3A_1448, %gather3A_1435 : vector<16xf32>
          %max3A_1450 = arith.maximumf %max3A_1381, %sub3A_1449 : vector<16xf32>
          %min3A_1451 = arith.minimumf %gather3A_447, %gather3A_1433 : vector<16xf32>
          %max3A_1452 = arith.maximumf %gather3A_439, %gather3A_1431 : vector<16xf32>
          %sub3A_1453 = arith.subf %min3A_1451, %max3A_1452 : vector<16xf32>
          %min3A_1454 = arith.minimumf %gather3A_451, %gather3A_1434 : vector<16xf32>
          %max3A_1455 = arith.maximumf %gather3A_443, %gather3A_1432 : vector<16xf32>
          %sub3A_1456 = arith.subf %min3A_1454, %max3A_1455 : vector<16xf32>
          %max3A_1457 = arith.constant 0.000000e+00 : f32
          %max3A_1458 = vector.broadcast %max3A_1457 : f32 to vector<16xf32>
          %max3A_1459 = arith.maximumf %sub3A_1453, %max3A_1458 : vector<16xf32>
          %max3A_1460 = arith.constant 0.000000e+00 : f32
          %max3A_1461 = vector.broadcast %max3A_1460 : f32 to vector<16xf32>
          %max3A_1462 = arith.maximumf %sub3A_1456, %max3A_1461 : vector<16xf32>
          %mul3A_1463 = arith.mulf %max3A_1459, %max3A_1462 : vector<16xf32>
          %sub3A_1464 = arith.subf %mul3A_1463, %gather3A_1435 : vector<16xf32>
          %max3A_1465 = arith.maximumf %max3A_1396, %sub3A_1464 : vector<16xf32>
          %min3A_1466 = arith.minimumf %gather3A_478, %gather3A_1433 : vector<16xf32>
          %max3A_1467 = arith.maximumf %gather3A_470, %gather3A_1431 : vector<16xf32>
          %sub3A_1468 = arith.subf %min3A_1466, %max3A_1467 : vector<16xf32>
          %min3A_1469 = arith.minimumf %gather3A_482, %gather3A_1434 : vector<16xf32>
          %max3A_1470 = arith.maximumf %gather3A_474, %gather3A_1432 : vector<16xf32>
          %sub3A_1471 = arith.subf %min3A_1469, %max3A_1470 : vector<16xf32>
          %max3A_1472 = arith.constant 0.000000e+00 : f32
          %max3A_1473 = vector.broadcast %max3A_1472 : f32 to vector<16xf32>
          %max3A_1474 = arith.maximumf %sub3A_1468, %max3A_1473 : vector<16xf32>
          %max3A_1475 = arith.constant 0.000000e+00 : f32
          %max3A_1476 = vector.broadcast %max3A_1475 : f32 to vector<16xf32>
          %max3A_1477 = arith.maximumf %sub3A_1471, %max3A_1476 : vector<16xf32>
          %mul3A_1478 = arith.mulf %max3A_1474, %max3A_1477 : vector<16xf32>
          %sub3A_1479 = arith.subf %mul3A_1478, %gather3A_1435 : vector<16xf32>
          %max3A_1480 = arith.maximumf %max3A_1411, %sub3A_1479 : vector<16xf32>
          %min3A_1481 = arith.minimumf %gather3A_509, %gather3A_1433 : vector<16xf32>
          %max3A_1482 = arith.maximumf %gather3A_501, %gather3A_1431 : vector<16xf32>
          %sub3A_1483 = arith.subf %min3A_1481, %max3A_1482 : vector<16xf32>
          %min3A_1484 = arith.minimumf %gather3A_513, %gather3A_1434 : vector<16xf32>
          %max3A_1485 = arith.maximumf %gather3A_505, %gather3A_1432 : vector<16xf32>
          %sub3A_1486 = arith.subf %min3A_1484, %max3A_1485 : vector<16xf32>
          %max3A_1487 = arith.constant 0.000000e+00 : f32
          %max3A_1488 = vector.broadcast %max3A_1487 : f32 to vector<16xf32>
          %max3A_1489 = arith.maximumf %sub3A_1483, %max3A_1488 : vector<16xf32>
          %max3A_1490 = arith.constant 0.000000e+00 : f32
          %max3A_1491 = vector.broadcast %max3A_1490 : f32 to vector<16xf32>
          %max3A_1492 = arith.maximumf %sub3A_1486, %max3A_1491 : vector<16xf32>
          %mul3A_1493 = arith.mulf %max3A_1489, %max3A_1492 : vector<16xf32>
          %sub3A_1494 = arith.subf %mul3A_1493, %gather3A_1435 : vector<16xf32>
          %max3A_1495 = arith.maximumf %max3A_1426, %sub3A_1494 : vector<16xf32>
          %add3A_1496 = arith.constant 32 : i32
          %add3A_1497 = arith.addi %mul3A_1357, %add3A_1496 : i32
          %add3A_1498 = vector.broadcast %add3A_1497 : i32 to vector<16xi32>
          %add3A_1499 = arith.addi %add3A_1498, %iota3A : vector<16xi32>
          %gather3A_1500 = tpu.vector_load_idx %arg7[%add3A_1499] : memref<320xf32, #tpu.memory_space<vmem>>[vector<16xi32>], vector<16xf32>,
          %gather3A_1501 = tpu.vector_load_idx %arg8[%add3A_1499] : memref<320xf32, #tpu.memory_space<vmem>>[vector<16xi32>], vector<16xf32>,
          %gather3A_1502 = tpu.vector_load_idx %arg9[%add3A_1499] : memref<320xf32, #tpu.memory_space<vmem>>[vector<16xi32>], vector<16xf32>,
          %gather3A_1503 = tpu.vector_load_idx %arg10[%add3A_1499] : memref<320xf32, #tpu.memory_space<vmem>>[vector<16xi32>], vector<16xf32>,
          %gather3A_1504 = tpu.vector_load_idx %arg11[%add3A_1499] : memref<320xf32, #tpu.memory_space<vmem>>[vector<16xi32>], vector<16xf32>,
          %min3A_1505 = arith.minimumf %gather3A_416, %gather3A_1502 : vector<16xf32>
          %max3A_1506 = arith.maximumf %gather3A_408, %gather3A_1500 : vector<16xf32>
          %sub3A_1507 = arith.subf %min3A_1505, %max3A_1506 : vector<16xf32>
          %min3A_1508 = arith.minimumf %gather3A_420, %gather3A_1503 : vector<16xf32>
          %max3A_1509 = arith.maximumf %gather3A_412, %gather3A_1501 : vector<16xf32>
          %sub3A_1510 = arith.subf %min3A_1508, %max3A_1509 : vector<16xf32>
          %max3A_1511 = arith.constant 0.000000e+00 : f32
          %max3A_1512 = vector.broadcast %max3A_1511 : f32 to vector<16xf32>
          %max3A_1513 = arith.maximumf %sub3A_1507, %max3A_1512 : vector<16xf32>
          %max3A_1514 = arith.constant 0.000000e+00 : f32
          %max3A_1515 = vector.broadcast %max3A_1514 : f32 to vector<16xf32>
          %max3A_1516 = arith.maximumf %sub3A_1510, %max3A_1515 : vector<16xf32>
          %mul3A_1517 = arith.mulf %max3A_1513, %max3A_1516 : vector<16xf32>
          %sub3A_1518 = arith.subf %mul3A_1517, %gather3A_1504 : vector<16xf32>
          %max3A_1519 = arith.maximumf %max3A_1450, %sub3A_1518 : vector<16xf32>
          %min3A_1520 = arith.minimumf %gather3A_447, %gather3A_1502 : vector<16xf32>
          %max3A_1521 = arith.maximumf %gather3A_439, %gather3A_1500 : vector<16xf32>
          %sub3A_1522 = arith.subf %min3A_1520, %max3A_1521 : vector<16xf32>
          %min3A_1523 = arith.minimumf %gather3A_451, %gather3A_1503 : vector<16xf32>
          %max3A_1524 = arith.maximumf %gather3A_443, %gather3A_1501 : vector<16xf32>
          %sub3A_1525 = arith.subf %min3A_1523, %max3A_1524 : vector<16xf32>
          %max3A_1526 = arith.constant 0.000000e+00 : f32
          %max3A_1527 = vector.broadcast %max3A_1526 : f32 to vector<16xf32>
          %max3A_1528 = arith.maximumf %sub3A_1522, %max3A_1527 : vector<16xf32>
          %max3A_1529 = arith.constant 0.000000e+00 : f32
          %max3A_1530 = vector.broadcast %max3A_1529 : f32 to vector<16xf32>
          %max3A_1531 = arith.maximumf %sub3A_1525, %max3A_1530 : vector<16xf32>
          %mul3A_1532 = arith.mulf %max3A_1528, %max3A_1531 : vector<16xf32>
          %sub3A_1533 = arith.subf %mul3A_1532, %gather3A_1504 : vector<16xf32>
          %max3A_1534 = arith.maximumf %max3A_1465, %sub3A_1533 : vector<16xf32>
          %min3A_1535 = arith.minimumf %gather3A_478, %gather3A_1502 : vector<16xf32>
          %max3A_1536 = arith.maximumf %gather3A_470, %gather3A_1500 : vector<16xf32>
          %sub3A_1537 = arith.subf %min3A_1535, %max3A_1536 : vector<16xf32>
          %min3A_1538 = arith.minimumf %gather3A_482, %gather3A_1503 : vector<16xf32>
          %max3A_1539 = arith.maximumf %gather3A_474, %gather3A_1501 : vector<16xf32>
          %sub3A_1540 = arith.subf %min3A_1538, %max3A_1539 : vector<16xf32>
          %max3A_1541 = arith.constant 0.000000e+00 : f32
          %max3A_1542 = vector.broadcast %max3A_1541 : f32 to vector<16xf32>
          %max3A_1543 = arith.maximumf %sub3A_1537, %max3A_1542 : vector<16xf32>
          %max3A_1544 = arith.constant 0.000000e+00 : f32
          %max3A_1545 = vector.broadcast %max3A_1544 : f32 to vector<16xf32>
          %max3A_1546 = arith.maximumf %sub3A_1540, %max3A_1545 : vector<16xf32>
          %mul3A_1547 = arith.mulf %max3A_1543, %max3A_1546 : vector<16xf32>
          %sub3A_1548 = arith.subf %mul3A_1547, %gather3A_1504 : vector<16xf32>
          %max3A_1549 = arith.maximumf %max3A_1480, %sub3A_1548 : vector<16xf32>
          %min3A_1550 = arith.minimumf %gather3A_509, %gather3A_1502 : vector<16xf32>
          %max3A_1551 = arith.maximumf %gather3A_501, %gather3A_1500 : vector<16xf32>
          %sub3A_1552 = arith.subf %min3A_1550, %max3A_1551 : vector<16xf32>
          %min3A_1553 = arith.minimumf %gather3A_513, %gather3A_1503 : vector<16xf32>
          %max3A_1554 = arith.maximumf %gather3A_505, %gather3A_1501 : vector<16xf32>
          %sub3A_1555 = arith.subf %min3A_1553, %max3A_1554 : vector<16xf32>
          %max3A_1556 = arith.constant 0.000000e+00 : f32
          %max3A_1557 = vector.broadcast %max3A_1556 : f32 to vector<16xf32>
          %max3A_1558 = arith.maximumf %sub3A_1552, %max3A_1557 : vector<16xf32>
          %max3A_1559 = arith.constant 0.000000e+00 : f32
          %max3A_1560 = vector.broadcast %max3A_1559 : f32 to vector<16xf32>
          %max3A_1561 = arith.maximumf %sub3A_1555, %max3A_1560 : vector<16xf32>
          %mul3A_1562 = arith.mulf %max3A_1558, %max3A_1561 : vector<16xf32>
          %sub3A_1563 = arith.subf %mul3A_1562, %gather3A_1504 : vector<16xf32>
          %max3A_1564 = arith.maximumf %max3A_1495, %sub3A_1563 : vector<16xf32>
          %add3A_1565 = arith.constant 48 : i32
          %add3A_1566 = arith.addi %mul3A_1357, %add3A_1565 : i32
          %add3A_1567 = vector.broadcast %add3A_1566 : i32 to vector<16xi32>
          %add3A_1568 = arith.addi %add3A_1567, %iota3A : vector<16xi32>
          %gather3A_1569 = tpu.vector_load_idx %arg7[%add3A_1568] : memref<320xf32, #tpu.memory_space<vmem>>[vector<16xi32>], vector<16xf32>,
          %gather3A_1570 = tpu.vector_load_idx %arg8[%add3A_1568] : memref<320xf32, #tpu.memory_space<vmem>>[vector<16xi32>], vector<16xf32>,
          %gather3A_1571 = tpu.vector_load_idx %arg9[%add3A_1568] : memref<320xf32, #tpu.memory_space<vmem>>[vector<16xi32>], vector<16xf32>,
          %gather3A_1572 = tpu.vector_load_idx %arg10[%add3A_1568] : memref<320xf32, #tpu.memory_space<vmem>>[vector<16xi32>], vector<16xf32>,
          %gather3A_1573 = tpu.vector_load_idx %arg11[%add3A_1568] : memref<320xf32, #tpu.memory_space<vmem>>[vector<16xi32>], vector<16xf32>,
          %min3A_1574 = arith.minimumf %gather3A_416, %gather3A_1571 : vector<16xf32>
          %max3A_1575 = arith.maximumf %gather3A_408, %gather3A_1569 : vector<16xf32>
          %sub3A_1576 = arith.subf %min3A_1574, %max3A_1575 : vector<16xf32>
          %min3A_1577 = arith.minimumf %gather3A_420, %gather3A_1572 : vector<16xf32>
          %max3A_1578 = arith.maximumf %gather3A_412, %gather3A_1570 : vector<16xf32>
          %sub3A_1579 = arith.subf %min3A_1577, %max3A_1578 : vector<16xf32>
          %max3A_1580 = arith.constant 0.000000e+00 : f32
          %max3A_1581 = vector.broadcast %max3A_1580 : f32 to vector<16xf32>
          %max3A_1582 = arith.maximumf %sub3A_1576, %max3A_1581 : vector<16xf32>
          %max3A_1583 = arith.constant 0.000000e+00 : f32
          %max3A_1584 = vector.broadcast %max3A_1583 : f32 to vector<16xf32>
          %max3A_1585 = arith.maximumf %sub3A_1579, %max3A_1584 : vector<16xf32>
          %mul3A_1586 = arith.mulf %max3A_1582, %max3A_1585 : vector<16xf32>
          %sub3A_1587 = arith.subf %mul3A_1586, %gather3A_1573 : vector<16xf32>
          %max3A_1588 = arith.maximumf %max3A_1519, %sub3A_1587 : vector<16xf32>
          %min3A_1589 = arith.minimumf %gather3A_447, %gather3A_1571 : vector<16xf32>
          %max3A_1590 = arith.maximumf %gather3A_439, %gather3A_1569 : vector<16xf32>
          %sub3A_1591 = arith.subf %min3A_1589, %max3A_1590 : vector<16xf32>
          %min3A_1592 = arith.minimumf %gather3A_451, %gather3A_1572 : vector<16xf32>
          %max3A_1593 = arith.maximumf %gather3A_443, %gather3A_1570 : vector<16xf32>
          %sub3A_1594 = arith.subf %min3A_1592, %max3A_1593 : vector<16xf32>
          %max3A_1595 = arith.constant 0.000000e+00 : f32
          %max3A_1596 = vector.broadcast %max3A_1595 : f32 to vector<16xf32>
          %max3A_1597 = arith.maximumf %sub3A_1591, %max3A_1596 : vector<16xf32>
          %max3A_1598 = arith.constant 0.000000e+00 : f32
          %max3A_1599 = vector.broadcast %max3A_1598 : f32 to vector<16xf32>
          %max3A_1600 = arith.maximumf %sub3A_1594, %max3A_1599 : vector<16xf32>
          %mul3A_1601 = arith.mulf %max3A_1597, %max3A_1600 : vector<16xf32>
          %sub3A_1602 = arith.subf %mul3A_1601, %gather3A_1573 : vector<16xf32>
          %max3A_1603 = arith.maximumf %max3A_1534, %sub3A_1602 : vector<16xf32>
          %min3A_1604 = arith.minimumf %gather3A_478, %gather3A_1571 : vector<16xf32>
          %max3A_1605 = arith.maximumf %gather3A_470, %gather3A_1569 : vector<16xf32>
          %sub3A_1606 = arith.subf %min3A_1604, %max3A_1605 : vector<16xf32>
          %min3A_1607 = arith.minimumf %gather3A_482, %gather3A_1572 : vector<16xf32>
          %max3A_1608 = arith.maximumf %gather3A_474, %gather3A_1570 : vector<16xf32>
          %sub3A_1609 = arith.subf %min3A_1607, %max3A_1608 : vector<16xf32>
          %max3A_1610 = arith.constant 0.000000e+00 : f32
          %max3A_1611 = vector.broadcast %max3A_1610 : f32 to vector<16xf32>
          %max3A_1612 = arith.maximumf %sub3A_1606, %max3A_1611 : vector<16xf32>
          %max3A_1613 = arith.constant 0.000000e+00 : f32
          %max3A_1614 = vector.broadcast %max3A_1613 : f32 to vector<16xf32>
          %max3A_1615 = arith.maximumf %sub3A_1609, %max3A_1614 : vector<16xf32>
          %mul3A_1616 = arith.mulf %max3A_1612, %max3A_1615 : vector<16xf32>
          %sub3A_1617 = arith.subf %mul3A_1616, %gather3A_1573 : vector<16xf32>
          %max3A_1618 = arith.maximumf %max3A_1549, %sub3A_1617 : vector<16xf32>
          %min3A_1619 = arith.minimumf %gather3A_509, %gather3A_1571 : vector<16xf32>
          %max3A_1620 = arith.maximumf %gather3A_501, %gather3A_1569 : vector<16xf32>
          %sub3A_1621 = arith.subf %min3A_1619, %max3A_1620 : vector<16xf32>
          %min3A_1622 = arith.minimumf %gather3A_513, %gather3A_1572 : vector<16xf32>
          %max3A_1623 = arith.maximumf %gather3A_505, %gather3A_1570 : vector<16xf32>
          %sub3A_1624 = arith.subf %min3A_1622, %max3A_1623 : vector<16xf32>
          %max3A_1625 = arith.constant 0.000000e+00 : f32
          %max3A_1626 = vector.broadcast %max3A_1625 : f32 to vector<16xf32>
          %max3A_1627 = arith.maximumf %sub3A_1621, %max3A_1626 : vector<16xf32>
          %max3A_1628 = arith.constant 0.000000e+00 : f32
          %max3A_1629 = vector.broadcast %max3A_1628 : f32 to vector<16xf32>
          %max3A_1630 = arith.maximumf %sub3A_1624, %max3A_1629 : vector<16xf32>
          %mul3A_1631 = arith.mulf %max3A_1627, %max3A_1630 : vector<16xf32>
          %sub3A_1632 = arith.subf %mul3A_1631, %gather3A_1573 : vector<16xf32>
          %max3A_1633 = arith.maximumf %max3A_1564, %sub3A_1632 : vector<16xf32>
          scf.yield %max3A_1588, %max3A_1603, %max3A_1618, %max3A_1633 : vector<16xf32>, vector<16xf32>, vector<16xf32>, vector<16xf32>
        }
        %gt3A_533 = arith.cmpf ogt, %while3A_532#0, %gather3A_424 : vector<16xf32>
        %all_reduce_population_count3A_534 = tpu.all_reduce %gt3A_533 {dim = 0 : i64, kind = #tpu.reduction_kind<sum>} : vector<16xi1> -> vector<16xi32>
        %min3A_535 = arith.minimumf %gather3A_416, %gather3A_59 : vector<16xf32>
        %max3A_536 = arith.maximumf %gather3A_408, %gather3A_51 : vector<16xf32>
        %sub3A_537 = arith.subf %min3A_535, %max3A_536 : vector<16xf32>
        %min3A_538 = arith.minimumf %gather3A_420, %gather3A_63 : vector<16xf32>
        %max3A_539 = arith.maximumf %gather3A_412, %gather3A_55 : vector<16xf32>
        %sub3A_540 = arith.subf %min3A_538, %max3A_539 : vector<16xf32>
        %max3A_541 = arith.constant 0.000000e+00 : f32
        %max3A_542 = vector.broadcast %max3A_541 : f32 to vector<16xf32>
        %max3A_543 = arith.maximumf %sub3A_537, %max3A_542 : vector<16xf32>
        %max3A_544 = arith.constant 0.000000e+00 : f32
        %max3A_545 = vector.broadcast %max3A_544 : f32 to vector<16xf32>
        %max3A_546 = arith.maximumf %sub3A_540, %max3A_545 : vector<16xf32>
        %mul3A_547 = arith.mulf %max3A_543, %max3A_546 : vector<16xf32>
        %sub3A_548 = arith.subf %mul3A_547, %gather3A_67 : vector<16xf32>
        %gt3A_549 = arith.cmpf ogt, %sub3A_548, %gather3A_424 : vector<16xf32>
        %and3A_550 = arith.andi %gt3A_549, %or3A_395 : vector<16xi1>
        %lt3A_551 = arith.constant 4 : i32
        %lt3A_552 = vector.broadcast %lt3A_551 : i32 to vector<16xi32>
        %lt3A_553 = arith.cmpi slt, %iota3A, %lt3A_552 : vector<16xi32>
        %and3A_554 = arith.andi %and3A_550, %lt3A_553 : vector<16xi1>
        %all_reduce_population_count3A_555 = tpu.all_reduce %and3A_554 {dim = 0 : i64, kind = #tpu.reduction_kind<sum>} : vector<16xi1> -> vector<16xi32>
        %eq3A_556 = arith.constant 0 : i32
        %eq3A_557 = vector.broadcast %eq3A_556 : i32 to vector<16xi32>
        %eq3A_558 = arith.cmpi eq, %all_reduce_population_count3A_534, %eq3A_557 : vector<16xi32>
        %eq3A_559 = arith.constant 0 : i32
        %eq3A_560 = vector.broadcast %eq3A_559 : i32 to vector<16xi32>
        %eq3A_561 = arith.cmpi eq, %all_reduce_population_count3A_555, %eq3A_560 : vector<16xi32>
        %and3A_562 = arith.andi %eq3A_558, %eq3A_561 : vector<16xi1>
        %gt3A_563 = arith.constant 0.000000e+00 : f32
        %gt3A_564 = vector.broadcast %gt3A_563 : f32 to vector<16xf32>
        %gt3A_565 = arith.cmpf ogt, %gather3A_428, %gt3A_564 : vector<16xf32>
        %and3A_566 = arith.andi %and3A_562, %gt3A_565 : vector<16xi1>
        %add3A_567 = arith.addi %broadcast_in_dim3A_71, %add3A_397 : vector<16xi32>
        %lt3A_568 = arith.cmpi slt, %add3A_567, %broadcast_in_dim3A_23 : vector<16xi32>
        %and3A_569 = arith.andi %and3A_566, %lt3A_568 : vector<16xi1>
        %eq3A_570 = arith.constant 4 : i32
        %eq3A_571 = vector.broadcast %eq3A_570 : i32 to vector<16xi32>
        %eq3A_572 = arith.cmpi eq, %iota3A, %eq3A_571 : vector<16xi32>
        %and3A_573 = arith.andi %eq3A_572, %and3A_569 : vector<16xi1>
        %or3A_574 = arith.ori %or3A_395, %and3A_573 : vector<16xi1>
        %convert_element_type3A_575 = arith.extui %and3A_569 : vector<16xi1> to vector<16xi32>
        %add3A_576 = arith.addi %add3A_397, %convert_element_type3A_575 : vector<16xi32>
        %gt3A_577 = arith.cmpf ogt, %while3A_532#1, %gather3A_455 : vector<16xf32>
        %all_reduce_population_count3A_578 = tpu.all_reduce %gt3A_577 {dim = 0 : i64, kind = #tpu.reduction_kind<sum>} : vector<16xi1> -> vector<16xi32>
        %min3A_579 = arith.minimumf %gather3A_447, %gather3A_59 : vector<16xf32>
        %max3A_580 = arith.maximumf %gather3A_439, %gather3A_51 : vector<16xf32>
        %sub3A_581 = arith.subf %min3A_579, %max3A_580 : vector<16xf32>
        %min3A_582 = arith.minimumf %gather3A_451, %gather3A_63 : vector<16xf32>
        %max3A_583 = arith.maximumf %gather3A_443, %gather3A_55 : vector<16xf32>
        %sub3A_584 = arith.subf %min3A_582, %max3A_583 : vector<16xf32>
        %max3A_585 = arith.constant 0.000000e+00 : f32
        %max3A_586 = vector.broadcast %max3A_585 : f32 to vector<16xf32>
        %max3A_587 = arith.maximumf %sub3A_581, %max3A_586 : vector<16xf32>
        %max3A_588 = arith.constant 0.000000e+00 : f32
        %max3A_589 = vector.broadcast %max3A_588 : f32 to vector<16xf32>
        %max3A_590 = arith.maximumf %sub3A_584, %max3A_589 : vector<16xf32>
        %mul3A_591 = arith.mulf %max3A_587, %max3A_590 : vector<16xf32>
        %sub3A_592 = arith.subf %mul3A_591, %gather3A_67 : vector<16xf32>
        %gt3A_593 = arith.cmpf ogt, %sub3A_592, %gather3A_455 : vector<16xf32>
        %and3A_594 = arith.andi %gt3A_593, %or3A_574 : vector<16xi1>
        %lt3A_595 = arith.constant 5 : i32
        %lt3A_596 = vector.broadcast %lt3A_595 : i32 to vector<16xi32>
        %lt3A_597 = arith.cmpi slt, %iota3A, %lt3A_596 : vector<16xi32>
        %and3A_598 = arith.andi %and3A_594, %lt3A_597 : vector<16xi1>
        %all_reduce_population_count3A_599 = tpu.all_reduce %and3A_598 {dim = 0 : i64, kind = #tpu.reduction_kind<sum>} : vector<16xi1> -> vector<16xi32>
        %eq3A_600 = arith.constant 0 : i32
        %eq3A_601 = vector.broadcast %eq3A_600 : i32 to vector<16xi32>
        %eq3A_602 = arith.cmpi eq, %all_reduce_population_count3A_578, %eq3A_601 : vector<16xi32>
        %eq3A_603 = arith.constant 0 : i32
        %eq3A_604 = vector.broadcast %eq3A_603 : i32 to vector<16xi32>
        %eq3A_605 = arith.cmpi eq, %all_reduce_population_count3A_599, %eq3A_604 : vector<16xi32>
        %and3A_606 = arith.andi %eq3A_602, %eq3A_605 : vector<16xi1>
        %gt3A_607 = arith.constant 0.000000e+00 : f32
        %gt3A_608 = vector.broadcast %gt3A_607 : f32 to vector<16xf32>
        %gt3A_609 = arith.cmpf ogt, %gather3A_459, %gt3A_608 : vector<16xf32>
        %and3A_610 = arith.andi %and3A_606, %gt3A_609 : vector<16xi1>
        %add3A_611 = arith.addi %broadcast_in_dim3A_71, %add3A_576 : vector<16xi32>
        %lt3A_612 = arith.cmpi slt, %add3A_611, %broadcast_in_dim3A_23 : vector<16xi32>
        %and3A_613 = arith.andi %and3A_610, %lt3A_612 : vector<16xi1>
        %eq3A_614 = arith.constant 5 : i32
        %eq3A_615 = vector.broadcast %eq3A_614 : i32 to vector<16xi32>
        %eq3A_616 = arith.cmpi eq, %iota3A, %eq3A_615 : vector<16xi32>
        %and3A_617 = arith.andi %eq3A_616, %and3A_613 : vector<16xi1>
        %or3A_618 = arith.ori %or3A_574, %and3A_617 : vector<16xi1>
        %convert_element_type3A_619 = arith.extui %and3A_613 : vector<16xi1> to vector<16xi32>
        %add3A_620 = arith.addi %add3A_576, %convert_element_type3A_619 : vector<16xi32>
        %gt3A_621 = arith.cmpf ogt, %while3A_532#2, %gather3A_486 : vector<16xf32>
        %all_reduce_population_count3A_622 = tpu.all_reduce %gt3A_621 {dim = 0 : i64, kind = #tpu.reduction_kind<sum>} : vector<16xi1> -> vector<16xi32>
        %min3A_623 = arith.minimumf %gather3A_478, %gather3A_59 : vector<16xf32>
        %max3A_624 = arith.maximumf %gather3A_470, %gather3A_51 : vector<16xf32>
        %sub3A_625 = arith.subf %min3A_623, %max3A_624 : vector<16xf32>
        %min3A_626 = arith.minimumf %gather3A_482, %gather3A_63 : vector<16xf32>
        %max3A_627 = arith.maximumf %gather3A_474, %gather3A_55 : vector<16xf32>
        %sub3A_628 = arith.subf %min3A_626, %max3A_627 : vector<16xf32>
        %max3A_629 = arith.constant 0.000000e+00 : f32
        %max3A_630 = vector.broadcast %max3A_629 : f32 to vector<16xf32>
        %max3A_631 = arith.maximumf %sub3A_625, %max3A_630 : vector<16xf32>
        %max3A_632 = arith.constant 0.000000e+00 : f32
        %max3A_633 = vector.broadcast %max3A_632 : f32 to vector<16xf32>
        %max3A_634 = arith.maximumf %sub3A_628, %max3A_633 : vector<16xf32>
        %mul3A_635 = arith.mulf %max3A_631, %max3A_634 : vector<16xf32>
        %sub3A_636 = arith.subf %mul3A_635, %gather3A_67 : vector<16xf32>
        %gt3A_637 = arith.cmpf ogt, %sub3A_636, %gather3A_486 : vector<16xf32>
        %and3A_638 = arith.andi %gt3A_637, %or3A_618 : vector<16xi1>
        %lt3A_639 = arith.constant 6 : i32
        %lt3A_640 = vector.broadcast %lt3A_639 : i32 to vector<16xi32>
        %lt3A_641 = arith.cmpi slt, %iota3A, %lt3A_640 : vector<16xi32>
        %and3A_642 = arith.andi %and3A_638, %lt3A_641 : vector<16xi1>
        %all_reduce_population_count3A_643 = tpu.all_reduce %and3A_642 {dim = 0 : i64, kind = #tpu.reduction_kind<sum>} : vector<16xi1> -> vector<16xi32>
        %eq3A_644 = arith.constant 0 : i32
        %eq3A_645 = vector.broadcast %eq3A_644 : i32 to vector<16xi32>
        %eq3A_646 = arith.cmpi eq, %all_reduce_population_count3A_622, %eq3A_645 : vector<16xi32>
        %eq3A_647 = arith.constant 0 : i32
        %eq3A_648 = vector.broadcast %eq3A_647 : i32 to vector<16xi32>
        %eq3A_649 = arith.cmpi eq, %all_reduce_population_count3A_643, %eq3A_648 : vector<16xi32>
        %and3A_650 = arith.andi %eq3A_646, %eq3A_649 : vector<16xi1>
        %gt3A_651 = arith.constant 0.000000e+00 : f32
        %gt3A_652 = vector.broadcast %gt3A_651 : f32 to vector<16xf32>
        %gt3A_653 = arith.cmpf ogt, %gather3A_490, %gt3A_652 : vector<16xf32>
        %and3A_654 = arith.andi %and3A_650, %gt3A_653 : vector<16xi1>
        %add3A_655 = arith.addi %broadcast_in_dim3A_71, %add3A_620 : vector<16xi32>
        %lt3A_656 = arith.cmpi slt, %add3A_655, %broadcast_in_dim3A_23 : vector<16xi32>
        %and3A_657 = arith.andi %and3A_654, %lt3A_656 : vector<16xi1>
        %eq3A_658 = arith.constant 6 : i32
        %eq3A_659 = vector.broadcast %eq3A_658 : i32 to vector<16xi32>
        %eq3A_660 = arith.cmpi eq, %iota3A, %eq3A_659 : vector<16xi32>
        %and3A_661 = arith.andi %eq3A_660, %and3A_657 : vector<16xi1>
        %or3A_662 = arith.ori %or3A_618, %and3A_661 : vector<16xi1>
        %convert_element_type3A_663 = arith.extui %and3A_657 : vector<16xi1> to vector<16xi32>
        %add3A_664 = arith.addi %add3A_620, %convert_element_type3A_663 : vector<16xi32>
        %gt3A_665 = arith.cmpf ogt, %while3A_532#3, %gather3A_517 : vector<16xf32>
        %all_reduce_population_count3A_666 = tpu.all_reduce %gt3A_665 {dim = 0 : i64, kind = #tpu.reduction_kind<sum>} : vector<16xi1> -> vector<16xi32>
        %min3A_667 = arith.minimumf %gather3A_509, %gather3A_59 : vector<16xf32>
        %max3A_668 = arith.maximumf %gather3A_501, %gather3A_51 : vector<16xf32>
        %sub3A_669 = arith.subf %min3A_667, %max3A_668 : vector<16xf32>
        %min3A_670 = arith.minimumf %gather3A_513, %gather3A_63 : vector<16xf32>
        %max3A_671 = arith.maximumf %gather3A_505, %gather3A_55 : vector<16xf32>
        %sub3A_672 = arith.subf %min3A_670, %max3A_671 : vector<16xf32>
        %max3A_673 = arith.constant 0.000000e+00 : f32
        %max3A_674 = vector.broadcast %max3A_673 : f32 to vector<16xf32>
        %max3A_675 = arith.maximumf %sub3A_669, %max3A_674 : vector<16xf32>
        %max3A_676 = arith.constant 0.000000e+00 : f32
        %max3A_677 = vector.broadcast %max3A_676 : f32 to vector<16xf32>
        %max3A_678 = arith.maximumf %sub3A_672, %max3A_677 : vector<16xf32>
        %mul3A_679 = arith.mulf %max3A_675, %max3A_678 : vector<16xf32>
        %sub3A_680 = arith.subf %mul3A_679, %gather3A_67 : vector<16xf32>
        %gt3A_681 = arith.cmpf ogt, %sub3A_680, %gather3A_517 : vector<16xf32>
        %and3A_682 = arith.andi %gt3A_681, %or3A_662 : vector<16xi1>
        %lt3A_683 = arith.constant 7 : i32
        %lt3A_684 = vector.broadcast %lt3A_683 : i32 to vector<16xi32>
        %lt3A_685 = arith.cmpi slt, %iota3A, %lt3A_684 : vector<16xi32>
        %and3A_686 = arith.andi %and3A_682, %lt3A_685 : vector<16xi1>
        %all_reduce_population_count3A_687 = tpu.all_reduce %and3A_686 {dim = 0 : i64, kind = #tpu.reduction_kind<sum>} : vector<16xi1> -> vector<16xi32>
        %eq3A_688 = arith.constant 0 : i32
        %eq3A_689 = vector.broadcast %eq3A_688 : i32 to vector<16xi32>
        %eq3A_690 = arith.cmpi eq, %all_reduce_population_count3A_666, %eq3A_689 : vector<16xi32>
        %eq3A_691 = arith.constant 0 : i32
        %eq3A_692 = vector.broadcast %eq3A_691 : i32 to vector<16xi32>
        %eq3A_693 = arith.cmpi eq, %all_reduce_population_count3A_687, %eq3A_692 : vector<16xi32>
        %and3A_694 = arith.andi %eq3A_690, %eq3A_693 : vector<16xi1>
        %gt3A_695 = arith.constant 0.000000e+00 : f32
        %gt3A_696 = vector.broadcast %gt3A_695 : f32 to vector<16xf32>
        %gt3A_697 = arith.cmpf ogt, %gather3A_521, %gt3A_696 : vector<16xf32>
        %and3A_698 = arith.andi %and3A_694, %gt3A_697 : vector<16xi1>
        %add3A_699 = arith.addi %broadcast_in_dim3A_71, %add3A_664 : vector<16xi32>
        %lt3A_700 = arith.cmpi slt, %add3A_699, %broadcast_in_dim3A_23 : vector<16xi32>
        %and3A_701 = arith.andi %and3A_698, %lt3A_700 : vector<16xi1>
        %eq3A_702 = arith.constant 7 : i32
        %eq3A_703 = vector.broadcast %eq3A_702 : i32 to vector<16xi32>
        %eq3A_704 = arith.cmpi eq, %iota3A, %eq3A_703 : vector<16xi32>
        %and3A_705 = arith.andi %eq3A_704, %and3A_701 : vector<16xi1>
        %or3A_706 = arith.ori %or3A_662, %and3A_705 : vector<16xi1>
        %convert_element_type3A_707 = arith.extui %and3A_701 : vector<16xi1> to vector<16xi32>
        %add3A_708 = arith.addi %add3A_664, %convert_element_type3A_707 : vector<16xi32>
        %add3A_709 = arith.constant 8 : i32
        %add3A_710 = arith.addi %while3A_37, %add3A_709 : i32
        %broadcast_in_dim3A_711 = vector.broadcast %add3A_710 : i32 to vector<16xi32>
        %gather3A_712 = tpu.vector_load_idx %arg6[%broadcast_in_dim3A_711] : memref<5000xi32, #tpu.memory_space<vmem>>[vector<16xi32>], vector<16xi32>,
        %mul3A_713 = arith.constant 16 : i32
        %mul3A_714 = vector.broadcast %mul3A_713 : i32 to vector<16xi32>
        %mul3A_715 = arith.muli %gather3A_712, %mul3A_714 : vector<16xi32>
        %add3A_716 = arith.constant 6 : i32
        %add3A_717 = vector.broadcast %add3A_716 : i32 to vector<16xi32>
        %add3A_718 = arith.addi %mul3A_715, %add3A_717 : vector<16xi32>
        %gather3A_719 = tpu.vector_load_idx %arg5[%add3A_718] : memref<80000xf32, #tpu.memory_space<vmem>>[vector<16xi32>], vector<16xf32>,
        %add3A_720 = arith.constant 7 : i32
        %add3A_721 = vector.broadcast %add3A_720 : i32 to vector<16xi32>
        %add3A_722 = arith.addi %mul3A_715, %add3A_721 : vector<16xi32>
        %gather3A_723 = tpu.vector_load_idx %arg5[%add3A_722] : memref<80000xf32, #tpu.memory_space<vmem>>[vector<16xi32>], vector<16xf32>,
        %add3A_724 = arith.constant 8 : i32
        %add3A_725 = vector.broadcast %add3A_724 : i32 to vector<16xi32>
        %add3A_726 = arith.addi %mul3A_715, %add3A_725 : vector<16xi32>
        %gather3A_727 = tpu.vector_load_idx %arg5[%add3A_726] : memref<80000xf32, #tpu.memory_space<vmem>>[vector<16xi32>], vector<16xf32>,
        %add3A_728 = arith.constant 9 : i32
        %add3A_729 = vector.broadcast %add3A_728 : i32 to vector<16xi32>
        %add3A_730 = arith.addi %mul3A_715, %add3A_729 : vector<16xi32>
        %gather3A_731 = tpu.vector_load_idx %arg5[%add3A_730] : memref<80000xf32, #tpu.memory_space<vmem>>[vector<16xi32>], vector<16xf32>,
        %add3A_732 = arith.constant 11 : i32
        %add3A_733 = vector.broadcast %add3A_732 : i32 to vector<16xi32>
        %add3A_734 = arith.addi %mul3A_715, %add3A_733 : vector<16xi32>
        %gather3A_735 = tpu.vector_load_idx %arg5[%add3A_734] : memref<80000xf32, #tpu.memory_space<vmem>>[vector<16xi32>], vector<16xf32>,
        %add3A_736 = arith.constant 0 : i32
        %add3A_737 = vector.broadcast %add3A_736 : i32 to vector<16xi32>
        %add3A_738 = arith.addi %mul3A_715, %add3A_737 : vector<16xi32>
        %gather3A_739 = tpu.vector_load_idx %arg5[%add3A_738] : memref<80000xf32, #tpu.memory_space<vmem>>[vector<16xi32>], vector<16xf32>,
        %add3A_740 = arith.constant 9 : i32
        %add3A_741 = arith.addi %while3A_37, %add3A_740 : i32
        %broadcast_in_dim3A_742 = vector.broadcast %add3A_741 : i32 to vector<16xi32>
        %gather3A_743 = tpu.vector_load_idx %arg6[%broadcast_in_dim3A_742] : memref<5000xi32, #tpu.memory_space<vmem>>[vector<16xi32>], vector<16xi32>,
        %mul3A_744 = arith.constant 16 : i32
        %mul3A_745 = vector.broadcast %mul3A_744 : i32 to vector<16xi32>
        %mul3A_746 = arith.muli %gather3A_743, %mul3A_745 : vector<16xi32>
        %add3A_747 = arith.constant 6 : i32
        %add3A_748 = vector.broadcast %add3A_747 : i32 to vector<16xi32>
        %add3A_749 = arith.addi %mul3A_746, %add3A_748 : vector<16xi32>
        %gather3A_750 = tpu.vector_load_idx %arg5[%add3A_749] : memref<80000xf32, #tpu.memory_space<vmem>>[vector<16xi32>], vector<16xf32>,
        %add3A_751 = arith.constant 7 : i32
        %add3A_752 = vector.broadcast %add3A_751 : i32 to vector<16xi32>
        %add3A_753 = arith.addi %mul3A_746, %add3A_752 : vector<16xi32>
        %gather3A_754 = tpu.vector_load_idx %arg5[%add3A_753] : memref<80000xf32, #tpu.memory_space<vmem>>[vector<16xi32>], vector<16xf32>,
        %add3A_755 = arith.constant 8 : i32
        %add3A_756 = vector.broadcast %add3A_755 : i32 to vector<16xi32>
        %add3A_757 = arith.addi %mul3A_746, %add3A_756 : vector<16xi32>
        %gather3A_758 = tpu.vector_load_idx %arg5[%add3A_757] : memref<80000xf32, #tpu.memory_space<vmem>>[vector<16xi32>], vector<16xf32>,
        %add3A_759 = arith.constant 9 : i32
        %add3A_760 = vector.broadcast %add3A_759 : i32 to vector<16xi32>
        %add3A_761 = arith.addi %mul3A_746, %add3A_760 : vector<16xi32>
        %gather3A_762 = tpu.vector_load_idx %arg5[%add3A_761] : memref<80000xf32, #tpu.memory_space<vmem>>[vector<16xi32>], vector<16xf32>,
        %add3A_763 = arith.constant 11 : i32
        %add3A_764 = vector.broadcast %add3A_763 : i32 to vector<16xi32>
        %add3A_765 = arith.addi %mul3A_746, %add3A_764 : vector<16xi32>
        %gather3A_766 = tpu.vector_load_idx %arg5[%add3A_765] : memref<80000xf32, #tpu.memory_space<vmem>>[vector<16xi32>], vector<16xf32>,
        %add3A_767 = arith.constant 0 : i32
        %add3A_768 = vector.broadcast %add3A_767 : i32 to vector<16xi32>
        %add3A_769 = arith.addi %mul3A_746, %add3A_768 : vector<16xi32>
        %gather3A_770 = tpu.vector_load_idx %arg5[%add3A_769] : memref<80000xf32, #tpu.memory_space<vmem>>[vector<16xi32>], vector<16xf32>,
        %add3A_771 = arith.constant 10 : i32
        %add3A_772 = arith.addi %while3A_37, %add3A_771 : i32
        %broadcast_in_dim3A_773 = vector.broadcast %add3A_772 : i32 to vector<16xi32>
        %gather3A_774 = tpu.vector_load_idx %arg6[%broadcast_in_dim3A_773] : memref<5000xi32, #tpu.memory_space<vmem>>[vector<16xi32>], vector<16xi32>,
        %mul3A_775 = arith.constant 16 : i32
        %mul3A_776 = vector.broadcast %mul3A_775 : i32 to vector<16xi32>
        %mul3A_777 = arith.muli %gather3A_774, %mul3A_776 : vector<16xi32>
        %add3A_778 = arith.constant 6 : i32
        %add3A_779 = vector.broadcast %add3A_778 : i32 to vector<16xi32>
        %add3A_780 = arith.addi %mul3A_777, %add3A_779 : vector<16xi32>
        %gather3A_781 = tpu.vector_load_idx %arg5[%add3A_780] : memref<80000xf32, #tpu.memory_space<vmem>>[vector<16xi32>], vector<16xf32>,
        %add3A_782 = arith.constant 7 : i32
        %add3A_783 = vector.broadcast %add3A_782 : i32 to vector<16xi32>
        %add3A_784 = arith.addi %mul3A_777, %add3A_783 : vector<16xi32>
        %gather3A_785 = tpu.vector_load_idx %arg5[%add3A_784] : memref<80000xf32, #tpu.memory_space<vmem>>[vector<16xi32>], vector<16xf32>,
        %add3A_786 = arith.constant 8 : i32
        %add3A_787 = vector.broadcast %add3A_786 : i32 to vector<16xi32>
        %add3A_788 = arith.addi %mul3A_777, %add3A_787 : vector<16xi32>
        %gather3A_789 = tpu.vector_load_idx %arg5[%add3A_788] : memref<80000xf32, #tpu.memory_space<vmem>>[vector<16xi32>], vector<16xf32>,
        %add3A_790 = arith.constant 9 : i32
        %add3A_791 = vector.broadcast %add3A_790 : i32 to vector<16xi32>
        %add3A_792 = arith.addi %mul3A_777, %add3A_791 : vector<16xi32>
        %gather3A_793 = tpu.vector_load_idx %arg5[%add3A_792] : memref<80000xf32, #tpu.memory_space<vmem>>[vector<16xi32>], vector<16xf32>,
        %add3A_794 = arith.constant 11 : i32
        %add3A_795 = vector.broadcast %add3A_794 : i32 to vector<16xi32>
        %add3A_796 = arith.addi %mul3A_777, %add3A_795 : vector<16xi32>
        %gather3A_797 = tpu.vector_load_idx %arg5[%add3A_796] : memref<80000xf32, #tpu.memory_space<vmem>>[vector<16xi32>], vector<16xf32>,
        %add3A_798 = arith.constant 0 : i32
        %add3A_799 = vector.broadcast %add3A_798 : i32 to vector<16xi32>
        %add3A_800 = arith.addi %mul3A_777, %add3A_799 : vector<16xi32>
        %gather3A_801 = tpu.vector_load_idx %arg5[%add3A_800] : memref<80000xf32, #tpu.memory_space<vmem>>[vector<16xi32>], vector<16xf32>,
        %add3A_802 = arith.constant 11 : i32
        %add3A_803 = arith.addi %while3A_37, %add3A_802 : i32
        %broadcast_in_dim3A_804 = vector.broadcast %add3A_803 : i32 to vector<16xi32>
        %gather3A_805 = tpu.vector_load_idx %arg6[%broadcast_in_dim3A_804] : memref<5000xi32, #tpu.memory_space<vmem>>[vector<16xi32>], vector<16xi32>,
        %mul3A_806 = arith.constant 16 : i32
        %mul3A_807 = vector.broadcast %mul3A_806 : i32 to vector<16xi32>
        %mul3A_808 = arith.muli %gather3A_805, %mul3A_807 : vector<16xi32>
        %add3A_809 = arith.constant 6 : i32
        %add3A_810 = vector.broadcast %add3A_809 : i32 to vector<16xi32>
        %add3A_811 = arith.addi %mul3A_808, %add3A_810 : vector<16xi32>
        %gather3A_812 = tpu.vector_load_idx %arg5[%add3A_811] : memref<80000xf32, #tpu.memory_space<vmem>>[vector<16xi32>], vector<16xf32>,
        %add3A_813 = arith.constant 7 : i32
        %add3A_814 = vector.broadcast %add3A_813 : i32 to vector<16xi32>
        %add3A_815 = arith.addi %mul3A_808, %add3A_814 : vector<16xi32>
        %gather3A_816 = tpu.vector_load_idx %arg5[%add3A_815] : memref<80000xf32, #tpu.memory_space<vmem>>[vector<16xi32>], vector<16xf32>,
        %add3A_817 = arith.constant 8 : i32
        %add3A_818 = vector.broadcast %add3A_817 : i32 to vector<16xi32>
        %add3A_819 = arith.addi %mul3A_808, %add3A_818 : vector<16xi32>
        %gather3A_820 = tpu.vector_load_idx %arg5[%add3A_819] : memref<80000xf32, #tpu.memory_space<vmem>>[vector<16xi32>], vector<16xf32>,
        %add3A_821 = arith.constant 9 : i32
        %add3A_822 = vector.broadcast %add3A_821 : i32 to vector<16xi32>
        %add3A_823 = arith.addi %mul3A_808, %add3A_822 : vector<16xi32>
        %gather3A_824 = tpu.vector_load_idx %arg5[%add3A_823] : memref<80000xf32, #tpu.memory_space<vmem>>[vector<16xi32>], vector<16xf32>,
        %add3A_825 = arith.constant 11 : i32
        %add3A_826 = vector.broadcast %add3A_825 : i32 to vector<16xi32>
        %add3A_827 = arith.addi %mul3A_808, %add3A_826 : vector<16xi32>
        %gather3A_828 = tpu.vector_load_idx %arg5[%add3A_827] : memref<80000xf32, #tpu.memory_space<vmem>>[vector<16xi32>], vector<16xf32>,
        %add3A_829 = arith.constant 0 : i32
        %add3A_830 = vector.broadcast %add3A_829 : i32 to vector<16xi32>
        %add3A_831 = arith.addi %mul3A_808, %add3A_830 : vector<16xi32>
        %gather3A_832 = tpu.vector_load_idx %arg5[%add3A_831] : memref<80000xf32, #tpu.memory_space<vmem>>[vector<16xi32>], vector<16xf32>,
        %while3A_833 = arith.constant 0 : i32
        %while3A_834 = arith.subi %select_n3A, %while3A_833 : i32
        %while3A_835 = arith.addi %while3A_833, %while3A_834 : i32
        %while3A_836 = arith.constant 1 : i32
        %while3A_837 = arith.divsi %while3A_834, %while3A_836 : i32
        %while3A_838 = arith.muli %while3A_837, %while3A_836 : i32
        %while3A_839 = arith.addi %while3A_833, %while3A_838 : i32
        %while3A_840 = arith.constant 1 : i32
        %while3A_841:4 = scf.for %while3A_1351 = %while3A_833 to %while3A_839 step %while3A_840 iter_args(%while3A_1352 = %broadcast_in_dim3A_25, %while3A_1353 = %broadcast_in_dim3A_25, %while3A_1354 = %broadcast_in_dim3A_25, %while3A_1355 = %broadcast_in_dim3A_25) -> (vector<16xf32>, vector<16xf32>, vector<16xf32>, vector<16xf32>)  : i32 {
          %mul3A_1356 = arith.constant 64 : i32
          %mul3A_1357 = arith.muli %while3A_1351, %mul3A_1356 : i32
          %add3A_1358 = arith.constant 0 : i32
          %add3A_1359 = arith.addi %mul3A_1357, %add3A_1358 : i32
          %add3A_1360 = vector.broadcast %add3A_1359 : i32 to vector<16xi32>
          %add3A_1361 = arith.addi %add3A_1360, %iota3A : vector<16xi32>
          %gather3A_1362 = tpu.vector_load_idx %arg7[%add3A_1361] : memref<320xf32, #tpu.memory_space<vmem>>[vector<16xi32>], vector<16xf32>,
          %gather3A_1363 = tpu.vector_load_idx %arg8[%add3A_1361] : memref<320xf32, #tpu.memory_space<vmem>>[vector<16xi32>], vector<16xf32>,
          %gather3A_1364 = tpu.vector_load_idx %arg9[%add3A_1361] : memref<320xf32, #tpu.memory_space<vmem>>[vector<16xi32>], vector<16xf32>,
          %gather3A_1365 = tpu.vector_load_idx %arg10[%add3A_1361] : memref<320xf32, #tpu.memory_space<vmem>>[vector<16xi32>], vector<16xf32>,
          %gather3A_1366 = tpu.vector_load_idx %arg11[%add3A_1361] : memref<320xf32, #tpu.memory_space<vmem>>[vector<16xi32>], vector<16xf32>,
          %min3A_1367 = arith.minimumf %gather3A_727, %gather3A_1364 : vector<16xf32>
          %max3A_1368 = arith.maximumf %gather3A_719, %gather3A_1362 : vector<16xf32>
          %sub3A_1369 = arith.subf %min3A_1367, %max3A_1368 : vector<16xf32>
          %min3A_1370 = arith.minimumf %gather3A_731, %gather3A_1365 : vector<16xf32>
          %max3A_1371 = arith.maximumf %gather3A_723, %gather3A_1363 : vector<16xf32>
          %sub3A_1372 = arith.subf %min3A_1370, %max3A_1371 : vector<16xf32>
          %max3A_1373 = arith.constant 0.000000e+00 : f32
          %max3A_1374 = vector.broadcast %max3A_1373 : f32 to vector<16xf32>
          %max3A_1375 = arith.maximumf %sub3A_1369, %max3A_1374 : vector<16xf32>
          %max3A_1376 = arith.constant 0.000000e+00 : f32
          %max3A_1377 = vector.broadcast %max3A_1376 : f32 to vector<16xf32>
          %max3A_1378 = arith.maximumf %sub3A_1372, %max3A_1377 : vector<16xf32>
          %mul3A_1379 = arith.mulf %max3A_1375, %max3A_1378 : vector<16xf32>
          %sub3A_1380 = arith.subf %mul3A_1379, %gather3A_1366 : vector<16xf32>
          %max3A_1381 = arith.maximumf %while3A_1352, %sub3A_1380 : vector<16xf32>
          %min3A_1382 = arith.minimumf %gather3A_758, %gather3A_1364 : vector<16xf32>
          %max3A_1383 = arith.maximumf %gather3A_750, %gather3A_1362 : vector<16xf32>
          %sub3A_1384 = arith.subf %min3A_1382, %max3A_1383 : vector<16xf32>
          %min3A_1385 = arith.minimumf %gather3A_762, %gather3A_1365 : vector<16xf32>
          %max3A_1386 = arith.maximumf %gather3A_754, %gather3A_1363 : vector<16xf32>
          %sub3A_1387 = arith.subf %min3A_1385, %max3A_1386 : vector<16xf32>
          %max3A_1388 = arith.constant 0.000000e+00 : f32
          %max3A_1389 = vector.broadcast %max3A_1388 : f32 to vector<16xf32>
          %max3A_1390 = arith.maximumf %sub3A_1384, %max3A_1389 : vector<16xf32>
          %max3A_1391 = arith.constant 0.000000e+00 : f32
          %max3A_1392 = vector.broadcast %max3A_1391 : f32 to vector<16xf32>
          %max3A_1393 = arith.maximumf %sub3A_1387, %max3A_1392 : vector<16xf32>
          %mul3A_1394 = arith.mulf %max3A_1390, %max3A_1393 : vector<16xf32>
          %sub3A_1395 = arith.subf %mul3A_1394, %gather3A_1366 : vector<16xf32>
          %max3A_1396 = arith.maximumf %while3A_1353, %sub3A_1395 : vector<16xf32>
          %min3A_1397 = arith.minimumf %gather3A_789, %gather3A_1364 : vector<16xf32>
          %max3A_1398 = arith.maximumf %gather3A_781, %gather3A_1362 : vector<16xf32>
          %sub3A_1399 = arith.subf %min3A_1397, %max3A_1398 : vector<16xf32>
          %min3A_1400 = arith.minimumf %gather3A_793, %gather3A_1365 : vector<16xf32>
          %max3A_1401 = arith.maximumf %gather3A_785, %gather3A_1363 : vector<16xf32>
          %sub3A_1402 = arith.subf %min3A_1400, %max3A_1401 : vector<16xf32>
          %max3A_1403 = arith.constant 0.000000e+00 : f32
          %max3A_1404 = vector.broadcast %max3A_1403 : f32 to vector<16xf32>
          %max3A_1405 = arith.maximumf %sub3A_1399, %max3A_1404 : vector<16xf32>
          %max3A_1406 = arith.constant 0.000000e+00 : f32
          %max3A_1407 = vector.broadcast %max3A_1406 : f32 to vector<16xf32>
          %max3A_1408 = arith.maximumf %sub3A_1402, %max3A_1407 : vector<16xf32>
          %mul3A_1409 = arith.mulf %max3A_1405, %max3A_1408 : vector<16xf32>
          %sub3A_1410 = arith.subf %mul3A_1409, %gather3A_1366 : vector<16xf32>
          %max3A_1411 = arith.maximumf %while3A_1354, %sub3A_1410 : vector<16xf32>
          %min3A_1412 = arith.minimumf %gather3A_820, %gather3A_1364 : vector<16xf32>
          %max3A_1413 = arith.maximumf %gather3A_812, %gather3A_1362 : vector<16xf32>
          %sub3A_1414 = arith.subf %min3A_1412, %max3A_1413 : vector<16xf32>
          %min3A_1415 = arith.minimumf %gather3A_824, %gather3A_1365 : vector<16xf32>
          %max3A_1416 = arith.maximumf %gather3A_816, %gather3A_1363 : vector<16xf32>
          %sub3A_1417 = arith.subf %min3A_1415, %max3A_1416 : vector<16xf32>
          %max3A_1418 = arith.constant 0.000000e+00 : f32
          %max3A_1419 = vector.broadcast %max3A_1418 : f32 to vector<16xf32>
          %max3A_1420 = arith.maximumf %sub3A_1414, %max3A_1419 : vector<16xf32>
          %max3A_1421 = arith.constant 0.000000e+00 : f32
          %max3A_1422 = vector.broadcast %max3A_1421 : f32 to vector<16xf32>
          %max3A_1423 = arith.maximumf %sub3A_1417, %max3A_1422 : vector<16xf32>
          %mul3A_1424 = arith.mulf %max3A_1420, %max3A_1423 : vector<16xf32>
          %sub3A_1425 = arith.subf %mul3A_1424, %gather3A_1366 : vector<16xf32>
          %max3A_1426 = arith.maximumf %while3A_1355, %sub3A_1425 : vector<16xf32>
          %add3A_1427 = arith.constant 16 : i32
          %add3A_1428 = arith.addi %mul3A_1357, %add3A_1427 : i32
          %add3A_1429 = vector.broadcast %add3A_1428 : i32 to vector<16xi32>
          %add3A_1430 = arith.addi %add3A_1429, %iota3A : vector<16xi32>
          %gather3A_1431 = tpu.vector_load_idx %arg7[%add3A_1430] : memref<320xf32, #tpu.memory_space<vmem>>[vector<16xi32>], vector<16xf32>,
          %gather3A_1432 = tpu.vector_load_idx %arg8[%add3A_1430] : memref<320xf32, #tpu.memory_space<vmem>>[vector<16xi32>], vector<16xf32>,
          %gather3A_1433 = tpu.vector_load_idx %arg9[%add3A_1430] : memref<320xf32, #tpu.memory_space<vmem>>[vector<16xi32>], vector<16xf32>,
          %gather3A_1434 = tpu.vector_load_idx %arg10[%add3A_1430] : memref<320xf32, #tpu.memory_space<vmem>>[vector<16xi32>], vector<16xf32>,
          %gather3A_1435 = tpu.vector_load_idx %arg11[%add3A_1430] : memref<320xf32, #tpu.memory_space<vmem>>[vector<16xi32>], vector<16xf32>,
          %min3A_1436 = arith.minimumf %gather3A_727, %gather3A_1433 : vector<16xf32>
          %max3A_1437 = arith.maximumf %gather3A_719, %gather3A_1431 : vector<16xf32>
          %sub3A_1438 = arith.subf %min3A_1436, %max3A_1437 : vector<16xf32>
          %min3A_1439 = arith.minimumf %gather3A_731, %gather3A_1434 : vector<16xf32>
          %max3A_1440 = arith.maximumf %gather3A_723, %gather3A_1432 : vector<16xf32>
          %sub3A_1441 = arith.subf %min3A_1439, %max3A_1440 : vector<16xf32>
          %max3A_1442 = arith.constant 0.000000e+00 : f32
          %max3A_1443 = vector.broadcast %max3A_1442 : f32 to vector<16xf32>
          %max3A_1444 = arith.maximumf %sub3A_1438, %max3A_1443 : vector<16xf32>
          %max3A_1445 = arith.constant 0.000000e+00 : f32
          %max3A_1446 = vector.broadcast %max3A_1445 : f32 to vector<16xf32>
          %max3A_1447 = arith.maximumf %sub3A_1441, %max3A_1446 : vector<16xf32>
          %mul3A_1448 = arith.mulf %max3A_1444, %max3A_1447 : vector<16xf32>
          %sub3A_1449 = arith.subf %mul3A_1448, %gather3A_1435 : vector<16xf32>
          %max3A_1450 = arith.maximumf %max3A_1381, %sub3A_1449 : vector<16xf32>
          %min3A_1451 = arith.minimumf %gather3A_758, %gather3A_1433 : vector<16xf32>
          %max3A_1452 = arith.maximumf %gather3A_750, %gather3A_1431 : vector<16xf32>
          %sub3A_1453 = arith.subf %min3A_1451, %max3A_1452 : vector<16xf32>
          %min3A_1454 = arith.minimumf %gather3A_762, %gather3A_1434 : vector<16xf32>
          %max3A_1455 = arith.maximumf %gather3A_754, %gather3A_1432 : vector<16xf32>
          %sub3A_1456 = arith.subf %min3A_1454, %max3A_1455 : vector<16xf32>
          %max3A_1457 = arith.constant 0.000000e+00 : f32
          %max3A_1458 = vector.broadcast %max3A_1457 : f32 to vector<16xf32>
          %max3A_1459 = arith.maximumf %sub3A_1453, %max3A_1458 : vector<16xf32>
          %max3A_1460 = arith.constant 0.000000e+00 : f32
          %max3A_1461 = vector.broadcast %max3A_1460 : f32 to vector<16xf32>
          %max3A_1462 = arith.maximumf %sub3A_1456, %max3A_1461 : vector<16xf32>
          %mul3A_1463 = arith.mulf %max3A_1459, %max3A_1462 : vector<16xf32>
          %sub3A_1464 = arith.subf %mul3A_1463, %gather3A_1435 : vector<16xf32>
          %max3A_1465 = arith.maximumf %max3A_1396, %sub3A_1464 : vector<16xf32>
          %min3A_1466 = arith.minimumf %gather3A_789, %gather3A_1433 : vector<16xf32>
          %max3A_1467 = arith.maximumf %gather3A_781, %gather3A_1431 : vector<16xf32>
          %sub3A_1468 = arith.subf %min3A_1466, %max3A_1467 : vector<16xf32>
          %min3A_1469 = arith.minimumf %gather3A_793, %gather3A_1434 : vector<16xf32>
          %max3A_1470 = arith.maximumf %gather3A_785, %gather3A_1432 : vector<16xf32>
          %sub3A_1471 = arith.subf %min3A_1469, %max3A_1470 : vector<16xf32>
          %max3A_1472 = arith.constant 0.000000e+00 : f32
          %max3A_1473 = vector.broadcast %max3A_1472 : f32 to vector<16xf32>
          %max3A_1474 = arith.maximumf %sub3A_1468, %max3A_1473 : vector<16xf32>
          %max3A_1475 = arith.constant 0.000000e+00 : f32
          %max3A_1476 = vector.broadcast %max3A_1475 : f32 to vector<16xf32>
          %max3A_1477 = arith.maximumf %sub3A_1471, %max3A_1476 : vector<16xf32>
          %mul3A_1478 = arith.mulf %max3A_1474, %max3A_1477 : vector<16xf32>
          %sub3A_1479 = arith.subf %mul3A_1478, %gather3A_1435 : vector<16xf32>
          %max3A_1480 = arith.maximumf %max3A_1411, %sub3A_1479 : vector<16xf32>
          %min3A_1481 = arith.minimumf %gather3A_820, %gather3A_1433 : vector<16xf32>
          %max3A_1482 = arith.maximumf %gather3A_812, %gather3A_1431 : vector<16xf32>
          %sub3A_1483 = arith.subf %min3A_1481, %max3A_1482 : vector<16xf32>
          %min3A_1484 = arith.minimumf %gather3A_824, %gather3A_1434 : vector<16xf32>
          %max3A_1485 = arith.maximumf %gather3A_816, %gather3A_1432 : vector<16xf32>
          %sub3A_1486 = arith.subf %min3A_1484, %max3A_1485 : vector<16xf32>
          %max3A_1487 = arith.constant 0.000000e+00 : f32
          %max3A_1488 = vector.broadcast %max3A_1487 : f32 to vector<16xf32>
          %max3A_1489 = arith.maximumf %sub3A_1483, %max3A_1488 : vector<16xf32>
          %max3A_1490 = arith.constant 0.000000e+00 : f32
          %max3A_1491 = vector.broadcast %max3A_1490 : f32 to vector<16xf32>
          %max3A_1492 = arith.maximumf %sub3A_1486, %max3A_1491 : vector<16xf32>
          %mul3A_1493 = arith.mulf %max3A_1489, %max3A_1492 : vector<16xf32>
          %sub3A_1494 = arith.subf %mul3A_1493, %gather3A_1435 : vector<16xf32>
          %max3A_1495 = arith.maximumf %max3A_1426, %sub3A_1494 : vector<16xf32>
          %add3A_1496 = arith.constant 32 : i32
          %add3A_1497 = arith.addi %mul3A_1357, %add3A_1496 : i32
          %add3A_1498 = vector.broadcast %add3A_1497 : i32 to vector<16xi32>
          %add3A_1499 = arith.addi %add3A_1498, %iota3A : vector<16xi32>
          %gather3A_1500 = tpu.vector_load_idx %arg7[%add3A_1499] : memref<320xf32, #tpu.memory_space<vmem>>[vector<16xi32>], vector<16xf32>,
          %gather3A_1501 = tpu.vector_load_idx %arg8[%add3A_1499] : memref<320xf32, #tpu.memory_space<vmem>>[vector<16xi32>], vector<16xf32>,
          %gather3A_1502 = tpu.vector_load_idx %arg9[%add3A_1499] : memref<320xf32, #tpu.memory_space<vmem>>[vector<16xi32>], vector<16xf32>,
          %gather3A_1503 = tpu.vector_load_idx %arg10[%add3A_1499] : memref<320xf32, #tpu.memory_space<vmem>>[vector<16xi32>], vector<16xf32>,
          %gather3A_1504 = tpu.vector_load_idx %arg11[%add3A_1499] : memref<320xf32, #tpu.memory_space<vmem>>[vector<16xi32>], vector<16xf32>,
          %min3A_1505 = arith.minimumf %gather3A_727, %gather3A_1502 : vector<16xf32>
          %max3A_1506 = arith.maximumf %gather3A_719, %gather3A_1500 : vector<16xf32>
          %sub3A_1507 = arith.subf %min3A_1505, %max3A_1506 : vector<16xf32>
          %min3A_1508 = arith.minimumf %gather3A_731, %gather3A_1503 : vector<16xf32>
          %max3A_1509 = arith.maximumf %gather3A_723, %gather3A_1501 : vector<16xf32>
          %sub3A_1510 = arith.subf %min3A_1508, %max3A_1509 : vector<16xf32>
          %max3A_1511 = arith.constant 0.000000e+00 : f32
          %max3A_1512 = vector.broadcast %max3A_1511 : f32 to vector<16xf32>
          %max3A_1513 = arith.maximumf %sub3A_1507, %max3A_1512 : vector<16xf32>
          %max3A_1514 = arith.constant 0.000000e+00 : f32
          %max3A_1515 = vector.broadcast %max3A_1514 : f32 to vector<16xf32>
          %max3A_1516 = arith.maximumf %sub3A_1510, %max3A_1515 : vector<16xf32>
          %mul3A_1517 = arith.mulf %max3A_1513, %max3A_1516 : vector<16xf32>
          %sub3A_1518 = arith.subf %mul3A_1517, %gather3A_1504 : vector<16xf32>
          %max3A_1519 = arith.maximumf %max3A_1450, %sub3A_1518 : vector<16xf32>
          %min3A_1520 = arith.minimumf %gather3A_758, %gather3A_1502 : vector<16xf32>
          %max3A_1521 = arith.maximumf %gather3A_750, %gather3A_1500 : vector<16xf32>
          %sub3A_1522 = arith.subf %min3A_1520, %max3A_1521 : vector<16xf32>
          %min3A_1523 = arith.minimumf %gather3A_762, %gather3A_1503 : vector<16xf32>
          %max3A_1524 = arith.maximumf %gather3A_754, %gather3A_1501 : vector<16xf32>
          %sub3A_1525 = arith.subf %min3A_1523, %max3A_1524 : vector<16xf32>
          %max3A_1526 = arith.constant 0.000000e+00 : f32
          %max3A_1527 = vector.broadcast %max3A_1526 : f32 to vector<16xf32>
          %max3A_1528 = arith.maximumf %sub3A_1522, %max3A_1527 : vector<16xf32>
          %max3A_1529 = arith.constant 0.000000e+00 : f32
          %max3A_1530 = vector.broadcast %max3A_1529 : f32 to vector<16xf32>
          %max3A_1531 = arith.maximumf %sub3A_1525, %max3A_1530 : vector<16xf32>
          %mul3A_1532 = arith.mulf %max3A_1528, %max3A_1531 : vector<16xf32>
          %sub3A_1533 = arith.subf %mul3A_1532, %gather3A_1504 : vector<16xf32>
          %max3A_1534 = arith.maximumf %max3A_1465, %sub3A_1533 : vector<16xf32>
          %min3A_1535 = arith.minimumf %gather3A_789, %gather3A_1502 : vector<16xf32>
          %max3A_1536 = arith.maximumf %gather3A_781, %gather3A_1500 : vector<16xf32>
          %sub3A_1537 = arith.subf %min3A_1535, %max3A_1536 : vector<16xf32>
          %min3A_1538 = arith.minimumf %gather3A_793, %gather3A_1503 : vector<16xf32>
          %max3A_1539 = arith.maximumf %gather3A_785, %gather3A_1501 : vector<16xf32>
          %sub3A_1540 = arith.subf %min3A_1538, %max3A_1539 : vector<16xf32>
          %max3A_1541 = arith.constant 0.000000e+00 : f32
          %max3A_1542 = vector.broadcast %max3A_1541 : f32 to vector<16xf32>
          %max3A_1543 = arith.maximumf %sub3A_1537, %max3A_1542 : vector<16xf32>
          %max3A_1544 = arith.constant 0.000000e+00 : f32
          %max3A_1545 = vector.broadcast %max3A_1544 : f32 to vector<16xf32>
          %max3A_1546 = arith.maximumf %sub3A_1540, %max3A_1545 : vector<16xf32>
          %mul3A_1547 = arith.mulf %max3A_1543, %max3A_1546 : vector<16xf32>
          %sub3A_1548 = arith.subf %mul3A_1547, %gather3A_1504 : vector<16xf32>
          %max3A_1549 = arith.maximumf %max3A_1480, %sub3A_1548 : vector<16xf32>
          %min3A_1550 = arith.minimumf %gather3A_820, %gather3A_1502 : vector<16xf32>
          %max3A_1551 = arith.maximumf %gather3A_812, %gather3A_1500 : vector<16xf32>
          %sub3A_1552 = arith.subf %min3A_1550, %max3A_1551 : vector<16xf32>
          %min3A_1553 = arith.minimumf %gather3A_824, %gather3A_1503 : vector<16xf32>
          %max3A_1554 = arith.maximumf %gather3A_816, %gather3A_1501 : vector<16xf32>
          %sub3A_1555 = arith.subf %min3A_1553, %max3A_1554 : vector<16xf32>
          %max3A_1556 = arith.constant 0.000000e+00 : f32
          %max3A_1557 = vector.broadcast %max3A_1556 : f32 to vector<16xf32>
          %max3A_1558 = arith.maximumf %sub3A_1552, %max3A_1557 : vector<16xf32>
          %max3A_1559 = arith.constant 0.000000e+00 : f32
          %max3A_1560 = vector.broadcast %max3A_1559 : f32 to vector<16xf32>
          %max3A_1561 = arith.maximumf %sub3A_1555, %max3A_1560 : vector<16xf32>
          %mul3A_1562 = arith.mulf %max3A_1558, %max3A_1561 : vector<16xf32>
          %sub3A_1563 = arith.subf %mul3A_1562, %gather3A_1504 : vector<16xf32>
          %max3A_1564 = arith.maximumf %max3A_1495, %sub3A_1563 : vector<16xf32>
          %add3A_1565 = arith.constant 48 : i32
          %add3A_1566 = arith.addi %mul3A_1357, %add3A_1565 : i32
          %add3A_1567 = vector.broadcast %add3A_1566 : i32 to vector<16xi32>
          %add3A_1568 = arith.addi %add3A_1567, %iota3A : vector<16xi32>
          %gather3A_1569 = tpu.vector_load_idx %arg7[%add3A_1568] : memref<320xf32, #tpu.memory_space<vmem>>[vector<16xi32>], vector<16xf32>,
          %gather3A_1570 = tpu.vector_load_idx %arg8[%add3A_1568] : memref<320xf32, #tpu.memory_space<vmem>>[vector<16xi32>], vector<16xf32>,
          %gather3A_1571 = tpu.vector_load_idx %arg9[%add3A_1568] : memref<320xf32, #tpu.memory_space<vmem>>[vector<16xi32>], vector<16xf32>,
          %gather3A_1572 = tpu.vector_load_idx %arg10[%add3A_1568] : memref<320xf32, #tpu.memory_space<vmem>>[vector<16xi32>], vector<16xf32>,
          %gather3A_1573 = tpu.vector_load_idx %arg11[%add3A_1568] : memref<320xf32, #tpu.memory_space<vmem>>[vector<16xi32>], vector<16xf32>,
          %min3A_1574 = arith.minimumf %gather3A_727, %gather3A_1571 : vector<16xf32>
          %max3A_1575 = arith.maximumf %gather3A_719, %gather3A_1569 : vector<16xf32>
          %sub3A_1576 = arith.subf %min3A_1574, %max3A_1575 : vector<16xf32>
          %min3A_1577 = arith.minimumf %gather3A_731, %gather3A_1572 : vector<16xf32>
          %max3A_1578 = arith.maximumf %gather3A_723, %gather3A_1570 : vector<16xf32>
          %sub3A_1579 = arith.subf %min3A_1577, %max3A_1578 : vector<16xf32>
          %max3A_1580 = arith.constant 0.000000e+00 : f32
          %max3A_1581 = vector.broadcast %max3A_1580 : f32 to vector<16xf32>
          %max3A_1582 = arith.maximumf %sub3A_1576, %max3A_1581 : vector<16xf32>
          %max3A_1583 = arith.constant 0.000000e+00 : f32
          %max3A_1584 = vector.broadcast %max3A_1583 : f32 to vector<16xf32>
          %max3A_1585 = arith.maximumf %sub3A_1579, %max3A_1584 : vector<16xf32>
          %mul3A_1586 = arith.mulf %max3A_1582, %max3A_1585 : vector<16xf32>
          %sub3A_1587 = arith.subf %mul3A_1586, %gather3A_1573 : vector<16xf32>
          %max3A_1588 = arith.maximumf %max3A_1519, %sub3A_1587 : vector<16xf32>
          %min3A_1589 = arith.minimumf %gather3A_758, %gather3A_1571 : vector<16xf32>
          %max3A_1590 = arith.maximumf %gather3A_750, %gather3A_1569 : vector<16xf32>
          %sub3A_1591 = arith.subf %min3A_1589, %max3A_1590 : vector<16xf32>
          %min3A_1592 = arith.minimumf %gather3A_762, %gather3A_1572 : vector<16xf32>
          %max3A_1593 = arith.maximumf %gather3A_754, %gather3A_1570 : vector<16xf32>
          %sub3A_1594 = arith.subf %min3A_1592, %max3A_1593 : vector<16xf32>
          %max3A_1595 = arith.constant 0.000000e+00 : f32
          %max3A_1596 = vector.broadcast %max3A_1595 : f32 to vector<16xf32>
          %max3A_1597 = arith.maximumf %sub3A_1591, %max3A_1596 : vector<16xf32>
          %max3A_1598 = arith.constant 0.000000e+00 : f32
          %max3A_1599 = vector.broadcast %max3A_1598 : f32 to vector<16xf32>
          %max3A_1600 = arith.maximumf %sub3A_1594, %max3A_1599 : vector<16xf32>
          %mul3A_1601 = arith.mulf %max3A_1597, %max3A_1600 : vector<16xf32>
          %sub3A_1602 = arith.subf %mul3A_1601, %gather3A_1573 : vector<16xf32>
          %max3A_1603 = arith.maximumf %max3A_1534, %sub3A_1602 : vector<16xf32>
          %min3A_1604 = arith.minimumf %gather3A_789, %gather3A_1571 : vector<16xf32>
          %max3A_1605 = arith.maximumf %gather3A_781, %gather3A_1569 : vector<16xf32>
          %sub3A_1606 = arith.subf %min3A_1604, %max3A_1605 : vector<16xf32>
          %min3A_1607 = arith.minimumf %gather3A_793, %gather3A_1572 : vector<16xf32>
          %max3A_1608 = arith.maximumf %gather3A_785, %gather3A_1570 : vector<16xf32>
          %sub3A_1609 = arith.subf %min3A_1607, %max3A_1608 : vector<16xf32>
          %max3A_1610 = arith.constant 0.000000e+00 : f32
          %max3A_1611 = vector.broadcast %max3A_1610 : f32 to vector<16xf32>
          %max3A_1612 = arith.maximumf %sub3A_1606, %max3A_1611 : vector<16xf32>
          %max3A_1613 = arith.constant 0.000000e+00 : f32
          %max3A_1614 = vector.broadcast %max3A_1613 : f32 to vector<16xf32>
          %max3A_1615 = arith.maximumf %sub3A_1609, %max3A_1614 : vector<16xf32>
          %mul3A_1616 = arith.mulf %max3A_1612, %max3A_1615 : vector<16xf32>
          %sub3A_1617 = arith.subf %mul3A_1616, %gather3A_1573 : vector<16xf32>
          %max3A_1618 = arith.maximumf %max3A_1549, %sub3A_1617 : vector<16xf32>
          %min3A_1619 = arith.minimumf %gather3A_820, %gather3A_1571 : vector<16xf32>
          %max3A_1620 = arith.maximumf %gather3A_812, %gather3A_1569 : vector<16xf32>
          %sub3A_1621 = arith.subf %min3A_1619, %max3A_1620 : vector<16xf32>
          %min3A_1622 = arith.minimumf %gather3A_824, %gather3A_1572 : vector<16xf32>
          %max3A_1623 = arith.maximumf %gather3A_816, %gather3A_1570 : vector<16xf32>
          %sub3A_1624 = arith.subf %min3A_1622, %max3A_1623 : vector<16xf32>
          %max3A_1625 = arith.constant 0.000000e+00 : f32
          %max3A_1626 = vector.broadcast %max3A_1625 : f32 to vector<16xf32>
          %max3A_1627 = arith.maximumf %sub3A_1621, %max3A_1626 : vector<16xf32>
          %max3A_1628 = arith.constant 0.000000e+00 : f32
          %max3A_1629 = vector.broadcast %max3A_1628 : f32 to vector<16xf32>
          %max3A_1630 = arith.maximumf %sub3A_1624, %max3A_1629 : vector<16xf32>
          %mul3A_1631 = arith.mulf %max3A_1627, %max3A_1630 : vector<16xf32>
          %sub3A_1632 = arith.subf %mul3A_1631, %gather3A_1573 : vector<16xf32>
          %max3A_1633 = arith.maximumf %max3A_1564, %sub3A_1632 : vector<16xf32>
          scf.yield %max3A_1588, %max3A_1603, %max3A_1618, %max3A_1633 : vector<16xf32>, vector<16xf32>, vector<16xf32>, vector<16xf32>
        }
        %while3A_842 = arith.constant 1 : i32
        %while3A_843:4 = scf.for %while3A_1351 = %while3A_839 to %while3A_835 step %while3A_842 iter_args(%while3A_1352 = %while3A_841#0, %while3A_1353 = %while3A_841#1, %while3A_1354 = %while3A_841#2, %while3A_1355 = %while3A_841#3) -> (vector<16xf32>, vector<16xf32>, vector<16xf32>, vector<16xf32>)  : i32 {
          %mul3A_1356 = arith.constant 64 : i32
          %mul3A_1357 = arith.muli %while3A_1351, %mul3A_1356 : i32
          %add3A_1358 = arith.constant 0 : i32
          %add3A_1359 = arith.addi %mul3A_1357, %add3A_1358 : i32
          %add3A_1360 = vector.broadcast %add3A_1359 : i32 to vector<16xi32>
          %add3A_1361 = arith.addi %add3A_1360, %iota3A : vector<16xi32>
          %gather3A_1362 = tpu.vector_load_idx %arg7[%add3A_1361] : memref<320xf32, #tpu.memory_space<vmem>>[vector<16xi32>], vector<16xf32>,
          %gather3A_1363 = tpu.vector_load_idx %arg8[%add3A_1361] : memref<320xf32, #tpu.memory_space<vmem>>[vector<16xi32>], vector<16xf32>,
          %gather3A_1364 = tpu.vector_load_idx %arg9[%add3A_1361] : memref<320xf32, #tpu.memory_space<vmem>>[vector<16xi32>], vector<16xf32>,
          %gather3A_1365 = tpu.vector_load_idx %arg10[%add3A_1361] : memref<320xf32, #tpu.memory_space<vmem>>[vector<16xi32>], vector<16xf32>,
          %gather3A_1366 = tpu.vector_load_idx %arg11[%add3A_1361] : memref<320xf32, #tpu.memory_space<vmem>>[vector<16xi32>], vector<16xf32>,
          %min3A_1367 = arith.minimumf %gather3A_727, %gather3A_1364 : vector<16xf32>
          %max3A_1368 = arith.maximumf %gather3A_719, %gather3A_1362 : vector<16xf32>
          %sub3A_1369 = arith.subf %min3A_1367, %max3A_1368 : vector<16xf32>
          %min3A_1370 = arith.minimumf %gather3A_731, %gather3A_1365 : vector<16xf32>
          %max3A_1371 = arith.maximumf %gather3A_723, %gather3A_1363 : vector<16xf32>
          %sub3A_1372 = arith.subf %min3A_1370, %max3A_1371 : vector<16xf32>
          %max3A_1373 = arith.constant 0.000000e+00 : f32
          %max3A_1374 = vector.broadcast %max3A_1373 : f32 to vector<16xf32>
          %max3A_1375 = arith.maximumf %sub3A_1369, %max3A_1374 : vector<16xf32>
          %max3A_1376 = arith.constant 0.000000e+00 : f32
          %max3A_1377 = vector.broadcast %max3A_1376 : f32 to vector<16xf32>
          %max3A_1378 = arith.maximumf %sub3A_1372, %max3A_1377 : vector<16xf32>
          %mul3A_1379 = arith.mulf %max3A_1375, %max3A_1378 : vector<16xf32>
          %sub3A_1380 = arith.subf %mul3A_1379, %gather3A_1366 : vector<16xf32>
          %max3A_1381 = arith.maximumf %while3A_1352, %sub3A_1380 : vector<16xf32>
          %min3A_1382 = arith.minimumf %gather3A_758, %gather3A_1364 : vector<16xf32>
          %max3A_1383 = arith.maximumf %gather3A_750, %gather3A_1362 : vector<16xf32>
          %sub3A_1384 = arith.subf %min3A_1382, %max3A_1383 : vector<16xf32>
          %min3A_1385 = arith.minimumf %gather3A_762, %gather3A_1365 : vector<16xf32>
          %max3A_1386 = arith.maximumf %gather3A_754, %gather3A_1363 : vector<16xf32>
          %sub3A_1387 = arith.subf %min3A_1385, %max3A_1386 : vector<16xf32>
          %max3A_1388 = arith.constant 0.000000e+00 : f32
          %max3A_1389 = vector.broadcast %max3A_1388 : f32 to vector<16xf32>
          %max3A_1390 = arith.maximumf %sub3A_1384, %max3A_1389 : vector<16xf32>
          %max3A_1391 = arith.constant 0.000000e+00 : f32
          %max3A_1392 = vector.broadcast %max3A_1391 : f32 to vector<16xf32>
          %max3A_1393 = arith.maximumf %sub3A_1387, %max3A_1392 : vector<16xf32>
          %mul3A_1394 = arith.mulf %max3A_1390, %max3A_1393 : vector<16xf32>
          %sub3A_1395 = arith.subf %mul3A_1394, %gather3A_1366 : vector<16xf32>
          %max3A_1396 = arith.maximumf %while3A_1353, %sub3A_1395 : vector<16xf32>
          %min3A_1397 = arith.minimumf %gather3A_789, %gather3A_1364 : vector<16xf32>
          %max3A_1398 = arith.maximumf %gather3A_781, %gather3A_1362 : vector<16xf32>
          %sub3A_1399 = arith.subf %min3A_1397, %max3A_1398 : vector<16xf32>
          %min3A_1400 = arith.minimumf %gather3A_793, %gather3A_1365 : vector<16xf32>
          %max3A_1401 = arith.maximumf %gather3A_785, %gather3A_1363 : vector<16xf32>
          %sub3A_1402 = arith.subf %min3A_1400, %max3A_1401 : vector<16xf32>
          %max3A_1403 = arith.constant 0.000000e+00 : f32
          %max3A_1404 = vector.broadcast %max3A_1403 : f32 to vector<16xf32>
          %max3A_1405 = arith.maximumf %sub3A_1399, %max3A_1404 : vector<16xf32>
          %max3A_1406 = arith.constant 0.000000e+00 : f32
          %max3A_1407 = vector.broadcast %max3A_1406 : f32 to vector<16xf32>
          %max3A_1408 = arith.maximumf %sub3A_1402, %max3A_1407 : vector<16xf32>
          %mul3A_1409 = arith.mulf %max3A_1405, %max3A_1408 : vector<16xf32>
          %sub3A_1410 = arith.subf %mul3A_1409, %gather3A_1366 : vector<16xf32>
          %max3A_1411 = arith.maximumf %while3A_1354, %sub3A_1410 : vector<16xf32>
          %min3A_1412 = arith.minimumf %gather3A_820, %gather3A_1364 : vector<16xf32>
          %max3A_1413 = arith.maximumf %gather3A_812, %gather3A_1362 : vector<16xf32>
          %sub3A_1414 = arith.subf %min3A_1412, %max3A_1413 : vector<16xf32>
          %min3A_1415 = arith.minimumf %gather3A_824, %gather3A_1365 : vector<16xf32>
          %max3A_1416 = arith.maximumf %gather3A_816, %gather3A_1363 : vector<16xf32>
          %sub3A_1417 = arith.subf %min3A_1415, %max3A_1416 : vector<16xf32>
          %max3A_1418 = arith.constant 0.000000e+00 : f32
          %max3A_1419 = vector.broadcast %max3A_1418 : f32 to vector<16xf32>
          %max3A_1420 = arith.maximumf %sub3A_1414, %max3A_1419 : vector<16xf32>
          %max3A_1421 = arith.constant 0.000000e+00 : f32
          %max3A_1422 = vector.broadcast %max3A_1421 : f32 to vector<16xf32>
          %max3A_1423 = arith.maximumf %sub3A_1417, %max3A_1422 : vector<16xf32>
          %mul3A_1424 = arith.mulf %max3A_1420, %max3A_1423 : vector<16xf32>
          %sub3A_1425 = arith.subf %mul3A_1424, %gather3A_1366 : vector<16xf32>
          %max3A_1426 = arith.maximumf %while3A_1355, %sub3A_1425 : vector<16xf32>
          %add3A_1427 = arith.constant 16 : i32
          %add3A_1428 = arith.addi %mul3A_1357, %add3A_1427 : i32
          %add3A_1429 = vector.broadcast %add3A_1428 : i32 to vector<16xi32>
          %add3A_1430 = arith.addi %add3A_1429, %iota3A : vector<16xi32>
          %gather3A_1431 = tpu.vector_load_idx %arg7[%add3A_1430] : memref<320xf32, #tpu.memory_space<vmem>>[vector<16xi32>], vector<16xf32>,
          %gather3A_1432 = tpu.vector_load_idx %arg8[%add3A_1430] : memref<320xf32, #tpu.memory_space<vmem>>[vector<16xi32>], vector<16xf32>,
          %gather3A_1433 = tpu.vector_load_idx %arg9[%add3A_1430] : memref<320xf32, #tpu.memory_space<vmem>>[vector<16xi32>], vector<16xf32>,
          %gather3A_1434 = tpu.vector_load_idx %arg10[%add3A_1430] : memref<320xf32, #tpu.memory_space<vmem>>[vector<16xi32>], vector<16xf32>,
          %gather3A_1435 = tpu.vector_load_idx %arg11[%add3A_1430] : memref<320xf32, #tpu.memory_space<vmem>>[vector<16xi32>], vector<16xf32>,
          %min3A_1436 = arith.minimumf %gather3A_727, %gather3A_1433 : vector<16xf32>
          %max3A_1437 = arith.maximumf %gather3A_719, %gather3A_1431 : vector<16xf32>
          %sub3A_1438 = arith.subf %min3A_1436, %max3A_1437 : vector<16xf32>
          %min3A_1439 = arith.minimumf %gather3A_731, %gather3A_1434 : vector<16xf32>
          %max3A_1440 = arith.maximumf %gather3A_723, %gather3A_1432 : vector<16xf32>
          %sub3A_1441 = arith.subf %min3A_1439, %max3A_1440 : vector<16xf32>
          %max3A_1442 = arith.constant 0.000000e+00 : f32
          %max3A_1443 = vector.broadcast %max3A_1442 : f32 to vector<16xf32>
          %max3A_1444 = arith.maximumf %sub3A_1438, %max3A_1443 : vector<16xf32>
          %max3A_1445 = arith.constant 0.000000e+00 : f32
          %max3A_1446 = vector.broadcast %max3A_1445 : f32 to vector<16xf32>
          %max3A_1447 = arith.maximumf %sub3A_1441, %max3A_1446 : vector<16xf32>
          %mul3A_1448 = arith.mulf %max3A_1444, %max3A_1447 : vector<16xf32>
          %sub3A_1449 = arith.subf %mul3A_1448, %gather3A_1435 : vector<16xf32>
          %max3A_1450 = arith.maximumf %max3A_1381, %sub3A_1449 : vector<16xf32>
          %min3A_1451 = arith.minimumf %gather3A_758, %gather3A_1433 : vector<16xf32>
          %max3A_1452 = arith.maximumf %gather3A_750, %gather3A_1431 : vector<16xf32>
          %sub3A_1453 = arith.subf %min3A_1451, %max3A_1452 : vector<16xf32>
          %min3A_1454 = arith.minimumf %gather3A_762, %gather3A_1434 : vector<16xf32>
          %max3A_1455 = arith.maximumf %gather3A_754, %gather3A_1432 : vector<16xf32>
          %sub3A_1456 = arith.subf %min3A_1454, %max3A_1455 : vector<16xf32>
          %max3A_1457 = arith.constant 0.000000e+00 : f32
          %max3A_1458 = vector.broadcast %max3A_1457 : f32 to vector<16xf32>
          %max3A_1459 = arith.maximumf %sub3A_1453, %max3A_1458 : vector<16xf32>
          %max3A_1460 = arith.constant 0.000000e+00 : f32
          %max3A_1461 = vector.broadcast %max3A_1460 : f32 to vector<16xf32>
          %max3A_1462 = arith.maximumf %sub3A_1456, %max3A_1461 : vector<16xf32>
          %mul3A_1463 = arith.mulf %max3A_1459, %max3A_1462 : vector<16xf32>
          %sub3A_1464 = arith.subf %mul3A_1463, %gather3A_1435 : vector<16xf32>
          %max3A_1465 = arith.maximumf %max3A_1396, %sub3A_1464 : vector<16xf32>
          %min3A_1466 = arith.minimumf %gather3A_789, %gather3A_1433 : vector<16xf32>
          %max3A_1467 = arith.maximumf %gather3A_781, %gather3A_1431 : vector<16xf32>
          %sub3A_1468 = arith.subf %min3A_1466, %max3A_1467 : vector<16xf32>
          %min3A_1469 = arith.minimumf %gather3A_793, %gather3A_1434 : vector<16xf32>
          %max3A_1470 = arith.maximumf %gather3A_785, %gather3A_1432 : vector<16xf32>
          %sub3A_1471 = arith.subf %min3A_1469, %max3A_1470 : vector<16xf32>
          %max3A_1472 = arith.constant 0.000000e+00 : f32
          %max3A_1473 = vector.broadcast %max3A_1472 : f32 to vector<16xf32>
          %max3A_1474 = arith.maximumf %sub3A_1468, %max3A_1473 : vector<16xf32>
          %max3A_1475 = arith.constant 0.000000e+00 : f32
          %max3A_1476 = vector.broadcast %max3A_1475 : f32 to vector<16xf32>
          %max3A_1477 = arith.maximumf %sub3A_1471, %max3A_1476 : vector<16xf32>
          %mul3A_1478 = arith.mulf %max3A_1474, %max3A_1477 : vector<16xf32>
          %sub3A_1479 = arith.subf %mul3A_1478, %gather3A_1435 : vector<16xf32>
          %max3A_1480 = arith.maximumf %max3A_1411, %sub3A_1479 : vector<16xf32>
          %min3A_1481 = arith.minimumf %gather3A_820, %gather3A_1433 : vector<16xf32>
          %max3A_1482 = arith.maximumf %gather3A_812, %gather3A_1431 : vector<16xf32>
          %sub3A_1483 = arith.subf %min3A_1481, %max3A_1482 : vector<16xf32>
          %min3A_1484 = arith.minimumf %gather3A_824, %gather3A_1434 : vector<16xf32>
          %max3A_1485 = arith.maximumf %gather3A_816, %gather3A_1432 : vector<16xf32>
          %sub3A_1486 = arith.subf %min3A_1484, %max3A_1485 : vector<16xf32>
          %max3A_1487 = arith.constant 0.000000e+00 : f32
          %max3A_1488 = vector.broadcast %max3A_1487 : f32 to vector<16xf32>
          %max3A_1489 = arith.maximumf %sub3A_1483, %max3A_1488 : vector<16xf32>
          %max3A_1490 = arith.constant 0.000000e+00 : f32
          %max3A_1491 = vector.broadcast %max3A_1490 : f32 to vector<16xf32>
          %max3A_1492 = arith.maximumf %sub3A_1486, %max3A_1491 : vector<16xf32>
          %mul3A_1493 = arith.mulf %max3A_1489, %max3A_1492 : vector<16xf32>
          %sub3A_1494 = arith.subf %mul3A_1493, %gather3A_1435 : vector<16xf32>
          %max3A_1495 = arith.maximumf %max3A_1426, %sub3A_1494 : vector<16xf32>
          %add3A_1496 = arith.constant 32 : i32
          %add3A_1497 = arith.addi %mul3A_1357, %add3A_1496 : i32
          %add3A_1498 = vector.broadcast %add3A_1497 : i32 to vector<16xi32>
          %add3A_1499 = arith.addi %add3A_1498, %iota3A : vector<16xi32>
          %gather3A_1500 = tpu.vector_load_idx %arg7[%add3A_1499] : memref<320xf32, #tpu.memory_space<vmem>>[vector<16xi32>], vector<16xf32>,
          %gather3A_1501 = tpu.vector_load_idx %arg8[%add3A_1499] : memref<320xf32, #tpu.memory_space<vmem>>[vector<16xi32>], vector<16xf32>,
          %gather3A_1502 = tpu.vector_load_idx %arg9[%add3A_1499] : memref<320xf32, #tpu.memory_space<vmem>>[vector<16xi32>], vector<16xf32>,
          %gather3A_1503 = tpu.vector_load_idx %arg10[%add3A_1499] : memref<320xf32, #tpu.memory_space<vmem>>[vector<16xi32>], vector<16xf32>,
          %gather3A_1504 = tpu.vector_load_idx %arg11[%add3A_1499] : memref<320xf32, #tpu.memory_space<vmem>>[vector<16xi32>], vector<16xf32>,
          %min3A_1505 = arith.minimumf %gather3A_727, %gather3A_1502 : vector<16xf32>
          %max3A_1506 = arith.maximumf %gather3A_719, %gather3A_1500 : vector<16xf32>
          %sub3A_1507 = arith.subf %min3A_1505, %max3A_1506 : vector<16xf32>
          %min3A_1508 = arith.minimumf %gather3A_731, %gather3A_1503 : vector<16xf32>
          %max3A_1509 = arith.maximumf %gather3A_723, %gather3A_1501 : vector<16xf32>
          %sub3A_1510 = arith.subf %min3A_1508, %max3A_1509 : vector<16xf32>
          %max3A_1511 = arith.constant 0.000000e+00 : f32
          %max3A_1512 = vector.broadcast %max3A_1511 : f32 to vector<16xf32>
          %max3A_1513 = arith.maximumf %sub3A_1507, %max3A_1512 : vector<16xf32>
          %max3A_1514 = arith.constant 0.000000e+00 : f32
          %max3A_1515 = vector.broadcast %max3A_1514 : f32 to vector<16xf32>
          %max3A_1516 = arith.maximumf %sub3A_1510, %max3A_1515 : vector<16xf32>
          %mul3A_1517 = arith.mulf %max3A_1513, %max3A_1516 : vector<16xf32>
          %sub3A_1518 = arith.subf %mul3A_1517, %gather3A_1504 : vector<16xf32>
          %max3A_1519 = arith.maximumf %max3A_1450, %sub3A_1518 : vector<16xf32>
          %min3A_1520 = arith.minimumf %gather3A_758, %gather3A_1502 : vector<16xf32>
          %max3A_1521 = arith.maximumf %gather3A_750, %gather3A_1500 : vector<16xf32>
          %sub3A_1522 = arith.subf %min3A_1520, %max3A_1521 : vector<16xf32>
          %min3A_1523 = arith.minimumf %gather3A_762, %gather3A_1503 : vector<16xf32>
          %max3A_1524 = arith.maximumf %gather3A_754, %gather3A_1501 : vector<16xf32>
          %sub3A_1525 = arith.subf %min3A_1523, %max3A_1524 : vector<16xf32>
          %max3A_1526 = arith.constant 0.000000e+00 : f32
          %max3A_1527 = vector.broadcast %max3A_1526 : f32 to vector<16xf32>
          %max3A_1528 = arith.maximumf %sub3A_1522, %max3A_1527 : vector<16xf32>
          %max3A_1529 = arith.constant 0.000000e+00 : f32
          %max3A_1530 = vector.broadcast %max3A_1529 : f32 to vector<16xf32>
          %max3A_1531 = arith.maximumf %sub3A_1525, %max3A_1530 : vector<16xf32>
          %mul3A_1532 = arith.mulf %max3A_1528, %max3A_1531 : vector<16xf32>
          %sub3A_1533 = arith.subf %mul3A_1532, %gather3A_1504 : vector<16xf32>
          %max3A_1534 = arith.maximumf %max3A_1465, %sub3A_1533 : vector<16xf32>
          %min3A_1535 = arith.minimumf %gather3A_789, %gather3A_1502 : vector<16xf32>
          %max3A_1536 = arith.maximumf %gather3A_781, %gather3A_1500 : vector<16xf32>
          %sub3A_1537 = arith.subf %min3A_1535, %max3A_1536 : vector<16xf32>
          %min3A_1538 = arith.minimumf %gather3A_793, %gather3A_1503 : vector<16xf32>
          %max3A_1539 = arith.maximumf %gather3A_785, %gather3A_1501 : vector<16xf32>
          %sub3A_1540 = arith.subf %min3A_1538, %max3A_1539 : vector<16xf32>
          %max3A_1541 = arith.constant 0.000000e+00 : f32
          %max3A_1542 = vector.broadcast %max3A_1541 : f32 to vector<16xf32>
          %max3A_1543 = arith.maximumf %sub3A_1537, %max3A_1542 : vector<16xf32>
          %max3A_1544 = arith.constant 0.000000e+00 : f32
          %max3A_1545 = vector.broadcast %max3A_1544 : f32 to vector<16xf32>
          %max3A_1546 = arith.maximumf %sub3A_1540, %max3A_1545 : vector<16xf32>
          %mul3A_1547 = arith.mulf %max3A_1543, %max3A_1546 : vector<16xf32>
          %sub3A_1548 = arith.subf %mul3A_1547, %gather3A_1504 : vector<16xf32>
          %max3A_1549 = arith.maximumf %max3A_1480, %sub3A_1548 : vector<16xf32>
          %min3A_1550 = arith.minimumf %gather3A_820, %gather3A_1502 : vector<16xf32>
          %max3A_1551 = arith.maximumf %gather3A_812, %gather3A_1500 : vector<16xf32>
          %sub3A_1552 = arith.subf %min3A_1550, %max3A_1551 : vector<16xf32>
          %min3A_1553 = arith.minimumf %gather3A_824, %gather3A_1503 : vector<16xf32>
          %max3A_1554 = arith.maximumf %gather3A_816, %gather3A_1501 : vector<16xf32>
          %sub3A_1555 = arith.subf %min3A_1553, %max3A_1554 : vector<16xf32>
          %max3A_1556 = arith.constant 0.000000e+00 : f32
          %max3A_1557 = vector.broadcast %max3A_1556 : f32 to vector<16xf32>
          %max3A_1558 = arith.maximumf %sub3A_1552, %max3A_1557 : vector<16xf32>
          %max3A_1559 = arith.constant 0.000000e+00 : f32
          %max3A_1560 = vector.broadcast %max3A_1559 : f32 to vector<16xf32>
          %max3A_1561 = arith.maximumf %sub3A_1555, %max3A_1560 : vector<16xf32>
          %mul3A_1562 = arith.mulf %max3A_1558, %max3A_1561 : vector<16xf32>
          %sub3A_1563 = arith.subf %mul3A_1562, %gather3A_1504 : vector<16xf32>
          %max3A_1564 = arith.maximumf %max3A_1495, %sub3A_1563 : vector<16xf32>
          %add3A_1565 = arith.constant 48 : i32
          %add3A_1566 = arith.addi %mul3A_1357, %add3A_1565 : i32
          %add3A_1567 = vector.broadcast %add3A_1566 : i32 to vector<16xi32>
          %add3A_1568 = arith.addi %add3A_1567, %iota3A : vector<16xi32>
          %gather3A_1569 = tpu.vector_load_idx %arg7[%add3A_1568] : memref<320xf32, #tpu.memory_space<vmem>>[vector<16xi32>], vector<16xf32>,
          %gather3A_1570 = tpu.vector_load_idx %arg8[%add3A_1568] : memref<320xf32, #tpu.memory_space<vmem>>[vector<16xi32>], vector<16xf32>,
          %gather3A_1571 = tpu.vector_load_idx %arg9[%add3A_1568] : memref<320xf32, #tpu.memory_space<vmem>>[vector<16xi32>], vector<16xf32>,
          %gather3A_1572 = tpu.vector_load_idx %arg10[%add3A_1568] : memref<320xf32, #tpu.memory_space<vmem>>[vector<16xi32>], vector<16xf32>,
          %gather3A_1573 = tpu.vector_load_idx %arg11[%add3A_1568] : memref<320xf32, #tpu.memory_space<vmem>>[vector<16xi32>], vector<16xf32>,
          %min3A_1574 = arith.minimumf %gather3A_727, %gather3A_1571 : vector<16xf32>
          %max3A_1575 = arith.maximumf %gather3A_719, %gather3A_1569 : vector<16xf32>
          %sub3A_1576 = arith.subf %min3A_1574, %max3A_1575 : vector<16xf32>
          %min3A_1577 = arith.minimumf %gather3A_731, %gather3A_1572 : vector<16xf32>
          %max3A_1578 = arith.maximumf %gather3A_723, %gather3A_1570 : vector<16xf32>
          %sub3A_1579 = arith.subf %min3A_1577, %max3A_1578 : vector<16xf32>
          %max3A_1580 = arith.constant 0.000000e+00 : f32
          %max3A_1581 = vector.broadcast %max3A_1580 : f32 to vector<16xf32>
          %max3A_1582 = arith.maximumf %sub3A_1576, %max3A_1581 : vector<16xf32>
          %max3A_1583 = arith.constant 0.000000e+00 : f32
          %max3A_1584 = vector.broadcast %max3A_1583 : f32 to vector<16xf32>
          %max3A_1585 = arith.maximumf %sub3A_1579, %max3A_1584 : vector<16xf32>
          %mul3A_1586 = arith.mulf %max3A_1582, %max3A_1585 : vector<16xf32>
          %sub3A_1587 = arith.subf %mul3A_1586, %gather3A_1573 : vector<16xf32>
          %max3A_1588 = arith.maximumf %max3A_1519, %sub3A_1587 : vector<16xf32>
          %min3A_1589 = arith.minimumf %gather3A_758, %gather3A_1571 : vector<16xf32>
          %max3A_1590 = arith.maximumf %gather3A_750, %gather3A_1569 : vector<16xf32>
          %sub3A_1591 = arith.subf %min3A_1589, %max3A_1590 : vector<16xf32>
          %min3A_1592 = arith.minimumf %gather3A_762, %gather3A_1572 : vector<16xf32>
          %max3A_1593 = arith.maximumf %gather3A_754, %gather3A_1570 : vector<16xf32>
          %sub3A_1594 = arith.subf %min3A_1592, %max3A_1593 : vector<16xf32>
          %max3A_1595 = arith.constant 0.000000e+00 : f32
          %max3A_1596 = vector.broadcast %max3A_1595 : f32 to vector<16xf32>
          %max3A_1597 = arith.maximumf %sub3A_1591, %max3A_1596 : vector<16xf32>
          %max3A_1598 = arith.constant 0.000000e+00 : f32
          %max3A_1599 = vector.broadcast %max3A_1598 : f32 to vector<16xf32>
          %max3A_1600 = arith.maximumf %sub3A_1594, %max3A_1599 : vector<16xf32>
          %mul3A_1601 = arith.mulf %max3A_1597, %max3A_1600 : vector<16xf32>
          %sub3A_1602 = arith.subf %mul3A_1601, %gather3A_1573 : vector<16xf32>
          %max3A_1603 = arith.maximumf %max3A_1534, %sub3A_1602 : vector<16xf32>
          %min3A_1604 = arith.minimumf %gather3A_789, %gather3A_1571 : vector<16xf32>
          %max3A_1605 = arith.maximumf %gather3A_781, %gather3A_1569 : vector<16xf32>
          %sub3A_1606 = arith.subf %min3A_1604, %max3A_1605 : vector<16xf32>
          %min3A_1607 = arith.minimumf %gather3A_793, %gather3A_1572 : vector<16xf32>
          %max3A_1608 = arith.maximumf %gather3A_785, %gather3A_1570 : vector<16xf32>
          %sub3A_1609 = arith.subf %min3A_1607, %max3A_1608 : vector<16xf32>
          %max3A_1610 = arith.constant 0.000000e+00 : f32
          %max3A_1611 = vector.broadcast %max3A_1610 : f32 to vector<16xf32>
          %max3A_1612 = arith.maximumf %sub3A_1606, %max3A_1611 : vector<16xf32>
          %max3A_1613 = arith.constant 0.000000e+00 : f32
          %max3A_1614 = vector.broadcast %max3A_1613 : f32 to vector<16xf32>
          %max3A_1615 = arith.maximumf %sub3A_1609, %max3A_1614 : vector<16xf32>
          %mul3A_1616 = arith.mulf %max3A_1612, %max3A_1615 : vector<16xf32>
          %sub3A_1617 = arith.subf %mul3A_1616, %gather3A_1573 : vector<16xf32>
          %max3A_1618 = arith.maximumf %max3A_1549, %sub3A_1617 : vector<16xf32>
          %min3A_1619 = arith.minimumf %gather3A_820, %gather3A_1571 : vector<16xf32>
          %max3A_1620 = arith.maximumf %gather3A_812, %gather3A_1569 : vector<16xf32>
          %sub3A_1621 = arith.subf %min3A_1619, %max3A_1620 : vector<16xf32>
          %min3A_1622 = arith.minimumf %gather3A_824, %gather3A_1572 : vector<16xf32>
          %max3A_1623 = arith.maximumf %gather3A_816, %gather3A_1570 : vector<16xf32>
          %sub3A_1624 = arith.subf %min3A_1622, %max3A_1623 : vector<16xf32>
          %max3A_1625 = arith.constant 0.000000e+00 : f32
          %max3A_1626 = vector.broadcast %max3A_1625 : f32 to vector<16xf32>
          %max3A_1627 = arith.maximumf %sub3A_1621, %max3A_1626 : vector<16xf32>
          %max3A_1628 = arith.constant 0.000000e+00 : f32
          %max3A_1629 = vector.broadcast %max3A_1628 : f32 to vector<16xf32>
          %max3A_1630 = arith.maximumf %sub3A_1624, %max3A_1629 : vector<16xf32>
          %mul3A_1631 = arith.mulf %max3A_1627, %max3A_1630 : vector<16xf32>
          %sub3A_1632 = arith.subf %mul3A_1631, %gather3A_1573 : vector<16xf32>
          %max3A_1633 = arith.maximumf %max3A_1564, %sub3A_1632 : vector<16xf32>
          scf.yield %max3A_1588, %max3A_1603, %max3A_1618, %max3A_1633 : vector<16xf32>, vector<16xf32>, vector<16xf32>, vector<16xf32>
        }
        %gt3A_844 = arith.cmpf ogt, %while3A_843#0, %gather3A_735 : vector<16xf32>
        %all_reduce_population_count3A_845 = tpu.all_reduce %gt3A_844 {dim = 0 : i64, kind = #tpu.reduction_kind<sum>} : vector<16xi1> -> vector<16xi32>
        %min3A_846 = arith.minimumf %gather3A_727, %gather3A_59 : vector<16xf32>
        %max3A_847 = arith.maximumf %gather3A_719, %gather3A_51 : vector<16xf32>
        %sub3A_848 = arith.subf %min3A_846, %max3A_847 : vector<16xf32>
        %min3A_849 = arith.minimumf %gather3A_731, %gather3A_63 : vector<16xf32>
        %max3A_850 = arith.maximumf %gather3A_723, %gather3A_55 : vector<16xf32>
        %sub3A_851 = arith.subf %min3A_849, %max3A_850 : vector<16xf32>
        %max3A_852 = arith.constant 0.000000e+00 : f32
        %max3A_853 = vector.broadcast %max3A_852 : f32 to vector<16xf32>
        %max3A_854 = arith.maximumf %sub3A_848, %max3A_853 : vector<16xf32>
        %max3A_855 = arith.constant 0.000000e+00 : f32
        %max3A_856 = vector.broadcast %max3A_855 : f32 to vector<16xf32>
        %max3A_857 = arith.maximumf %sub3A_851, %max3A_856 : vector<16xf32>
        %mul3A_858 = arith.mulf %max3A_854, %max3A_857 : vector<16xf32>
        %sub3A_859 = arith.subf %mul3A_858, %gather3A_67 : vector<16xf32>
        %gt3A_860 = arith.cmpf ogt, %sub3A_859, %gather3A_735 : vector<16xf32>
        %and3A_861 = arith.andi %gt3A_860, %or3A_706 : vector<16xi1>
        %lt3A_862 = arith.constant 8 : i32
        %lt3A_863 = vector.broadcast %lt3A_862 : i32 to vector<16xi32>
        %lt3A_864 = arith.cmpi slt, %iota3A, %lt3A_863 : vector<16xi32>
        %and3A_865 = arith.andi %and3A_861, %lt3A_864 : vector<16xi1>
        %all_reduce_population_count3A_866 = tpu.all_reduce %and3A_865 {dim = 0 : i64, kind = #tpu.reduction_kind<sum>} : vector<16xi1> -> vector<16xi32>
        %eq3A_867 = arith.constant 0 : i32
        %eq3A_868 = vector.broadcast %eq3A_867 : i32 to vector<16xi32>
        %eq3A_869 = arith.cmpi eq, %all_reduce_population_count3A_845, %eq3A_868 : vector<16xi32>
        %eq3A_870 = arith.constant 0 : i32
        %eq3A_871 = vector.broadcast %eq3A_870 : i32 to vector<16xi32>
        %eq3A_872 = arith.cmpi eq, %all_reduce_population_count3A_866, %eq3A_871 : vector<16xi32>
        %and3A_873 = arith.andi %eq3A_869, %eq3A_872 : vector<16xi1>
        %gt3A_874 = arith.constant 0.000000e+00 : f32
        %gt3A_875 = vector.broadcast %gt3A_874 : f32 to vector<16xf32>
        %gt3A_876 = arith.cmpf ogt, %gather3A_739, %gt3A_875 : vector<16xf32>
        %and3A_877 = arith.andi %and3A_873, %gt3A_876 : vector<16xi1>
        %add3A_878 = arith.addi %broadcast_in_dim3A_71, %add3A_708 : vector<16xi32>
        %lt3A_879 = arith.cmpi slt, %add3A_878, %broadcast_in_dim3A_23 : vector<16xi32>
        %and3A_880 = arith.andi %and3A_877, %lt3A_879 : vector<16xi1>
        %eq3A_881 = arith.constant 8 : i32
        %eq3A_882 = vector.broadcast %eq3A_881 : i32 to vector<16xi32>
        %eq3A_883 = arith.cmpi eq, %iota3A, %eq3A_882 : vector<16xi32>
        %and3A_884 = arith.andi %eq3A_883, %and3A_880 : vector<16xi1>
        %or3A_885 = arith.ori %or3A_706, %and3A_884 : vector<16xi1>
        %convert_element_type3A_886 = arith.extui %and3A_880 : vector<16xi1> to vector<16xi32>
        %add3A_887 = arith.addi %add3A_708, %convert_element_type3A_886 : vector<16xi32>
        %gt3A_888 = arith.cmpf ogt, %while3A_843#1, %gather3A_766 : vector<16xf32>
        %all_reduce_population_count3A_889 = tpu.all_reduce %gt3A_888 {dim = 0 : i64, kind = #tpu.reduction_kind<sum>} : vector<16xi1> -> vector<16xi32>
        %min3A_890 = arith.minimumf %gather3A_758, %gather3A_59 : vector<16xf32>
        %max3A_891 = arith.maximumf %gather3A_750, %gather3A_51 : vector<16xf32>
        %sub3A_892 = arith.subf %min3A_890, %max3A_891 : vector<16xf32>
        %min3A_893 = arith.minimumf %gather3A_762, %gather3A_63 : vector<16xf32>
        %max3A_894 = arith.maximumf %gather3A_754, %gather3A_55 : vector<16xf32>
        %sub3A_895 = arith.subf %min3A_893, %max3A_894 : vector<16xf32>
        %max3A_896 = arith.constant 0.000000e+00 : f32
        %max3A_897 = vector.broadcast %max3A_896 : f32 to vector<16xf32>
        %max3A_898 = arith.maximumf %sub3A_892, %max3A_897 : vector<16xf32>
        %max3A_899 = arith.constant 0.000000e+00 : f32
        %max3A_900 = vector.broadcast %max3A_899 : f32 to vector<16xf32>
        %max3A_901 = arith.maximumf %sub3A_895, %max3A_900 : vector<16xf32>
        %mul3A_902 = arith.mulf %max3A_898, %max3A_901 : vector<16xf32>
        %sub3A_903 = arith.subf %mul3A_902, %gather3A_67 : vector<16xf32>
        %gt3A_904 = arith.cmpf ogt, %sub3A_903, %gather3A_766 : vector<16xf32>
        %and3A_905 = arith.andi %gt3A_904, %or3A_885 : vector<16xi1>
        %lt3A_906 = arith.constant 9 : i32
        %lt3A_907 = vector.broadcast %lt3A_906 : i32 to vector<16xi32>
        %lt3A_908 = arith.cmpi slt, %iota3A, %lt3A_907 : vector<16xi32>
        %and3A_909 = arith.andi %and3A_905, %lt3A_908 : vector<16xi1>
        %all_reduce_population_count3A_910 = tpu.all_reduce %and3A_909 {dim = 0 : i64, kind = #tpu.reduction_kind<sum>} : vector<16xi1> -> vector<16xi32>
        %eq3A_911 = arith.constant 0 : i32
        %eq3A_912 = vector.broadcast %eq3A_911 : i32 to vector<16xi32>
        %eq3A_913 = arith.cmpi eq, %all_reduce_population_count3A_889, %eq3A_912 : vector<16xi32>
        %eq3A_914 = arith.constant 0 : i32
        %eq3A_915 = vector.broadcast %eq3A_914 : i32 to vector<16xi32>
        %eq3A_916 = arith.cmpi eq, %all_reduce_population_count3A_910, %eq3A_915 : vector<16xi32>
        %and3A_917 = arith.andi %eq3A_913, %eq3A_916 : vector<16xi1>
        %gt3A_918 = arith.constant 0.000000e+00 : f32
        %gt3A_919 = vector.broadcast %gt3A_918 : f32 to vector<16xf32>
        %gt3A_920 = arith.cmpf ogt, %gather3A_770, %gt3A_919 : vector<16xf32>
        %and3A_921 = arith.andi %and3A_917, %gt3A_920 : vector<16xi1>
        %add3A_922 = arith.addi %broadcast_in_dim3A_71, %add3A_887 : vector<16xi32>
        %lt3A_923 = arith.cmpi slt, %add3A_922, %broadcast_in_dim3A_23 : vector<16xi32>
        %and3A_924 = arith.andi %and3A_921, %lt3A_923 : vector<16xi1>
        %eq3A_925 = arith.constant 9 : i32
        %eq3A_926 = vector.broadcast %eq3A_925 : i32 to vector<16xi32>
        %eq3A_927 = arith.cmpi eq, %iota3A, %eq3A_926 : vector<16xi32>
        %and3A_928 = arith.andi %eq3A_927, %and3A_924 : vector<16xi1>
        %or3A_929 = arith.ori %or3A_885, %and3A_928 : vector<16xi1>
        %convert_element_type3A_930 = arith.extui %and3A_924 : vector<16xi1> to vector<16xi32>
        %add3A_931 = arith.addi %add3A_887, %convert_element_type3A_930 : vector<16xi32>
        %gt3A_932 = arith.cmpf ogt, %while3A_843#2, %gather3A_797 : vector<16xf32>
        %all_reduce_population_count3A_933 = tpu.all_reduce %gt3A_932 {dim = 0 : i64, kind = #tpu.reduction_kind<sum>} : vector<16xi1> -> vector<16xi32>
        %min3A_934 = arith.minimumf %gather3A_789, %gather3A_59 : vector<16xf32>
        %max3A_935 = arith.maximumf %gather3A_781, %gather3A_51 : vector<16xf32>
        %sub3A_936 = arith.subf %min3A_934, %max3A_935 : vector<16xf32>
        %min3A_937 = arith.minimumf %gather3A_793, %gather3A_63 : vector<16xf32>
        %max3A_938 = arith.maximumf %gather3A_785, %gather3A_55 : vector<16xf32>
        %sub3A_939 = arith.subf %min3A_937, %max3A_938 : vector<16xf32>
        %max3A_940 = arith.constant 0.000000e+00 : f32
        %max3A_941 = vector.broadcast %max3A_940 : f32 to vector<16xf32>
        %max3A_942 = arith.maximumf %sub3A_936, %max3A_941 : vector<16xf32>
        %max3A_943 = arith.constant 0.000000e+00 : f32
        %max3A_944 = vector.broadcast %max3A_943 : f32 to vector<16xf32>
        %max3A_945 = arith.maximumf %sub3A_939, %max3A_944 : vector<16xf32>
        %mul3A_946 = arith.mulf %max3A_942, %max3A_945 : vector<16xf32>
        %sub3A_947 = arith.subf %mul3A_946, %gather3A_67 : vector<16xf32>
        %gt3A_948 = arith.cmpf ogt, %sub3A_947, %gather3A_797 : vector<16xf32>
        %and3A_949 = arith.andi %gt3A_948, %or3A_929 : vector<16xi1>
        %lt3A_950 = arith.constant 10 : i32
        %lt3A_951 = vector.broadcast %lt3A_950 : i32 to vector<16xi32>
        %lt3A_952 = arith.cmpi slt, %iota3A, %lt3A_951 : vector<16xi32>
        %and3A_953 = arith.andi %and3A_949, %lt3A_952 : vector<16xi1>
        %all_reduce_population_count3A_954 = tpu.all_reduce %and3A_953 {dim = 0 : i64, kind = #tpu.reduction_kind<sum>} : vector<16xi1> -> vector<16xi32>
        %eq3A_955 = arith.constant 0 : i32
        %eq3A_956 = vector.broadcast %eq3A_955 : i32 to vector<16xi32>
        %eq3A_957 = arith.cmpi eq, %all_reduce_population_count3A_933, %eq3A_956 : vector<16xi32>
        %eq3A_958 = arith.constant 0 : i32
        %eq3A_959 = vector.broadcast %eq3A_958 : i32 to vector<16xi32>
        %eq3A_960 = arith.cmpi eq, %all_reduce_population_count3A_954, %eq3A_959 : vector<16xi32>
        %and3A_961 = arith.andi %eq3A_957, %eq3A_960 : vector<16xi1>
        %gt3A_962 = arith.constant 0.000000e+00 : f32
        %gt3A_963 = vector.broadcast %gt3A_962 : f32 to vector<16xf32>
        %gt3A_964 = arith.cmpf ogt, %gather3A_801, %gt3A_963 : vector<16xf32>
        %and3A_965 = arith.andi %and3A_961, %gt3A_964 : vector<16xi1>
        %add3A_966 = arith.addi %broadcast_in_dim3A_71, %add3A_931 : vector<16xi32>
        %lt3A_967 = arith.cmpi slt, %add3A_966, %broadcast_in_dim3A_23 : vector<16xi32>
        %and3A_968 = arith.andi %and3A_965, %lt3A_967 : vector<16xi1>
        %eq3A_969 = arith.constant 10 : i32
        %eq3A_970 = vector.broadcast %eq3A_969 : i32 to vector<16xi32>
        %eq3A_971 = arith.cmpi eq, %iota3A, %eq3A_970 : vector<16xi32>
        %and3A_972 = arith.andi %eq3A_971, %and3A_968 : vector<16xi1>
        %or3A_973 = arith.ori %or3A_929, %and3A_972 : vector<16xi1>
        %convert_element_type3A_974 = arith.extui %and3A_968 : vector<16xi1> to vector<16xi32>
        %add3A_975 = arith.addi %add3A_931, %convert_element_type3A_974 : vector<16xi32>
        %gt3A_976 = arith.cmpf ogt, %while3A_843#3, %gather3A_828 : vector<16xf32>
        %all_reduce_population_count3A_977 = tpu.all_reduce %gt3A_976 {dim = 0 : i64, kind = #tpu.reduction_kind<sum>} : vector<16xi1> -> vector<16xi32>
        %min3A_978 = arith.minimumf %gather3A_820, %gather3A_59 : vector<16xf32>
        %max3A_979 = arith.maximumf %gather3A_812, %gather3A_51 : vector<16xf32>
        %sub3A_980 = arith.subf %min3A_978, %max3A_979 : vector<16xf32>
        %min3A_981 = arith.minimumf %gather3A_824, %gather3A_63 : vector<16xf32>
        %max3A_982 = arith.maximumf %gather3A_816, %gather3A_55 : vector<16xf32>
        %sub3A_983 = arith.subf %min3A_981, %max3A_982 : vector<16xf32>
        %max3A_984 = arith.constant 0.000000e+00 : f32
        %max3A_985 = vector.broadcast %max3A_984 : f32 to vector<16xf32>
        %max3A_986 = arith.maximumf %sub3A_980, %max3A_985 : vector<16xf32>
        %max3A_987 = arith.constant 0.000000e+00 : f32
        %max3A_988 = vector.broadcast %max3A_987 : f32 to vector<16xf32>
        %max3A_989 = arith.maximumf %sub3A_983, %max3A_988 : vector<16xf32>
        %mul3A_990 = arith.mulf %max3A_986, %max3A_989 : vector<16xf32>
        %sub3A_991 = arith.subf %mul3A_990, %gather3A_67 : vector<16xf32>
        %gt3A_992 = arith.cmpf ogt, %sub3A_991, %gather3A_828 : vector<16xf32>
        %and3A_993 = arith.andi %gt3A_992, %or3A_973 : vector<16xi1>
        %lt3A_994 = arith.constant 11 : i32
        %lt3A_995 = vector.broadcast %lt3A_994 : i32 to vector<16xi32>
        %lt3A_996 = arith.cmpi slt, %iota3A, %lt3A_995 : vector<16xi32>
        %and3A_997 = arith.andi %and3A_993, %lt3A_996 : vector<16xi1>
        %all_reduce_population_count3A_998 = tpu.all_reduce %and3A_997 {dim = 0 : i64, kind = #tpu.reduction_kind<sum>} : vector<16xi1> -> vector<16xi32>
        %eq3A_999 = arith.constant 0 : i32
        %eq3A_1000 = vector.broadcast %eq3A_999 : i32 to vector<16xi32>
        %eq3A_1001 = arith.cmpi eq, %all_reduce_population_count3A_977, %eq3A_1000 : vector<16xi32>
        %eq3A_1002 = arith.constant 0 : i32
        %eq3A_1003 = vector.broadcast %eq3A_1002 : i32 to vector<16xi32>
        %eq3A_1004 = arith.cmpi eq, %all_reduce_population_count3A_998, %eq3A_1003 : vector<16xi32>
        %and3A_1005 = arith.andi %eq3A_1001, %eq3A_1004 : vector<16xi1>
        %gt3A_1006 = arith.constant 0.000000e+00 : f32
        %gt3A_1007 = vector.broadcast %gt3A_1006 : f32 to vector<16xf32>
        %gt3A_1008 = arith.cmpf ogt, %gather3A_832, %gt3A_1007 : vector<16xf32>
        %and3A_1009 = arith.andi %and3A_1005, %gt3A_1008 : vector<16xi1>
        %add3A_1010 = arith.addi %broadcast_in_dim3A_71, %add3A_975 : vector<16xi32>
        %lt3A_1011 = arith.cmpi slt, %add3A_1010, %broadcast_in_dim3A_23 : vector<16xi32>
        %and3A_1012 = arith.andi %and3A_1009, %lt3A_1011 : vector<16xi1>
        %eq3A_1013 = arith.constant 11 : i32
        %eq3A_1014 = vector.broadcast %eq3A_1013 : i32 to vector<16xi32>
        %eq3A_1015 = arith.cmpi eq, %iota3A, %eq3A_1014 : vector<16xi32>
        %and3A_1016 = arith.andi %eq3A_1015, %and3A_1012 : vector<16xi1>
        %or3A_1017 = arith.ori %or3A_973, %and3A_1016 : vector<16xi1>
        %convert_element_type3A_1018 = arith.extui %and3A_1012 : vector<16xi1> to vector<16xi32>
        %add3A_1019 = arith.addi %add3A_975, %convert_element_type3A_1018 : vector<16xi32>
        %add3A_1020 = arith.constant 12 : i32
        %add3A_1021 = arith.addi %while3A_37, %add3A_1020 : i32
        %broadcast_in_dim3A_1022 = vector.broadcast %add3A_1021 : i32 to vector<16xi32>
        %gather3A_1023 = tpu.vector_load_idx %arg6[%broadcast_in_dim3A_1022] : memref<5000xi32, #tpu.memory_space<vmem>>[vector<16xi32>], vector<16xi32>,
        %mul3A_1024 = arith.constant 16 : i32
        %mul3A_1025 = vector.broadcast %mul3A_1024 : i32 to vector<16xi32>
        %mul3A_1026 = arith.muli %gather3A_1023, %mul3A_1025 : vector<16xi32>
        %add3A_1027 = arith.constant 6 : i32
        %add3A_1028 = vector.broadcast %add3A_1027 : i32 to vector<16xi32>
        %add3A_1029 = arith.addi %mul3A_1026, %add3A_1028 : vector<16xi32>
        %gather3A_1030 = tpu.vector_load_idx %arg5[%add3A_1029] : memref<80000xf32, #tpu.memory_space<vmem>>[vector<16xi32>], vector<16xf32>,
        %add3A_1031 = arith.constant 7 : i32
        %add3A_1032 = vector.broadcast %add3A_1031 : i32 to vector<16xi32>
        %add3A_1033 = arith.addi %mul3A_1026, %add3A_1032 : vector<16xi32>
        %gather3A_1034 = tpu.vector_load_idx %arg5[%add3A_1033] : memref<80000xf32, #tpu.memory_space<vmem>>[vector<16xi32>], vector<16xf32>,
        %add3A_1035 = arith.constant 8 : i32
        %add3A_1036 = vector.broadcast %add3A_1035 : i32 to vector<16xi32>
        %add3A_1037 = arith.addi %mul3A_1026, %add3A_1036 : vector<16xi32>
        %gather3A_1038 = tpu.vector_load_idx %arg5[%add3A_1037] : memref<80000xf32, #tpu.memory_space<vmem>>[vector<16xi32>], vector<16xf32>,
        %add3A_1039 = arith.constant 9 : i32
        %add3A_1040 = vector.broadcast %add3A_1039 : i32 to vector<16xi32>
        %add3A_1041 = arith.addi %mul3A_1026, %add3A_1040 : vector<16xi32>
        %gather3A_1042 = tpu.vector_load_idx %arg5[%add3A_1041] : memref<80000xf32, #tpu.memory_space<vmem>>[vector<16xi32>], vector<16xf32>,
        %add3A_1043 = arith.constant 11 : i32
        %add3A_1044 = vector.broadcast %add3A_1043 : i32 to vector<16xi32>
        %add3A_1045 = arith.addi %mul3A_1026, %add3A_1044 : vector<16xi32>
        %gather3A_1046 = tpu.vector_load_idx %arg5[%add3A_1045] : memref<80000xf32, #tpu.memory_space<vmem>>[vector<16xi32>], vector<16xf32>,
        %add3A_1047 = arith.constant 0 : i32
        %add3A_1048 = vector.broadcast %add3A_1047 : i32 to vector<16xi32>
        %add3A_1049 = arith.addi %mul3A_1026, %add3A_1048 : vector<16xi32>
        %gather3A_1050 = tpu.vector_load_idx %arg5[%add3A_1049] : memref<80000xf32, #tpu.memory_space<vmem>>[vector<16xi32>], vector<16xf32>,
        %add3A_1051 = arith.constant 13 : i32
        %add3A_1052 = arith.addi %while3A_37, %add3A_1051 : i32
        %broadcast_in_dim3A_1053 = vector.broadcast %add3A_1052 : i32 to vector<16xi32>
        %gather3A_1054 = tpu.vector_load_idx %arg6[%broadcast_in_dim3A_1053] : memref<5000xi32, #tpu.memory_space<vmem>>[vector<16xi32>], vector<16xi32>,
        %mul3A_1055 = arith.constant 16 : i32
        %mul3A_1056 = vector.broadcast %mul3A_1055 : i32 to vector<16xi32>
        %mul3A_1057 = arith.muli %gather3A_1054, %mul3A_1056 : vector<16xi32>
        %add3A_1058 = arith.constant 6 : i32
        %add3A_1059 = vector.broadcast %add3A_1058 : i32 to vector<16xi32>
        %add3A_1060 = arith.addi %mul3A_1057, %add3A_1059 : vector<16xi32>
        %gather3A_1061 = tpu.vector_load_idx %arg5[%add3A_1060] : memref<80000xf32, #tpu.memory_space<vmem>>[vector<16xi32>], vector<16xf32>,
        %add3A_1062 = arith.constant 7 : i32
        %add3A_1063 = vector.broadcast %add3A_1062 : i32 to vector<16xi32>
        %add3A_1064 = arith.addi %mul3A_1057, %add3A_1063 : vector<16xi32>
        %gather3A_1065 = tpu.vector_load_idx %arg5[%add3A_1064] : memref<80000xf32, #tpu.memory_space<vmem>>[vector<16xi32>], vector<16xf32>,
        %add3A_1066 = arith.constant 8 : i32
        %add3A_1067 = vector.broadcast %add3A_1066 : i32 to vector<16xi32>
        %add3A_1068 = arith.addi %mul3A_1057, %add3A_1067 : vector<16xi32>
        %gather3A_1069 = tpu.vector_load_idx %arg5[%add3A_1068] : memref<80000xf32, #tpu.memory_space<vmem>>[vector<16xi32>], vector<16xf32>,
        %add3A_1070 = arith.constant 9 : i32
        %add3A_1071 = vector.broadcast %add3A_1070 : i32 to vector<16xi32>
        %add3A_1072 = arith.addi %mul3A_1057, %add3A_1071 : vector<16xi32>
        %gather3A_1073 = tpu.vector_load_idx %arg5[%add3A_1072] : memref<80000xf32, #tpu.memory_space<vmem>>[vector<16xi32>], vector<16xf32>,
        %add3A_1074 = arith.constant 11 : i32
        %add3A_1075 = vector.broadcast %add3A_1074 : i32 to vector<16xi32>
        %add3A_1076 = arith.addi %mul3A_1057, %add3A_1075 : vector<16xi32>
        %gather3A_1077 = tpu.vector_load_idx %arg5[%add3A_1076] : memref<80000xf32, #tpu.memory_space<vmem>>[vector<16xi32>], vector<16xf32>,
        %add3A_1078 = arith.constant 0 : i32
        %add3A_1079 = vector.broadcast %add3A_1078 : i32 to vector<16xi32>
        %add3A_1080 = arith.addi %mul3A_1057, %add3A_1079 : vector<16xi32>
        %gather3A_1081 = tpu.vector_load_idx %arg5[%add3A_1080] : memref<80000xf32, #tpu.memory_space<vmem>>[vector<16xi32>], vector<16xf32>,
        %add3A_1082 = arith.constant 14 : i32
        %add3A_1083 = arith.addi %while3A_37, %add3A_1082 : i32
        %broadcast_in_dim3A_1084 = vector.broadcast %add3A_1083 : i32 to vector<16xi32>
        %gather3A_1085 = tpu.vector_load_idx %arg6[%broadcast_in_dim3A_1084] : memref<5000xi32, #tpu.memory_space<vmem>>[vector<16xi32>], vector<16xi32>,
        %mul3A_1086 = arith.constant 16 : i32
        %mul3A_1087 = vector.broadcast %mul3A_1086 : i32 to vector<16xi32>
        %mul3A_1088 = arith.muli %gather3A_1085, %mul3A_1087 : vector<16xi32>
        %add3A_1089 = arith.constant 6 : i32
        %add3A_1090 = vector.broadcast %add3A_1089 : i32 to vector<16xi32>
        %add3A_1091 = arith.addi %mul3A_1088, %add3A_1090 : vector<16xi32>
        %gather3A_1092 = tpu.vector_load_idx %arg5[%add3A_1091] : memref<80000xf32, #tpu.memory_space<vmem>>[vector<16xi32>], vector<16xf32>,
        %add3A_1093 = arith.constant 7 : i32
        %add3A_1094 = vector.broadcast %add3A_1093 : i32 to vector<16xi32>
        %add3A_1095 = arith.addi %mul3A_1088, %add3A_1094 : vector<16xi32>
        %gather3A_1096 = tpu.vector_load_idx %arg5[%add3A_1095] : memref<80000xf32, #tpu.memory_space<vmem>>[vector<16xi32>], vector<16xf32>,
        %add3A_1097 = arith.constant 8 : i32
        %add3A_1098 = vector.broadcast %add3A_1097 : i32 to vector<16xi32>
        %add3A_1099 = arith.addi %mul3A_1088, %add3A_1098 : vector<16xi32>
        %gather3A_1100 = tpu.vector_load_idx %arg5[%add3A_1099] : memref<80000xf32, #tpu.memory_space<vmem>>[vector<16xi32>], vector<16xf32>,
        %add3A_1101 = arith.constant 9 : i32
        %add3A_1102 = vector.broadcast %add3A_1101 : i32 to vector<16xi32>
        %add3A_1103 = arith.addi %mul3A_1088, %add3A_1102 : vector<16xi32>
        %gather3A_1104 = tpu.vector_load_idx %arg5[%add3A_1103] : memref<80000xf32, #tpu.memory_space<vmem>>[vector<16xi32>], vector<16xf32>,
        %add3A_1105 = arith.constant 11 : i32
        %add3A_1106 = vector.broadcast %add3A_1105 : i32 to vector<16xi32>
        %add3A_1107 = arith.addi %mul3A_1088, %add3A_1106 : vector<16xi32>
        %gather3A_1108 = tpu.vector_load_idx %arg5[%add3A_1107] : memref<80000xf32, #tpu.memory_space<vmem>>[vector<16xi32>], vector<16xf32>,
        %add3A_1109 = arith.constant 0 : i32
        %add3A_1110 = vector.broadcast %add3A_1109 : i32 to vector<16xi32>
        %add3A_1111 = arith.addi %mul3A_1088, %add3A_1110 : vector<16xi32>
        %gather3A_1112 = tpu.vector_load_idx %arg5[%add3A_1111] : memref<80000xf32, #tpu.memory_space<vmem>>[vector<16xi32>], vector<16xf32>,
        %add3A_1113 = arith.constant 15 : i32
        %add3A_1114 = arith.addi %while3A_37, %add3A_1113 : i32
        %broadcast_in_dim3A_1115 = vector.broadcast %add3A_1114 : i32 to vector<16xi32>
        %gather3A_1116 = tpu.vector_load_idx %arg6[%broadcast_in_dim3A_1115] : memref<5000xi32, #tpu.memory_space<vmem>>[vector<16xi32>], vector<16xi32>,
        %mul3A_1117 = arith.constant 16 : i32
        %mul3A_1118 = vector.broadcast %mul3A_1117 : i32 to vector<16xi32>
        %mul3A_1119 = arith.muli %gather3A_1116, %mul3A_1118 : vector<16xi32>
        %add3A_1120 = arith.constant 6 : i32
        %add3A_1121 = vector.broadcast %add3A_1120 : i32 to vector<16xi32>
        %add3A_1122 = arith.addi %mul3A_1119, %add3A_1121 : vector<16xi32>
        %gather3A_1123 = tpu.vector_load_idx %arg5[%add3A_1122] : memref<80000xf32, #tpu.memory_space<vmem>>[vector<16xi32>], vector<16xf32>,
        %add3A_1124 = arith.constant 7 : i32
        %add3A_1125 = vector.broadcast %add3A_1124 : i32 to vector<16xi32>
        %add3A_1126 = arith.addi %mul3A_1119, %add3A_1125 : vector<16xi32>
        %gather3A_1127 = tpu.vector_load_idx %arg5[%add3A_1126] : memref<80000xf32, #tpu.memory_space<vmem>>[vector<16xi32>], vector<16xf32>,
        %add3A_1128 = arith.constant 8 : i32
        %add3A_1129 = vector.broadcast %add3A_1128 : i32 to vector<16xi32>
        %add3A_1130 = arith.addi %mul3A_1119, %add3A_1129 : vector<16xi32>
        %gather3A_1131 = tpu.vector_load_idx %arg5[%add3A_1130] : memref<80000xf32, #tpu.memory_space<vmem>>[vector<16xi32>], vector<16xf32>,
        %add3A_1132 = arith.constant 9 : i32
        %add3A_1133 = vector.broadcast %add3A_1132 : i32 to vector<16xi32>
        %add3A_1134 = arith.addi %mul3A_1119, %add3A_1133 : vector<16xi32>
        %gather3A_1135 = tpu.vector_load_idx %arg5[%add3A_1134] : memref<80000xf32, #tpu.memory_space<vmem>>[vector<16xi32>], vector<16xf32>,
        %add3A_1136 = arith.constant 11 : i32
        %add3A_1137 = vector.broadcast %add3A_1136 : i32 to vector<16xi32>
        %add3A_1138 = arith.addi %mul3A_1119, %add3A_1137 : vector<16xi32>
        %gather3A_1139 = tpu.vector_load_idx %arg5[%add3A_1138] : memref<80000xf32, #tpu.memory_space<vmem>>[vector<16xi32>], vector<16xf32>,
        %add3A_1140 = arith.constant 0 : i32
        %add3A_1141 = vector.broadcast %add3A_1140 : i32 to vector<16xi32>
        %add3A_1142 = arith.addi %mul3A_1119, %add3A_1141 : vector<16xi32>
        %gather3A_1143 = tpu.vector_load_idx %arg5[%add3A_1142] : memref<80000xf32, #tpu.memory_space<vmem>>[vector<16xi32>], vector<16xf32>,
        %while3A_1144 = arith.constant 0 : i32
        %while3A_1145 = arith.subi %select_n3A, %while3A_1144 : i32
        %while3A_1146 = arith.addi %while3A_1144, %while3A_1145 : i32
        %while3A_1147 = arith.constant 1 : i32
        %while3A_1148 = arith.divsi %while3A_1145, %while3A_1147 : i32
        %while3A_1149 = arith.muli %while3A_1148, %while3A_1147 : i32
        %while3A_1150 = arith.addi %while3A_1144, %while3A_1149 : i32
        %while3A_1151 = arith.constant 1 : i32
        %while3A_1152:4 = scf.for %while3A_1351 = %while3A_1144 to %while3A_1150 step %while3A_1151 iter_args(%while3A_1352 = %broadcast_in_dim3A_25, %while3A_1353 = %broadcast_in_dim3A_25, %while3A_1354 = %broadcast_in_dim3A_25, %while3A_1355 = %broadcast_in_dim3A_25) -> (vector<16xf32>, vector<16xf32>, vector<16xf32>, vector<16xf32>)  : i32 {
          %mul3A_1356 = arith.constant 64 : i32
          %mul3A_1357 = arith.muli %while3A_1351, %mul3A_1356 : i32
          %add3A_1358 = arith.constant 0 : i32
          %add3A_1359 = arith.addi %mul3A_1357, %add3A_1358 : i32
          %add3A_1360 = vector.broadcast %add3A_1359 : i32 to vector<16xi32>
          %add3A_1361 = arith.addi %add3A_1360, %iota3A : vector<16xi32>
          %gather3A_1362 = tpu.vector_load_idx %arg7[%add3A_1361] : memref<320xf32, #tpu.memory_space<vmem>>[vector<16xi32>], vector<16xf32>,
          %gather3A_1363 = tpu.vector_load_idx %arg8[%add3A_1361] : memref<320xf32, #tpu.memory_space<vmem>>[vector<16xi32>], vector<16xf32>,
          %gather3A_1364 = tpu.vector_load_idx %arg9[%add3A_1361] : memref<320xf32, #tpu.memory_space<vmem>>[vector<16xi32>], vector<16xf32>,
          %gather3A_1365 = tpu.vector_load_idx %arg10[%add3A_1361] : memref<320xf32, #tpu.memory_space<vmem>>[vector<16xi32>], vector<16xf32>,
          %gather3A_1366 = tpu.vector_load_idx %arg11[%add3A_1361] : memref<320xf32, #tpu.memory_space<vmem>>[vector<16xi32>], vector<16xf32>,
          %min3A_1367 = arith.minimumf %gather3A_1038, %gather3A_1364 : vector<16xf32>
          %max3A_1368 = arith.maximumf %gather3A_1030, %gather3A_1362 : vector<16xf32>
          %sub3A_1369 = arith.subf %min3A_1367, %max3A_1368 : vector<16xf32>
          %min3A_1370 = arith.minimumf %gather3A_1042, %gather3A_1365 : vector<16xf32>
          %max3A_1371 = arith.maximumf %gather3A_1034, %gather3A_1363 : vector<16xf32>
          %sub3A_1372 = arith.subf %min3A_1370, %max3A_1371 : vector<16xf32>
          %max3A_1373 = arith.constant 0.000000e+00 : f32
          %max3A_1374 = vector.broadcast %max3A_1373 : f32 to vector<16xf32>
          %max3A_1375 = arith.maximumf %sub3A_1369, %max3A_1374 : vector<16xf32>
          %max3A_1376 = arith.constant 0.000000e+00 : f32
          %max3A_1377 = vector.broadcast %max3A_1376 : f32 to vector<16xf32>
          %max3A_1378 = arith.maximumf %sub3A_1372, %max3A_1377 : vector<16xf32>
          %mul3A_1379 = arith.mulf %max3A_1375, %max3A_1378 : vector<16xf32>
          %sub3A_1380 = arith.subf %mul3A_1379, %gather3A_1366 : vector<16xf32>
          %max3A_1381 = arith.maximumf %while3A_1352, %sub3A_1380 : vector<16xf32>
          %min3A_1382 = arith.minimumf %gather3A_1069, %gather3A_1364 : vector<16xf32>
          %max3A_1383 = arith.maximumf %gather3A_1061, %gather3A_1362 : vector<16xf32>
          %sub3A_1384 = arith.subf %min3A_1382, %max3A_1383 : vector<16xf32>
          %min3A_1385 = arith.minimumf %gather3A_1073, %gather3A_1365 : vector<16xf32>
          %max3A_1386 = arith.maximumf %gather3A_1065, %gather3A_1363 : vector<16xf32>
          %sub3A_1387 = arith.subf %min3A_1385, %max3A_1386 : vector<16xf32>
          %max3A_1388 = arith.constant 0.000000e+00 : f32
          %max3A_1389 = vector.broadcast %max3A_1388 : f32 to vector<16xf32>
          %max3A_1390 = arith.maximumf %sub3A_1384, %max3A_1389 : vector<16xf32>
          %max3A_1391 = arith.constant 0.000000e+00 : f32
          %max3A_1392 = vector.broadcast %max3A_1391 : f32 to vector<16xf32>
          %max3A_1393 = arith.maximumf %sub3A_1387, %max3A_1392 : vector<16xf32>
          %mul3A_1394 = arith.mulf %max3A_1390, %max3A_1393 : vector<16xf32>
          %sub3A_1395 = arith.subf %mul3A_1394, %gather3A_1366 : vector<16xf32>
          %max3A_1396 = arith.maximumf %while3A_1353, %sub3A_1395 : vector<16xf32>
          %min3A_1397 = arith.minimumf %gather3A_1100, %gather3A_1364 : vector<16xf32>
          %max3A_1398 = arith.maximumf %gather3A_1092, %gather3A_1362 : vector<16xf32>
          %sub3A_1399 = arith.subf %min3A_1397, %max3A_1398 : vector<16xf32>
          %min3A_1400 = arith.minimumf %gather3A_1104, %gather3A_1365 : vector<16xf32>
          %max3A_1401 = arith.maximumf %gather3A_1096, %gather3A_1363 : vector<16xf32>
          %sub3A_1402 = arith.subf %min3A_1400, %max3A_1401 : vector<16xf32>
          %max3A_1403 = arith.constant 0.000000e+00 : f32
          %max3A_1404 = vector.broadcast %max3A_1403 : f32 to vector<16xf32>
          %max3A_1405 = arith.maximumf %sub3A_1399, %max3A_1404 : vector<16xf32>
          %max3A_1406 = arith.constant 0.000000e+00 : f32
          %max3A_1407 = vector.broadcast %max3A_1406 : f32 to vector<16xf32>
          %max3A_1408 = arith.maximumf %sub3A_1402, %max3A_1407 : vector<16xf32>
          %mul3A_1409 = arith.mulf %max3A_1405, %max3A_1408 : vector<16xf32>
          %sub3A_1410 = arith.subf %mul3A_1409, %gather3A_1366 : vector<16xf32>
          %max3A_1411 = arith.maximumf %while3A_1354, %sub3A_1410 : vector<16xf32>
          %min3A_1412 = arith.minimumf %gather3A_1131, %gather3A_1364 : vector<16xf32>
          %max3A_1413 = arith.maximumf %gather3A_1123, %gather3A_1362 : vector<16xf32>
          %sub3A_1414 = arith.subf %min3A_1412, %max3A_1413 : vector<16xf32>
          %min3A_1415 = arith.minimumf %gather3A_1135, %gather3A_1365 : vector<16xf32>
          %max3A_1416 = arith.maximumf %gather3A_1127, %gather3A_1363 : vector<16xf32>
          %sub3A_1417 = arith.subf %min3A_1415, %max3A_1416 : vector<16xf32>
          %max3A_1418 = arith.constant 0.000000e+00 : f32
          %max3A_1419 = vector.broadcast %max3A_1418 : f32 to vector<16xf32>
          %max3A_1420 = arith.maximumf %sub3A_1414, %max3A_1419 : vector<16xf32>
          %max3A_1421 = arith.constant 0.000000e+00 : f32
          %max3A_1422 = vector.broadcast %max3A_1421 : f32 to vector<16xf32>
          %max3A_1423 = arith.maximumf %sub3A_1417, %max3A_1422 : vector<16xf32>
          %mul3A_1424 = arith.mulf %max3A_1420, %max3A_1423 : vector<16xf32>
          %sub3A_1425 = arith.subf %mul3A_1424, %gather3A_1366 : vector<16xf32>
          %max3A_1426 = arith.maximumf %while3A_1355, %sub3A_1425 : vector<16xf32>
          %add3A_1427 = arith.constant 16 : i32
          %add3A_1428 = arith.addi %mul3A_1357, %add3A_1427 : i32
          %add3A_1429 = vector.broadcast %add3A_1428 : i32 to vector<16xi32>
          %add3A_1430 = arith.addi %add3A_1429, %iota3A : vector<16xi32>
          %gather3A_1431 = tpu.vector_load_idx %arg7[%add3A_1430] : memref<320xf32, #tpu.memory_space<vmem>>[vector<16xi32>], vector<16xf32>,
          %gather3A_1432 = tpu.vector_load_idx %arg8[%add3A_1430] : memref<320xf32, #tpu.memory_space<vmem>>[vector<16xi32>], vector<16xf32>,
          %gather3A_1433 = tpu.vector_load_idx %arg9[%add3A_1430] : memref<320xf32, #tpu.memory_space<vmem>>[vector<16xi32>], vector<16xf32>,
          %gather3A_1434 = tpu.vector_load_idx %arg10[%add3A_1430] : memref<320xf32, #tpu.memory_space<vmem>>[vector<16xi32>], vector<16xf32>,
          %gather3A_1435 = tpu.vector_load_idx %arg11[%add3A_1430] : memref<320xf32, #tpu.memory_space<vmem>>[vector<16xi32>], vector<16xf32>,
          %min3A_1436 = arith.minimumf %gather3A_1038, %gather3A_1433 : vector<16xf32>
          %max3A_1437 = arith.maximumf %gather3A_1030, %gather3A_1431 : vector<16xf32>
          %sub3A_1438 = arith.subf %min3A_1436, %max3A_1437 : vector<16xf32>
          %min3A_1439 = arith.minimumf %gather3A_1042, %gather3A_1434 : vector<16xf32>
          %max3A_1440 = arith.maximumf %gather3A_1034, %gather3A_1432 : vector<16xf32>
          %sub3A_1441 = arith.subf %min3A_1439, %max3A_1440 : vector<16xf32>
          %max3A_1442 = arith.constant 0.000000e+00 : f32
          %max3A_1443 = vector.broadcast %max3A_1442 : f32 to vector<16xf32>
          %max3A_1444 = arith.maximumf %sub3A_1438, %max3A_1443 : vector<16xf32>
          %max3A_1445 = arith.constant 0.000000e+00 : f32
          %max3A_1446 = vector.broadcast %max3A_1445 : f32 to vector<16xf32>
          %max3A_1447 = arith.maximumf %sub3A_1441, %max3A_1446 : vector<16xf32>
          %mul3A_1448 = arith.mulf %max3A_1444, %max3A_1447 : vector<16xf32>
          %sub3A_1449 = arith.subf %mul3A_1448, %gather3A_1435 : vector<16xf32>
          %max3A_1450 = arith.maximumf %max3A_1381, %sub3A_1449 : vector<16xf32>
          %min3A_1451 = arith.minimumf %gather3A_1069, %gather3A_1433 : vector<16xf32>
          %max3A_1452 = arith.maximumf %gather3A_1061, %gather3A_1431 : vector<16xf32>
          %sub3A_1453 = arith.subf %min3A_1451, %max3A_1452 : vector<16xf32>
          %min3A_1454 = arith.minimumf %gather3A_1073, %gather3A_1434 : vector<16xf32>
          %max3A_1455 = arith.maximumf %gather3A_1065, %gather3A_1432 : vector<16xf32>
          %sub3A_1456 = arith.subf %min3A_1454, %max3A_1455 : vector<16xf32>
          %max3A_1457 = arith.constant 0.000000e+00 : f32
          %max3A_1458 = vector.broadcast %max3A_1457 : f32 to vector<16xf32>
          %max3A_1459 = arith.maximumf %sub3A_1453, %max3A_1458 : vector<16xf32>
          %max3A_1460 = arith.constant 0.000000e+00 : f32
          %max3A_1461 = vector.broadcast %max3A_1460 : f32 to vector<16xf32>
          %max3A_1462 = arith.maximumf %sub3A_1456, %max3A_1461 : vector<16xf32>
          %mul3A_1463 = arith.mulf %max3A_1459, %max3A_1462 : vector<16xf32>
          %sub3A_1464 = arith.subf %mul3A_1463, %gather3A_1435 : vector<16xf32>
          %max3A_1465 = arith.maximumf %max3A_1396, %sub3A_1464 : vector<16xf32>
          %min3A_1466 = arith.minimumf %gather3A_1100, %gather3A_1433 : vector<16xf32>
          %max3A_1467 = arith.maximumf %gather3A_1092, %gather3A_1431 : vector<16xf32>
          %sub3A_1468 = arith.subf %min3A_1466, %max3A_1467 : vector<16xf32>
          %min3A_1469 = arith.minimumf %gather3A_1104, %gather3A_1434 : vector<16xf32>
          %max3A_1470 = arith.maximumf %gather3A_1096, %gather3A_1432 : vector<16xf32>
          %sub3A_1471 = arith.subf %min3A_1469, %max3A_1470 : vector<16xf32>
          %max3A_1472 = arith.constant 0.000000e+00 : f32
          %max3A_1473 = vector.broadcast %max3A_1472 : f32 to vector<16xf32>
          %max3A_1474 = arith.maximumf %sub3A_1468, %max3A_1473 : vector<16xf32>
          %max3A_1475 = arith.constant 0.000000e+00 : f32
          %max3A_1476 = vector.broadcast %max3A_1475 : f32 to vector<16xf32>
          %max3A_1477 = arith.maximumf %sub3A_1471, %max3A_1476 : vector<16xf32>
          %mul3A_1478 = arith.mulf %max3A_1474, %max3A_1477 : vector<16xf32>
          %sub3A_1479 = arith.subf %mul3A_1478, %gather3A_1435 : vector<16xf32>
          %max3A_1480 = arith.maximumf %max3A_1411, %sub3A_1479 : vector<16xf32>
          %min3A_1481 = arith.minimumf %gather3A_1131, %gather3A_1433 : vector<16xf32>
          %max3A_1482 = arith.maximumf %gather3A_1123, %gather3A_1431 : vector<16xf32>
          %sub3A_1483 = arith.subf %min3A_1481, %max3A_1482 : vector<16xf32>
          %min3A_1484 = arith.minimumf %gather3A_1135, %gather3A_1434 : vector<16xf32>
          %max3A_1485 = arith.maximumf %gather3A_1127, %gather3A_1432 : vector<16xf32>
          %sub3A_1486 = arith.subf %min3A_1484, %max3A_1485 : vector<16xf32>
          %max3A_1487 = arith.constant 0.000000e+00 : f32
          %max3A_1488 = vector.broadcast %max3A_1487 : f32 to vector<16xf32>
          %max3A_1489 = arith.maximumf %sub3A_1483, %max3A_1488 : vector<16xf32>
          %max3A_1490 = arith.constant 0.000000e+00 : f32
          %max3A_1491 = vector.broadcast %max3A_1490 : f32 to vector<16xf32>
          %max3A_1492 = arith.maximumf %sub3A_1486, %max3A_1491 : vector<16xf32>
          %mul3A_1493 = arith.mulf %max3A_1489, %max3A_1492 : vector<16xf32>
          %sub3A_1494 = arith.subf %mul3A_1493, %gather3A_1435 : vector<16xf32>
          %max3A_1495 = arith.maximumf %max3A_1426, %sub3A_1494 : vector<16xf32>
          %add3A_1496 = arith.constant 32 : i32
          %add3A_1497 = arith.addi %mul3A_1357, %add3A_1496 : i32
          %add3A_1498 = vector.broadcast %add3A_1497 : i32 to vector<16xi32>
          %add3A_1499 = arith.addi %add3A_1498, %iota3A : vector<16xi32>
          %gather3A_1500 = tpu.vector_load_idx %arg7[%add3A_1499] : memref<320xf32, #tpu.memory_space<vmem>>[vector<16xi32>], vector<16xf32>,
          %gather3A_1501 = tpu.vector_load_idx %arg8[%add3A_1499] : memref<320xf32, #tpu.memory_space<vmem>>[vector<16xi32>], vector<16xf32>,
          %gather3A_1502 = tpu.vector_load_idx %arg9[%add3A_1499] : memref<320xf32, #tpu.memory_space<vmem>>[vector<16xi32>], vector<16xf32>,
          %gather3A_1503 = tpu.vector_load_idx %arg10[%add3A_1499] : memref<320xf32, #tpu.memory_space<vmem>>[vector<16xi32>], vector<16xf32>,
          %gather3A_1504 = tpu.vector_load_idx %arg11[%add3A_1499] : memref<320xf32, #tpu.memory_space<vmem>>[vector<16xi32>], vector<16xf32>,
          %min3A_1505 = arith.minimumf %gather3A_1038, %gather3A_1502 : vector<16xf32>
          %max3A_1506 = arith.maximumf %gather3A_1030, %gather3A_1500 : vector<16xf32>
          %sub3A_1507 = arith.subf %min3A_1505, %max3A_1506 : vector<16xf32>
          %min3A_1508 = arith.minimumf %gather3A_1042, %gather3A_1503 : vector<16xf32>
          %max3A_1509 = arith.maximumf %gather3A_1034, %gather3A_1501 : vector<16xf32>
          %sub3A_1510 = arith.subf %min3A_1508, %max3A_1509 : vector<16xf32>
          %max3A_1511 = arith.constant 0.000000e+00 : f32
          %max3A_1512 = vector.broadcast %max3A_1511 : f32 to vector<16xf32>
          %max3A_1513 = arith.maximumf %sub3A_1507, %max3A_1512 : vector<16xf32>
          %max3A_1514 = arith.constant 0.000000e+00 : f32
          %max3A_1515 = vector.broadcast %max3A_1514 : f32 to vector<16xf32>
          %max3A_1516 = arith.maximumf %sub3A_1510, %max3A_1515 : vector<16xf32>
          %mul3A_1517 = arith.mulf %max3A_1513, %max3A_1516 : vector<16xf32>
          %sub3A_1518 = arith.subf %mul3A_1517, %gather3A_1504 : vector<16xf32>
          %max3A_1519 = arith.maximumf %max3A_1450, %sub3A_1518 : vector<16xf32>
          %min3A_1520 = arith.minimumf %gather3A_1069, %gather3A_1502 : vector<16xf32>
          %max3A_1521 = arith.maximumf %gather3A_1061, %gather3A_1500 : vector<16xf32>
          %sub3A_1522 = arith.subf %min3A_1520, %max3A_1521 : vector<16xf32>
          %min3A_1523 = arith.minimumf %gather3A_1073, %gather3A_1503 : vector<16xf32>
          %max3A_1524 = arith.maximumf %gather3A_1065, %gather3A_1501 : vector<16xf32>
          %sub3A_1525 = arith.subf %min3A_1523, %max3A_1524 : vector<16xf32>
          %max3A_1526 = arith.constant 0.000000e+00 : f32
          %max3A_1527 = vector.broadcast %max3A_1526 : f32 to vector<16xf32>
          %max3A_1528 = arith.maximumf %sub3A_1522, %max3A_1527 : vector<16xf32>
          %max3A_1529 = arith.constant 0.000000e+00 : f32
          %max3A_1530 = vector.broadcast %max3A_1529 : f32 to vector<16xf32>
          %max3A_1531 = arith.maximumf %sub3A_1525, %max3A_1530 : vector<16xf32>
          %mul3A_1532 = arith.mulf %max3A_1528, %max3A_1531 : vector<16xf32>
          %sub3A_1533 = arith.subf %mul3A_1532, %gather3A_1504 : vector<16xf32>
          %max3A_1534 = arith.maximumf %max3A_1465, %sub3A_1533 : vector<16xf32>
          %min3A_1535 = arith.minimumf %gather3A_1100, %gather3A_1502 : vector<16xf32>
          %max3A_1536 = arith.maximumf %gather3A_1092, %gather3A_1500 : vector<16xf32>
          %sub3A_1537 = arith.subf %min3A_1535, %max3A_1536 : vector<16xf32>
          %min3A_1538 = arith.minimumf %gather3A_1104, %gather3A_1503 : vector<16xf32>
          %max3A_1539 = arith.maximumf %gather3A_1096, %gather3A_1501 : vector<16xf32>
          %sub3A_1540 = arith.subf %min3A_1538, %max3A_1539 : vector<16xf32>
          %max3A_1541 = arith.constant 0.000000e+00 : f32
          %max3A_1542 = vector.broadcast %max3A_1541 : f32 to vector<16xf32>
          %max3A_1543 = arith.maximumf %sub3A_1537, %max3A_1542 : vector<16xf32>
          %max3A_1544 = arith.constant 0.000000e+00 : f32
          %max3A_1545 = vector.broadcast %max3A_1544 : f32 to vector<16xf32>
          %max3A_1546 = arith.maximumf %sub3A_1540, %max3A_1545 : vector<16xf32>
          %mul3A_1547 = arith.mulf %max3A_1543, %max3A_1546 : vector<16xf32>
          %sub3A_1548 = arith.subf %mul3A_1547, %gather3A_1504 : vector<16xf32>
          %max3A_1549 = arith.maximumf %max3A_1480, %sub3A_1548 : vector<16xf32>
          %min3A_1550 = arith.minimumf %gather3A_1131, %gather3A_1502 : vector<16xf32>
          %max3A_1551 = arith.maximumf %gather3A_1123, %gather3A_1500 : vector<16xf32>
          %sub3A_1552 = arith.subf %min3A_1550, %max3A_1551 : vector<16xf32>
          %min3A_1553 = arith.minimumf %gather3A_1135, %gather3A_1503 : vector<16xf32>
          %max3A_1554 = arith.maximumf %gather3A_1127, %gather3A_1501 : vector<16xf32>
          %sub3A_1555 = arith.subf %min3A_1553, %max3A_1554 : vector<16xf32>
          %max3A_1556 = arith.constant 0.000000e+00 : f32
          %max3A_1557 = vector.broadcast %max3A_1556 : f32 to vector<16xf32>
          %max3A_1558 = arith.maximumf %sub3A_1552, %max3A_1557 : vector<16xf32>
          %max3A_1559 = arith.constant 0.000000e+00 : f32
          %max3A_1560 = vector.broadcast %max3A_1559 : f32 to vector<16xf32>
          %max3A_1561 = arith.maximumf %sub3A_1555, %max3A_1560 : vector<16xf32>
          %mul3A_1562 = arith.mulf %max3A_1558, %max3A_1561 : vector<16xf32>
          %sub3A_1563 = arith.subf %mul3A_1562, %gather3A_1504 : vector<16xf32>
          %max3A_1564 = arith.maximumf %max3A_1495, %sub3A_1563 : vector<16xf32>
          %add3A_1565 = arith.constant 48 : i32
          %add3A_1566 = arith.addi %mul3A_1357, %add3A_1565 : i32
          %add3A_1567 = vector.broadcast %add3A_1566 : i32 to vector<16xi32>
          %add3A_1568 = arith.addi %add3A_1567, %iota3A : vector<16xi32>
          %gather3A_1569 = tpu.vector_load_idx %arg7[%add3A_1568] : memref<320xf32, #tpu.memory_space<vmem>>[vector<16xi32>], vector<16xf32>,
          %gather3A_1570 = tpu.vector_load_idx %arg8[%add3A_1568] : memref<320xf32, #tpu.memory_space<vmem>>[vector<16xi32>], vector<16xf32>,
          %gather3A_1571 = tpu.vector_load_idx %arg9[%add3A_1568] : memref<320xf32, #tpu.memory_space<vmem>>[vector<16xi32>], vector<16xf32>,
          %gather3A_1572 = tpu.vector_load_idx %arg10[%add3A_1568] : memref<320xf32, #tpu.memory_space<vmem>>[vector<16xi32>], vector<16xf32>,
          %gather3A_1573 = tpu.vector_load_idx %arg11[%add3A_1568] : memref<320xf32, #tpu.memory_space<vmem>>[vector<16xi32>], vector<16xf32>,
          %min3A_1574 = arith.minimumf %gather3A_1038, %gather3A_1571 : vector<16xf32>
          %max3A_1575 = arith.maximumf %gather3A_1030, %gather3A_1569 : vector<16xf32>
          %sub3A_1576 = arith.subf %min3A_1574, %max3A_1575 : vector<16xf32>
          %min3A_1577 = arith.minimumf %gather3A_1042, %gather3A_1572 : vector<16xf32>
          %max3A_1578 = arith.maximumf %gather3A_1034, %gather3A_1570 : vector<16xf32>
          %sub3A_1579 = arith.subf %min3A_1577, %max3A_1578 : vector<16xf32>
          %max3A_1580 = arith.constant 0.000000e+00 : f32
          %max3A_1581 = vector.broadcast %max3A_1580 : f32 to vector<16xf32>
          %max3A_1582 = arith.maximumf %sub3A_1576, %max3A_1581 : vector<16xf32>
          %max3A_1583 = arith.constant 0.000000e+00 : f32
          %max3A_1584 = vector.broadcast %max3A_1583 : f32 to vector<16xf32>
          %max3A_1585 = arith.maximumf %sub3A_1579, %max3A_1584 : vector<16xf32>
          %mul3A_1586 = arith.mulf %max3A_1582, %max3A_1585 : vector<16xf32>
          %sub3A_1587 = arith.subf %mul3A_1586, %gather3A_1573 : vector<16xf32>
          %max3A_1588 = arith.maximumf %max3A_1519, %sub3A_1587 : vector<16xf32>
          %min3A_1589 = arith.minimumf %gather3A_1069, %gather3A_1571 : vector<16xf32>
          %max3A_1590 = arith.maximumf %gather3A_1061, %gather3A_1569 : vector<16xf32>
          %sub3A_1591 = arith.subf %min3A_1589, %max3A_1590 : vector<16xf32>
          %min3A_1592 = arith.minimumf %gather3A_1073, %gather3A_1572 : vector<16xf32>
          %max3A_1593 = arith.maximumf %gather3A_1065, %gather3A_1570 : vector<16xf32>
          %sub3A_1594 = arith.subf %min3A_1592, %max3A_1593 : vector<16xf32>
          %max3A_1595 = arith.constant 0.000000e+00 : f32
          %max3A_1596 = vector.broadcast %max3A_1595 : f32 to vector<16xf32>
          %max3A_1597 = arith.maximumf %sub3A_1591, %max3A_1596 : vector<16xf32>
          %max3A_1598 = arith.constant 0.000000e+00 : f32
          %max3A_1599 = vector.broadcast %max3A_1598 : f32 to vector<16xf32>
          %max3A_1600 = arith.maximumf %sub3A_1594, %max3A_1599 : vector<16xf32>
          %mul3A_1601 = arith.mulf %max3A_1597, %max3A_1600 : vector<16xf32>
          %sub3A_1602 = arith.subf %mul3A_1601, %gather3A_1573 : vector<16xf32>
          %max3A_1603 = arith.maximumf %max3A_1534, %sub3A_1602 : vector<16xf32>
          %min3A_1604 = arith.minimumf %gather3A_1100, %gather3A_1571 : vector<16xf32>
          %max3A_1605 = arith.maximumf %gather3A_1092, %gather3A_1569 : vector<16xf32>
          %sub3A_1606 = arith.subf %min3A_1604, %max3A_1605 : vector<16xf32>
          %min3A_1607 = arith.minimumf %gather3A_1104, %gather3A_1572 : vector<16xf32>
          %max3A_1608 = arith.maximumf %gather3A_1096, %gather3A_1570 : vector<16xf32>
          %sub3A_1609 = arith.subf %min3A_1607, %max3A_1608 : vector<16xf32>
          %max3A_1610 = arith.constant 0.000000e+00 : f32
          %max3A_1611 = vector.broadcast %max3A_1610 : f32 to vector<16xf32>
          %max3A_1612 = arith.maximumf %sub3A_1606, %max3A_1611 : vector<16xf32>
          %max3A_1613 = arith.constant 0.000000e+00 : f32
          %max3A_1614 = vector.broadcast %max3A_1613 : f32 to vector<16xf32>
          %max3A_1615 = arith.maximumf %sub3A_1609, %max3A_1614 : vector<16xf32>
          %mul3A_1616 = arith.mulf %max3A_1612, %max3A_1615 : vector<16xf32>
          %sub3A_1617 = arith.subf %mul3A_1616, %gather3A_1573 : vector<16xf32>
          %max3A_1618 = arith.maximumf %max3A_1549, %sub3A_1617 : vector<16xf32>
          %min3A_1619 = arith.minimumf %gather3A_1131, %gather3A_1571 : vector<16xf32>
          %max3A_1620 = arith.maximumf %gather3A_1123, %gather3A_1569 : vector<16xf32>
          %sub3A_1621 = arith.subf %min3A_1619, %max3A_1620 : vector<16xf32>
          %min3A_1622 = arith.minimumf %gather3A_1135, %gather3A_1572 : vector<16xf32>
          %max3A_1623 = arith.maximumf %gather3A_1127, %gather3A_1570 : vector<16xf32>
          %sub3A_1624 = arith.subf %min3A_1622, %max3A_1623 : vector<16xf32>
          %max3A_1625 = arith.constant 0.000000e+00 : f32
          %max3A_1626 = vector.broadcast %max3A_1625 : f32 to vector<16xf32>
          %max3A_1627 = arith.maximumf %sub3A_1621, %max3A_1626 : vector<16xf32>
          %max3A_1628 = arith.constant 0.000000e+00 : f32
          %max3A_1629 = vector.broadcast %max3A_1628 : f32 to vector<16xf32>
          %max3A_1630 = arith.maximumf %sub3A_1624, %max3A_1629 : vector<16xf32>
          %mul3A_1631 = arith.mulf %max3A_1627, %max3A_1630 : vector<16xf32>
          %sub3A_1632 = arith.subf %mul3A_1631, %gather3A_1573 : vector<16xf32>
          %max3A_1633 = arith.maximumf %max3A_1564, %sub3A_1632 : vector<16xf32>
          scf.yield %max3A_1588, %max3A_1603, %max3A_1618, %max3A_1633 : vector<16xf32>, vector<16xf32>, vector<16xf32>, vector<16xf32>
        }
        %while3A_1153 = arith.constant 1 : i32
        %while3A_1154:4 = scf.for %while3A_1351 = %while3A_1150 to %while3A_1146 step %while3A_1153 iter_args(%while3A_1352 = %while3A_1152#0, %while3A_1353 = %while3A_1152#1, %while3A_1354 = %while3A_1152#2, %while3A_1355 = %while3A_1152#3) -> (vector<16xf32>, vector<16xf32>, vector<16xf32>, vector<16xf32>)  : i32 {
          %mul3A_1356 = arith.constant 64 : i32
          %mul3A_1357 = arith.muli %while3A_1351, %mul3A_1356 : i32
          %add3A_1358 = arith.constant 0 : i32
          %add3A_1359 = arith.addi %mul3A_1357, %add3A_1358 : i32
          %add3A_1360 = vector.broadcast %add3A_1359 : i32 to vector<16xi32>
          %add3A_1361 = arith.addi %add3A_1360, %iota3A : vector<16xi32>
          %gather3A_1362 = tpu.vector_load_idx %arg7[%add3A_1361] : memref<320xf32, #tpu.memory_space<vmem>>[vector<16xi32>], vector<16xf32>,
          %gather3A_1363 = tpu.vector_load_idx %arg8[%add3A_1361] : memref<320xf32, #tpu.memory_space<vmem>>[vector<16xi32>], vector<16xf32>,
          %gather3A_1364 = tpu.vector_load_idx %arg9[%add3A_1361] : memref<320xf32, #tpu.memory_space<vmem>>[vector<16xi32>], vector<16xf32>,
          %gather3A_1365 = tpu.vector_load_idx %arg10[%add3A_1361] : memref<320xf32, #tpu.memory_space<vmem>>[vector<16xi32>], vector<16xf32>,
          %gather3A_1366 = tpu.vector_load_idx %arg11[%add3A_1361] : memref<320xf32, #tpu.memory_space<vmem>>[vector<16xi32>], vector<16xf32>,
          %min3A_1367 = arith.minimumf %gather3A_1038, %gather3A_1364 : vector<16xf32>
          %max3A_1368 = arith.maximumf %gather3A_1030, %gather3A_1362 : vector<16xf32>
          %sub3A_1369 = arith.subf %min3A_1367, %max3A_1368 : vector<16xf32>
          %min3A_1370 = arith.minimumf %gather3A_1042, %gather3A_1365 : vector<16xf32>
          %max3A_1371 = arith.maximumf %gather3A_1034, %gather3A_1363 : vector<16xf32>
          %sub3A_1372 = arith.subf %min3A_1370, %max3A_1371 : vector<16xf32>
          %max3A_1373 = arith.constant 0.000000e+00 : f32
          %max3A_1374 = vector.broadcast %max3A_1373 : f32 to vector<16xf32>
          %max3A_1375 = arith.maximumf %sub3A_1369, %max3A_1374 : vector<16xf32>
          %max3A_1376 = arith.constant 0.000000e+00 : f32
          %max3A_1377 = vector.broadcast %max3A_1376 : f32 to vector<16xf32>
          %max3A_1378 = arith.maximumf %sub3A_1372, %max3A_1377 : vector<16xf32>
          %mul3A_1379 = arith.mulf %max3A_1375, %max3A_1378 : vector<16xf32>
          %sub3A_1380 = arith.subf %mul3A_1379, %gather3A_1366 : vector<16xf32>
          %max3A_1381 = arith.maximumf %while3A_1352, %sub3A_1380 : vector<16xf32>
          %min3A_1382 = arith.minimumf %gather3A_1069, %gather3A_1364 : vector<16xf32>
          %max3A_1383 = arith.maximumf %gather3A_1061, %gather3A_1362 : vector<16xf32>
          %sub3A_1384 = arith.subf %min3A_1382, %max3A_1383 : vector<16xf32>
          %min3A_1385 = arith.minimumf %gather3A_1073, %gather3A_1365 : vector<16xf32>
          %max3A_1386 = arith.maximumf %gather3A_1065, %gather3A_1363 : vector<16xf32>
          %sub3A_1387 = arith.subf %min3A_1385, %max3A_1386 : vector<16xf32>
          %max3A_1388 = arith.constant 0.000000e+00 : f32
          %max3A_1389 = vector.broadcast %max3A_1388 : f32 to vector<16xf32>
          %max3A_1390 = arith.maximumf %sub3A_1384, %max3A_1389 : vector<16xf32>
          %max3A_1391 = arith.constant 0.000000e+00 : f32
          %max3A_1392 = vector.broadcast %max3A_1391 : f32 to vector<16xf32>
          %max3A_1393 = arith.maximumf %sub3A_1387, %max3A_1392 : vector<16xf32>
          %mul3A_1394 = arith.mulf %max3A_1390, %max3A_1393 : vector<16xf32>
          %sub3A_1395 = arith.subf %mul3A_1394, %gather3A_1366 : vector<16xf32>
          %max3A_1396 = arith.maximumf %while3A_1353, %sub3A_1395 : vector<16xf32>
          %min3A_1397 = arith.minimumf %gather3A_1100, %gather3A_1364 : vector<16xf32>
          %max3A_1398 = arith.maximumf %gather3A_1092, %gather3A_1362 : vector<16xf32>
          %sub3A_1399 = arith.subf %min3A_1397, %max3A_1398 : vector<16xf32>
          %min3A_1400 = arith.minimumf %gather3A_1104, %gather3A_1365 : vector<16xf32>
          %max3A_1401 = arith.maximumf %gather3A_1096, %gather3A_1363 : vector<16xf32>
          %sub3A_1402 = arith.subf %min3A_1400, %max3A_1401 : vector<16xf32>
          %max3A_1403 = arith.constant 0.000000e+00 : f32
          %max3A_1404 = vector.broadcast %max3A_1403 : f32 to vector<16xf32>
          %max3A_1405 = arith.maximumf %sub3A_1399, %max3A_1404 : vector<16xf32>
          %max3A_1406 = arith.constant 0.000000e+00 : f32
          %max3A_1407 = vector.broadcast %max3A_1406 : f32 to vector<16xf32>
          %max3A_1408 = arith.maximumf %sub3A_1402, %max3A_1407 : vector<16xf32>
          %mul3A_1409 = arith.mulf %max3A_1405, %max3A_1408 : vector<16xf32>
          %sub3A_1410 = arith.subf %mul3A_1409, %gather3A_1366 : vector<16xf32>
          %max3A_1411 = arith.maximumf %while3A_1354, %sub3A_1410 : vector<16xf32>
          %min3A_1412 = arith.minimumf %gather3A_1131, %gather3A_1364 : vector<16xf32>
          %max3A_1413 = arith.maximumf %gather3A_1123, %gather3A_1362 : vector<16xf32>
          %sub3A_1414 = arith.subf %min3A_1412, %max3A_1413 : vector<16xf32>
          %min3A_1415 = arith.minimumf %gather3A_1135, %gather3A_1365 : vector<16xf32>
          %max3A_1416 = arith.maximumf %gather3A_1127, %gather3A_1363 : vector<16xf32>
          %sub3A_1417 = arith.subf %min3A_1415, %max3A_1416 : vector<16xf32>
          %max3A_1418 = arith.constant 0.000000e+00 : f32
          %max3A_1419 = vector.broadcast %max3A_1418 : f32 to vector<16xf32>
          %max3A_1420 = arith.maximumf %sub3A_1414, %max3A_1419 : vector<16xf32>
          %max3A_1421 = arith.constant 0.000000e+00 : f32
          %max3A_1422 = vector.broadcast %max3A_1421 : f32 to vector<16xf32>
          %max3A_1423 = arith.maximumf %sub3A_1417, %max3A_1422 : vector<16xf32>
          %mul3A_1424 = arith.mulf %max3A_1420, %max3A_1423 : vector<16xf32>
          %sub3A_1425 = arith.subf %mul3A_1424, %gather3A_1366 : vector<16xf32>
          %max3A_1426 = arith.maximumf %while3A_1355, %sub3A_1425 : vector<16xf32>
          %add3A_1427 = arith.constant 16 : i32
          %add3A_1428 = arith.addi %mul3A_1357, %add3A_1427 : i32
          %add3A_1429 = vector.broadcast %add3A_1428 : i32 to vector<16xi32>
          %add3A_1430 = arith.addi %add3A_1429, %iota3A : vector<16xi32>
          %gather3A_1431 = tpu.vector_load_idx %arg7[%add3A_1430] : memref<320xf32, #tpu.memory_space<vmem>>[vector<16xi32>], vector<16xf32>,
          %gather3A_1432 = tpu.vector_load_idx %arg8[%add3A_1430] : memref<320xf32, #tpu.memory_space<vmem>>[vector<16xi32>], vector<16xf32>,
          %gather3A_1433 = tpu.vector_load_idx %arg9[%add3A_1430] : memref<320xf32, #tpu.memory_space<vmem>>[vector<16xi32>], vector<16xf32>,
          %gather3A_1434 = tpu.vector_load_idx %arg10[%add3A_1430] : memref<320xf32, #tpu.memory_space<vmem>>[vector<16xi32>], vector<16xf32>,
          %gather3A_1435 = tpu.vector_load_idx %arg11[%add3A_1430] : memref<320xf32, #tpu.memory_space<vmem>>[vector<16xi32>], vector<16xf32>,
          %min3A_1436 = arith.minimumf %gather3A_1038, %gather3A_1433 : vector<16xf32>
          %max3A_1437 = arith.maximumf %gather3A_1030, %gather3A_1431 : vector<16xf32>
          %sub3A_1438 = arith.subf %min3A_1436, %max3A_1437 : vector<16xf32>
          %min3A_1439 = arith.minimumf %gather3A_1042, %gather3A_1434 : vector<16xf32>
          %max3A_1440 = arith.maximumf %gather3A_1034, %gather3A_1432 : vector<16xf32>
          %sub3A_1441 = arith.subf %min3A_1439, %max3A_1440 : vector<16xf32>
          %max3A_1442 = arith.constant 0.000000e+00 : f32
          %max3A_1443 = vector.broadcast %max3A_1442 : f32 to vector<16xf32>
          %max3A_1444 = arith.maximumf %sub3A_1438, %max3A_1443 : vector<16xf32>
          %max3A_1445 = arith.constant 0.000000e+00 : f32
          %max3A_1446 = vector.broadcast %max3A_1445 : f32 to vector<16xf32>
          %max3A_1447 = arith.maximumf %sub3A_1441, %max3A_1446 : vector<16xf32>
          %mul3A_1448 = arith.mulf %max3A_1444, %max3A_1447 : vector<16xf32>
          %sub3A_1449 = arith.subf %mul3A_1448, %gather3A_1435 : vector<16xf32>
          %max3A_1450 = arith.maximumf %max3A_1381, %sub3A_1449 : vector<16xf32>
          %min3A_1451 = arith.minimumf %gather3A_1069, %gather3A_1433 : vector<16xf32>
          %max3A_1452 = arith.maximumf %gather3A_1061, %gather3A_1431 : vector<16xf32>
          %sub3A_1453 = arith.subf %min3A_1451, %max3A_1452 : vector<16xf32>
          %min3A_1454 = arith.minimumf %gather3A_1073, %gather3A_1434 : vector<16xf32>
          %max3A_1455 = arith.maximumf %gather3A_1065, %gather3A_1432 : vector<16xf32>
          %sub3A_1456 = arith.subf %min3A_1454, %max3A_1455 : vector<16xf32>
          %max3A_1457 = arith.constant 0.000000e+00 : f32
          %max3A_1458 = vector.broadcast %max3A_1457 : f32 to vector<16xf32>
          %max3A_1459 = arith.maximumf %sub3A_1453, %max3A_1458 : vector<16xf32>
          %max3A_1460 = arith.constant 0.000000e+00 : f32
          %max3A_1461 = vector.broadcast %max3A_1460 : f32 to vector<16xf32>
          %max3A_1462 = arith.maximumf %sub3A_1456, %max3A_1461 : vector<16xf32>
          %mul3A_1463 = arith.mulf %max3A_1459, %max3A_1462 : vector<16xf32>
          %sub3A_1464 = arith.subf %mul3A_1463, %gather3A_1435 : vector<16xf32>
          %max3A_1465 = arith.maximumf %max3A_1396, %sub3A_1464 : vector<16xf32>
          %min3A_1466 = arith.minimumf %gather3A_1100, %gather3A_1433 : vector<16xf32>
          %max3A_1467 = arith.maximumf %gather3A_1092, %gather3A_1431 : vector<16xf32>
          %sub3A_1468 = arith.subf %min3A_1466, %max3A_1467 : vector<16xf32>
          %min3A_1469 = arith.minimumf %gather3A_1104, %gather3A_1434 : vector<16xf32>
          %max3A_1470 = arith.maximumf %gather3A_1096, %gather3A_1432 : vector<16xf32>
          %sub3A_1471 = arith.subf %min3A_1469, %max3A_1470 : vector<16xf32>
          %max3A_1472 = arith.constant 0.000000e+00 : f32
          %max3A_1473 = vector.broadcast %max3A_1472 : f32 to vector<16xf32>
          %max3A_1474 = arith.maximumf %sub3A_1468, %max3A_1473 : vector<16xf32>
          %max3A_1475 = arith.constant 0.000000e+00 : f32
          %max3A_1476 = vector.broadcast %max3A_1475 : f32 to vector<16xf32>
          %max3A_1477 = arith.maximumf %sub3A_1471, %max3A_1476 : vector<16xf32>
          %mul3A_1478 = arith.mulf %max3A_1474, %max3A_1477 : vector<16xf32>
          %sub3A_1479 = arith.subf %mul3A_1478, %gather3A_1435 : vector<16xf32>
          %max3A_1480 = arith.maximumf %max3A_1411, %sub3A_1479 : vector<16xf32>
          %min3A_1481 = arith.minimumf %gather3A_1131, %gather3A_1433 : vector<16xf32>
          %max3A_1482 = arith.maximumf %gather3A_1123, %gather3A_1431 : vector<16xf32>
          %sub3A_1483 = arith.subf %min3A_1481, %max3A_1482 : vector<16xf32>
          %min3A_1484 = arith.minimumf %gather3A_1135, %gather3A_1434 : vector<16xf32>
          %max3A_1485 = arith.maximumf %gather3A_1127, %gather3A_1432 : vector<16xf32>
          %sub3A_1486 = arith.subf %min3A_1484, %max3A_1485 : vector<16xf32>
          %max3A_1487 = arith.constant 0.000000e+00 : f32
          %max3A_1488 = vector.broadcast %max3A_1487 : f32 to vector<16xf32>
          %max3A_1489 = arith.maximumf %sub3A_1483, %max3A_1488 : vector<16xf32>
          %max3A_1490 = arith.constant 0.000000e+00 : f32
          %max3A_1491 = vector.broadcast %max3A_1490 : f32 to vector<16xf32>
          %max3A_1492 = arith.maximumf %sub3A_1486, %max3A_1491 : vector<16xf32>
          %mul3A_1493 = arith.mulf %max3A_1489, %max3A_1492 : vector<16xf32>
          %sub3A_1494 = arith.subf %mul3A_1493, %gather3A_1435 : vector<16xf32>
          %max3A_1495 = arith.maximumf %max3A_1426, %sub3A_1494 : vector<16xf32>
          %add3A_1496 = arith.constant 32 : i32
          %add3A_1497 = arith.addi %mul3A_1357, %add3A_1496 : i32
          %add3A_1498 = vector.broadcast %add3A_1497 : i32 to vector<16xi32>
          %add3A_1499 = arith.addi %add3A_1498, %iota3A : vector<16xi32>
          %gather3A_1500 = tpu.vector_load_idx %arg7[%add3A_1499] : memref<320xf32, #tpu.memory_space<vmem>>[vector<16xi32>], vector<16xf32>,
          %gather3A_1501 = tpu.vector_load_idx %arg8[%add3A_1499] : memref<320xf32, #tpu.memory_space<vmem>>[vector<16xi32>], vector<16xf32>,
          %gather3A_1502 = tpu.vector_load_idx %arg9[%add3A_1499] : memref<320xf32, #tpu.memory_space<vmem>>[vector<16xi32>], vector<16xf32>,
          %gather3A_1503 = tpu.vector_load_idx %arg10[%add3A_1499] : memref<320xf32, #tpu.memory_space<vmem>>[vector<16xi32>], vector<16xf32>,
          %gather3A_1504 = tpu.vector_load_idx %arg11[%add3A_1499] : memref<320xf32, #tpu.memory_space<vmem>>[vector<16xi32>], vector<16xf32>,
          %min3A_1505 = arith.minimumf %gather3A_1038, %gather3A_1502 : vector<16xf32>
          %max3A_1506 = arith.maximumf %gather3A_1030, %gather3A_1500 : vector<16xf32>
          %sub3A_1507 = arith.subf %min3A_1505, %max3A_1506 : vector<16xf32>
          %min3A_1508 = arith.minimumf %gather3A_1042, %gather3A_1503 : vector<16xf32>
          %max3A_1509 = arith.maximumf %gather3A_1034, %gather3A_1501 : vector<16xf32>
          %sub3A_1510 = arith.subf %min3A_1508, %max3A_1509 : vector<16xf32>
          %max3A_1511 = arith.constant 0.000000e+00 : f32
          %max3A_1512 = vector.broadcast %max3A_1511 : f32 to vector<16xf32>
          %max3A_1513 = arith.maximumf %sub3A_1507, %max3A_1512 : vector<16xf32>
          %max3A_1514 = arith.constant 0.000000e+00 : f32
          %max3A_1515 = vector.broadcast %max3A_1514 : f32 to vector<16xf32>
          %max3A_1516 = arith.maximumf %sub3A_1510, %max3A_1515 : vector<16xf32>
          %mul3A_1517 = arith.mulf %max3A_1513, %max3A_1516 : vector<16xf32>
          %sub3A_1518 = arith.subf %mul3A_1517, %gather3A_1504 : vector<16xf32>
          %max3A_1519 = arith.maximumf %max3A_1450, %sub3A_1518 : vector<16xf32>
          %min3A_1520 = arith.minimumf %gather3A_1069, %gather3A_1502 : vector<16xf32>
          %max3A_1521 = arith.maximumf %gather3A_1061, %gather3A_1500 : vector<16xf32>
          %sub3A_1522 = arith.subf %min3A_1520, %max3A_1521 : vector<16xf32>
          %min3A_1523 = arith.minimumf %gather3A_1073, %gather3A_1503 : vector<16xf32>
          %max3A_1524 = arith.maximumf %gather3A_1065, %gather3A_1501 : vector<16xf32>
          %sub3A_1525 = arith.subf %min3A_1523, %max3A_1524 : vector<16xf32>
          %max3A_1526 = arith.constant 0.000000e+00 : f32
          %max3A_1527 = vector.broadcast %max3A_1526 : f32 to vector<16xf32>
          %max3A_1528 = arith.maximumf %sub3A_1522, %max3A_1527 : vector<16xf32>
          %max3A_1529 = arith.constant 0.000000e+00 : f32
          %max3A_1530 = vector.broadcast %max3A_1529 : f32 to vector<16xf32>
          %max3A_1531 = arith.maximumf %sub3A_1525, %max3A_1530 : vector<16xf32>
          %mul3A_1532 = arith.mulf %max3A_1528, %max3A_1531 : vector<16xf32>
          %sub3A_1533 = arith.subf %mul3A_1532, %gather3A_1504 : vector<16xf32>
          %max3A_1534 = arith.maximumf %max3A_1465, %sub3A_1533 : vector<16xf32>
          %min3A_1535 = arith.minimumf %gather3A_1100, %gather3A_1502 : vector<16xf32>
          %max3A_1536 = arith.maximumf %gather3A_1092, %gather3A_1500 : vector<16xf32>
          %sub3A_1537 = arith.subf %min3A_1535, %max3A_1536 : vector<16xf32>
          %min3A_1538 = arith.minimumf %gather3A_1104, %gather3A_1503 : vector<16xf32>
          %max3A_1539 = arith.maximumf %gather3A_1096, %gather3A_1501 : vector<16xf32>
          %sub3A_1540 = arith.subf %min3A_1538, %max3A_1539 : vector<16xf32>
          %max3A_1541 = arith.constant 0.000000e+00 : f32
          %max3A_1542 = vector.broadcast %max3A_1541 : f32 to vector<16xf32>
          %max3A_1543 = arith.maximumf %sub3A_1537, %max3A_1542 : vector<16xf32>
          %max3A_1544 = arith.constant 0.000000e+00 : f32
          %max3A_1545 = vector.broadcast %max3A_1544 : f32 to vector<16xf32>
          %max3A_1546 = arith.maximumf %sub3A_1540, %max3A_1545 : vector<16xf32>
          %mul3A_1547 = arith.mulf %max3A_1543, %max3A_1546 : vector<16xf32>
          %sub3A_1548 = arith.subf %mul3A_1547, %gather3A_1504 : vector<16xf32>
          %max3A_1549 = arith.maximumf %max3A_1480, %sub3A_1548 : vector<16xf32>
          %min3A_1550 = arith.minimumf %gather3A_1131, %gather3A_1502 : vector<16xf32>
          %max3A_1551 = arith.maximumf %gather3A_1123, %gather3A_1500 : vector<16xf32>
          %sub3A_1552 = arith.subf %min3A_1550, %max3A_1551 : vector<16xf32>
          %min3A_1553 = arith.minimumf %gather3A_1135, %gather3A_1503 : vector<16xf32>
          %max3A_1554 = arith.maximumf %gather3A_1127, %gather3A_1501 : vector<16xf32>
          %sub3A_1555 = arith.subf %min3A_1553, %max3A_1554 : vector<16xf32>
          %max3A_1556 = arith.constant 0.000000e+00 : f32
          %max3A_1557 = vector.broadcast %max3A_1556 : f32 to vector<16xf32>
          %max3A_1558 = arith.maximumf %sub3A_1552, %max3A_1557 : vector<16xf32>
          %max3A_1559 = arith.constant 0.000000e+00 : f32
          %max3A_1560 = vector.broadcast %max3A_1559 : f32 to vector<16xf32>
          %max3A_1561 = arith.maximumf %sub3A_1555, %max3A_1560 : vector<16xf32>
          %mul3A_1562 = arith.mulf %max3A_1558, %max3A_1561 : vector<16xf32>
          %sub3A_1563 = arith.subf %mul3A_1562, %gather3A_1504 : vector<16xf32>
          %max3A_1564 = arith.maximumf %max3A_1495, %sub3A_1563 : vector<16xf32>
          %add3A_1565 = arith.constant 48 : i32
          %add3A_1566 = arith.addi %mul3A_1357, %add3A_1565 : i32
          %add3A_1567 = vector.broadcast %add3A_1566 : i32 to vector<16xi32>
          %add3A_1568 = arith.addi %add3A_1567, %iota3A : vector<16xi32>
          %gather3A_1569 = tpu.vector_load_idx %arg7[%add3A_1568] : memref<320xf32, #tpu.memory_space<vmem>>[vector<16xi32>], vector<16xf32>,
          %gather3A_1570 = tpu.vector_load_idx %arg8[%add3A_1568] : memref<320xf32, #tpu.memory_space<vmem>>[vector<16xi32>], vector<16xf32>,
          %gather3A_1571 = tpu.vector_load_idx %arg9[%add3A_1568] : memref<320xf32, #tpu.memory_space<vmem>>[vector<16xi32>], vector<16xf32>,
          %gather3A_1572 = tpu.vector_load_idx %arg10[%add3A_1568] : memref<320xf32, #tpu.memory_space<vmem>>[vector<16xi32>], vector<16xf32>,
          %gather3A_1573 = tpu.vector_load_idx %arg11[%add3A_1568] : memref<320xf32, #tpu.memory_space<vmem>>[vector<16xi32>], vector<16xf32>,
          %min3A_1574 = arith.minimumf %gather3A_1038, %gather3A_1571 : vector<16xf32>
          %max3A_1575 = arith.maximumf %gather3A_1030, %gather3A_1569 : vector<16xf32>
          %sub3A_1576 = arith.subf %min3A_1574, %max3A_1575 : vector<16xf32>
          %min3A_1577 = arith.minimumf %gather3A_1042, %gather3A_1572 : vector<16xf32>
          %max3A_1578 = arith.maximumf %gather3A_1034, %gather3A_1570 : vector<16xf32>
          %sub3A_1579 = arith.subf %min3A_1577, %max3A_1578 : vector<16xf32>
          %max3A_1580 = arith.constant 0.000000e+00 : f32
          %max3A_1581 = vector.broadcast %max3A_1580 : f32 to vector<16xf32>
          %max3A_1582 = arith.maximumf %sub3A_1576, %max3A_1581 : vector<16xf32>
          %max3A_1583 = arith.constant 0.000000e+00 : f32
          %max3A_1584 = vector.broadcast %max3A_1583 : f32 to vector<16xf32>
          %max3A_1585 = arith.maximumf %sub3A_1579, %max3A_1584 : vector<16xf32>
          %mul3A_1586 = arith.mulf %max3A_1582, %max3A_1585 : vector<16xf32>
          %sub3A_1587 = arith.subf %mul3A_1586, %gather3A_1573 : vector<16xf32>
          %max3A_1588 = arith.maximumf %max3A_1519, %sub3A_1587 : vector<16xf32>
          %min3A_1589 = arith.minimumf %gather3A_1069, %gather3A_1571 : vector<16xf32>
          %max3A_1590 = arith.maximumf %gather3A_1061, %gather3A_1569 : vector<16xf32>
          %sub3A_1591 = arith.subf %min3A_1589, %max3A_1590 : vector<16xf32>
          %min3A_1592 = arith.minimumf %gather3A_1073, %gather3A_1572 : vector<16xf32>
          %max3A_1593 = arith.maximumf %gather3A_1065, %gather3A_1570 : vector<16xf32>
          %sub3A_1594 = arith.subf %min3A_1592, %max3A_1593 : vector<16xf32>
          %max3A_1595 = arith.constant 0.000000e+00 : f32
          %max3A_1596 = vector.broadcast %max3A_1595 : f32 to vector<16xf32>
          %max3A_1597 = arith.maximumf %sub3A_1591, %max3A_1596 : vector<16xf32>
          %max3A_1598 = arith.constant 0.000000e+00 : f32
          %max3A_1599 = vector.broadcast %max3A_1598 : f32 to vector<16xf32>
          %max3A_1600 = arith.maximumf %sub3A_1594, %max3A_1599 : vector<16xf32>
          %mul3A_1601 = arith.mulf %max3A_1597, %max3A_1600 : vector<16xf32>
          %sub3A_1602 = arith.subf %mul3A_1601, %gather3A_1573 : vector<16xf32>
          %max3A_1603 = arith.maximumf %max3A_1534, %sub3A_1602 : vector<16xf32>
          %min3A_1604 = arith.minimumf %gather3A_1100, %gather3A_1571 : vector<16xf32>
          %max3A_1605 = arith.maximumf %gather3A_1092, %gather3A_1569 : vector<16xf32>
          %sub3A_1606 = arith.subf %min3A_1604, %max3A_1605 : vector<16xf32>
          %min3A_1607 = arith.minimumf %gather3A_1104, %gather3A_1572 : vector<16xf32>
          %max3A_1608 = arith.maximumf %gather3A_1096, %gather3A_1570 : vector<16xf32>
          %sub3A_1609 = arith.subf %min3A_1607, %max3A_1608 : vector<16xf32>
          %max3A_1610 = arith.constant 0.000000e+00 : f32
          %max3A_1611 = vector.broadcast %max3A_1610 : f32 to vector<16xf32>
          %max3A_1612 = arith.maximumf %sub3A_1606, %max3A_1611 : vector<16xf32>
          %max3A_1613 = arith.constant 0.000000e+00 : f32
          %max3A_1614 = vector.broadcast %max3A_1613 : f32 to vector<16xf32>
          %max3A_1615 = arith.maximumf %sub3A_1609, %max3A_1614 : vector<16xf32>
          %mul3A_1616 = arith.mulf %max3A_1612, %max3A_1615 : vector<16xf32>
          %sub3A_1617 = arith.subf %mul3A_1616, %gather3A_1573 : vector<16xf32>
          %max3A_1618 = arith.maximumf %max3A_1549, %sub3A_1617 : vector<16xf32>
          %min3A_1619 = arith.minimumf %gather3A_1131, %gather3A_1571 : vector<16xf32>
          %max3A_1620 = arith.maximumf %gather3A_1123, %gather3A_1569 : vector<16xf32>
          %sub3A_1621 = arith.subf %min3A_1619, %max3A_1620 : vector<16xf32>
          %min3A_1622 = arith.minimumf %gather3A_1135, %gather3A_1572 : vector<16xf32>
          %max3A_1623 = arith.maximumf %gather3A_1127, %gather3A_1570 : vector<16xf32>
          %sub3A_1624 = arith.subf %min3A_1622, %max3A_1623 : vector<16xf32>
          %max3A_1625 = arith.constant 0.000000e+00 : f32
          %max3A_1626 = vector.broadcast %max3A_1625 : f32 to vector<16xf32>
          %max3A_1627 = arith.maximumf %sub3A_1621, %max3A_1626 : vector<16xf32>
          %max3A_1628 = arith.constant 0.000000e+00 : f32
          %max3A_1629 = vector.broadcast %max3A_1628 : f32 to vector<16xf32>
          %max3A_1630 = arith.maximumf %sub3A_1624, %max3A_1629 : vector<16xf32>
          %mul3A_1631 = arith.mulf %max3A_1627, %max3A_1630 : vector<16xf32>
          %sub3A_1632 = arith.subf %mul3A_1631, %gather3A_1573 : vector<16xf32>
          %max3A_1633 = arith.maximumf %max3A_1564, %sub3A_1632 : vector<16xf32>
          scf.yield %max3A_1588, %max3A_1603, %max3A_1618, %max3A_1633 : vector<16xf32>, vector<16xf32>, vector<16xf32>, vector<16xf32>
        }
        %gt3A_1155 = arith.cmpf ogt, %while3A_1154#0, %gather3A_1046 : vector<16xf32>
        %all_reduce_population_count3A_1156 = tpu.all_reduce %gt3A_1155 {dim = 0 : i64, kind = #tpu.reduction_kind<sum>} : vector<16xi1> -> vector<16xi32>
        %min3A_1157 = arith.minimumf %gather3A_1038, %gather3A_59 : vector<16xf32>
        %max3A_1158 = arith.maximumf %gather3A_1030, %gather3A_51 : vector<16xf32>
        %sub3A_1159 = arith.subf %min3A_1157, %max3A_1158 : vector<16xf32>
        %min3A_1160 = arith.minimumf %gather3A_1042, %gather3A_63 : vector<16xf32>
        %max3A_1161 = arith.maximumf %gather3A_1034, %gather3A_55 : vector<16xf32>
        %sub3A_1162 = arith.subf %min3A_1160, %max3A_1161 : vector<16xf32>
        %max3A_1163 = arith.constant 0.000000e+00 : f32
        %max3A_1164 = vector.broadcast %max3A_1163 : f32 to vector<16xf32>
        %max3A_1165 = arith.maximumf %sub3A_1159, %max3A_1164 : vector<16xf32>
        %max3A_1166 = arith.constant 0.000000e+00 : f32
        %max3A_1167 = vector.broadcast %max3A_1166 : f32 to vector<16xf32>
        %max3A_1168 = arith.maximumf %sub3A_1162, %max3A_1167 : vector<16xf32>
        %mul3A_1169 = arith.mulf %max3A_1165, %max3A_1168 : vector<16xf32>
        %sub3A_1170 = arith.subf %mul3A_1169, %gather3A_67 : vector<16xf32>
        %gt3A_1171 = arith.cmpf ogt, %sub3A_1170, %gather3A_1046 : vector<16xf32>
        %and3A_1172 = arith.andi %gt3A_1171, %or3A_1017 : vector<16xi1>
        %lt3A_1173 = arith.constant 12 : i32
        %lt3A_1174 = vector.broadcast %lt3A_1173 : i32 to vector<16xi32>
        %lt3A_1175 = arith.cmpi slt, %iota3A, %lt3A_1174 : vector<16xi32>
        %and3A_1176 = arith.andi %and3A_1172, %lt3A_1175 : vector<16xi1>
        %all_reduce_population_count3A_1177 = tpu.all_reduce %and3A_1176 {dim = 0 : i64, kind = #tpu.reduction_kind<sum>} : vector<16xi1> -> vector<16xi32>
        %eq3A_1178 = arith.constant 0 : i32
        %eq3A_1179 = vector.broadcast %eq3A_1178 : i32 to vector<16xi32>
        %eq3A_1180 = arith.cmpi eq, %all_reduce_population_count3A_1156, %eq3A_1179 : vector<16xi32>
        %eq3A_1181 = arith.constant 0 : i32
        %eq3A_1182 = vector.broadcast %eq3A_1181 : i32 to vector<16xi32>
        %eq3A_1183 = arith.cmpi eq, %all_reduce_population_count3A_1177, %eq3A_1182 : vector<16xi32>
        %and3A_1184 = arith.andi %eq3A_1180, %eq3A_1183 : vector<16xi1>
        %gt3A_1185 = arith.constant 0.000000e+00 : f32
        %gt3A_1186 = vector.broadcast %gt3A_1185 : f32 to vector<16xf32>
        %gt3A_1187 = arith.cmpf ogt, %gather3A_1050, %gt3A_1186 : vector<16xf32>
        %and3A_1188 = arith.andi %and3A_1184, %gt3A_1187 : vector<16xi1>
        %add3A_1189 = arith.addi %broadcast_in_dim3A_71, %add3A_1019 : vector<16xi32>
        %lt3A_1190 = arith.cmpi slt, %add3A_1189, %broadcast_in_dim3A_23 : vector<16xi32>
        %and3A_1191 = arith.andi %and3A_1188, %lt3A_1190 : vector<16xi1>
        %eq3A_1192 = arith.constant 12 : i32
        %eq3A_1193 = vector.broadcast %eq3A_1192 : i32 to vector<16xi32>
        %eq3A_1194 = arith.cmpi eq, %iota3A, %eq3A_1193 : vector<16xi32>
        %and3A_1195 = arith.andi %eq3A_1194, %and3A_1191 : vector<16xi1>
        %or3A_1196 = arith.ori %or3A_1017, %and3A_1195 : vector<16xi1>
        %convert_element_type3A_1197 = arith.extui %and3A_1191 : vector<16xi1> to vector<16xi32>
        %add3A_1198 = arith.addi %add3A_1019, %convert_element_type3A_1197 : vector<16xi32>
        %gt3A_1199 = arith.cmpf ogt, %while3A_1154#1, %gather3A_1077 : vector<16xf32>
        %all_reduce_population_count3A_1200 = tpu.all_reduce %gt3A_1199 {dim = 0 : i64, kind = #tpu.reduction_kind<sum>} : vector<16xi1> -> vector<16xi32>
        %min3A_1201 = arith.minimumf %gather3A_1069, %gather3A_59 : vector<16xf32>
        %max3A_1202 = arith.maximumf %gather3A_1061, %gather3A_51 : vector<16xf32>
        %sub3A_1203 = arith.subf %min3A_1201, %max3A_1202 : vector<16xf32>
        %min3A_1204 = arith.minimumf %gather3A_1073, %gather3A_63 : vector<16xf32>
        %max3A_1205 = arith.maximumf %gather3A_1065, %gather3A_55 : vector<16xf32>
        %sub3A_1206 = arith.subf %min3A_1204, %max3A_1205 : vector<16xf32>
        %max3A_1207 = arith.constant 0.000000e+00 : f32
        %max3A_1208 = vector.broadcast %max3A_1207 : f32 to vector<16xf32>
        %max3A_1209 = arith.maximumf %sub3A_1203, %max3A_1208 : vector<16xf32>
        %max3A_1210 = arith.constant 0.000000e+00 : f32
        %max3A_1211 = vector.broadcast %max3A_1210 : f32 to vector<16xf32>
        %max3A_1212 = arith.maximumf %sub3A_1206, %max3A_1211 : vector<16xf32>
        %mul3A_1213 = arith.mulf %max3A_1209, %max3A_1212 : vector<16xf32>
        %sub3A_1214 = arith.subf %mul3A_1213, %gather3A_67 : vector<16xf32>
        %gt3A_1215 = arith.cmpf ogt, %sub3A_1214, %gather3A_1077 : vector<16xf32>
        %and3A_1216 = arith.andi %gt3A_1215, %or3A_1196 : vector<16xi1>
        %lt3A_1217 = arith.constant 13 : i32
        %lt3A_1218 = vector.broadcast %lt3A_1217 : i32 to vector<16xi32>
        %lt3A_1219 = arith.cmpi slt, %iota3A, %lt3A_1218 : vector<16xi32>
        %and3A_1220 = arith.andi %and3A_1216, %lt3A_1219 : vector<16xi1>
        %all_reduce_population_count3A_1221 = tpu.all_reduce %and3A_1220 {dim = 0 : i64, kind = #tpu.reduction_kind<sum>} : vector<16xi1> -> vector<16xi32>
        %eq3A_1222 = arith.constant 0 : i32
        %eq3A_1223 = vector.broadcast %eq3A_1222 : i32 to vector<16xi32>
        %eq3A_1224 = arith.cmpi eq, %all_reduce_population_count3A_1200, %eq3A_1223 : vector<16xi32>
        %eq3A_1225 = arith.constant 0 : i32
        %eq3A_1226 = vector.broadcast %eq3A_1225 : i32 to vector<16xi32>
        %eq3A_1227 = arith.cmpi eq, %all_reduce_population_count3A_1221, %eq3A_1226 : vector<16xi32>
        %and3A_1228 = arith.andi %eq3A_1224, %eq3A_1227 : vector<16xi1>
        %gt3A_1229 = arith.constant 0.000000e+00 : f32
        %gt3A_1230 = vector.broadcast %gt3A_1229 : f32 to vector<16xf32>
        %gt3A_1231 = arith.cmpf ogt, %gather3A_1081, %gt3A_1230 : vector<16xf32>
        %and3A_1232 = arith.andi %and3A_1228, %gt3A_1231 : vector<16xi1>
        %add3A_1233 = arith.addi %broadcast_in_dim3A_71, %add3A_1198 : vector<16xi32>
        %lt3A_1234 = arith.cmpi slt, %add3A_1233, %broadcast_in_dim3A_23 : vector<16xi32>
        %and3A_1235 = arith.andi %and3A_1232, %lt3A_1234 : vector<16xi1>
        %eq3A_1236 = arith.constant 13 : i32
        %eq3A_1237 = vector.broadcast %eq3A_1236 : i32 to vector<16xi32>
        %eq3A_1238 = arith.cmpi eq, %iota3A, %eq3A_1237 : vector<16xi32>
        %and3A_1239 = arith.andi %eq3A_1238, %and3A_1235 : vector<16xi1>
        %or3A_1240 = arith.ori %or3A_1196, %and3A_1239 : vector<16xi1>
        %convert_element_type3A_1241 = arith.extui %and3A_1235 : vector<16xi1> to vector<16xi32>
        %add3A_1242 = arith.addi %add3A_1198, %convert_element_type3A_1241 : vector<16xi32>
        %gt3A_1243 = arith.cmpf ogt, %while3A_1154#2, %gather3A_1108 : vector<16xf32>
        %all_reduce_population_count3A_1244 = tpu.all_reduce %gt3A_1243 {dim = 0 : i64, kind = #tpu.reduction_kind<sum>} : vector<16xi1> -> vector<16xi32>
        %min3A_1245 = arith.minimumf %gather3A_1100, %gather3A_59 : vector<16xf32>
        %max3A_1246 = arith.maximumf %gather3A_1092, %gather3A_51 : vector<16xf32>
        %sub3A_1247 = arith.subf %min3A_1245, %max3A_1246 : vector<16xf32>
        %min3A_1248 = arith.minimumf %gather3A_1104, %gather3A_63 : vector<16xf32>
        %max3A_1249 = arith.maximumf %gather3A_1096, %gather3A_55 : vector<16xf32>
        %sub3A_1250 = arith.subf %min3A_1248, %max3A_1249 : vector<16xf32>
        %max3A_1251 = arith.constant 0.000000e+00 : f32
        %max3A_1252 = vector.broadcast %max3A_1251 : f32 to vector<16xf32>
        %max3A_1253 = arith.maximumf %sub3A_1247, %max3A_1252 : vector<16xf32>
        %max3A_1254 = arith.constant 0.000000e+00 : f32
        %max3A_1255 = vector.broadcast %max3A_1254 : f32 to vector<16xf32>
        %max3A_1256 = arith.maximumf %sub3A_1250, %max3A_1255 : vector<16xf32>
        %mul3A_1257 = arith.mulf %max3A_1253, %max3A_1256 : vector<16xf32>
        %sub3A_1258 = arith.subf %mul3A_1257, %gather3A_67 : vector<16xf32>
        %gt3A_1259 = arith.cmpf ogt, %sub3A_1258, %gather3A_1108 : vector<16xf32>
        %and3A_1260 = arith.andi %gt3A_1259, %or3A_1240 : vector<16xi1>
        %lt3A_1261 = arith.constant 14 : i32
        %lt3A_1262 = vector.broadcast %lt3A_1261 : i32 to vector<16xi32>
        %lt3A_1263 = arith.cmpi slt, %iota3A, %lt3A_1262 : vector<16xi32>
        %and3A_1264 = arith.andi %and3A_1260, %lt3A_1263 : vector<16xi1>
        %all_reduce_population_count3A_1265 = tpu.all_reduce %and3A_1264 {dim = 0 : i64, kind = #tpu.reduction_kind<sum>} : vector<16xi1> -> vector<16xi32>
        %eq3A_1266 = arith.constant 0 : i32
        %eq3A_1267 = vector.broadcast %eq3A_1266 : i32 to vector<16xi32>
        %eq3A_1268 = arith.cmpi eq, %all_reduce_population_count3A_1244, %eq3A_1267 : vector<16xi32>
        %eq3A_1269 = arith.constant 0 : i32
        %eq3A_1270 = vector.broadcast %eq3A_1269 : i32 to vector<16xi32>
        %eq3A_1271 = arith.cmpi eq, %all_reduce_population_count3A_1265, %eq3A_1270 : vector<16xi32>
        %and3A_1272 = arith.andi %eq3A_1268, %eq3A_1271 : vector<16xi1>
        %gt3A_1273 = arith.constant 0.000000e+00 : f32
        %gt3A_1274 = vector.broadcast %gt3A_1273 : f32 to vector<16xf32>
        %gt3A_1275 = arith.cmpf ogt, %gather3A_1112, %gt3A_1274 : vector<16xf32>
        %and3A_1276 = arith.andi %and3A_1272, %gt3A_1275 : vector<16xi1>
        %add3A_1277 = arith.addi %broadcast_in_dim3A_71, %add3A_1242 : vector<16xi32>
        %lt3A_1278 = arith.cmpi slt, %add3A_1277, %broadcast_in_dim3A_23 : vector<16xi32>
        %and3A_1279 = arith.andi %and3A_1276, %lt3A_1278 : vector<16xi1>
        %eq3A_1280 = arith.constant 14 : i32
        %eq3A_1281 = vector.broadcast %eq3A_1280 : i32 to vector<16xi32>
        %eq3A_1282 = arith.cmpi eq, %iota3A, %eq3A_1281 : vector<16xi32>
        %and3A_1283 = arith.andi %eq3A_1282, %and3A_1279 : vector<16xi1>
        %or3A_1284 = arith.ori %or3A_1240, %and3A_1283 : vector<16xi1>
        %convert_element_type3A_1285 = arith.extui %and3A_1279 : vector<16xi1> to vector<16xi32>
        %add3A_1286 = arith.addi %add3A_1242, %convert_element_type3A_1285 : vector<16xi32>
        %gt3A_1287 = arith.cmpf ogt, %while3A_1154#3, %gather3A_1139 : vector<16xf32>
        %all_reduce_population_count3A_1288 = tpu.all_reduce %gt3A_1287 {dim = 0 : i64, kind = #tpu.reduction_kind<sum>} : vector<16xi1> -> vector<16xi32>
        %min3A_1289 = arith.minimumf %gather3A_1131, %gather3A_59 : vector<16xf32>
        %max3A_1290 = arith.maximumf %gather3A_1123, %gather3A_51 : vector<16xf32>
        %sub3A_1291 = arith.subf %min3A_1289, %max3A_1290 : vector<16xf32>
        %min3A_1292 = arith.minimumf %gather3A_1135, %gather3A_63 : vector<16xf32>
        %max3A_1293 = arith.maximumf %gather3A_1127, %gather3A_55 : vector<16xf32>
        %sub3A_1294 = arith.subf %min3A_1292, %max3A_1293 : vector<16xf32>
        %max3A_1295 = arith.constant 0.000000e+00 : f32
        %max3A_1296 = vector.broadcast %max3A_1295 : f32 to vector<16xf32>
        %max3A_1297 = arith.maximumf %sub3A_1291, %max3A_1296 : vector<16xf32>
        %max3A_1298 = arith.constant 0.000000e+00 : f32
        %max3A_1299 = vector.broadcast %max3A_1298 : f32 to vector<16xf32>
        %max3A_1300 = arith.maximumf %sub3A_1294, %max3A_1299 : vector<16xf32>
        %mul3A_1301 = arith.mulf %max3A_1297, %max3A_1300 : vector<16xf32>
        %sub3A_1302 = arith.subf %mul3A_1301, %gather3A_67 : vector<16xf32>
        %gt3A_1303 = arith.cmpf ogt, %sub3A_1302, %gather3A_1139 : vector<16xf32>
        %and3A_1304 = arith.andi %gt3A_1303, %or3A_1284 : vector<16xi1>
        %lt3A_1305 = arith.constant 15 : i32
        %lt3A_1306 = vector.broadcast %lt3A_1305 : i32 to vector<16xi32>
        %lt3A_1307 = arith.cmpi slt, %iota3A, %lt3A_1306 : vector<16xi32>
        %and3A_1308 = arith.andi %and3A_1304, %lt3A_1307 : vector<16xi1>
        %all_reduce_population_count3A_1309 = tpu.all_reduce %and3A_1308 {dim = 0 : i64, kind = #tpu.reduction_kind<sum>} : vector<16xi1> -> vector<16xi32>
        %eq3A_1310 = arith.constant 0 : i32
        %eq3A_1311 = vector.broadcast %eq3A_1310 : i32 to vector<16xi32>
        %eq3A_1312 = arith.cmpi eq, %all_reduce_population_count3A_1288, %eq3A_1311 : vector<16xi32>
        %eq3A_1313 = arith.constant 0 : i32
        %eq3A_1314 = vector.broadcast %eq3A_1313 : i32 to vector<16xi32>
        %eq3A_1315 = arith.cmpi eq, %all_reduce_population_count3A_1309, %eq3A_1314 : vector<16xi32>
        %and3A_1316 = arith.andi %eq3A_1312, %eq3A_1315 : vector<16xi1>
        %gt3A_1317 = arith.constant 0.000000e+00 : f32
        %gt3A_1318 = vector.broadcast %gt3A_1317 : f32 to vector<16xf32>
        %gt3A_1319 = arith.cmpf ogt, %gather3A_1143, %gt3A_1318 : vector<16xf32>
        %and3A_1320 = arith.andi %and3A_1316, %gt3A_1319 : vector<16xi1>
        %add3A_1321 = arith.addi %broadcast_in_dim3A_71, %add3A_1286 : vector<16xi32>
        %lt3A_1322 = arith.cmpi slt, %add3A_1321, %broadcast_in_dim3A_23 : vector<16xi32>
        %and3A_1323 = arith.andi %and3A_1320, %lt3A_1322 : vector<16xi1>
        %eq3A_1324 = arith.constant 15 : i32
        %eq3A_1325 = vector.broadcast %eq3A_1324 : i32 to vector<16xi32>
        %eq3A_1326 = arith.cmpi eq, %iota3A, %eq3A_1325 : vector<16xi32>
        %and3A_1327 = arith.andi %eq3A_1326, %and3A_1323 : vector<16xi1>
        %or3A_1328 = arith.ori %or3A_1284, %and3A_1327 : vector<16xi1>
        %convert_element_type3A_1329 = arith.extui %and3A_1323 : vector<16xi1> to vector<16xi32>
        %add3A_1330 = arith.addi %add3A_1286, %convert_element_type3A_1329 : vector<16xi32>
        %convert_element_type3A_1331 = arith.extui %or3A_1328 : vector<16xi1> to vector<16xi32>
        %broadcast_in_dim3A_1332 = arith.constant true
        %broadcast_in_dim3A_1333 = vector.broadcast %broadcast_in_dim3A_1332 : i1 to vector<16xi1>
        %masked_cumsum3A = tpu.scan <sum>, %convert_element_type3A_1331 masked %broadcast_in_dim3A_1333 : vector<16xi32>, vector<16xi1> -> vector<16xi32>
        %add3A_1334 = arith.addi %broadcast_in_dim3A_71, %masked_cumsum3A : vector<16xi32>
        %sub3A_1335 = arith.constant 1 : i32
        %sub3A_1336 = vector.broadcast %sub3A_1335 : i32 to vector<16xi32>
        %sub3A_1337 = arith.subi %add3A_1334, %sub3A_1336 : vector<16xi32>
        tpu.vector_store_idx %arg7[%sub3A_1337], %gather3A_51 masked %or3A_1328 : memref<320xf32, #tpu.memory_space<vmem>>[vector<16xi32>], vector<16xf32>, vector<16xi1>
        tpu.vector_store_idx %arg8[%sub3A_1337], %gather3A_55 masked %or3A_1328 : memref<320xf32, #tpu.memory_space<vmem>>[vector<16xi32>], vector<16xf32>, vector<16xi1>
        tpu.vector_store_idx %arg9[%sub3A_1337], %gather3A_59 masked %or3A_1328 : memref<320xf32, #tpu.memory_space<vmem>>[vector<16xi32>], vector<16xf32>, vector<16xi1>
        tpu.vector_store_idx %arg10[%sub3A_1337], %gather3A_63 masked %or3A_1328 : memref<320xf32, #tpu.memory_space<vmem>>[vector<16xi32>], vector<16xf32>, vector<16xi1>
        tpu.vector_store_idx %arg11[%sub3A_1337], %gather3A_67 masked %or3A_1328 : memref<320xf32, #tpu.memory_space<vmem>>[vector<16xi32>], vector<16xf32>, vector<16xi1>
        tpu.vector_store_idx %arg12[%sub3A_1337], %mul3A_43 masked %or3A_1328 : memref<320xi32, #tpu.memory_space<vmem>>[vector<16xi32>], vector<16xi32>, vector<16xi1>
        %reduce_max3A_1338 = arith.constant true
        %reduce_max3A_1339 = vector.broadcast %reduce_max3A_1338 : i1 to vector<16xi1>
        %reduce_max3A_1340 = arith.constant -2147483648 : i32
        %reduce_max3A_1341 = vector.broadcast %reduce_max3A_1340 : i32 to vector<16xi32>
        %reduce_max3A_1342 = arith.xori %masked_cumsum3A, %reduce_max3A_1341 : vector<16xi32>
        %reduce_max3A_1343 = tpu.scan <max>, %reduce_max3A_1342 masked %reduce_max3A_1339 : vector<16xi32>, vector<16xi1> -> vector<16xi32>
        %reduce_max3A_1344 = arith.xori %reduce_max3A_1343, %reduce_max3A_1341 : vector<16xi32>
        %reduce_max3A_1345 = vector.extract %reduce_max3A_1344[15] : i32 from vector<16xi32>
        %add3A_1346 = arith.addi %while3A_38, %reduce_max3A_1345 : i32
        %le3A = arith.constant 0.000000e+00 : f32
        %le3A_1347 = arith.cmpf ole, %reduce_max3A_70, %le3A : f32
        %convert_element_type3A_1348 = arith.extui %le3A_1347 : i1 to i32
        %add3A_1349 = arith.constant 16 : i32
        %add3A_1350 = arith.addi %while3A_37, %add3A_1349 : i32
        scf.yield %add3A_1350, %add3A_1346, %convert_element_type3A_1348 : i32, i32, i32
      }
      %add3A = vector.broadcast %while3A_28#1 : i32 to vector<16xi32>
      %add3A_29 = arith.addi %broadcast_in_dim3A_8, %add3A : vector<16xi32>
      %scan3A_30 = arith.constant 0 : i32
      %scan3A_31 = arith.constant 0 : i32
      %scan3A_32 = arith.constant 19 : i32
      %scan3A_33 = arith.addi %scan3A_31, %scan3A_32 : i32
      %scan3A_34 = arith.constant 1 : i32
      %scan3A_35 = scf.for %scan3A_37 = %scan3A_31 to %scan3A_33 step %scan3A_34 iter_args(%scan3A_38 = %scan3A_30) -> (i32)  : i32 {
        %mul3A = arith.constant 16 : i32
        %mul3A_39 = arith.muli %scan3A_37, %mul3A : i32
        %add3A_40 = vector.broadcast %mul3A_39 : i32 to vector<16xi32>
        %add3A_41 = arith.addi %add3A_40, %iota3A : vector<16xi32>
        %lt3A = arith.cmpi slt, %add3A_41, %add3A_29 : vector<16xi32>
        %gather3A = tpu.vector_load_idx %arg12[%add3A_41] : memref<320xi32, #tpu.memory_space<vmem>>[vector<16xi32>], vector<16xi32>,
        %add3A_42 = arith.constant 2 : i32
        %add3A_43 = vector.broadcast %add3A_42 : i32 to vector<16xi32>
        %add3A_44 = arith.addi %gather3A, %add3A_43 : vector<16xi32>
        %gather3A_45 = tpu.vector_load_idx %arg5[%add3A_44] : memref<80000xf32, #tpu.memory_space<vmem>>[vector<16xi32>], vector<16xf32>,
        %mul3A_46 = arith.constant 6 : i32
        %mul3A_47 = vector.broadcast %mul3A_46 : i32 to vector<16xi32>
        %mul3A_48 = arith.muli %add3A_41, %mul3A_47 : vector<16xi32>
        %add3A_49 = arith.constant 0 : i32
        %add3A_50 = vector.broadcast %add3A_49 : i32 to vector<16xi32>
        %add3A_51 = arith.addi %mul3A_48, %add3A_50 : vector<16xi32>
        tpu.vector_store_idx %arg13[%add3A_51], %gather3A_45 masked %lt3A : memref<1824xf32, #tpu.memory_space<vmem>>[vector<16xi32>], vector<16xf32>, vector<16xi1>
        %add3A_52 = arith.constant 3 : i32
        %add3A_53 = vector.broadcast %add3A_52 : i32 to vector<16xi32>
        %add3A_54 = arith.addi %gather3A, %add3A_53 : vector<16xi32>
        %gather3A_55 = tpu.vector_load_idx %arg5[%add3A_54] : memref<80000xf32, #tpu.memory_space<vmem>>[vector<16xi32>], vector<16xf32>,
        %mul3A_56 = arith.constant 6 : i32
        %mul3A_57 = vector.broadcast %mul3A_56 : i32 to vector<16xi32>
        %mul3A_58 = arith.muli %add3A_41, %mul3A_57 : vector<16xi32>
        %add3A_59 = arith.constant 1 : i32
        %add3A_60 = vector.broadcast %add3A_59 : i32 to vector<16xi32>
        %add3A_61 = arith.addi %mul3A_58, %add3A_60 : vector<16xi32>
        tpu.vector_store_idx %arg13[%add3A_61], %gather3A_55 masked %lt3A : memref<1824xf32, #tpu.memory_space<vmem>>[vector<16xi32>], vector<16xf32>, vector<16xi1>
        %add3A_62 = arith.constant 4 : i32
        %add3A_63 = vector.broadcast %add3A_62 : i32 to vector<16xi32>
        %add3A_64 = arith.addi %gather3A, %add3A_63 : vector<16xi32>
        %gather3A_65 = tpu.vector_load_idx %arg5[%add3A_64] : memref<80000xf32, #tpu.memory_space<vmem>>[vector<16xi32>], vector<16xf32>,
        %mul3A_66 = arith.constant 6 : i32
        %mul3A_67 = vector.broadcast %mul3A_66 : i32 to vector<16xi32>
        %mul3A_68 = arith.muli %add3A_41, %mul3A_67 : vector<16xi32>
        %add3A_69 = arith.constant 2 : i32
        %add3A_70 = vector.broadcast %add3A_69 : i32 to vector<16xi32>
        %add3A_71 = arith.addi %mul3A_68, %add3A_70 : vector<16xi32>
        tpu.vector_store_idx %arg13[%add3A_71], %gather3A_65 masked %lt3A : memref<1824xf32, #tpu.memory_space<vmem>>[vector<16xi32>], vector<16xf32>, vector<16xi1>
        %add3A_72 = arith.constant 5 : i32
        %add3A_73 = vector.broadcast %add3A_72 : i32 to vector<16xi32>
        %add3A_74 = arith.addi %gather3A, %add3A_73 : vector<16xi32>
        %gather3A_75 = tpu.vector_load_idx %arg5[%add3A_74] : memref<80000xf32, #tpu.memory_space<vmem>>[vector<16xi32>], vector<16xf32>,
        %mul3A_76 = arith.constant 6 : i32
        %mul3A_77 = vector.broadcast %mul3A_76 : i32 to vector<16xi32>
        %mul3A_78 = arith.muli %add3A_41, %mul3A_77 : vector<16xi32>
        %add3A_79 = arith.constant 3 : i32
        %add3A_80 = vector.broadcast %add3A_79 : i32 to vector<16xi32>
        %add3A_81 = arith.addi %mul3A_78, %add3A_80 : vector<16xi32>
        tpu.vector_store_idx %arg13[%add3A_81], %gather3A_75 masked %lt3A : memref<1824xf32, #tpu.memory_space<vmem>>[vector<16xi32>], vector<16xf32>, vector<16xi1>
        %add3A_82 = arith.constant 0 : i32
        %add3A_83 = vector.broadcast %add3A_82 : i32 to vector<16xi32>
        %add3A_84 = arith.addi %gather3A, %add3A_83 : vector<16xi32>
        %gather3A_85 = tpu.vector_load_idx %arg5[%add3A_84] : memref<80000xf32, #tpu.memory_space<vmem>>[vector<16xi32>], vector<16xf32>,
        %mul3A_86 = arith.constant 6 : i32
        %mul3A_87 = vector.broadcast %mul3A_86 : i32 to vector<16xi32>
        %mul3A_88 = arith.muli %add3A_41, %mul3A_87 : vector<16xi32>
        %add3A_89 = arith.constant 4 : i32
        %add3A_90 = vector.broadcast %add3A_89 : i32 to vector<16xi32>
        %add3A_91 = arith.addi %mul3A_88, %add3A_90 : vector<16xi32>
        tpu.vector_store_idx %arg13[%add3A_91], %gather3A_85 masked %lt3A : memref<1824xf32, #tpu.memory_space<vmem>>[vector<16xi32>], vector<16xf32>, vector<16xi1>
        %add3A_92 = arith.constant 1 : i32
        %add3A_93 = vector.broadcast %add3A_92 : i32 to vector<16xi32>
        %add3A_94 = arith.addi %gather3A, %add3A_93 : vector<16xi32>
        %gather3A_95 = tpu.vector_load_idx %arg5[%add3A_94] : memref<80000xf32, #tpu.memory_space<vmem>>[vector<16xi32>], vector<16xf32>,
        %mul3A_96 = arith.constant 6 : i32
        %mul3A_97 = vector.broadcast %mul3A_96 : i32 to vector<16xi32>
        %mul3A_98 = arith.muli %add3A_41, %mul3A_97 : vector<16xi32>
        %add3A_99 = arith.constant 5 : i32
        %add3A_100 = vector.broadcast %add3A_99 : i32 to vector<16xi32>
        %add3A_101 = arith.addi %mul3A_98, %add3A_100 : vector<16xi32>
        tpu.vector_store_idx %arg13[%add3A_101], %gather3A_95 masked %lt3A : memref<1824xf32, #tpu.memory_space<vmem>>[vector<16xi32>], vector<16xf32>, vector<16xi1>
        %scan3A_102 = arith.constant 0 : i32
        scf.yield %scan3A_102 : i32
      }
      %scan3A_36 = arith.constant 19 : i32
      "tpu.region"() ({
        %run_scoped3A = tpu.sem_alloc : memref<!tpu.dma_semaphore, #tpu.memory_space<semaphore_mem>>
        %dma_start3A = arith.constant 0 : i32
        %dma_start3A_37 = tpu.memref_slice %arg13[%dma_start3A] : memref<1824xf32, #tpu.memory_space<vmem>> -> memref<1800xf32, #tpu.memory_space<vmem>>
        %dma_start3A_38 = arith.constant 0 : i32
        %dma_start3A_39 = tpu.memref_slice %arg13[%dma_start3A_38] : memref<1824xf32, #tpu.memory_space<vmem>> -> memref<1800xf32, #tpu.memory_space<vmem>>
        tpu.enqueue_dma source(%dma_start3A_39 : memref<1800xf32, #tpu.memory_space<vmem>>) target(%arg4 : memref<1800xf32, #tpu.memory_space<hbm>>) target_semaphore(%run_scoped3A : memref<!tpu.dma_semaphore, #tpu.memory_space<semaphore_mem>>)
        %dma_wait3A = arith.constant 0 : i32
        %dma_wait3A_40 = tpu.memref_slice %arg13[%dma_wait3A] : memref<1824xf32, #tpu.memory_space<vmem>> -> memref<1800xf32, #tpu.memory_space<vmem>>
        %dma_wait3A_41 = arith.constant 0 : i32
        %dma_wait3A_42 = tpu.memref_slice %arg13[%dma_wait3A_41] : memref<1824xf32, #tpu.memory_space<vmem>> -> memref<1800xf32, #tpu.memory_space<vmem>>
        tpu.wait_dma2 semaphore(%run_scoped3A : memref<!tpu.dma_semaphore, #tpu.memory_space<semaphore_mem>>) src(%dma_wait3A_42 : memref<1800xf32, #tpu.memory_space<vmem>>) dst(%arg4 : memref<1800xf32, #tpu.memory_space<hbm>>)
        tpu.yield
      }) : () -> ()
    } else {
    }
    return
  }
}

module attributes {stable_mosaic.version = 14 : i64} {
  func.func @_score_box_kernel(%arg0: memref<1x5000x85xf32, #tpu.memory_space<vmem>>, %arg1: memref<5000x16xf32, #tpu.memory_space<vmem>>) attributes {dimension_semantics = [], scalar_prefetch = 0 : i64, scratch_operands = 0 : i64, tpu.core_type = #tpu.core_type<tc>} {
    %get3A = arith.constant 0 : index
    %get3A_0 = arith.constant 0 : index
    %get3A_1 = arith.constant 0 : index
    %get3A_2 = vector.load %arg0[%get3A, %get3A_0, %get3A_1] : memref<1x5000x85xf32, #tpu.memory_space<vmem>>, vector<1x5000x85xf32>
    %get3A_3 = vector.shape_cast %get3A_2 : vector<1x5000x85xf32> to vector<5000x85xf32>
    %slice3A = vector.extract_strided_slice %get3A_3 {offsets = [0, 4], sizes = [5000, 1], strides = [1, 1]} : vector<5000x85xf32> to vector<5000x1xf32>
    %slice3A_4 = vector.extract_strided_slice %get3A_3 {offsets = [0, 5], sizes = [5000, 80], strides = [1, 1]} : vector<5000x85xf32> to vector<5000x80xf32>
    %mul3A = vector.broadcast %slice3A : vector<5000x1xf32> to vector<5000x80xf32>
    %mul3A_5 = arith.mulf %mul3A, %slice3A_4 : vector<5000x80xf32>
    %reduce_max3A = arith.constant dense<0xFF800000> : vector<5000xf32>
    %reduce_max3A_6 = vector.multi_reduction <maximumf>, %mul3A_5, %reduce_max3A [1] : vector<5000x80xf32> to vector<5000xf32>
    %broadcast_in_dim3A = vector.shape_cast %reduce_max3A_6 : vector<5000xf32> to vector<5000x1xf32>
    %iota3A = tpu.iota {dimensions = array<i32: 1>} : vector<5000x80xi32>
    %eq3A = vector.broadcast %broadcast_in_dim3A : vector<5000x1xf32> to vector<5000x80xf32>
    %eq3A_7 = arith.cmpf oeq, %mul3A_5, %eq3A : vector<5000x80xf32>
    %jit3A = arith.constant 80 : i32
    %broadcast_in_dim3A_8 = vector.broadcast %jit3A : i32 to vector<5000x80xi32>
    %select_n3A = arith.select %eq3A_7, %iota3A, %broadcast_in_dim3A_8 : vector<5000x80xi1>, vector<5000x80xi32>
    %reduce_min3A = arith.constant dense<2147483647> : vector<5000xi32>
    %reduce_min3A_9 = vector.multi_reduction <minsi>, %select_n3A, %reduce_min3A [1] : vector<5000x80xi32> to vector<5000xi32>
    %broadcast_in_dim3A_10 = vector.shape_cast %reduce_min3A_9 : vector<5000xi32> to vector<5000x1xi32>
    %convert_element_type3A = arith.sitofp %broadcast_in_dim3A_10 : vector<5000x1xi32> to vector<5000x1xf32>
    %gt3A = arith.constant 2.000000e-01 : f32
    %gt3A_11 = vector.broadcast %gt3A : f32 to vector<5000x1xf32>
    %gt3A_12 = arith.cmpf ogt, %broadcast_in_dim3A, %gt3A_11 : vector<5000x1xf32>
    %jit3A_13 = arith.constant 0.000000e+00 : f32
    %broadcast_in_dim3A_14 = vector.broadcast %jit3A_13 : f32 to vector<5000x1xf32>
    %select_n3A_15 = arith.select %gt3A_12, %broadcast_in_dim3A, %broadcast_in_dim3A_14 : vector<5000x1xi1>, vector<5000x1xf32>
    %slice3A_16 = vector.extract_strided_slice %get3A_3 {offsets = [0, 0], sizes = [5000, 1], strides = [1, 1]} : vector<5000x85xf32> to vector<5000x1xf32>
    %slice3A_17 = vector.extract_strided_slice %get3A_3 {offsets = [0, 1], sizes = [5000, 1], strides = [1, 1]} : vector<5000x85xf32> to vector<5000x1xf32>
    %slice3A_18 = vector.extract_strided_slice %get3A_3 {offsets = [0, 2], sizes = [5000, 1], strides = [1, 1]} : vector<5000x85xf32> to vector<5000x1xf32>
    %slice3A_19 = vector.extract_strided_slice %get3A_3 {offsets = [0, 3], sizes = [5000, 1], strides = [1, 1]} : vector<5000x85xf32> to vector<5000x1xf32>
    %div3A = arith.constant 2.000000e+00 : f32
    %div3A_20 = vector.broadcast %div3A : f32 to vector<5000x1xf32>
    %div3A_21 = arith.divf %slice3A_18, %div3A_20 : vector<5000x1xf32>
    %sub3A = arith.subf %slice3A_16, %div3A_21 : vector<5000x1xf32>
    %div3A_22 = arith.constant 2.000000e+00 : f32
    %div3A_23 = vector.broadcast %div3A_22 : f32 to vector<5000x1xf32>
    %div3A_24 = arith.divf %slice3A_19, %div3A_23 : vector<5000x1xf32>
    %sub3A_25 = arith.subf %slice3A_17, %div3A_24 : vector<5000x1xf32>
    %div3A_26 = arith.constant 2.000000e+00 : f32
    %div3A_27 = vector.broadcast %div3A_26 : f32 to vector<5000x1xf32>
    %div3A_28 = arith.divf %slice3A_18, %div3A_27 : vector<5000x1xf32>
    %add3A = arith.addf %slice3A_16, %div3A_28 : vector<5000x1xf32>
    %div3A_29 = arith.constant 2.000000e+00 : f32
    %div3A_30 = vector.broadcast %div3A_29 : f32 to vector<5000x1xf32>
    %div3A_31 = arith.divf %slice3A_19, %div3A_30 : vector<5000x1xf32>
    %add3A_32 = arith.addf %slice3A_17, %div3A_31 : vector<5000x1xf32>
    %mul3A_33 = arith.constant 4.096000e+03 : f32
    %mul3A_34 = vector.broadcast %mul3A_33 : f32 to vector<5000x1xf32>
    %mul3A_35 = arith.mulf %convert_element_type3A, %mul3A_34 : vector<5000x1xf32>
    %add3A_36 = arith.addf %sub3A, %mul3A_35 : vector<5000x1xf32>
    %add3A_37 = arith.addf %sub3A_25, %mul3A_35 : vector<5000x1xf32>
    %add3A_38 = arith.addf %add3A, %mul3A_35 : vector<5000x1xf32>
    %add3A_39 = arith.addf %add3A_32, %mul3A_35 : vector<5000x1xf32>
    %sub3A_40 = arith.subf %add3A_38, %add3A_36 : vector<5000x1xf32>
    %sub3A_41 = arith.subf %add3A_39, %add3A_37 : vector<5000x1xf32>
    %mul3A_42 = arith.mulf %sub3A_40, %sub3A_41 : vector<5000x1xf32>
    %mul3A_43 = arith.constant 3.750000e-01 : f32
    %mul3A_44 = vector.broadcast %mul3A_43 : f32 to vector<5000x1xf32>
    %mul3A_45 = arith.mulf %mul3A_42, %mul3A_44 : vector<5000x1xf32>
    %add3A_46 = arith.constant 3.750000e-10 : f32
    %add3A_47 = vector.broadcast %add3A_46 : f32 to vector<5000x1xf32>
    %add3A_48 = arith.addf %mul3A_45, %add3A_47 : vector<5000x1xf32>
    %swap3A = arith.constant 0 : index
    %swap3A_49 = arith.constant 0 : index
    %swap3A_50 = vector.load %arg1[%swap3A, %swap3A_49] : memref<5000x16xf32, #tpu.memory_space<vmem>>, vector<5000x1xf32>
    tpu.vector_store %arg1[%swap3A, %swap3A_49], %select_n3A_15 {strides = array<i32>} : memref<5000x16xf32, #tpu.memory_space<vmem>>, vector<5000x1xf32>,
    %swap3A_51 = arith.constant 0 : index
    %swap3A_52 = arith.constant 1 : index
    %swap3A_53 = vector.load %arg1[%swap3A_51, %swap3A_52] : memref<5000x16xf32, #tpu.memory_space<vmem>>, vector<5000x1xf32>
    tpu.vector_store %arg1[%swap3A_51, %swap3A_52], %convert_element_type3A {strides = array<i32>} : memref<5000x16xf32, #tpu.memory_space<vmem>>, vector<5000x1xf32>,
    %swap3A_54 = arith.constant 0 : index
    %swap3A_55 = arith.constant 2 : index
    %swap3A_56 = vector.load %arg1[%swap3A_54, %swap3A_55] : memref<5000x16xf32, #tpu.memory_space<vmem>>, vector<5000x1xf32>
    tpu.vector_store %arg1[%swap3A_54, %swap3A_55], %sub3A {strides = array<i32>} : memref<5000x16xf32, #tpu.memory_space<vmem>>, vector<5000x1xf32>,
    %swap3A_57 = arith.constant 0 : index
    %swap3A_58 = arith.constant 3 : index
    %swap3A_59 = vector.load %arg1[%swap3A_57, %swap3A_58] : memref<5000x16xf32, #tpu.memory_space<vmem>>, vector<5000x1xf32>
    tpu.vector_store %arg1[%swap3A_57, %swap3A_58], %sub3A_25 {strides = array<i32>} : memref<5000x16xf32, #tpu.memory_space<vmem>>, vector<5000x1xf32>,
    %swap3A_60 = arith.constant 0 : index
    %swap3A_61 = arith.constant 4 : index
    %swap3A_62 = vector.load %arg1[%swap3A_60, %swap3A_61] : memref<5000x16xf32, #tpu.memory_space<vmem>>, vector<5000x1xf32>
    tpu.vector_store %arg1[%swap3A_60, %swap3A_61], %add3A {strides = array<i32>} : memref<5000x16xf32, #tpu.memory_space<vmem>>, vector<5000x1xf32>,
    %swap3A_63 = arith.constant 0 : index
    %swap3A_64 = arith.constant 5 : index
    %swap3A_65 = vector.load %arg1[%swap3A_63, %swap3A_64] : memref<5000x16xf32, #tpu.memory_space<vmem>>, vector<5000x1xf32>
    tpu.vector_store %arg1[%swap3A_63, %swap3A_64], %add3A_32 {strides = array<i32>} : memref<5000x16xf32, #tpu.memory_space<vmem>>, vector<5000x1xf32>,
    %swap3A_66 = arith.constant 0 : index
    %swap3A_67 = arith.constant 6 : index
    %swap3A_68 = vector.load %arg1[%swap3A_66, %swap3A_67] : memref<5000x16xf32, #tpu.memory_space<vmem>>, vector<5000x1xf32>
    tpu.vector_store %arg1[%swap3A_66, %swap3A_67], %add3A_36 {strides = array<i32>} : memref<5000x16xf32, #tpu.memory_space<vmem>>, vector<5000x1xf32>,
    %swap3A_69 = arith.constant 0 : index
    %swap3A_70 = arith.constant 7 : index
    %swap3A_71 = vector.load %arg1[%swap3A_69, %swap3A_70] : memref<5000x16xf32, #tpu.memory_space<vmem>>, vector<5000x1xf32>
    tpu.vector_store %arg1[%swap3A_69, %swap3A_70], %add3A_37 {strides = array<i32>} : memref<5000x16xf32, #tpu.memory_space<vmem>>, vector<5000x1xf32>,
    %swap3A_72 = arith.constant 0 : index
    %swap3A_73 = arith.constant 8 : index
    %swap3A_74 = vector.load %arg1[%swap3A_72, %swap3A_73] : memref<5000x16xf32, #tpu.memory_space<vmem>>, vector<5000x1xf32>
    tpu.vector_store %arg1[%swap3A_72, %swap3A_73], %add3A_38 {strides = array<i32>} : memref<5000x16xf32, #tpu.memory_space<vmem>>, vector<5000x1xf32>,
    %swap3A_75 = arith.constant 0 : index
    %swap3A_76 = arith.constant 9 : index
    %swap3A_77 = vector.load %arg1[%swap3A_75, %swap3A_76] : memref<5000x16xf32, #tpu.memory_space<vmem>>, vector<5000x1xf32>
    tpu.vector_store %arg1[%swap3A_75, %swap3A_76], %add3A_39 {strides = array<i32>} : memref<5000x16xf32, #tpu.memory_space<vmem>>, vector<5000x1xf32>,
    %swap3A_78 = arith.constant 0 : index
    %swap3A_79 = arith.constant 10 : index
    %swap3A_80 = vector.load %arg1[%swap3A_78, %swap3A_79] : memref<5000x16xf32, #tpu.memory_space<vmem>>, vector<5000x1xf32>
    tpu.vector_store %arg1[%swap3A_78, %swap3A_79], %mul3A_45 {strides = array<i32>} : memref<5000x16xf32, #tpu.memory_space<vmem>>, vector<5000x1xf32>,
    %swap3A_81 = arith.constant 0 : index
    %swap3A_82 = arith.constant 11 : index
    %swap3A_83 = vector.load %arg1[%swap3A_81, %swap3A_82] : memref<5000x16xf32, #tpu.memory_space<vmem>>, vector<5000x1xf32>
    tpu.vector_store %arg1[%swap3A_81, %swap3A_82], %add3A_48 {strides = array<i32>} : memref<5000x16xf32, #tpu.memory_space<vmem>>, vector<5000x1xf32>,
    return
  }
}

</mosaic_0001>

<sc_bundles>
// kernel: kernel.4.cloned.1.call-start
scs
__scs_entry_jumppad:
0x0: {  	(pc) =	sbr.rel $0x88, $3  }
0x1: {  	(tag) =	ssettag $0x0;
	lr =	simm.s32 $0x1  }
0x2: {  	[smem:$0x3FA0] =	sst lr;
	_ =	strace $0xD0000000  }
0x3: {  	_ = 	snop  }
0x4: {  	_ = 	snop  }
0x5: {  	_ = 	snop  }
0x6: {  	_ = 	snop  }
0x7: {  	_ = 	snop  }
__scs_overlays_trampoline_lowered:
0x8: {  	[smem:$0x3FAF] =	sst s0  }
0x9: {  	[smem:$0x3FB0] =	sst s1  }
0xa: {  	[smem:$0x3FB1] =	sst s2  }
0xb: {  	[smem:$0x3FB2] =	sst s3  }
0xc: {  	[smem:$0x3FB3] =	sst s4  }
0xd: {  	[smem:$0x3FB4] =	sst s5  }
0xe: {  	[smem:$0x3FB5] =	sst s6  }
0xf: {  	[smem:$0x3FB6] =	sst s7  }
0x10: {  	[smem:$0x3FB7] =	sst s8  }
0x11: {  	[smem:$0x3FB8] =	sst s9;
	s0 =	simm.s32 @!p0 $0x0  }
0x12: {  	s1 =	sld [smem:$0x3F9E];
	s0 =	simm.s32 @p0 $0x1  }
0x13: {  	[smem:$0x3FB9] =	sst s0;
	s0 =	simm.s32 @!p1 $0x0  }
0x14: {  	s2 =	sld [smem:$0x3F9D];
	s0 =	simm.s32 @p1 $0x1  }
0x15: {  	[smem:$0x3FBA] =	sst s0;
	s0 =	simm.s32 @!p2 $0x0  }
0x16: {  	s3 =	sld [smem:$0x3FDB];
	s0 =	simm.s32 @p2 $0x1  }
0x17: {  	s4 =	simm.s32 $0x1BF5;
	[smem:$0x3FBC] =	sst s0  }
0x18: {  	s0 =	sld [smem:$0x3F9F];
	_ =	swait.ge [sflag:s4], $0x0  }
0x19: {  	s7 =	sld [smem:$0x3FA0]  }
0x1a: {  	s8 =	sadd.s32 $0xFFFFE003, lr  }
0x1b: {  	s9 =	sadd.s32 $0xFFFFFEF7, lr;
	s5 =	simm.s32 $0xFFFFFFFF;
	p2 =	slt.u32 s8, $0xFFFFF086  }
0x1c: {  	p1 =	slt.u32 s9, $0xF7A;
	s5 =	simm.s32 @!p2 $0x0  }
0x1d: {  	s5 =	simm.s32 @p1 $0x1;
	p0 =	seq.s32 s7, s2  }
0x1e: {  	s7 =	smul.u32 @!p0 $0xF7A, s2;
	p2 =	seq.s32 @!p0 s5, $0x0  }
0x1f: {  	s9 =	smul.u32 $0xF7A, s1;
	s8 =	simm.s32 @!p0 $0x1BF5;
	p2 =	por !p2, p0  }
0x20: {  	[sflag:s8] =	ssyncset.s32 @!p0 $0xFFFFF086;
	s6 =	sadd.s32 @!p0 s3, s7;
	s7 =	simm.s32 @!p0 $0x108  }
0x21: {  	s3 =	sadd.s32 s3, s9;
	s6 =	sadd.s32 @!p0 $0x88, s6;
	s7 =	simm.s32 @p2 $0x1082  }
0x22: {  	[simem:s7], [sflag:s8] =	dma.local @!p0 [hbm:s6], $0xF7A  }
0x23: {  	s9 =	sor.u32 $0xD0000000, s2;
	s6 =	simm.s32 $0x108;
	_ =	swait.ge @!p0 [sflag:s8], $0x0  }
0x24: {  	s3 =	sadd.s32 $0x88, s3;
	s6 =	simm.s32 @!p1 $0x1082;
	[sflag:s4] =	ssyncset.s32 $0xFFFFF086  }
0x25: {  	[simem:s6], [sflag:s4] =	dma.local [hbm:s3], $0xF7A  }
0x26: {  	[smem:$0x3FA0] =	sst s1;
	(tag) =	ssettag s2;
	_ =	strace s9  }
0x27: {  	s1 =	sld [smem:$0x3FB0]  }
0x28: {  	s2 =	sld [smem:$0x3FB1]  }
0x29: {  	s4 =	sld [smem:$0x3FB3]  }
0x2a: {  	p0 =	seq.s32 s5, $0x0;
	s5 =	sld [smem:$0x3FB4]  }
0x2b: {  	s6 =	sld [smem:$0x3FB5]  }
0x2c: {  	s7 =	sld [smem:$0x3FB6]  }
0x2d: {  	s3 =	simm.s32 $0x108;
	s8 =	sld [smem:$0x3FB7]  }
0x2e: {  	s3 =	simm.s32 @!p0 $0x1082;
	s9 =	sld [smem:$0x3FB8]  }
0x2f: {  	lr =	sadd.s32 s0, s3;
	s0 =	sld [smem:$0x3FAF]  }
0x30: {  	s3 =	sld [smem:$0x3FB2]  }
0x31: {  	[smem:$0x3FBB] =	sst s10  }
0x32: {  	s10 =	sld [smem:$0x3FB9];
	_ =	sdelay $0x3  }
0x33: {  	p0 =	seq.s32 s10, $0x1;
	s10 =	sld [smem:$0x3FBB];
	_ =	sdelay $0x3  }
0x34: {  	[smem:$0x3FBB] =	sst s10  }
0x35: {  	s10 =	sld [smem:$0x3FBA];
	_ =	sdelay $0x3  }
0x36: {  	p1 =	seq.s32 s10, $0x1;
	s10 =	sld [smem:$0x3FBB];
	_ =	sdelay $0x3  }
0x37: {  	[smem:$0x3FBB] =	sst s10  }
0x38: {  	s10 =	sld [smem:$0x3FBC]  }
0x39: {  	_ = 	snop;
	(pc) =	sbr.ind lr, $3  }
0x3a: {  	_ = 	snop  }
0x3b: {  	_ = 	snop  }
0x3c: {  	p2 =	seq.s32 s10, $0x1;
	s10 =	sld [smem:$0x3FBB]  }
0x3d: {  	_ =	shalt  }
0x3e: {  	_ =	shalt  }
0x3f: {  	_ =	shalt  }
0x40: {  	_ =	shalt  }
0x41: {  	_ =	shalt  }
0x42: {  	_ =	shalt  }
0x43: {  	_ =	shalt  }
0x44: {  	_ =	shalt  }
0x45: {  	_ =	shalt  }
0x46: {  	_ =	shalt  }
0x47: {  	_ =	shalt  }
0x48: {  	_ =	shalt  }
0x49: {  	_ =	shalt  }
0x4a: {  	_ =	shalt  }
0x4b: {  	_ =	shalt  }
0x4c: {  	_ =	shalt  }
0x4d: {  	_ =	shalt  }
0x4e: {  	_ =	shalt  }
0x4f: {  	_ =	shalt  }
0x50: {  	_ =	shalt  }
0x51: {  	_ =	shalt  }
0x52: {  	_ =	shalt  }
0x53: {  	_ =	shalt  }
0x54: {  	_ =	shalt  }
0x55: {  	_ =	shalt  }
0x56: {  	_ =	shalt  }
0x57: {  	_ =	shalt  }
0x58: {  	_ =	shalt  }
0x59: {  	_ =	shalt  }
0x5a: {  	_ =	shalt  }
0x5b: {  	_ =	shalt  }
0x5c: {  	_ =	shalt  }
0x5d: {  	_ =	shalt  }
0x5e: {  	_ =	shalt  }
0x5f: {  	_ =	shalt  }
0x60: {  	_ =	shalt  }
0x61: {  	_ =	shalt  }
0x62: {  	_ =	shalt  }
0x63: {  	_ =	shalt  }
0x64: {  	_ =	shalt  }
0x65: {  	_ =	shalt  }
0x66: {  	_ =	shalt  }
0x67: {  	_ =	shalt  }
0x68: {  	_ =	shalt  }
0x69: {  	_ =	shalt  }
0x6a: {  	_ =	shalt  }
0x6b: {  	_ =	shalt  }
0x6c: {  	_ =	shalt  }
0x6d: {  	_ =	shalt  }
0x6e: {  	_ =	shalt  }
0x6f: {  	_ =	shalt  }
0x70: {  	_ =	shalt  }
0x71: {  	_ =	shalt  }
0x72: {  	_ =	shalt  }
0x73: {  	_ =	shalt  }
0x74: {  	_ =	shalt  }
0x75: {  	_ =	shalt  }
0x76: {  	_ =	shalt  }
0x77: {  	_ =	shalt  }
0x78: {  	_ =	shalt  }
0x79: {  	_ =	shalt  }
0x7a: {  	_ =	shalt  }
0x7b: {  	_ =	shalt  }
0x7c: {  	_ =	shalt  }
0x7d: {  	_ =	shalt  }
0x7e: {  	_ =	shalt  }
0x7f: {  	_ =	shalt  }
0x80: {  	_ =	shalt  }
0x81: {  	_ =	shalt  }
0x82: {  	_ =	shalt  }
0x83: {  	_ =	shalt  }
0x84: {  	_ =	shalt  }
0x85: {  	_ =	shalt  }
0x86: {  	_ =	shalt  }
0x87: {  	_ =	shalt  }
.Lfunc_end0:
.L_simem_size_0:
called_computation_lowered:
.L_overlay_start_0:
0x88: {  	s2 =	sld [smem:$0x3FD9]  }
0x89: {  	s3 =	sld [smem:$0x3FFE];
	_ =	sdelay $0x1  }
0x8a: {  	s1 =	srdreg.scid  }
0x8b: {  	s0 =	sand.u32 $0x1, s1  }
0x8c: {  	s17 =	sshll.u32 s0, $0xA;
	s2 =	sadd.s32 s3, s2  }
0x8d: {  	s2 =	sadd.s32 s2, s17  }
0x8e: {  	[smem:$0x3FC7] =	sst s2  }
0x8f: {  	_ = 	snop  }
0x90: {  	s2 =	sld [smem:$0x3FD0];
	(tm) =	ssettm $0x1  }
0x91: {  	s18 =	sld [smem:$0x3FFB];
	_ =	sdelay $0x3  }
0x92: {  	_ =	strace s18  }
0x93: {  	s3 =	sld [smem:$0x3FFC];
	_ =	sdelay $0x3  }
0x94: {  	_ =	strace s3  }
0x95: {  	s3 =	sld [smem:$0x3FFD];
	_ =	sdelay $0x3  }
0x96: {  	_ =	strace s3  }
0x97: {  	_ =	strace $0x8FFFFFFF  }
0x98: {  	s19 =	sld [smem:$0x3FDB];
	_ =	sdelay $0x1  }
0x99: {  	s4 =	simm.s32 $_scs_section_size  }
0x9a: {  	s5 =	simm.s32 $_size__tile_overlayer_lowered;
	s6 =	simm.s32 $_tile_overlayer_lowered  }
0x9b: {  	s22 =	simm.s32 $0x1BFF;
	s21 =	sshll.u32 s6, $0x1;
	s3 =	sadd.s32 s4, s19  }
0x9c: {  	s7 =	simm.s32 $0x0;
	s20 =	sshll.u32 s5, $0x1;
	s5 =	sadd.s32 s21, s3  }
0x9d: {  	[timem:s7], [sflag:s22] =	dma.local [hbm:s5], s20  }
0x9e: {  	_ =	swait.ge [sflag:s22], s20  }
0x9f: {  	s4 =	ssub.s32 $0x0, s20;
	[sflag:s22] =	ssyncset.done $0x0  }
0xa0: {  	[sflag:s22] =	ssyncadd.s32 s4;
	_ =	sdelay $0x1  }
0xa1: {  	s23 =	simm.s32 $0x1B8B  }
0xa2: {  	_ =	swait.ge [sflag:s23], $0x1  }
0xa3: {  	[sflag:s23] =	ssyncset.done $0x0  }
0xa4: {  	s25 =	simm.s32 $0x1B8E;
	s24 =	sld [smem:$0x3FFE];
	[sflag:s23] =	ssyncadd.s32 $0xFFFFFFFF  }
0xa5: {  	s26 =	simm.s32 $execute0_lowered;
	[smem:$0x3FD2] =	sst s25  }
0xa6: {  	s5 =	sshll.u32 s26, $0x1;
	_ =	strace $0x80000046;
	[dreg:$0x1] =	wrdreg $0xFFFFFFFF  }
0xa7: {  	s28 =	simm.s32 $_size_execute0_lowered;
	s3 =	sadd.s32 s3, s5;
	[dreg:$0x0] =	wrdreg $0x0  }
0xa8: {  	s5 =	sshll.u32 s28, $0x1;
	[dreg:$0x2] =	wrdreg s3  }
0xa9: {  	[dreg:$0x3] =	wrdreg s5  }
0xaa: {  	[dreg:$0x4] =	wrdreg $0xC0  }
0xab: {  	_ =	task [dreg:s7], $0x5FFFF  }
0xac: {  	[dreg:$0x1] =	wrdreg $0xFFFFFFFF  }
0xad: {  	[dreg:$0x0] =	wrdreg $0x60  }
0xae: {  	[dreg:$0x2] =	wrdreg s24  }
0xaf: {  	[dreg:$0x3] =	wrdreg s2  }
0xb0: {  	[dreg:$0x4] =	wrdreg $0x9  }
0xb1: {  	_ =	task.clear_ibuf [dreg:s7], $0x5FFFF;
	_ =	strace $0x90000046  }
0xb2: {  	s29 =	simm.s32 $0x9;
	_ =	strace $0x80000048  }
0xb3: {  	_ =	swait.ge [sflag:s29], $0x1  }
0xb4: {  	[sflag:s29] =	ssyncadd.s32 $0xFFFFFFFF  }
0xb5: {  	_ =	strace $0x90000048  }
0xb6: {  	_ =	sfence  }
0xb7: {  	s30 =	sld [smem:$0x0];
	_ =	sdelay $0x2  }
0xb8: {  	s31 =	sshll.u32 s1, $0xD;
	s1 =	sshrl.u32 s1, $0x2  }
0xb9: {  	s3 =	sand.u32 $0x4000, s31;
	s1 =	sadd.s32 s1, s30  }
0xba: {  	s0 =	sor.u32 s3, s0;
	s1 =	sshll.u32 s1, $0x11  }
0xbb: {  	s0 =	sor.u32 s1, s0  }
0xbc: {  	s0 =	sadd.s32 $0x8F2B, s0  }
0xbd: {  	[sflag:s0] =	ssyncadd.remote.s32 $0x1  }
0xbe: {  	_ =	sfence.sel $0xFFFF  }
0xbf: {  	[dreg:$0x0] =	wrdreg $0xFFFFFFFF;
	(pc) =	sbr.abs _section_cstart, $3  }
0xc0: {  	[dreg:$0x1] =	wrdreg $0xFFFFFFFF  }
0xc1: {  	_ =	task.clear_ibuf [dreg:s7], $0x2FFFF;
	_ =	strace $0x9FFFFFFF  }
0xc2: {  	(tm) =	ssettm $0x7FFFFFFF  }
0xc3: {  	_ =	shalt  }
tec
execute0_lowered:
.L_overlay_start_1:
0x0: {  	(tag) =	ssettag $0x1  }
0x1: {  	s0 =	srdreg.scid  }
0x2: {  	s4 =	sand.u32 $0x1, s0;
	s0 =	stileid.u32  }
0x3: {  	s5 =	sor.u32 s0, s4  }
0x4: {  	p0 =	sne.s32 s5, $0x0  }
.Ltmp0:
0x5: {  	_ = 	snop;
	(pc) =	sbr.rel @p0 .LBB2_29-.Ltmp0, $4  }
0x6: {  	_ = 	snop  }
0x7: {  	s2 =	rddreg [dreg:$0x0]  }
0x8: {  	s3 =	rddreg [dreg:$0x1]  }
0x9: {  	s1 =	rddreg [dreg:$0x2];
	_ =	strace $0x80000047  }
0xa: {  	v62 =	vlaneseq.u32;
	v0 =	vimm.f32 $1.000000000e+08;
	v5 =	vimm.f32 $0.0e+00;
	s5 =	ssub.s32 $0x2, s4;
	s4 =	sadd.s32 $0x2800, s2;
	s7 =	simm.s32 $0x1  }
0xb: {  	v48 =	vimm.s32 $0x0;
	vm1 =	vmmov $0x1;
	vm7 =	vcmask $0x1B18;
	s8 =	simm.s32 $0x13880;
	s9 =	simm.s32 $0x14C80;
	s10 =	simm.s32 $0x14E00  }
0xc: {  	vm8 =	vcmask $0x1F1C;
	vm9 =	vcmask $0x2320;
	vm10 =	vcmask $0x2724;
	s11 =	simm.s32 $0x14F80;
	s12 =	simm.s32 $0x15100;
	s13 =	simm.s32 $0x15280  }
0xd: {  	vm11 =	vcmask $0x2B28;
	vm12 =	vcmask $0x2F2C;
	vm13 =	vcmask $0x3330;
	s14 =	simm.s32 $0x15400;
	s15 =	simm.s32 $0x15580;
	s6 =	sshrl.u32 s5, $0x1  }
0xe: {  	vm14 =	vcmask $0x3734;
	vm15 =	vcmask $0x3B38;
	s16 =	simm.s32 $0x0;
	vm0 =	vcmask $0x3F3C;
	s5 =	ssub.s32 s5, s6;
	s6 =	simm.s32 $0x0  }
.LBB2_2:
0xf: {  	[tilespmem:s6], [sflag:$0x1] =	stream.linear.gather [hbm4b:s2+s6], $0x13880, $0x38;
	[tilespmem:$0x15D00] =	vst v63  }
0x10: {  	_ =	swait.ge [sflag:s7], $0x13880  }
0x11: {  	[sflag:s7] =	ssyncset.done $0x0  }
0x12: {  	v2 =	vor.u32 s6, v62;
	[sflag:s7] =	ssyncadd.s32 $0xFFFEC780  }
0x13: {  	[tilespmem:s8], [sflag:$0x1] =	stream.linear.gather [hbm4b:s4+s6], $0x1400, $0x38;
	[tilespmem:$0x15D00] =	vst v63  }
0x14: {  	_ =	swait.ge [sflag:s7], $0x1400  }
0x15: {  	[sflag:s7] =	ssyncset.done $0x0  }
0x16: {  	[sflag:s7] =	ssyncadd.s32 $0xFFFFEC00  }
0x17: {  	s17 =	simm.s32 $0x10;
	[tilespmem:v2+s9+$0x0] =	vst.idx.msk $0xffff, v0  }
0x18: {  	v1 =	vor.u32 s17, v62;
	[tilespmem:v2+s10+$0x0] =	vst.idx.msk $0xffff, v0  }
0x19: {  	[tilespmem:v2+s11+$0x0] =	vst.idx.msk $0xffff, v0  }
0x1a: {  	v3 =	vmov v1;
	[tilespmem:v2+s12+$0x0] =	vst.idx.msk $0xffff, v0  }
0x1b: {  	v4 =	vmov v1;
	[tilespmem:v2+s13+$0x0] =	vst.idx.msk $0xffff, v5  }
0x1c: {  	[tilespmem:v2+s14+$0x0] =	vst.idx.msk $0xffff, v48;
	v2 =	vmov v1  }
0x1d: {  	s17 =	simm.s32 $0x20;
	[tilespmem:v1+s9+$0x0] =	vst.idx.msk $0xffff, v0  }
.LBB2_3:
0x1e: {  	p0 =	sne.s32 s17, $0x130;
	[tilespmem:v1+s10+$0x0] =	vst.idx.msk $0xffff, v0;
	v1 =	vor.u32 s17, v62;
	s17 =	sadd.s32 $0x10, s17  }
.Ltmp1:
0x1f: {  	[tilespmem:v3+s11+$0x0] =	vst.idx.msk $0xffff, v0;
	v3 =	vmov v1;
	(pc) =	sbr.rel @p0 .LBB2_3-.Ltmp1, $4  }
0x20: {  	[tilespmem:v4+s12+$0x0] =	vst.idx.msk $0xffff, v0;
	v4 =	vmov v1  }
0x21: {  	[tilespmem:v2+s13+$0x0] =	vst.idx.msk $0xffff, v5  }
0x22: {  	[tilespmem:v2+s14+$0x0] =	vst.idx.msk $0xffff, v48;
	v2 =	vmov v1  }
0x23: {  	[tilespmem:v1+s9+$0x0] =	vst.idx.msk $0xffff, v0  }
0x24: {  	_ =	sdelay $0x3  }
0x25: {  	[tilespmem:v1+s10+$0x0] =	vst.idx.msk $0xffff, v0  }
0x26: {  	[tilespmem:v3+s11+$0x0] =	vst.idx.msk $0xffff, v0  }
0x27: {  	[tilespmem:v4+s12+$0x0] =	vst.idx.msk $0xffff, v0  }
0x28: {  	s17 =	simm.s32 $0x0;
	[tilespmem:v2+s13+$0x0] =	vst.idx.msk $0xffff, v5  }
0x29: {  	s18 =	simm.s32 $0x10;
	v1 =	vor.u32 s17, v62;
	[tilespmem:v2+s14+$0x0] =	vst.idx.msk $0xffff, v48  }
.LBB2_5:
0x2a: {  	p0 =	sne.s32 s18, $0x710  }
.Ltmp2:
0x2b: {  	_ = 	snop;
	(pc) =	sbr.rel @p0 .LBB2_5-.Ltmp2, $3  }
0x2c: {  	_ =	sdelay $0x1  }
0x2d: {  	[tilespmem:v1+s15+$0x0] =	vst.idx.msk $0xffff, v5;
	s19 =	smov.u32 s18;
	s18 =	sadd.s32 $0x10, s18  }
0x2e: {  	v1 =	vor.u32 s19, v62  }
.Ltmp3:
0x2f: {  	_ = 	snop;
	(pc) =	sbr.rel .LBB2_7-.Ltmp3, $2  }
0x30: {  	_ =	sdelay $0x2  }
0x31: {  	[tilespmem:v1+s15+$0x0] =	vst.idx.msk $0xffff, v5;
	s18 =	simm.s32 $0x0  }
.LBB2_21:
0x32: {  	v19 =	vld [tilespmem:$0x1FFF0]  }
0x33: {  	v22 =	vld [tilespmem:$0x1FF50]  }
0x34: {  	v23 =	vld [tilespmem:$0x1FF40]  }
0x35: {  	v0 =	vimm.f32 $-1.000000020e+30;
	v24 =	vld [tilespmem:$0x1FF60]  }
0x36: {  	v9 =	vimm.f32 $-1.000000020e+30;
	v49 =	vimm.f32 $-1.000000020e+30;
	v25 =	vld [tilespmem:$0x1FF70];
	[tilespmem:$0x1FBC0] =	vst v0  }
.LBB2_25:
0x37: {  	v0 =	vld [tilespmem:$0x1FE90]  }
0x38: {  	v16 =	vld [tilespmem:$0x1FF80]  }
0x39: {  	v17 =	vld [tilespmem:$0x1FCE0]  }
0x3a: {  	v10 =	vld [tilespmem:$0x1FE70]  }
0x3b: {  	v11 =	vld [tilespmem:$0x1FC50]  }
0x3c: {  	v15 =	vld [tilespmem:$0x1FE80];
	_ =	sdelay $0x1  }
0x3d: {  	vm2 =	vgt.f32 v17, v16  }
0x3e: {  	v26 =	vmpcnt.ones.xlane vm2;
	vm2 =	vmxor vm2, vm2  }
0x3f: {  	v0 =	vmin.f32 v0, v24;
	v18 =	vmpcnt.ones.xlane vm2  }
0x40: {  	v10 =	vmax.f32 v10, v23;
	v11 =	vmin.f32 v11, v25;
	v15 =	vmax.f32 v15, v51;
	v16 =	vld [tilespmem:$0x1FCF0]  }
0x41: {  	v0 =	vsub.f32 v0, v10;
	v10 =	vsub.f32 v11, v15;
	v11 =	vor.u32 v26, v18;
	v26 =	vld [tilespmem:$0x1FF90]  }
0x42: {  	v15 =	vld [tilespmem:$0x1FFA0]  }
0x43: {  	v17 =	vld [tilespmem:$0x1FE60];
	v0 =	vmax.f32 v0, $0.0e+00;
	v10 =	vmax.f32 v10, $0.0e+00  }
0x44: {  	v0 =	vmul.f32 v10, v0  }
0x45: {  	vm2 =	veq.s32 v11, $0x0  }
0x46: {  	v18 =	vld [tilespmem:$0x1FE10];
	v0 =	vsub.f32 v0, v55;
	vm3 =	vgt.f32 v26, $0.0e+00;
	v26 =	vmov s18  }
0x47: {  	vm5 =	vgt.f32 v16, v15;
	v16 =	vld [tilespmem:$0x1FE50];
	vm2 =	vmand vm3, vm2;
	vm3 =	vlt.s32 v26, $0x12C  }
0x48: {  	vm2 =	vmand vm3, vm2;
	vm3 =	vgt.f32 v0, v15;
	v0 =	vmin.f32 v17, v24;
	v17 =	vld [tilespmem:$0x1FE20];
	_ =	sdelay $0x2  }
0x49: {  	v15 =	vmax.f32 v18, v23;
	v18 =	vld [tilespmem:$0x1FFB0];
	vm4 =	vmand vm2, vm1  }
0x4a: {  	v10 =	vmpcnt.ones.xlane vm5;
	v16 =	vmin.f32 v16, v25;
	vm3 =	vmand vm3, vm4  }
0x4b: {  	v0 =	vsub.f32 v0, v15;
	v11 =	vmpcnt.ones.xlane vm3;
	v17 =	vmax.f32 v17, v51  }
0x4c: {  	v17 =	vsub.f32 v16, v17  }
0x4d: {  	v15 =	vld [tilespmem:$0x1FD00];
	v0 =	vmax.f32 v0, $0.0e+00;
	v10 =	vor.u32 v10, v11;
	v11 =	vsel vm2, $0x1, v48  }
0x4e: {  	vm2 =	vgt.f32 v18, $0.0e+00;
	v18 =	vld [tilespmem:$0x1FFC0];
	vm3 =	veq.s32 v10, $0x0;
	v10 =	vmax.f32 v17, $0.0e+00  }
0x4f: {  	v17 =	vadd.s32 v11, v26;
	v0 =	vmul.f32 v10, v0  }
0x50: {  	v16 =	vld [tilespmem:$0x1FE30];
	vm2 =	vmand vm2, vm3;
	vm5 =	vlt.s32 v17, $0x12C  }
0x51: {  	vm3 =	vcmask $0x704;
	vm2 =	vmand vm2, vm5;
	v0 =	vsub.f32 v0, v55  }
0x52: {  	v17 =	vld [tilespmem:$0x1FDF0];
	vm3 =	vmand vm2, vm3  }
0x53: {  	vm3 =	vmor vm4, vm3;
	vm4 =	vgt.f32 v15, v18;
	vm5 =	vgt.f32 v0, v18;
	v18 =	vld [tilespmem:$0x1FE40];
	_ =	sdelay $0x1  }
0x54: {  	v0 =	vmin.f32 v16, v24;
	v16 =	vld [tilespmem:$0x1FE00];
	_ =	sdelay $0x1  }
0x55: {  	vm5 =	vmand vm5, vm3;
	v10 =	vmax.f32 v17, v23  }
0x56: {  	v17 =	vmpcnt.ones.xlane vm4;
	v15 =	vmin.f32 v18, v25;
	v18 =	vmpcnt.ones.xlane vm5;
	_ =	sdelay $0x1  }
0x57: {  	v0 =	vsub.f32 v0, v10;
	v16 =	vmax.f32 v16, v51;
	v18 =	vor.u32 v17, v18  }
0x58: {  	v10 =	vsub.f32 v15, v16;
	v15 =	vsel vm2, $0x1, v48;
	vm2 =	veq.s32 v18, $0x0;
	v18 =	vld [tilespmem:$0x1FFD0];
	_ =	sdelay $0x3  }
0x59: {  	v11 =	vadd.s32 v11, v15;
	v15 =	vld [tilespmem:$0x1FD10]  }
0x5a: {  	v0 =	vmax.f32 v0, $0.0e+00;
	v10 =	vmax.f32 v10, $0.0e+00;
	vm4 =	vgt.f32 v18, $0.0e+00;
	v18 =	vld [tilespmem:$0x1FFE0]  }
0x5b: {  	v17 =	vadd.s32 v26, v11;
	v0 =	vmul.f32 v10, v0  }
0x5c: {  	vm5 =	vlt.s32 v17, $0x12C;
	vm2 =	vmand vm4, vm2  }
0x5d: {  	v17 =	vld [tilespmem:$0x1FF20];
	v0 =	vsub.f32 v0, v55;
	vm4 =	vcmask $0xB08;
	vm2 =	vmand vm2, vm5  }
0x5e: {  	v16 =	vld [tilespmem:$0x1FDD0];
	vm4 =	vmand vm2, vm4  }
0x5f: {  	vm3 =	vmor vm3, vm4;
	vm5 =	vgt.f32 v0, v18;
	vm4 =	vgt.f32 v15, v18;
	v18 =	vld [tilespmem:$0x1FF30];
	_ =	sdelay $0x2  }
0x60: {  	v35 =	vmax.f32 v35, v51;
	v10 =	vmax.f32 v17, v23  }
0x61: {  	v0 =	vmin.f32 v16, v24;
	vm5 =	vmand vm5, vm3;
	v17 =	vmpcnt.ones.xlane vm4  }
0x62: {  	v16 =	vld [tilespmem:$0x1FD20];
	v0 =	vsub.f32 v0, v10;
	v15 =	vmin.f32 v18, v25;
	v18 =	vmpcnt.ones.xlane vm5  }
0x63: {  	vm4 =	vgt.f32 v19, $0.0e+00;
	v19 =	vld [tilespmem:$0x1FDB0];
	v10 =	vsub.f32 v15, v35;
	v35 =	vsel vm2, $0x1, v48  }
0x64: {  	v11 =	vadd.s32 v35, v11;
	v35 =	vor.u32 v17, v18;
	v17 =	vld [tilespmem:$0x1FC40]  }
0x65: {  	v0 =	vmax.f32 v0, $0.0e+00;
	vm2 =	veq.s32 v35, $0x0;
	v10 =	vmax.f32 v10, $0.0e+00;
	v35 =	vld [tilespmem:$0x1FF00]  }
0x66: {  	v15 =	vadd.s32 v26, v11;
	v0 =	vmul.f32 v10, v0  }
0x67: {  	v18 =	vld [tilespmem:$0x1FF10];
	vm5 =	vlt.s32 v15, $0x12C;
	vm2 =	vmand vm4, vm2  }
0x68: {  	vm4 =	vcmask $0xF0C;
	vm2 =	vmand vm2, vm5;
	v0 =	vsub.f32 v0, v55  }
0x69: {  	v10 =	vmax.f32 v19, v23;
	v15 =	vmin.f32 v31, v25;
	vm4 =	vmand vm2, vm4  }
0x6a: {  	vm6 =	vgt.f32 v17, v16;
	vm5 =	vgt.f32 v0, v16;
	v16 =	vmax.f32 v35, v51  }
0x6b: {  	v19 =	vsel vm2, $0x1, v48;
	vm3 =	vmor vm3, vm4;
	v35 =	vsub.f32 v15, v16  }
0x6c: {  	v0 =	vmin.f32 v18, v24;
	vm4 =	vmand vm5, vm3;
	vm5 =	vmmov $0xf  }
0x6d: {  	v0 =	vsub.f32 v0, v10;
	vm4 =	vmand vm4, vm5;
	v10 =	vmax.f32 v35, $0.0e+00;
	v35 =	vld [tilespmem:$0x1FD30]  }
0x6e: {  	v11 =	vadd.s32 v19, v11;
	v19 =	vld [tilespmem:$0x1FEE0];
	v17 =	vmpcnt.ones.xlane vm6;
	v31 =	vmpcnt.ones.xlane vm4  }
0x6f: {  	v16 =	vld [tilespmem:$0x1FD40]  }
0x70: {  	v31 =	vor.u32 v17, v31;
	v17 =	vld [tilespmem:$0x1FCB0]  }
0x71: {  	v0 =	vmax.f32 v0, $0.0e+00;
	vm2 =	veq.s32 v31, $0x0;
	v31 =	vld [tilespmem:$0x1FDA0]  }
0x72: {  	v0 =	vmul.f32 v10, v0;
	vm4 =	vgt.f32 v35, $0.0e+00;
	v35 =	vld [tilespmem:$0x1FC30]  }
0x73: {  	v15 =	vadd.s32 v26, v11  }
0x74: {  	v18 =	vld [tilespmem:$0x1FEF0];
	vm5 =	vlt.s32 v15, $0x12C;
	v0 =	vsub.f32 v0, v55;
	vm2 =	vmand vm4, vm2  }
0x75: {  	v10 =	vmax.f32 v19, v23;
	vm4 =	vcmask $0x1310;
	vm2 =	vmand vm5, vm2  }
0x76: {  	vm5 =	vgt.f32 v0, v16;
	vm6 =	vgt.f32 v17, v16;
	vm4 =	vmand vm2, vm4  }
0x77: {  	v15 =	vmin.f32 v31, v25;
	vm3 =	vmor vm3, vm4;
	v16 =	vmax.f32 v35, v51  }
0x78: {  	vm4 =	vmand vm5, vm3;
	vm5 =	vmmov $0x1f;
	v31 =	vsub.f32 v15, v16  }
0x79: {  	v0 =	vmin.f32 v18, v24;
	v17 =	vmpcnt.ones.xlane vm6;
	vm4 =	vmand vm4, vm5;
	v15 =	vld [tilespmem:$0x1FD60]  }
0x7a: {  	v0 =	vsub.f32 v0, v10;
	v18 =	vmpcnt.ones.xlane vm4;
	v10 =	vmax.f32 v31, $0.0e+00;
	v31 =	vld [tilespmem:$0x1FD50]  }
0x7b: {  	v16 =	vld [tilespmem:$0x1FCC0]  }
0x7c: {  	v19 =	vor.u32 v17, v18;
	v17 =	vld [tilespmem:$0x1FED0]  }
0x7d: {  	v35 =	vsel vm2, $0x1, v48;
	v0 =	vmax.f32 v0, $0.0e+00;
	v18 =	vld [tilespmem:$0x1FEB0]  }
0x7e: {  	v11 =	vadd.s32 v35, v11;
	v0 =	vmul.f32 v10, v0;
	vm2 =	veq.s32 v19, $0x0;
	v19 =	vld [tilespmem:$0x1FEC0]  }
0x7f: {  	v35 =	vadd.s32 v26, v11;
	vm4 =	vgt.f32 v31, $0.0e+00;
	v31 =	vld [tilespmem:$0x1FEA0]  }
0x80: {  	vm5 =	vlt.s32 v35, $0x12C;
	v0 =	vsub.f32 v0, v55;
	vm2 =	vmand vm4, vm2  }
0x81: {  	vm6 =	vgt.f32 v16, v15;
	vm4 =	vcmask $0x1714;
	vm2 =	vmand vm2, vm5  }
0x82: {  	v10 =	vmax.f32 v18, v23;
	vm5 =	vgt.f32 v0, v15;
	vm4 =	vmand vm2, vm4  }
0x83: {  	v0 =	vmin.f32 v17, v24;
	v15 =	vmin.f32 v19, v25;
	vm3 =	vmor vm3, vm4  }
0x84: {  	v18 =	vld [tilespmem:$0x1FD70];
	vm4 =	vmand vm5, vm3;
	vm5 =	vmmov $0x3f;
	v16 =	vmax.f32 v31, v51  }
0x85: {  	v0 =	vsub.f32 v0, v10;
	vm4 =	vmand vm4, vm5;
	v19 =	vsub.f32 v15, v16  }
0x86: {  	v17 =	vmpcnt.ones.xlane vm6;
	v31 =	vsel vm2, $0x1, v48;
	v35 =	vmpcnt.ones.xlane vm4  }
0x87: {  	v0 =	vmax.f32 v0, $0.0e+00;
	v11 =	vadd.s32 v31, v11;
	v31 =	vld [tilespmem:$0x1FD80];
	v10 =	vmax.f32 v19, $0.0e+00  }
0x88: {  	v35 =	vor.u32 v17, v35;
	v0 =	vmul.f32 v10, v0  }
0x89: {  	vm4 =	vgt.f32 v18, $0.0e+00;
	v19 =	vadd.s32 v26, v11;
	vm2 =	veq.s32 v35, $0x0  }
0x8a: {  	vm5 =	vlt.s32 v19, $0x12C;
	v35 =	vld [tilespmem:$0x1FCD0];
	vm2 =	vmand vm4, vm2;
	v0 =	vsub.f32 v0, v55  }
0x8b: {  	vm2 =	vmand vm2, vm5  }
0x8c: {  	vm4 =	vmand vm2, vm7;
	vm5 =	vgt.f32 v0, v31  }
0x8d: {  	v0 =	vmin.f32 v57, v24;
	v57 =	vmax.f32 v54, v23;
	vm3 =	vmor vm3, vm4  }
0x8e: {  	v19 =	vld [tilespmem:$0x1FD90];
	v0 =	vsub.f32 v0, v57;
	vm4 =	vmand vm5, vm3  }
0x8f: {  	vm5 =	vmmov $0x7f;
	vm6 =	vgt.f32 v35, v31;
	v31 =	vmin.f32 v58, v25  }
0x90: {  	v35 =	vmax.f32 v37, v51;
	v58 =	vsel vm2, $0x1, v48;
	vm4 =	vmand vm4, vm5  }
0x91: {  	v37 =	vmpcnt.ones.xlane vm6;
	v57 =	vsub.f32 v31, v35;
	v54 =	vmpcnt.ones.xlane vm4  }
0x92: {  	v11 =	vadd.s32 v58, v11;
	v0 =	vmax.f32 v0, $0.0e+00  }
0x93: {  	v35 =	vld [tilespmem:$0x1FC60];
	vm4 =	vgt.f32 v19, $0.0e+00;
	v10 =	vmax.f32 v57, $0.0e+00;
	v18 =	vor.u32 v37, v54  }
0x94: {  	v31 =	vadd.s32 v26, v11;
	v0 =	vmul.f32 v10, v0;
	vm2 =	veq.s32 v18, $0x0  }
0x95: {  	vm5 =	vlt.s32 v31, $0x12C;
	v37 =	vld [tilespmem:$0x1FBD0];
	vm2 =	vmand vm4, vm2  }
0x96: {  	v13 =	vmin.f32 v13, v25;
	v0 =	vsub.f32 v0, v55;
	vm2 =	vmand vm2, vm5  }
0x97: {  	v58 =	vmax.f32 v59, v23;
	v59 =	vmax.f32 v61, v51;
	vm4 =	vmand vm2, vm8  }
0x98: {  	v13 =	vsub.f32 v13, v59;
	vm5 =	vgt.f32 v0, v35;
	vm3 =	vmor vm3, vm4  }
0x99: {  	v57 =	vmin.f32 v44, v24;
	v31 =	vld [tilespmem:$0x1FC70];
	vm4 =	vmand vm5, vm3;
	vm5 =	vmmov $0xff  }
0x9a: {  	v15 =	vsub.f32 v57, v58;
	vm4 =	vmand vm4, vm5;
	vm5 =	vgt.f32 v37, v35  }
0x9b: {  	v61 =	vsel vm2, $0x1, v48;
	v0 =	vmpcnt.ones.xlane vm5;
	v54 =	vmpcnt.ones.xlane vm4  }
0x9c: {  	v19 =	vmax.f32 v13, $0.0e+00;
	v11 =	vadd.s32 v61, v11  }
0x9d: {  	v18 =	vmax.f32 v15, $0.0e+00;
	v35 =	vadd.s32 v26, v11;
	v37 =	vld [tilespmem:$0x1FC80];
	v0 =	vor.u32 v0, v54  }
0x9e: {  	vm4 =	vgt.f32 v31, $0.0e+00;
	vm2 =	veq.s32 v0, $0x0;
	v0 =	vmul.f32 v19, v18  }
0x9f: {  	v12 =	vmin.f32 v12, v25;
	v44 =	vld [tilespmem:$0x1FBE0];
	vm5 =	vlt.s32 v35, $0x12C;
	vm2 =	vmand vm4, vm2  }
0xa0: {  	v59 =	vmax.f32 v33, v51;
	vm2 =	vmand vm5, vm2;
	v0 =	vsub.f32 v0, v55  }
0xa1: {  	v12 =	vsub.f32 v12, v59;
	vm4 =	vmand vm2, vm9  }
0xa2: {  	v57 =	vmin.f32 v40, v24;
	vm5 =	vgt.f32 v0, v37;
	vm3 =	vmor vm3, vm4  }
0xa3: {  	v58 =	vmax.f32 v30, v23;
	v18 =	vld [tilespmem:$0x1FC90];
	vm4 =	vmand vm5, vm3;
	vm5 =	vmmov $0x1ff  }
0xa4: {  	v13 =	vsub.f32 v57, v58;
	vm4 =	vmand vm4, vm5;
	vm5 =	vgt.f32 v44, v37  }
0xa5: {  	v33 =	vld [tilespmem:$0x1FC00];
	v61 =	vsel vm2, $0x1, v48;
	v0 =	vmpcnt.ones.xlane vm5;
	v54 =	vmpcnt.ones.xlane vm4  }
0xa6: {  	v17 =	vmax.f32 v12, $0.0e+00;
	v35 =	vld [tilespmem:$0x1FC20];
	v11 =	vadd.s32 v61, v11  }
0xa7: {  	v16 =	vmax.f32 v13, $0.0e+00;
	v19 =	vadd.s32 v26, v11;
	v0 =	vor.u32 v0, v54  }
0xa8: {  	v37 =	vld [tilespmem:$0x1FC10];
	vm4 =	vgt.f32 v18, $0.0e+00;
	vm2 =	veq.s32 v0, $0x0;
	v0 =	vmul.f32 v17, v16  }
0xa9: {  	v30 =	vld [tilespmem:$0x1FBF0];
	vm5 =	vlt.s32 v19, $0x12C;
	vm2 =	vmand vm4, vm2  }
0xaa: {  	v40 =	vmax.f32 v53, v51;
	vm2 =	vmand vm2, vm5;
	v0 =	vsub.f32 v0, v55  }
0xab: {  	v12 =	vmin.f32 v33, v24;
	v13 =	vmax.f32 v35, v23;
	vm4 =	vmand vm2, vm10  }
0xac: {  	v12 =	vsub.f32 v12, v13;
	vm5 =	vgt.f32 v0, v56;
	vm3 =	vmor vm3, vm4  }
0xad: {  	v15 =	vmin.f32 v37, v25;
	vm4 =	vmand vm5, vm3;
	vm5 =	vmmov $0x3ff  }
0xae: {  	v44 =	vsub.f32 v15, v40;
	vm4 =	vmand vm4, vm5;
	vm5 =	vgt.f32 v30, v56  }
0xaf: {  	v53 =	vsel vm2, $0x1, v48;
	v0 =	vmpcnt.ones.xlane vm5;
	v31 =	vmpcnt.ones.xlane vm4  }
0xb0: {  	v54 =	vmax.f32 v12, $0.0e+00;
	v11 =	vadd.s32 v53, v11  }
0xb1: {  	v57 =	vadd.s32 v26, v11;
	v56 =	vmax.f32 v44, $0.0e+00;
	v0 =	vor.u32 v0, v31  }
0xb2: {  	vm4 =	vgt.f32 v52, $0.0e+00;
	vm2 =	veq.s32 v0, $0x0;
	v0 =	vmul.f32 v56, v54  }
0xb3: {  	vm5 =	vlt.s32 v57, $0x12C;
	vm2 =	vmand vm4, vm2  }
0xb4: {  	v6 =	vmax.f32 v6, v51;
	vm2 =	vmand vm2, vm5;
	v0 =	vsub.f32 v0, v55  }
0xb5: {  	v5 =	vmax.f32 v5, v23;
	v7 =	vmin.f32 v7, v24;
	vm4 =	vmand vm2, vm11  }
0xb6: {  	v8 =	vmin.f32 v8, v25;
	vm5 =	vgt.f32 v0, v50;
	vm3 =	vmor vm3, vm4  }
0xb7: {  	v5 =	vsub.f32 v7, v5;
	vm4 =	vmand vm5, vm3;
	vm5 =	vmmov $0x7ff  }
0xb8: {  	v6 =	vsub.f32 v8, v6;
	vm4 =	vmand vm4, vm5;
	vm5 =	vgt.f32 v45, v50  }
0xb9: {  	v61 =	vsel vm2, $0x1, v48;
	v58 =	vmpcnt.ones.xlane vm5;
	v59 =	vmpcnt.ones.xlane vm4  }
0xba: {  	v13 =	vmax.f32 v6, $0.0e+00;
	v7 =	vadd.s32 v61, v11  }
0xbb: {  	v12 =	vmax.f32 v5, $0.0e+00;
	v15 =	vadd.s32 v26, v7;
	v0 =	vor.u32 v58, v59  }
0xbc: {  	vm4 =	vgt.f32 v38, $0.0e+00;
	vm2 =	veq.s32 v0, $0x0;
	v0 =	vmul.f32 v13, v12  }
0xbd: {  	vm5 =	vlt.s32 v15, $0x12C;
	vm2 =	vmand vm4, vm2  }
0xbe: {  	v3 =	vmin.f32 v3, v24;
	vm2 =	vmand vm2, vm5;
	v0 =	vsub.f32 v0, v55  }
0xbf: {  	v1 =	vmin.f32 v1, v25;
	v18 =	vmax.f32 v21, v23;
	vm4 =	vmand vm2, vm12  }
0xc0: {  	v19 =	vmax.f32 v32, v51;
	vm5 =	vgt.f32 v0, v46;
	vm3 =	vmor vm3, vm4  }
0xc1: {  	v3 =	vsub.f32 v3, v18;
	vm4 =	vmand vm5, vm3;
	vm5 =	vmmov $0xfff  }
0xc2: {  	v1 =	vsub.f32 v1, v19;
	vm4 =	vmand vm4, vm5;
	vm5 =	vgt.f32 v14, v46  }
0xc3: {  	v21 =	vsel vm2, $0x1, v48;
	v16 =	vmpcnt.ones.xlane vm5;
	v17 =	vmpcnt.ones.xlane vm4  }
0xc4: {  	v1 =	vmax.f32 v1, $0.0e+00;
	v6 =	vadd.s32 v21, v7  }
0xc5: {  	v30 =	vmax.f32 v3, $0.0e+00;
	v31 =	vadd.s32 v26, v6;
	v0 =	vor.u32 v16, v17  }
0xc6: {  	vm4 =	vgt.f32 v43, $0.0e+00;
	vm2 =	veq.s32 v0, $0x0;
	v0 =	vmul.f32 v1, v30  }
0xc7: {  	v32 =	vld [tilespmem:$0x1FBC0];
	vm2 =	vmand vm4, vm2;
	vm4 =	vlt.s32 v31, $0x12C  }
0xc8: {  	v2 =	vmax.f32 v2, v51;
	vm2 =	vmand vm4, vm2;
	v0 =	vsub.f32 v0, v55  }
0xc9: {  	v4 =	vmin.f32 v4, v24;
	v35 =	vmax.f32 v20, v23;
	vm4 =	vmand vm2, vm13  }
0xca: {  	v37 =	vmin.f32 v34, v25;
	vm5 =	vgt.f32 v0, v42;
	vm3 =	vmor vm3, vm4  }
0xcb: {  	v2 =	vsub.f32 v37, v2;
	vm4 =	vmand vm5, vm3;
	vm5 =	vmmov $0x1fff  }
0xcc: {  	v38 =	vsub.f32 v4, v35;
	vm4 =	vmand vm4, vm5;
	vm5 =	vgt.f32 v32, v42  }
0xcd: {  	v0 =	vmpcnt.ones.xlane vm5;
	v33 =	vmpcnt.ones.xlane vm4  }
0xce: {  	v2 =	vmax.f32 v2, $0.0e+00;
	v3 =	vmax.f32 v38, $0.0e+00  }
0xcf: {  	v40 =	vsel vm2, $0x1, v48;
	vm2 =	vgt.f32 v39, $0.0e+00;
	v0 =	vor.u32 v0, v33  }
0xd0: {  	v42 =	vmul.f32 v2, v3;
	vm4 =	veq.s32 v0, $0x0;
	v0 =	vadd.s32 v40, v31  }
0xd1: {  	vm2 =	vmand vm2, vm4;
	vm4 =	vlt.s32 v0, $0x12C  }
0xd2: {  	v52 =	vmax.f32 v47, v51;
	v1 =	vsub.f32 v42, v55;
	vm2 =	vmand vm2, vm4  }
0xd3: {  	v45 =	vmin.f32 v63, v24;
	v50 =	vmin.f32 v60, v25;
	vm4 =	vmand vm2, vm14  }
0xd4: {  	v54 =	vsub.f32 v50, v52;
	vm5 =	vgt.f32 v1, v36;
	vm3 =	vmor vm3, vm4  }
0xd5: {  	v46 =	vmax.f32 v41, v23;
	vm4 =	vmand vm5, vm3;
	vm5 =	vmmov $0x3fff  }
0xd6: {  	v53 =	vsub.f32 v45, v46;
	vm4 =	vmand vm4, vm5;
	vm5 =	vgt.f32 v9, v36  }
0xd7: {  	v43 =	vmpcnt.ones.xlane vm5;
	v44 =	vmpcnt.ones.xlane vm4  }
0xd8: {  	v2 =	vmax.f32 v53, $0.0e+00;
	v3 =	vmax.f32 v54, $0.0e+00  }
0xd9: {  	v57 =	vmul.f32 v3, v2;
	v56 =	vsel vm2, $0x1, v48;
	v1 =	vor.u32 v43, v44  }
0xda: {  	vm2 =	vgt.f32 v29, $0.0e+00;
	v0 =	vadd.s32 v56, v0;
	vm4 =	veq.s32 v1, $0x0  }
0xdb: {  	vm2 =	vmand vm2, vm4;
	vm4 =	vlt.s32 v0, $0x12C  }
0xdc: {  	v1 =	vsub.f32 v57, v55;
	vm2 =	vmand vm2, vm4  }
0xdd: {  	vm4 =	vmand vm2, vm15  }
0xde: {  	vm5 =	vgt.f32 v1, v28;
	vm3 =	vmor vm3, vm4  }
0xdf: {  	vm4 =	vmand vm5, vm3;
	vm5 =	vmmov $0x7fff  }
0xe0: {  	vm4 =	vmand vm4, vm5;
	vm5 =	vgt.f32 v49, v28  }
0xe1: {  	v58 =	vmpcnt.ones.xlane vm5;
	v59 =	vmpcnt.ones.xlane vm4;
	_ =	sdelay $0x1  }
0xe2: {  	v60 =	vsel vm2, $0x1, v48;
	v1 =	vor.u32 v58, v59  }
0xe3: {  	v0 =	vadd.s32 v60, v0;
	vm4 =	vgt.f32 v27, $0.0e+00;
	vm2 =	veq.s32 v1, $0x0  }
0xe4: {  	vm2 =	vmand vm4, vm2;
	vm4 =	vlt.s32 v0, $0x12C  }
0xe5: {  	vm2 =	vmand vm2, vm4  }
0xe6: {  	vm2 =	vmand vm2, vm0  }
0xe7: {  	vm2 =	vmor vm3, vm2  }
0xe8: {  	v61 =	vsel vm2, $0x1, v48  }
0xe9: {  	(xrf0) =	vadd.scan.msk.s32 $0xffff, v61;
	_ =	sdelay $0x5  }
0xea: {  	v0, _, _ =	vpop (xrf0)  }
0xeb: {  	v63 =	vxor.u32 $0x80000000, v0  }
0xec: {  	(xrf0) =	vmax.scan.msk.u32 $0xffff, v63;
	_ =	sdelay $0x5  }
0xed: {  	v1, _, _ =	vpop (xrf0)  }
0xee: {  	(v2sf) =	vpush v1, $0xF;
	_ =	sdelay $0xc  }
0xef: {  	v0 =	vadd.s32 v0, v26  }
0xf0: {  	p0 =	sle.f32 s19, $0.0e+00;
	v0 =	vadd.s32 $0xFFFFFFFF, v0  }
0xf1: {  	s30 =	spop (v2sf)  }
0xf2: {  	p1 =	sgt.u32 @!p0 s17, $0x1377;
	s31 =	sadd.s32 s30, s18  }
0xf3: {  	p0 =	por p0, p1;
	s18 =	sadd.s32 $0x80000000, s31  }
0xf4: {  	p1 =	slt.s32 @!p0 s18, $0x12C  }
0xf5: {  	[tilespmem:v0+s9+$0x0] =	vst.idx.msk vm2, v23;
	p0 =	por p0, !p1  }
.Ltmp4:
0xf6: {  	[tilespmem:v0+s10+$0x0] =	vst.idx.msk vm2, v51;
	(pc) =	sbr.rel @p0 .LBB2_26-.Ltmp4, $4  }
0xf7: {  	[tilespmem:v0+s11+$0x0] =	vst.idx.msk vm2, v24  }
0xf8: {  	[tilespmem:v0+s12+$0x0] =	vst.idx.msk vm2, v25  }
0xf9: {  	[tilespmem:v0+s13+$0x0] =	vst.idx.msk vm2, v55  }
0xfa: {  	s17 =	sadd.s32 $0x10, s17;
	[tilespmem:v0+s14+$0x0] =	vst.idx.msk vm2, v22  }
.LBB2_7:
0xfb: {  	v1 =	vor.u32 s17, v62;
	_ =	sdelay $0x4  }
0xfc: {  	v1 =	vld.idx.msk [tilespmem:v1+s8+$0x0], $0xffff;
	_ =	sdelay $0x4  }
0xfd: {  	v0 =	vshll.u32 v1, $0x4  }
0xfe: {  	v1 =	vor.u32 $0x6, v0;
	_ =	sdelay $0x2  }
0xff: {  	v3 =	vmov s17  }
0x100: {  	s19 =	sor.u32 $0x1, s17  }
0x101: {  	v2 =	vmov s19;
	v6 =	vor.u32 $0x8, v0;
	v1 =	vld.idx.msk [tilespmem:v1+s6+$0x0], $0xffff  }
0x102: {  	v2 =	vand.u32 $0xFFFFFFF1, v2  }
0x103: {  	v2 =	vbroadcast v2, $0x0  }
0x104: {  	v3 =	vld.idx.msk [tilespmem:v3+s8+$0x0], $0xffff  }
0x105: {  	[tilespmem:$0x1FF50] =	vst v0;
	v9 =	vld.idx.msk [tilespmem:v0+s6+$0x0], $0xffff  }
0x106: {  	v5 =	vor.u32 $0x7, v0;
	v7 =	vor.u32 $0x9, v0;
	[tilespmem:$0x1FF40] =	vst v1;
	v1 =	vor.u32 $0xA, v0;
	v0 =	vld.idx.msk [tilespmem:v6+s6+$0x0], $0xffff  }
0x107: {  	s28 =	sor.u32 $0x2, s17  }
0x108: {  	v4 =	vmov s28  }
0x109: {  	v4 =	vand.u32 $0xFFFFFFF2, v4;
	v2 =	vld.idx.msk [tilespmem:v2+s8+$0x0], $0xffff  }
0x10a: {  	v8 =	vbroadcast v4, $0x0;
	v4 =	vshll.u32 v3, $0x4  }
0x10b: {  	v3 =	vor.u32 $0xB, v4;
	[tilespmem:$0x1FF60] =	vst v0;
	v0 =	vld.idx.msk [tilespmem:v7+s6+$0x0], $0xffff;
	_ =	sdelay $0x2  }
0x10c: {  	v2 =	vshll.u32 v2, $0x4  }
0x10d: {  	v6 =	vor.u32 $0x6, v2  }
0x10e: {  	[tilespmem:$0x1FF70] =	vst v0;
	v0 =	vld.idx.msk [tilespmem:v3+s6+$0x0], $0xffff;
	_ =	sdelay $0x3  }
0x10f: {  	v57 =	vld.idx.msk [tilespmem:v6+s6+$0x0], $0xffff  }
0x110: {  	v6 =	vor.u32 $0xB, v2;
	[tilespmem:$0x1FF80] =	vst v0;
	v0 =	vld.idx.msk [tilespmem:v4+s6+$0x0], $0xffff;
	_ =	sdelay $0x1  }
0x111: {  	s29 =	sor.u32 $0x3, s17  }
0x112: {  	v51 =	vld.idx.msk [tilespmem:v5+s6+$0x0], $0xffff;
	v5 =	vmov s29  }
0x113: {  	v8 =	vld.idx.msk [tilespmem:v8+s8+$0x0], $0xffff;
	v5 =	vand.u32 $0xFFFFFFF3, v5;
	v7 =	vor.u32 $0x7, v2  }
0x114: {  	v5 =	vbroadcast v5, $0x0;
	[tilespmem:$0x1FF90] =	vst v0;
	v0 =	vld.idx.msk [tilespmem:v6+s6+$0x0], $0xffff;
	_ =	sdelay $0x1  }
0x115: {  	v55 =	vld.idx.msk [tilespmem:v1+s6+$0x0], $0xffff;
	v1 =	vor.u32 $0x8, v2  }
0x116: {  	(xrf0) =	vmax.scan.msk.f32 $0xffff, v9  }
0x117: {  	v58 =	vld.idx.msk [tilespmem:v7+s6+$0x0], $0xffff;
	v7 =	vshll.u32 v8, $0x4  }
0x118: {  	v3 =	vor.u32 $0x9, v2;
	[tilespmem:$0x1FFA0] =	vst v0;
	v0 =	vld.idx.msk [tilespmem:v2+s6+$0x0], $0xffff;
	v2 =	vor.u32 $0xB, v7  }
0x119: {  	v5 =	vld.idx.msk [tilespmem:v5+s8+$0x0], $0xffff  }
0x11a: {  	v59 =	vld.idx.msk [tilespmem:v1+s6+$0x0], $0xffff;
	v1 =	vor.u32 $0x7, v7;
	_ =	sdelay $0x1  }
0x11b: {  	v8, _, _ =	vpop (xrf0)  }
0x11c: {  	(v2sf) =	vpush v8, $0xF;
	[tilespmem:$0x1FFB0] =	vst v0;
	v0 =	vld.idx.msk [tilespmem:v2+s6+$0x0], $0xffff  }
0x11d: {  	v5 =	vshll.u32 v5, $0x4;
	v60 =	vld.idx.msk [tilespmem:v3+s6+$0x0], $0xffff;
	v3 =	vor.u32 $0x8, v7  }
0x11e: {  	v44 =	vld.idx.msk [tilespmem:v1+s6+$0x0], $0xffff;
	v1 =	vor.u32 $0x6, v5  }
0x11f: {  	s30 =	sadd.s32 $0x3F, s18  }
0x120: {  	s20 =	sand.u32 $0x3F, s30;
	v6 =	vor.u32 $0x9, v7  }
0x121: {  	p0 =	slt.s32 s18, $0xFFFFFFC2;
	s21 =	sshra.s32 s30, $0x1F;
	p1 =	sne.s32 s20, $0x0;
	v9 =	vor.u32 $0x6, v7;
	[tilespmem:$0x1FFC0] =	vst v0;
	v0 =	vld.idx.msk [tilespmem:v7+s6+$0x0], $0xffff;
	v7 =	vor.u32 $0xB, v5  }
0x122: {  	s31 =	sshrl.u32 s21, $0x1A;
	p0 =	por !p0, !p1;
	v54 =	vld.idx.msk [tilespmem:v3+s6+$0x0], $0xffff  }
0x123: {  	s20 =	simm.s32 $0x1;
	s19 =	sadd.s32 s31, s30;
	p0 =	por !p0, !p0;
	v41 =	vld.idx.msk [tilespmem:v1+s6+$0x0], $0xffff  }
0x124: {  	s19 =	sshra.s32 s19, $0x6;
	s20 =	simm.s32 @!p0 $0x0;
	v3 =	vor.u32 $0x7, v5;
	v1 =	vld.idx.msk [tilespmem:v5+s6+$0x0], $0xffff  }
0x125: {  	s20 =	ssub.s32 s19, s20;
	v47 =	vld.idx.msk [tilespmem:v6+s6+$0x0], $0xffff;
	v6 =	vor.u32 $0x8, v5  }
0x126: {  	p0 =	slt.s32 s20, $0x1;
	v2 =	vor.u32 $0x9, v5;
	[tilespmem:$0x1FFD0] =	vst v0;
	v0 =	vld.idx.msk [tilespmem:v7+s6+$0x0], $0xffff  }
.Ltmp5:
0x127: {  	_ = 	snop;
	(pc) =	sbr.rel @p0 .LBB2_11-.Ltmp5, $4  }
0x128: {  	v43 =	vld.idx.msk [tilespmem:v9+s6+$0x0], $0xffff  }
0x129: {  	v42 =	vld.idx.msk [tilespmem:v3+s6+$0x0], $0xffff  }
0x12a: {  	v8 =	vimm.f32 $-1.000000020e+30;
	[tilespmem:$0x1FFF0] =	vst v1;
	v1 =	vimm.f32 $-1.000000020e+30;
	v45 =	vld.idx.msk [tilespmem:v6+s6+$0x0], $0xffff  }
0x12b: {  	s19 =	spop (v2sf);
	v6 =	vimm.f32 $-1.000000020e+30;
	v46 =	vld.idx.msk [tilespmem:v2+s6+$0x0], $0xffff;
	v2 =	vimm.f32 $-1.000000020e+30;
	[tilespmem:$0x1FFE0] =	vst v0;
	v0 =	vimm.f32 $-1.000000020e+30  }
0x12c: {  	v1 =	vor.u32 $0x6, v4  }
0x12d: {  	v2 =	vor.u32 $0x7, v4  }
0x12e: {  	v5 =	vor.u32 $0x8, v4;
	s21 =	simm.s32 $0x30  }
0x12f: {  	v6 =	vor.u32 s21, v62;
	_ =	sdelay $0x1  }
0x130: {  	v3 =	vld.idx.msk [tilespmem:v1+s6+$0x0], $0xffff  }
0x131: {  	v1 =	vld.idx.msk [tilespmem:v2+s6+$0x0], $0xffff  }
0x132: {  	v4 =	vor.u32 $0x9, v4;
	v2 =	vld.idx.msk [tilespmem:v5+s6+$0x0], $0xffff  }
0x133: {  	v5 =	vld.idx.msk [tilespmem:v6+s11+$0x0], $0xffff  }
0x134: {  	v7 =	vld.idx.msk [tilespmem:v6+s10+$0x0], $0xffff  }
0x135: {  	v8 =	vld.idx.msk [tilespmem:v6+s9+$0x0], $0xffff  }
0x136: {  	v9 =	vld.idx.msk [tilespmem:v6+s12+$0x0], $0xffff  }
0x137: {  	s22 =	simm.s32 $0x0;
	v4 =	vld.idx.msk [tilespmem:v4+s6+$0x0], $0xffff  }
0x138: {  	v18 =	vor.u32 s22, v62;
	v10 =	vmin.f32 v59, v5;
	v11 =	vmin.f32 v54, v5  }
0x139: {  	v12 =	vmin.f32 v45, v5;
	v13 =	vmax.f32 v1, v7;
	v14 =	vmax.f32 v44, v7  }
0x13a: {  	v15 =	vmax.f32 v42, v7;
	v5 =	vmin.f32 v2, v5;
	v17 =	vmax.f32 v43, v8  }
0x13b: {  	v16 =	vmax.f32 v3, v8;
	v19 =	vmax.f32 v41, v8;
	v20 =	vmin.f32 v46, v9  }
0x13c: {  	v21 =	vmin.f32 v60, v9;
	v22 =	vmin.f32 v4, v9;
	v7 =	vmax.f32 v58, v7  }
0x13d: {  	v9 =	vmin.f32 v47, v9;
	v16 =	vsub.f32 v5, v16;
	v20 =	vsub.f32 v20, v15  }
0x13e: {  	s30 =	simm.s32 $0x10;
	v8 =	vmax.f32 v57, v8;
	v5 =	vld.idx.msk [tilespmem:v6+s13+$0x0], $0xffff;
	v7 =	vsub.f32 v21, v7;
	v13 =	vsub.f32 v22, v13  }
0x13f: {  	v21 =	vld.idx.msk [tilespmem:v18+s12+$0x0], $0xffff;
	v15 =	vor.u32 s30, v62;
	v8 =	vsub.f32 v10, v8;
	v9 =	vsub.f32 v9, v14  }
0x140: {  	v22 =	vld.idx.msk [tilespmem:v18+s11+$0x0], $0xffff;
	v10 =	vsub.f32 v12, v19;
	v11 =	vsub.f32 v11, v17;
	v6 =	vmax.f32 v16, $0.0e+00  }
0x141: {  	v7 =	vmax.f32 v7, $0.0e+00;
	v12 =	vmax.f32 v13, $0.0e+00;
	v8 =	vmax.f32 v8, $0.0e+00  }
0x142: {  	v13 =	vmax.f32 v20, $0.0e+00;
	v16 =	vld.idx.msk [tilespmem:v18+s10+$0x0], $0xffff;
	v6 =	vmul.f32 v12, v6;
	v7 =	vmul.f32 v7, v8  }
0x143: {  	v11 =	vmax.f32 v11, $0.0e+00;
	v8 =	vmax.f32 v10, $0.0e+00;
	v12 =	vld.idx.msk [tilespmem:v18+s9+$0x0], $0xffff;
	v10 =	vmax.f32 v9, $0.0e+00  }
0x144: {  	v9 =	vmul.f32 v13, v8;
	v6 =	vsub.f32 v6, v5;
	v8 =	vsub.f32 v7, v5  }
0x145: {  	v14 =	vmin.f32 v60, v21;
	v17 =	vmin.f32 v47, v21;
	v24 =	vmin.f32 v2, v22  }
0x146: {  	v19 =	vmin.f32 v59, v22;
	v25 =	vld.idx.msk [tilespmem:v15+s12+$0x0], $0xffff;
	v13 =	vmin.f32 v46, v21;
	v20 =	vmin.f32 v4, v21  }
0x147: {  	v26 =	vld.idx.msk [tilespmem:v15+s11+$0x0], $0xffff;
	v7 =	vsub.f32 v9, v5;
	v9 =	vmin.f32 v45, v22;
	v22 =	vmin.f32 v54, v22  }
0x148: {  	v23 =	vmax.f32 v42, v16;
	v30 =	vmax.f32 v1, v16;
	v21 =	vmax.f32 v57, v12  }
0x149: {  	v27 =	vsub.f32 v13, v23;
	v23 =	vmax.f32 v58, v16;
	v32 =	vmax.f32 v3, v12  }
0x14a: {  	v13 =	vld.idx.msk [tilespmem:v18+s13+$0x0], $0xffff;
	v18 =	vsub.f32 v19, v21;
	v14 =	vsub.f32 v14, v23;
	v19 =	vmax.f32 v41, v12  }
0x14b: {  	p1 =	sne.s32 s20, $0x1;
	v23 =	vmax.f32 v43, v12;
	v9 =	vsub.f32 v9, v19;
	v28 =	vmin.f32 v60, v25  }
.Ltmp6:
0x14c: {  	v21 =	vld.idx.msk [tilespmem:v15+s9+$0x0], $0xffff;
	v31 =	vmin.f32 v46, v25;
	v33 =	vmin.f32 v4, v25;
	v29 =	vmin.f32 v45, v26;
	(pc) =	sbr.rel @!p1 .LBB2_10-.Ltmp6, $4  }
0x14d: {  	v19 =	vimm.f32 $-1.000000020e+30;
	v12 =	vmax.f32 v18, $0.0e+00;
	v14 =	vmax.f32 v14, $0.0e+00  }
0x14e: {  	s31 =	simm.s32 $0x20;
	v18 =	vmax.f32 v27, $0.0e+00;
	v27 =	vld.idx.msk [tilespmem:v15+s10+$0x0], $0xffff;
	v12 =	vmul.f32 v14, v12;
	v9 =	vmax.f32 v9, $0.0e+00  }
0x14f: {  	v14 =	vor.u32 s31, v62;
	v35 =	vmul.f32 v18, v9;
	v18 =	vimm.f32 $-1.000000020e+30  }
0x150: {  	s22 =	sadd.s32 $0xFFFFFFFF, s20;
	v9 =	vimm.f32 $-1.000000020e+30;
	v34 =	vsub.f32 v12, v13;
	v12 =	vimm.f32 $-1.000000020e+30  }
.LBB2_9:
0x151: {  	p1 =	sne.s32 s22, $0x1;
	s22 =	sadd.s32 $0xFFFFFFFF, s22;
	v35 =	vsub.f32 v35, v13;
	v36 =	vmin.f32 v2, v26;
	v37 =	vmax.f32 v57, v21;
	s21 =	sadd.s32 $0x40, s21  }
0x152: {  	v25 =	vmin.f32 v47, v25;
	v18 =	vmax.f32 v18, v34;
	v34 =	vmax.f32 v3, v21  }
0x153: {  	v38 =	vmax.f32 v41, v21;
	v19 =	vmax.f32 v19, v35;
	v15 =	vld.idx.msk [tilespmem:v15+s13+$0x0], $0xffff;
	v35 =	vmax.f32 v1, v27  }
0x154: {  	v39 =	vmin.f32 v54, v26;
	v34 =	vsub.f32 v36, v34;
	v36 =	vmax.f32 v58, v27  }
0x155: {  	v24 =	vsub.f32 v24, v32;
	v26 =	vmin.f32 v59, v26;
	v32 =	vmax.f32 v42, v27;
	v40 =	vld.idx.msk [tilespmem:v14+s9+$0x0], $0xffff  }
0x156: {  	v27 =	vmax.f32 v44, v27;
	v33 =	vsub.f32 v33, v35;
	v34 =	vmax.f32 v34, $0.0e+00;
	v35 =	vld.idx.msk [tilespmem:v14+s12+$0x0], $0xffff  }
0x157: {  	v16 =	vmax.f32 v44, v16;
	v31 =	vsub.f32 v31, v32;
	v28 =	vsub.f32 v28, v36;
	v32 =	vld.idx.msk [tilespmem:v14+s11+$0x0], $0xffff  }
0x158: {  	v20 =	vsub.f32 v20, v30;
	v24 =	vmax.f32 v24, $0.0e+00;
	v30 =	vmax.f32 v33, $0.0e+00;
	v33 =	vld.idx.msk [tilespmem:v14+s10+$0x0], $0xffff  }
0x159: {  	v22 =	vsub.f32 v22, v23;
	v21 =	vmax.f32 v43, v21;
	v23 =	vsub.f32 v29, v38  }
0x15a: {  	v16 =	vsub.f32 v17, v16;
	v20 =	vmax.f32 v20, $0.0e+00;
	v17 =	vmax.f32 v31, $0.0e+00  }
0x15b: {  	v23 =	vmax.f32 v23, $0.0e+00;
	v29 =	vmul.f32 v30, v34;
	v30 =	vmax.f32 v43, v40  }
0x15c: {  	v28 =	vmax.f32 v28, $0.0e+00;
	v31 =	vmax.f32 v3, v40;
	v34 =	vmin.f32 v4, v35  }
0x15d: {  	v25 =	vsub.f32 v25, v27;
	v17 =	vmul.f32 v17, v23;
	v23 =	vmin.f32 v45, v32  }
0x15e: {  	v16 =	vmax.f32 v16, $0.0e+00;
	v27 =	vmin.f32 v2, v32;
	v36 =	vmax.f32 v58, v33  }
0x15f: {  	v22 =	vmax.f32 v22, $0.0e+00;
	v17 =	vsub.f32 v17, v15;
	v38 =	vmax.f32 v41, v40  }
0x160: {  	v16 =	vmul.f32 v16, v22;
	v22 =	vmax.f32 v25, $0.0e+00;
	v25 =	vmin.f32 v46, v35  }
0x161: {  	v26 =	vsub.f32 v26, v37;
	v17 =	vmax.f32 v19, v17;
	v19 =	vmin.f32 v54, v32  }
0x162: {  	v20 =	vmul.f32 v20, v24;
	v24 =	vsub.f32 v27, v31;
	v27 =	vmax.f32 v42, v33  }
0x163: {  	v26 =	vmax.f32 v26, $0.0e+00;
	v16 =	vsub.f32 v16, v13;
	v25 =	vsub.f32 v25, v27  }
0x164: {  	v21 =	vsub.f32 v39, v21;
	v31 =	vmax.f32 v44, v33;
	v27 =	vmin.f32 v47, v35  }
0x165: {  	v12 =	vmax.f32 v12, v16;
	v16 =	vmax.f32 v57, v40;
	v27 =	vsub.f32 v27, v31  }
0x166: {  	v21 =	vmax.f32 v21, $0.0e+00;
	v31 =	vmin.f32 v59, v32;
	v32 =	vmin.f32 v60, v35  }
0x167: {  	v33 =	vmax.f32 v1, v33;
	v32 =	vsub.f32 v32, v36;
	v27 =	vmax.f32 v27, $0.0e+00  }
0x168: {  	v13 =	vsub.f32 v20, v13;
	v16 =	vsub.f32 v31, v16;
	v20 =	vmax.f32 v25, $0.0e+00;
	v14 =	vld.idx.msk [tilespmem:v14+s13+$0x0], $0xffff  }
0x169: {  	v24 =	vmax.f32 v24, $0.0e+00;
	v25 =	vsub.f32 v34, v33;
	v31 =	vmax.f32 v32, $0.0e+00  }
0x16a: {  	v26 =	vmul.f32 v28, v26;
	v23 =	vsub.f32 v23, v38;
	v16 =	vmax.f32 v16, $0.0e+00  }
0x16b: {  	v10 =	vmul.f32 v10, v11;
	v21 =	vmul.f32 v22, v21;
	v19 =	vsub.f32 v19, v30  }
0x16c: {  	v11 =	vsub.f32 v26, v15;
	v22 =	vmax.f32 v23, $0.0e+00;
	v16 =	vmul.f32 v31, v16  }
0x16d: {  	v9 =	vmax.f32 v9, v13;
	v13 =	vmax.f32 v19, $0.0e+00;
	v19 =	vmul.f32 v20, v22  }
0x16e: {  	v20 =	vsub.f32 v21, v15;
	v13 =	vmul.f32 v27, v13;
	v16 =	vsub.f32 v16, v14  }
0x16f: {  	v11 =	vmax.f32 v18, v11;
	v15 =	vsub.f32 v29, v15;
	v18 =	vmax.f32 v25, $0.0e+00  }
0x170: {  	v12 =	vmax.f32 v12, v20;
	v20 =	vmul.f32 v18, v24;
	v11 =	vmax.f32 v11, v16  }
0x171: {  	v13 =	vsub.f32 v13, v14;
	v16 =	vor.u32 s21, v62;
	v18 =	vmax.f32 v11, v8  }
0x172: {  	v5 =	vsub.f32 v10, v5;
	v8 =	vsub.f32 v20, v14  }
0x173: {  	v9 =	vmax.f32 v9, v15;
	v10 =	vmax.f32 v12, v13;
	v11 =	vsub.f32 v19, v14  }
0x174: {  	v12 =	vmax.f32 v10, v5;
	v8 =	vmax.f32 v9, v8  }
0x175: {  	v5 =	vmax.f32 v17, v11;
	v9 =	vmax.f32 v8, v6  }
0x176: {  	v19 =	vmax.f32 v5, v7;
	v6 =	vld.idx.msk [tilespmem:v16+s11+$0x0], $0xffff  }
0x177: {  	v5 =	vld.idx.msk [tilespmem:v16+s10+$0x0], $0xffff  }
0x178: {  	v7 =	vld.idx.msk [tilespmem:v16+s9+$0x0], $0xffff  }
0x179: {  	v8 =	vld.idx.msk [tilespmem:v16+s12+$0x0], $0xffff;
	_ =	sdelay $0x2  }
0x17a: {  	v10 =	vmin.f32 v59, v6;
	v11 =	vmin.f32 v54, v6;
	v13 =	vmin.f32 v45, v6  }
0x17b: {  	s23 =	sadd.s32 $0xFFFFFFD0, s21;
	v14 =	vmax.f32 v1, v5;
	v17 =	vmax.f32 v44, v5;
	v15 =	vmax.f32 v42, v5  }
0x17c: {  	v22 =	vor.u32 s23, v62;
	v6 =	vmin.f32 v2, v6;
	v20 =	vmax.f32 v43, v7  }
0x17d: {  	v21 =	vmax.f32 v3, v7;
	v23 =	vmax.f32 v41, v7;
	v24 =	vmin.f32 v46, v8  }
0x17e: {  	v6 =	vsub.f32 v6, v21;
	v21 =	vmin.f32 v60, v8;
	v24 =	vsub.f32 v24, v15  }
0x17f: {  	v25 =	vmin.f32 v4, v8;
	v8 =	vmin.f32 v47, v8;
	v15 =	vmax.f32 v58, v5  }
0x180: {  	s23 =	sadd.s32 $0xFFFFFFE0, s21;
	v7 =	vmax.f32 v57, v7;
	v6 =	vmax.f32 v6, $0.0e+00;
	v5 =	vld.idx.msk [tilespmem:v16+s13+$0x0], $0xffff;
	v16 =	vsub.f32 v21, v15  }
0x181: {  	v7 =	vsub.f32 v10, v7;
	v14 =	vsub.f32 v25, v14;
	v15 =	vor.u32 s23, v62;
	v28 =	vld.idx.msk [tilespmem:v22+s12+$0x0], $0xffff  }
0x182: {  	v13 =	vsub.f32 v13, v23;
	v8 =	vsub.f32 v8, v17;
	v29 =	vld.idx.msk [tilespmem:v22+s11+$0x0], $0xffff;
	v10 =	vmax.f32 v16, $0.0e+00  }
0x183: {  	v7 =	vmax.f32 v7, $0.0e+00;
	v14 =	vmax.f32 v14, $0.0e+00;
	v17 =	vmax.f32 v24, $0.0e+00;
	v16 =	vld.idx.msk [tilespmem:v22+s10+$0x0], $0xffff  }
0x184: {  	v13 =	vmax.f32 v13, $0.0e+00;
	v6 =	vmul.f32 v14, v6;
	v7 =	vmul.f32 v10, v7;
	v30 =	vld.idx.msk [tilespmem:v22+s9+$0x0], $0xffff  }
0x185: {  	v11 =	vsub.f32 v11, v20;
	v13 =	vmul.f32 v17, v13;
	v10 =	vmax.f32 v8, $0.0e+00  }
0x186: {  	v6 =	vsub.f32 v6, v5;
	v8 =	vsub.f32 v7, v5;
	v25 =	vld.idx.msk [tilespmem:v15+s12+$0x0], $0xffff  }
0x187: {  	v11 =	vmax.f32 v11, $0.0e+00;
	v14 =	vmin.f32 v60, v28;
	v17 =	vmin.f32 v47, v28;
	v21 =	vld.idx.msk [tilespmem:v15+s9+$0x0], $0xffff  }
0x188: {  	v7 =	vsub.f32 v13, v5;
	v24 =	vmin.f32 v2, v29;
	v31 =	vmin.f32 v59, v29;
	v27 =	vld.idx.msk [tilespmem:v15+s10+$0x0], $0xffff  }
0x189: {  	v13 =	vmin.f32 v46, v28;
	v33 =	vmin.f32 v45, v29;
	v23 =	vmax.f32 v42, v16;
	v26 =	vld.idx.msk [tilespmem:v15+s11+$0x0], $0xffff  }
0x18a: {  	v20 =	vmin.f32 v4, v28;
	v28 =	vmax.f32 v57, v30;
	v34 =	vsub.f32 v13, v23  }
0x18b: {  	v32 =	vmax.f32 v58, v16;
	v23 =	vmax.f32 v43, v30;
	v13 =	vld.idx.msk [tilespmem:v22+s13+$0x0], $0xffff;
	v22 =	vmin.f32 v54, v29  }
0x18c: {  	v14 =	vsub.f32 v14, v32;
	v28 =	vsub.f32 v31, v28;
	v29 =	vmax.f32 v41, v30  }
.Ltmp7:
0x18d: {  	v32 =	vmax.f32 v3, v30;
	v29 =	vsub.f32 v33, v29;
	v33 =	vmax.f32 v34, $0.0e+00;
	(pc) =	sbr.rel @p1 .LBB2_9-.Ltmp7, $4  }
0x18e: {  	s23 =	sadd.s32 $0xFFFFFFF0, s21;
	v14 =	vmax.f32 v14, $0.0e+00;
	v30 =	vmax.f32 v28, $0.0e+00;
	v28 =	vmin.f32 v60, v25  }
0x18f: {  	v31 =	vmin.f32 v46, v25;
	v14 =	vmul.f32 v14, v30;
	v29 =	vmax.f32 v29, $0.0e+00  }
0x190: {  	v30 =	vmax.f32 v1, v16;
	v35 =	vmul.f32 v33, v29;
	v33 =	vmin.f32 v4, v25  }
0x191: {  	v29 =	vmin.f32 v45, v26;
	v34 =	vsub.f32 v14, v13;
	v14 =	vor.u32 s23, v62  }
.LBB2_10:
0x192: {  	v35 =	vsub.f32 v35, v13;
	v36 =	vmin.f32 v2, v26;
	v37 =	vmax.f32 v57, v21  }
0x193: {  	v50 =	vmax.f32 v3, v21;
	v25 =	vmin.f32 v47, v25;
	v38 =	vmax.f32 v41, v21  }
0x194: {  	v39 =	vmin.f32 v54, v26;
	v24 =	vsub.f32 v24, v32;
	v26 =	vmin.f32 v59, v26  }
0x195: {  	v16 =	vmax.f32 v44, v16;
	v20 =	vsub.f32 v20, v30;
	v22 =	vsub.f32 v22, v23  }
0x196: {  	v10 =	vmul.f32 v10, v11;
	v18 =	vmax.f32 v18, v34;
	v34 =	vsub.f32 v36, v50  }
0x197: {  	v36 =	vmax.f32 v43, v21;
	v49 =	vsub.f32 v29, v38;
	v16 =	vsub.f32 v17, v16  }
0x198: {  	v26 =	vsub.f32 v26, v37;
	v19 =	vmax.f32 v19, v35;
	v52 =	vmax.f32 v1, v27  }
0x199: {  	v53 =	vmax.f32 v58, v27;
	v56 =	vmax.f32 v42, v27;
	v61 =	vmax.f32 v44, v27  }
0x19a: {  	v40 =	vld.idx.msk [tilespmem:v14+s9+$0x0], $0xffff;
	v24 =	vmax.f32 v24, $0.0e+00;
	v20 =	vmax.f32 v20, $0.0e+00;
	v22 =	vmax.f32 v22, $0.0e+00  }
0x19b: {  	v32 =	vld.idx.msk [tilespmem:v14+s11+$0x0], $0xffff;
	v21 =	vsub.f32 v39, v36;
	v33 =	vsub.f32 v33, v52;
	v34 =	vmax.f32 v34, $0.0e+00  }
0x19c: {  	v28 =	vsub.f32 v28, v53;
	v31 =	vsub.f32 v31, v56;
	v23 =	vmax.f32 v49, $0.0e+00  }
0x19d: {  	v25 =	vsub.f32 v25, v61;
	v16 =	vmax.f32 v16, $0.0e+00;
	v20 =	vmul.f32 v20, v24  }
0x19e: {  	v16 =	vmul.f32 v16, v22;
	v21 =	vmax.f32 v21, $0.0e+00;
	v63 =	vmax.f32 v33, $0.0e+00  }
0x19f: {  	v50 =	vmax.f32 v31, $0.0e+00;
	v30 =	vmax.f32 v43, v40;
	v28 =	vmax.f32 v28, $0.0e+00  }
0x1a0: {  	v35 =	vld.idx.msk [tilespmem:v14+s12+$0x0], $0xffff;
	v3 =	vmax.f32 v3, v40;
	v2 =	vmin.f32 v2, v32;
	v31 =	vmax.f32 v41, v40  }
0x1a1: {  	v53 =	vmax.f32 v25, $0.0e+00;
	v61 =	vmin.f32 v54, v32;
	v38 =	vmax.f32 v57, v40  }
0x1a2: {  	v15 =	vld.idx.msk [tilespmem:v15+s13+$0x0], $0xffff;
	v39 =	vmin.f32 v59, v32;
	v49 =	vsub.f32 v20, v13;
	v29 =	vmul.f32 v63, v34  }
0x1a3: {  	v33 =	vld.idx.msk [tilespmem:v14+s10+$0x0], $0xffff;
	v17 =	vmul.f32 v50, v23;
	v23 =	vmin.f32 v45, v32;
	v2 =	vsub.f32 v2, v3  }
0x1a4: {  	v16 =	vsub.f32 v16, v13;
	v63 =	vmax.f32 v26, $0.0e+00;
	v21 =	vmul.f32 v53, v21  }
0x1a5: {  	v4 =	vmin.f32 v4, v35;
	v56 =	vmin.f32 v46, v35;
	v36 =	vmin.f32 v47, v35  }
0x1a6: {  	v40 =	vmin.f32 v60, v35;
	v23 =	vsub.f32 v23, v31;
	v9 =	vmax.f32 v9, v49  }
0x1a7: {  	v17 =	vsub.f32 v17, v15;
	v12 =	vmax.f32 v12, v16;
	v16 =	vsub.f32 v39, v38  }
0x1a8: {  	v2 =	vmax.f32 v2, $0.0e+00;
	v53 =	vmax.f32 v23, $0.0e+00;
	v52 =	vmax.f32 v58, v33  }
0x1a9: {  	v17 =	vmax.f32 v19, v17;
	v3 =	vmax.f32 v42, v33;
	v37 =	vmax.f32 v44, v33  }
0x1aa: {  	v1 =	vmax.f32 v1, v33;
	v19 =	vsub.f32 v61, v30;
	v61 =	vsub.f32 v21, v15  }
0x1ab: {  	v50 =	vld.idx.msk [tilespmem:v14+s13+$0x0], $0xffff;
	v16 =	vmax.f32 v16, $0.0e+00;
	v25 =	vsub.f32 v36, v37;
	v27 =	vsub.f32 v40, v52  }
0x1ac: {  	v3 =	vsub.f32 v56, v3;
	v1 =	vsub.f32 v4, v1;
	v52 =	vmul.f32 v28, v63  }
0x1ad: {  	v56 =	vmax.f32 v19, $0.0e+00;
	v25 =	vmax.f32 v25, $0.0e+00;
	v4 =	vmax.f32 v27, $0.0e+00  }
0x1ae: {  	v3 =	vmax.f32 v3, $0.0e+00;
	v11 =	vsub.f32 v52, v15;
	v4 =	vmul.f32 v4, v16  }
0x1af: {  	v1 =	vmax.f32 v1, $0.0e+00;
	v15 =	vsub.f32 v29, v15;
	v13 =	vmul.f32 v25, v56  }
0x1b0: {  	v3 =	vmul.f32 v3, v53;
	v1 =	vmul.f32 v1, v2;
	v4 =	vsub.f32 v4, v50  }
0x1b1: {  	v2 =	vmax.f32 v18, v11;
	v11 =	vmax.f32 v12, v61;
	v63 =	vsub.f32 v13, v50  }
0x1b2: {  	v1 =	vsub.f32 v1, v50;
	v3 =	vsub.f32 v3, v50;
	v2 =	vmax.f32 v2, v4  }
0x1b3: {  	v4 =	vmax.f32 v9, v15;
	v8 =	vmax.f32 v2, v8;
	v2 =	vsub.f32 v10, v5  }
0x1b4: {  	v3 =	vmax.f32 v17, v3;
	v5 =	vmax.f32 v11, v63;
	v1 =	vmax.f32 v4, v1  }
0x1b5: {  	v6 =	vmax.f32 v1, v6;
	v1 =	vmax.f32 v3, v7;
	v2 =	vmax.f32 v5, v2  }
.LBB2_11:
0x1b6: {  	s21 =	sor.u32 $0x4, s17  }
0x1b7: {  	[tilespmem:$0x1FD10] =	vst v1;
	v1 =	vmov s21  }
0x1b8: {  	v1 =	vand.u32 $0xFFFFFFF4, v1  }
0x1b9: {  	v1 =	vbroadcast v1, $0x0;
	_ =	sdelay $0x5  }
0x1ba: {  	s29 =	sor.u32 $0x5, s17;
	v1 =	vld.idx.msk [tilespmem:v1+s8+$0x0], $0xffff  }
0x1bb: {  	[tilespmem:$0x1FD00] =	vst v2;
	v2 =	vmov s29  }
0x1bc: {  	v2 =	vand.u32 $0xFFFFFFF5, v2  }
0x1bd: {  	s30 =	sor.u32 $0x6, s17;
	v2 =	vbroadcast v2, $0x0  }
0x1be: {  	v4 =	vmov s30  }
0x1bf: {  	v4 =	vand.u32 $0xFFFFFFF6, v4;
	v1 =	vshll.u32 v1, $0x4  }
0x1c0: {  	v4 =	vbroadcast v4, $0x0;
	v3 =	vor.u32 $0x6, v1;
	_ =	sdelay $0x2  }
0x1c1: {  	v2 =	vld.idx.msk [tilespmem:v2+s8+$0x0], $0xffff  }
0x1c2: {  	v5 =	vor.u32 $0x7, v1  }
0x1c3: {  	[tilespmem:$0x1FCE0] =	vst v6;
	v52 =	vld.idx.msk [tilespmem:v3+s6+$0x0], $0xffff;
	v3 =	vor.u32 $0xB, v1  }
0x1c4: {  	[tilespmem:$0x1FCF0] =	vst v8;
	v4 =	vld.idx.msk [tilespmem:v4+s8+$0x0], $0xffff  }
0x1c5: {  	s31 =	sor.u32 $0x7, s17;
	[tilespmem:$0x1FDE0] =	vst v51;
	v19 =	vor.u32 $0x8, v1;
	v7 =	vor.u32 $0x9, v1;
	v1 =	vld.idx.msk [tilespmem:v1+s6+$0x0], $0xffff  }
0x1c6: {  	[tilespmem:$0x1FDF0] =	vst v41;
	v20 =	vmov s31;
	v2 =	vshll.u32 v2, $0x4  }
0x1c7: {  	[tilespmem:$0x1FE20] =	vst v44;
	v23 =	vor.u32 $0xB, v2;
	v35 =	vld.idx.msk [tilespmem:v5+s6+$0x0], $0xffff;
	v5 =	vand.u32 $0xFFFFFFF7, v20  }
0x1c8: {  	[tilespmem:$0x1FE50] =	vst v47;
	v5 =	vbroadcast v5, $0x0;
	v3 =	vld.idx.msk [tilespmem:v3+s6+$0x0], $0xffff  }
0x1c9: {  	[tilespmem:$0x1FE60] =	vst v54  }
0x1ca: {  	v4 =	vshll.u32 v4, $0x4;
	[tilespmem:$0x1FD30] =	vst v1;
	v1 =	vor.u32 $0x9, v2  }
0x1cb: {  	[tilespmem:$0x1FE70] =	vst v57;
	v25 =	vor.u32 $0x9, v4;
	v32 =	vld.idx.msk [tilespmem:v19+s6+$0x0], $0xffff  }
0x1cc: {  	[tilespmem:$0x1FE80] =	vst v58;
	v21 =	vor.u32 $0x6, v2;
	v6 =	vld.idx.msk [tilespmem:v23+s6+$0x0], $0xffff  }
0x1cd: {  	v22 =	vor.u32 $0x7, v2;
	[tilespmem:$0x1FD20] =	vst v3;
	v3 =	vor.u32 $0x8, v2;
	v2 =	vld.idx.msk [tilespmem:v2+s6+$0x0], $0xffff  }
0x1ce: {  	[tilespmem:$0x1FE90] =	vst v59;
	v24 =	vor.u32 $0x6, v4;
	v5 =	vld.idx.msk [tilespmem:v5+s8+$0x0], $0xffff  }
0x1cf: {  	[tilespmem:$0x1FE10] =	vst v43;
	v31 =	vld.idx.msk [tilespmem:v1+s6+$0x0], $0xffff;
	v1 =	vor.u32 $0x8, v4  }
0x1d0: {  	[tilespmem:$0x1FE00] =	vst v42;
	v34 =	vld.idx.msk [tilespmem:v25+s6+$0x0], $0xffff  }
0x1d1: {  	[tilespmem:$0x1FE30] =	vst v45;
	v33 =	vld.idx.msk [tilespmem:v21+s6+$0x0], $0xffff  }
0x1d2: {  	v53 =	vld.idx.msk [tilespmem:v7+s6+$0x0], $0xffff;
	[tilespmem:$0x1FD50] =	vst v2;
	v2 =	vor.u32 $0xB, v4  }
0x1d3: {  	[tilespmem:$0x1FE40] =	vst v46;
	v61 =	vld.idx.msk [tilespmem:v24+s6+$0x0], $0xffff;
	v5 =	vshll.u32 v5, $0x4  }
0x1d4: {  	[tilespmem:$0x1FD40] =	vst v6;
	v56 =	vld.idx.msk [tilespmem:v1+s6+$0x0], $0xffff;
	v1 =	vor.u32 $0x7, v5  }
0x1d5: {  	v49 =	vld.idx.msk [tilespmem:v22+s6+$0x0], $0xffff;
	[tilespmem:$0x1FDA0] =	vst v34;
	v27 =	vor.u32 $0xB, v5  }
0x1d6: {  	[tilespmem:$0x1FDB0] =	vst v33;
	v50 =	vld.idx.msk [tilespmem:v3+s6+$0x0], $0xffff;
	v3 =	vor.u32 $0x7, v4  }
0x1d7: {  	[tilespmem:$0x1FDC0] =	vst v35;
	v2 =	vld.idx.msk [tilespmem:v2+s6+$0x0], $0xffff  }
0x1d8: {  	[tilespmem:$0x1FDD0] =	vst v32;
	v26 =	vor.u32 $0x8, v5;
	v4 =	vld.idx.msk [tilespmem:v4+s6+$0x0], $0xffff  }
0x1d9: {  	[tilespmem:$0x1FEE0] =	vst v61;
	v37 =	vld.idx.msk [tilespmem:v1+s6+$0x0], $0xffff  }
0x1da: {  	[tilespmem:$0x1FF00] =	vst v49;
	v1 =	vld.idx.msk [tilespmem:v27+s6+$0x0], $0xffff  }
0x1db: {  	[tilespmem:$0x1FF20] =	vst v52;
	v63 =	vld.idx.msk [tilespmem:v3+s6+$0x0], $0xffff;
	v3 =	vor.u32 $0x6, v5  }
0x1dc: {  	[tilespmem:$0x1FD60] =	vst v2;
	v2 =	vor.u32 $0x9, v5  }
0x1dd: {  	[tilespmem:$0x1FF30] =	vst v53;
	v40 =	vld.idx.msk [tilespmem:v26+s6+$0x0], $0xffff  }
0x1de: {  	[tilespmem:$0x1FD70] =	vst v4  }
0x1df: {  	[tilespmem:$0x1FD80] =	vst v1;
	v1 =	vld.idx.msk [tilespmem:v5+s6+$0x0], $0xffff  }
0x1e0: {  	[tilespmem:$0x1FEF0] =	vst v56;
	v38 =	vld.idx.msk [tilespmem:v3+s6+$0x0], $0xffff  }
0x1e1: {  	[tilespmem:$0x1FF10] =	vst v50;
	v39 =	vld.idx.msk [tilespmem:v2+s6+$0x0], $0xffff  }
.Ltmp8:
0x1e2: {  	[tilespmem:$0x1FED0] =	vst v40;
	(pc) =	sbr.rel @p0 .LBB2_12-.Ltmp8, $4  }
0x1e3: {  	[tilespmem:$0x1FEA0] =	vst v37  }
0x1e4: {  	[tilespmem:$0x1FD90] =	vst v1  }
0x1e5: {  	[tilespmem:$0x1FEB0] =	vst v38  }
0x1e6: {  	s21 =	simm.s32 $0x30;
	[tilespmem:$0x1FEC0] =	vst v39  }
0x1e7: {  	v1 =	vor.u32 s21, v62;
	_ =	sdelay $0x4  }
0x1e8: {  	v2 =	vld.idx.msk [tilespmem:v1+s11+$0x0], $0xffff  }
0x1e9: {  	s22 =	sadd.s32 $0xFFFFFFD0, s21;
	v3 =	vld.idx.msk [tilespmem:v1+s10+$0x0], $0xffff  }
0x1ea: {  	v14 =	vor.u32 s22, v62  }
0x1eb: {  	v4 =	vld.idx.msk [tilespmem:v1+s9+$0x0], $0xffff  }
0x1ec: {  	v5 =	vld.idx.msk [tilespmem:v1+s12+$0x0], $0xffff  }
0x1ed: {  	v6 =	vmin.f32 v50, v2  }
0x1ee: {  	v7 =	vmin.f32 v56, v2;
	v8 =	vmin.f32 v40, v2;
	v9 =	vmax.f32 v35, v3  }
0x1ef: {  	v17 =	vld.idx.msk [tilespmem:v14+s12+$0x0], $0xffff;
	v10 =	vmax.f32 v63, v3;
	v11 =	vmax.f32 v37, v3;
	v2 =	vmin.f32 v32, v2  }
0x1f0: {  	v13 =	vmax.f32 v61, v4;
	v12 =	vmax.f32 v52, v4;
	v15 =	vmax.f32 v38, v4  }
0x1f1: {  	v16 =	vmin.f32 v39, v5;
	v3 =	vmax.f32 v49, v3;
	v4 =	vmax.f32 v33, v4  }
0x1f2: {  	v2 =	vsub.f32 v2, v12;
	v12 =	vmin.f32 v31, v5;
	v16 =	vsub.f32 v16, v11  }
0x1f3: {  	v11 =	vmin.f32 v53, v5;
	v5 =	vmin.f32 v34, v5;
	v4 =	vsub.f32 v6, v4  }
0x1f4: {  	v6 =	vsub.f32 v8, v15;
	v7 =	vsub.f32 v7, v13;
	v13 =	vmin.f32 v34, v17  }
0x1f5: {  	s30 =	sadd.s32 $0xFFFFFFE0, s21;
	v1 =	vld.idx.msk [tilespmem:v1+s13+$0x0], $0xffff;
	v15 =	vmin.f32 v53, v17;
	v3 =	vsub.f32 v12, v3;
	v9 =	vsub.f32 v11, v9  }
0x1f6: {  	v11 =	vor.u32 s30, v62;
	v5 =	vsub.f32 v5, v10;
	v10 =	vld.idx.msk [tilespmem:v14+s11+$0x0], $0xffff;
	v2 =	vmax.f32 v2, $0.0e+00  }
0x1f7: {  	v12 =	vld.idx.msk [tilespmem:v14+s10+$0x0], $0xffff;
	v4 =	vmax.f32 v4, $0.0e+00;
	v7 =	vmax.f32 v7, $0.0e+00;
	v3 =	vmax.f32 v3, $0.0e+00  }
0x1f8: {  	v8 =	vmax.f32 v9, $0.0e+00;
	v9 =	vmax.f32 v16, $0.0e+00;
	v16 =	vmin.f32 v31, v17  }
0x1f9: {  	v2 =	vmul.f32 v8, v2;
	v3 =	vmul.f32 v3, v4;
	v4 =	vmax.f32 v6, $0.0e+00  }
0x1fa: {  	v8 =	vld.idx.msk [tilespmem:v14+s9+$0x0], $0xffff;
	v6 =	vmax.f32 v5, $0.0e+00;
	v5 =	vmul.f32 v9, v4;
	v9 =	vmin.f32 v39, v17  }
0x1fb: {  	v2 =	vsub.f32 v2, v1;
	v4 =	vsub.f32 v3, v1;
	v19 =	vmin.f32 v32, v10  }
0x1fc: {  	v22 =	vmin.f32 v50, v10;
	v20 =	vld.idx.msk [tilespmem:v11+s12+$0x0], $0xffff;
	v18 =	vmax.f32 v37, v12;
	v25 =	vmax.f32 v49, v12  }
0x1fd: {  	v21 =	vld.idx.msk [tilespmem:v11+s11+$0x0], $0xffff;
	v17 =	vmin.f32 v56, v10;
	v3 =	vsub.f32 v5, v1;
	v5 =	vmin.f32 v40, v10  }
0x1fe: {  	v24 =	vsub.f32 v9, v18;
	v9 =	vld.idx.msk [tilespmem:v14+s13+$0x0], $0xffff;
	v14 =	vsub.f32 v16, v25;
	v25 =	vmax.f32 v35, v12  }
0x1ff: {  	v23 =	vmax.f32 v33, v8;
	v18 =	vmax.f32 v61, v8;
	v16 =	vmax.f32 v38, v8  }
0x200: {  	p1 =	sne.s32 s20, $0x1;
	v27 =	vmax.f32 v52, v8;
	v8 =	vmax.f32 v24, $0.0e+00;
	v10 =	vsub.f32 v22, v23  }
.Ltmp9:
0x201: {  	v14 =	vmax.f32 v14, $0.0e+00;
	v5 =	vsub.f32 v5, v16;
	v23 =	vmin.f32 v31, v20;
	(pc) =	sbr.rel @!p1 .LBB2_15-.Ltmp9, $4  }
0x202: {  	v26 =	vmin.f32 v39, v20;
	v28 =	vmin.f32 v53, v20;
	v10 =	vmax.f32 v10, $0.0e+00  }
0x203: {  	v24 =	vmin.f32 v40, v21;
	v5 =	vmax.f32 v5, $0.0e+00;
	v10 =	vmul.f32 v14, v10  }
0x204: {  	s31 =	sadd.s32 $0xFFFFFFF0, s21;
	v16 =	vld.idx.msk [tilespmem:v11+s9+$0x0], $0xffff;
	v30 =	vmul.f32 v8, v5;
	v14 =	vimm.f32 $-1.000000020e+30;
	v8 =	vimm.f32 $-1.000000020e+30  }
0x205: {  	v51 =	vmovc v31;
	s22 =	sadd.s32 $0xFFFFFFFF, s20;
	v22 =	vld.idx.msk [tilespmem:v11+s10+$0x0], $0xffff;
	v5 =	vimm.f32 $-1.000000020e+30;
	v29 =	vsub.f32 v10, v9;
	v10 =	vor.u32 s31, v62  }
.LBB2_14:
0x206: {  	v31 =	vmin.f32 v32, v21  }
0x207: {  	v20 =	vmin.f32 v34, v20;
	v57 =	vmin.f32 v56, v21;
	v19 =	vsub.f32 v19, v27  }
0x208: {  	v21 =	vmin.f32 v50, v21;
	v12 =	vmax.f32 v63, v12;
	v15 =	vsub.f32 v15, v25  }
0x209: {  	v17 =	vsub.f32 v17, v18;
	v6 =	vmul.f32 v6, v7;
	v30 =	vsub.f32 v30, v9  }
0x20a: {  	v29 =	vmax.f32 v0, v29;
	v12 =	vsub.f32 v13, v12;
	v19 =	vmax.f32 v19, $0.0e+00  }
0x20b: {  	v15 =	vmax.f32 v15, $0.0e+00;
	v17 =	vmax.f32 v17, $0.0e+00;
	v14 =	vmax.f32 v14, v30  }
0x20c: {  	v36 =	vld.idx.msk [tilespmem:v10+s9+$0x0], $0xffff;
	v12 =	vmax.f32 v12, $0.0e+00;
	v15 =	vmul.f32 v15, v19;
	v45 =	vmax.f32 v33, v16  }
0x20d: {  	v46 =	vmax.f32 v52, v16;
	v30 =	vmax.f32 v35, v22;
	v47 =	vmax.f32 v38, v16  }
0x20e: {  	v0 =	vld [tilespmem:$0x1FDD0];
	v54 =	vmax.f32 v49, v22;
	v27 =	vmax.f32 v37, v22;
	v22 =	vmax.f32 v63, v22  }
0x20f: {  	v16 =	vmax.f32 v61, v16;
	v31 =	vsub.f32 v31, v46;
	v26 =	vsub.f32 v26, v27;
	v27 =	vld.idx.msk [tilespmem:v10+s11+$0x0], $0xffff  }
0x210: {  	v12 =	vmul.f32 v12, v17;
	v28 =	vsub.f32 v28, v30;
	v23 =	vsub.f32 v23, v54  }
0x211: {  	v18 =	vsub.f32 v24, v47;
	v20 =	vsub.f32 v20, v22;
	v59 =	vmax.f32 v38, v36  }
0x212: {  	v21 =	vsub.f32 v21, v45;
	v16 =	vsub.f32 v57, v16;
	v30 =	vmax.f32 v31, $0.0e+00;
	v31 =	vld.idx.msk [tilespmem:v10+s12+$0x0], $0xffff  }
0x213: {  	v12 =	vsub.f32 v12, v9;
	v9 =	vsub.f32 v15, v9;
	v25 =	vmax.f32 v28, $0.0e+00;
	v28 =	vld.idx.msk [tilespmem:v10+s10+$0x0], $0xffff  }
0x214: {  	v13 =	vmax.f32 v26, $0.0e+00;
	v18 =	vmax.f32 v18, $0.0e+00;
	v22 =	vmin.f32 v0, v27;
	v0 =	vld [tilespmem:$0x1FDA0]  }
0x215: {  	v11 =	vld.idx.msk [tilespmem:v11+s13+$0x0], $0xffff;
	v23 =	vmax.f32 v23, $0.0e+00;
	v26 =	vmax.f32 v52, v36;
	v17 =	vmax.f32 v20, $0.0e+00  }
0x216: {  	v21 =	vmax.f32 v21, $0.0e+00;
	v16 =	vmax.f32 v16, $0.0e+00;
	v24 =	vmul.f32 v25, v30  }
0x217: {  	v25 =	vmax.f32 v61, v36;
	v13 =	vmul.f32 v13, v18;
	v8 =	vmax.f32 v8, v12  }
0x218: {  	v19 =	vsub.f32 v22, v26;
	v20 =	vmin.f32 v39, v31;
	v22 =	vmax.f32 v37, v28  }
0x219: {  	v21 =	vmul.f32 v23, v21;
	v20 =	vsub.f32 v20, v22;
	v22 =	vmin.f32 v0, v31;
	v0 =	vld [tilespmem:$0x1FDB0]  }
0x21a: {  	v35 =	vld [tilespmem:$0x1FDC0];
	v16 =	vmul.f32 v17, v16;
	v18 =	vmin.f32 v40, v27;
	v13 =	vsub.f32 v13, v11  }
0x21b: {  	v5 =	vmax.f32 v5, v9;
	v7 =	vsub.f32 v21, v11;
	v18 =	vsub.f32 v18, v59  }
0x21c: {  	v30 =	vmin.f32 v53, v31;
	v58 =	vmax.f32 v49, v28;
	v26 =	vmax.f32 v63, v28  }
0x21d: {  	v13 =	vmax.f32 v14, v13;
	v14 =	vmin.f32 v56, v27;
	v22 =	vsub.f32 v22, v26  }
0x21e: {  	v26 =	vmin.f32 v50, v27;
	v27 =	vmin.f32 v51, v31;
	v12 =	vmax.f32 v0, v36  }
0x21f: {  	v10 =	vld.idx.msk [tilespmem:v10+s13+$0x0], $0xffff;
	v28 =	vmax.f32 v35, v28;
	v27 =	vsub.f32 v27, v58;
	v12 =	vsub.f32 v26, v12  }
0x220: {  	v7 =	vmax.f32 v29, v7;
	v19 =	vmax.f32 v19, $0.0e+00;
	v14 =	vsub.f32 v14, v25  }
0x221: {  	v17 =	vmax.f32 v18, $0.0e+00;
	v26 =	vmax.f32 v27, $0.0e+00;
	v12 =	vmax.f32 v12, $0.0e+00  }
0x222: {  	s21 =	sadd.s32 $0x40, s21;
	v15 =	vmax.f32 v20, $0.0e+00;
	v20 =	vsub.f32 v30, v28;
	v12 =	vmul.f32 v26, v12  }
0x223: {  	s23 =	sadd.s32 $0xFFFFFFD0, s21;
	v9 =	vmax.f32 v14, $0.0e+00;
	v14 =	vmul.f32 v15, v17;
	v15 =	vsub.f32 v16, v11  }
0x224: {  	v17 =	vor.u32 s23, v62;
	v16 =	vmax.f32 v20, $0.0e+00;
	v12 =	vsub.f32 v12, v10  }
0x225: {  	v22 =	vmax.f32 v22, $0.0e+00;
	v8 =	vmax.f32 v8, v15;
	v15 =	vmul.f32 v16, v19  }
0x226: {  	v9 =	vmul.f32 v22, v9;
	v7 =	vmax.f32 v7, v12;
	v12 =	vor.u32 s21, v62  }
0x227: {  	v11 =	vsub.f32 v24, v11  }
0x228: {  	v9 =	vsub.f32 v9, v10;
	v0 =	vmax.f32 v7, v4;
	v4 =	vsub.f32 v15, v10  }
0x229: {  	v32 =	vld [tilespmem:$0x1FDD0];
	v1 =	vsub.f32 v6, v1;
	v5 =	vmax.f32 v5, v11;
	v7 =	vsub.f32 v14, v10  }
0x22a: {  	v24 =	vld.idx.msk [tilespmem:v17+s11+$0x0], $0xffff;
	v6 =	vmax.f32 v8, v9;
	v4 =	vmax.f32 v5, v4  }
0x22b: {  	v8 =	vmax.f32 v6, v1;
	v1 =	vmax.f32 v13, v7;
	v5 =	vmax.f32 v4, v2;
	v2 =	vld.idx.msk [tilespmem:v12+s11+$0x0], $0xffff  }
0x22c: {  	v14 =	vmax.f32 v1, v3;
	v1 =	vld.idx.msk [tilespmem:v12+s10+$0x0], $0xffff  }
0x22d: {  	v3 =	vld.idx.msk [tilespmem:v12+s9+$0x0], $0xffff  }
0x22e: {  	v4 =	vld.idx.msk [tilespmem:v12+s12+$0x0], $0xffff  }
0x22f: {  	v33 =	vld [tilespmem:$0x1FDB0];
	v26 =	vmin.f32 v50, v24  }
0x230: {  	v28 =	vmin.f32 v40, v24;
	v6 =	vmin.f32 v50, v2;
	v7 =	vmin.f32 v56, v2  }
0x231: {  	v34 =	vld [tilespmem:$0x1FDA0];
	v9 =	vmin.f32 v40, v2;
	v10 =	vmax.f32 v35, v1;
	v13 =	vmax.f32 v63, v1  }
0x232: {  	v23 =	vld.idx.msk [tilespmem:v17+s12+$0x0], $0xffff;
	v11 =	vmax.f32 v37, v1;
	v2 =	vmin.f32 v32, v2;
	v15 =	vmax.f32 v61, v3  }
0x233: {  	v16 =	vmax.f32 v52, v3;
	v18 =	vmax.f32 v38, v3;
	v19 =	vmin.f32 v39, v4  }
0x234: {  	v20 =	vmin.f32 v53, v4;
	v3 =	vmax.f32 v33, v3;
	v2 =	vsub.f32 v2, v16  }
0x235: {  	v16 =	vmin.f32 v51, v4;
	v19 =	vsub.f32 v19, v11;
	v11 =	vmax.f32 v49, v1  }
0x236: {  	v4 =	vmin.f32 v34, v4;
	v10 =	vsub.f32 v20, v10;
	v3 =	vsub.f32 v6, v3  }
0x237: {  	s30 =	sadd.s32 $0xFFFFFFE0, s21;
	v9 =	vsub.f32 v9, v18;
	v7 =	vsub.f32 v7, v15;
	v15 =	vmin.f32 v53, v23  }
0x238: {  	v1 =	vld.idx.msk [tilespmem:v12+s13+$0x0], $0xffff;
	v12 =	vsub.f32 v16, v11;
	v11 =	vor.u32 s30, v62;
	v4 =	vsub.f32 v4, v13  }
0x239: {  	v25 =	vld.idx.msk [tilespmem:v17+s9+$0x0], $0xffff;
	v2 =	vmax.f32 v2, $0.0e+00;
	v10 =	vmax.f32 v10, $0.0e+00;
	v3 =	vmax.f32 v3, $0.0e+00  }
0x23a: {  	v13 =	vmax.f32 v19, $0.0e+00;
	v9 =	vmax.f32 v9, $0.0e+00;
	v6 =	vmax.f32 v12, $0.0e+00;
	v12 =	vld.idx.msk [tilespmem:v17+s10+$0x0], $0xffff  }
0x23b: {  	v7 =	vmax.f32 v7, $0.0e+00;
	v19 =	vmin.f32 v32, v24;
	v3 =	vmul.f32 v6, v3  }
0x23c: {  	v2 =	vmul.f32 v10, v2;
	v9 =	vmul.f32 v13, v9;
	v10 =	vmin.f32 v51, v23  }
0x23d: {  	v13 =	vmin.f32 v34, v23;
	v6 =	vmax.f32 v4, $0.0e+00;
	v4 =	vsub.f32 v3, v1  }
0x23e: {  	v20 =	vld.idx.msk [tilespmem:v11+s12+$0x0], $0xffff;
	v3 =	vsub.f32 v9, v1;
	v9 =	vmin.f32 v39, v23;
	v23 =	vmax.f32 v33, v25  }
0x23f: {  	v2 =	vsub.f32 v2, v1;
	v23 =	vsub.f32 v26, v23;
	v18 =	vmax.f32 v37, v12  }
0x240: {  	v27 =	vmax.f32 v49, v12;
	v29 =	vsub.f32 v9, v18;
	v9 =	vld.idx.msk [tilespmem:v17+s13+$0x0], $0xffff;
	v17 =	vmin.f32 v56, v24  }
0x241: {  	p1 =	sne.s32 s22, $0x1;
	v21 =	vld.idx.msk [tilespmem:v11+s11+$0x0], $0xffff;
	v18 =	vmax.f32 v61, v25;
	v10 =	vsub.f32 v10, v27;
	v24 =	vmax.f32 v38, v25  }
.Ltmp10:
0x242: {  	v27 =	vmax.f32 v52, v25;
	v25 =	vmax.f32 v23, $0.0e+00;
	v24 =	vsub.f32 v28, v24;
	(pc) =	sbr.rel @p1 .LBB2_14-.Ltmp10, $4  }
0x243: {  	v28 =	vmax.f32 v29, $0.0e+00;
	v10 =	vmax.f32 v10, $0.0e+00;
	v23 =	vmin.f32 v51, v20  }
0x244: {  	v26 =	vmin.f32 v39, v20;
	v10 =	vmul.f32 v10, v25;
	v24 =	vmax.f32 v24, $0.0e+00  }
0x245: {  	s31 =	sadd.s32 $0xFFFFFFF0, s21;
	v16 =	vld.idx.msk [tilespmem:v11+s9+$0x0], $0xffff;
	v25 =	vmax.f32 v35, v12;
	v30 =	vmul.f32 v28, v24;
	v28 =	vmin.f32 v53, v20  }
0x246: {  	s22 =	sadd.s32 $0xFFFFFFFF, s22;
	v22 =	vld.idx.msk [tilespmem:v11+s10+$0x0], $0xffff;
	v24 =	vmin.f32 v40, v21;
	v29 =	vsub.f32 v10, v9;
	v10 =	vor.u32 s31, v62  }
.LBB2_15:
0x247: {  	v30 =	vsub.f32 v30, v9;
	v31 =	vmin.f32 v32, v21;
	v20 =	vmin.f32 v34, v20  }
0x248: {  	v19 =	vsub.f32 v19, v27;
	v12 =	vmax.f32 v63, v12;
	v15 =	vsub.f32 v15, v25  }
0x249: {  	v17 =	vsub.f32 v17, v18;
	v6 =	vmul.f32 v6, v7;
	v29 =	vmax.f32 v0, v29  }
0x24a: {  	v12 =	vsub.f32 v13, v12;
	v14 =	vmax.f32 v14, v30;
	v19 =	vmax.f32 v19, $0.0e+00  }
0x24b: {  	v15 =	vmax.f32 v15, $0.0e+00;
	v17 =	vmax.f32 v17, $0.0e+00;
	v1 =	vsub.f32 v6, v1  }
0x24c: {  	v42 =	vmovc v32;
	v32 =	vmax.f32 v33, v16;
	v47 =	vmax.f32 v52, v16;
	v54 =	vmax.f32 v38, v16  }
0x24d: {  	v36 =	vld.idx.msk [tilespmem:v10+s9+$0x0], $0xffff;
	v44 =	vmax.f32 v61, v16;
	v12 =	vmax.f32 v12, $0.0e+00;
	v15 =	vmul.f32 v15, v19  }
0x24e: {  	v27 =	vld.idx.msk [tilespmem:v10+s11+$0x0], $0xffff;
	v30 =	vmax.f32 v35, v22;
	v31 =	vsub.f32 v31, v47;
	v57 =	vmax.f32 v49, v22  }
0x24f: {  	v35 =	vmin.f32 v56, v21;
	v21 =	vmin.f32 v50, v21;
	v58 =	vmax.f32 v37, v22  }
0x250: {  	v59 =	vmax.f32 v63, v22;
	v45 =	vsub.f32 v24, v54;
	v28 =	vsub.f32 v28, v30  }
0x251: {  	v12 =	vmul.f32 v12, v17;
	v23 =	vsub.f32 v23, v57;
	v26 =	vsub.f32 v26, v58  }
0x252: {  	v25 =	vmax.f32 v61, v36;
	v47 =	vmax.f32 v52, v36;
	v20 =	vsub.f32 v20, v59  }
0x253: {  	v52 =	vmin.f32 v42, v27;
	v54 =	vmax.f32 v38, v36;
	v21 =	vsub.f32 v21, v32  }
0x254: {  	v59 =	vmin.f32 v56, v27;
	v16 =	vsub.f32 v35, v44;
	v30 =	vmax.f32 v31, $0.0e+00  }
0x255: {  	v18 =	vmax.f32 v45, $0.0e+00;
	v61 =	vsub.f32 v52, v47;
	v12 =	vsub.f32 v12, v9  }
0x256: {  	v43 =	vmax.f32 v28, $0.0e+00;
	v46 =	vmax.f32 v26, $0.0e+00;
	v23 =	vmax.f32 v23, $0.0e+00  }
0x257: {  	v41 =	vmovc v33;
	v11 =	vld.idx.msk [tilespmem:v11+s13+$0x0], $0xffff;
	v57 =	vmax.f32 v20, $0.0e+00;
	v21 =	vmax.f32 v21, $0.0e+00;
	v16 =	vmax.f32 v16, $0.0e+00  }
0x258: {  	v31 =	vld.idx.msk [tilespmem:v10+s12+$0x0], $0xffff;
	v24 =	vmul.f32 v43, v30;
	v13 =	vmul.f32 v46, v18;
	v18 =	vmin.f32 v40, v27  }
0x259: {  	v8 =	vmax.f32 v8, v12;
	v40 =	vmax.f32 v41, v36;
	v41 =	vmin.f32 v50, v27  }
0x25a: {  	v28 =	vld.idx.msk [tilespmem:v10+s10+$0x0], $0xffff;
	v43 =	vsub.f32 v15, v9;
	v19 =	vmax.f32 v61, $0.0e+00;
	v16 =	vmul.f32 v57, v16  }
0x25b: {  	v21 =	vmul.f32 v23, v21;
	v12 =	vsub.f32 v41, v40;
	v18 =	vsub.f32 v18, v54  }
0x25c: {  	v0 =	vmovc v34;
	v35 =	vld [tilespmem:$0x1FDC0];
	v13 =	vsub.f32 v13, v11;
	v5 =	vmax.f32 v5, v43;
	v54 =	vsub.f32 v16, v11  }
0x25d: {  	v30 =	vmin.f32 v53, v31;
	v58 =	vmin.f32 v39, v31;
	v38 =	vmin.f32 v0, v31  }
0x25e: {  	v42 =	vmin.f32 v51, v31;
	v12 =	vmax.f32 v12, $0.0e+00;
	v50 =	vmax.f32 v18, $0.0e+00  }
0x25f: {  	v53 =	vmax.f32 v49, v28;
	v13 =	vmax.f32 v14, v13;
	v37 =	vmax.f32 v37, v28  }
0x260: {  	v47 =	vld.idx.msk [tilespmem:v10+s13+$0x0], $0xffff;
	v39 =	vmax.f32 v63, v28;
	v14 =	vsub.f32 v59, v25;
	v27 =	vsub.f32 v42, v53  }
0x261: {  	v28 =	vmax.f32 v35, v28;
	v49 =	vsub.f32 v21, v11;
	v22 =	vsub.f32 v38, v39  }
0x262: {  	v20 =	vsub.f32 v58, v37;
	v45 =	vsub.f32 v30, v28;
	v46 =	vmax.f32 v27, $0.0e+00  }
0x263: {  	v52 =	vmax.f32 v14, $0.0e+00;
	v22 =	vmax.f32 v22, $0.0e+00;
	v12 =	vmul.f32 v46, v12  }
0x264: {  	v11 =	vsub.f32 v24, v11;
	v44 =	vmax.f32 v20, $0.0e+00;
	v9 =	vmul.f32 v22, v52  }
0x265: {  	v56 =	vmax.f32 v45, $0.0e+00;
	v53 =	vmul.f32 v44, v50;
	v12 =	vsub.f32 v12, v47  }
0x266: {  	v7 =	vmax.f32 v29, v49;
	v16 =	vmul.f32 v56, v19;
	v9 =	vsub.f32 v9, v47  }
.Ltmp11:
0x267: {  	v8 =	vmax.f32 v8, v54;
	v10 =	vsub.f32 v53, v47;
	v7 =	vmax.f32 v7, v12;
	(pc) =	sbr.rel .LBB2_16-.Ltmp11, $4  }
0x268: {  	v57 =	vsub.f32 v16, v47;
	v59 =	vmax.f32 v8, v9;
	v0 =	vmax.f32 v7, v4  }
0x269: {  	v58 =	vmax.f32 v5, v11;
	v61 =	vmax.f32 v13, v10;
	[tilespmem:$0x1FCB0] =	vst v0;
	v0 =	vmax.f32 v59, v1  }
0x26a: {  	v4 =	vmax.f32 v58, v57;
	v1 =	vmax.f32 v61, v3;
	[tilespmem:$0x1FCC0] =	vst v0  }
0x26b: {  	v31 =	vmov v51;
	v51 =	vld [tilespmem:$0x1FDE0];
	v0 =	vmax.f32 v4, v2;
	[tilespmem:$0x1FCD0] =	vst v1  }
.LBB2_12:
0x26c: {  	v1 =	vimm.f32 $-1.000000020e+30  }
0x26d: {  	[tilespmem:$0x1FCB0] =	vst v1;
	v1 =	vimm.f32 $-1.000000020e+30  }
0x26e: {  	[tilespmem:$0x1FCC0] =	vst v1;
	v1 =	vimm.f32 $-1.000000020e+30  }
0x26f: {  	[tilespmem:$0x1FCD0] =	vst v1  }
.LBB2_16:
0x270: {  	s21 =	sor.u32 $0x8, s17  }
0x271: {  	v1 =	vmov s21  }
0x272: {  	v1 =	vand.u32 $0xFFFFFFF8, v1  }
0x273: {  	v1 =	vbroadcast v1, $0x0;
	_ =	sdelay $0x3  }
0x274: {  	s29 =	sor.u32 $0x9, s17  }
0x275: {  	v2 =	vmov s29  }
0x276: {  	v2 =	vand.u32 $0xFFFFFFF9, v2;
	v1 =	vld.idx.msk [tilespmem:v1+s8+$0x0], $0xffff  }
0x277: {  	v2 =	vbroadcast v2, $0x0;
	_ =	sdelay $0x3  }
0x278: {  	v1 =	vshll.u32 v1, $0x4  }
0x279: {  	v3 =	vor.u32 $0x6, v1  }
0x27a: {  	s30 =	sor.u32 $0xA, s17;
	v2 =	vld.idx.msk [tilespmem:v2+s8+$0x0], $0xffff;
	v5 =	vor.u32 $0x7, v1  }
0x27b: {  	v4 =	vmov s30;
	v6 =	vor.u32 $0x8, v1  }
0x27c: {  	v4 =	vand.u32 $0xFFFFFFFA, v4  }
0x27d: {  	v4 =	vbroadcast v4, $0x0  }
0x27e: {  	v54 =	vld.idx.msk [tilespmem:v3+s6+$0x0], $0xffff  }
0x27f: {  	s31 =	sor.u32 $0xB, s17;
	v2 =	vshll.u32 v2, $0x4;
	v3 =	vor.u32 $0xB, v1;
	v37 =	vld.idx.msk [tilespmem:v5+s6+$0x0], $0xffff  }
0x280: {  	v5 =	vmov s31;
	v57 =	vld.idx.msk [tilespmem:v6+s6+$0x0], $0xffff;
	v6 =	vor.u32 $0x6, v2  }
0x281: {  	v5 =	vand.u32 $0xFFFFFFFB, v5  }
0x282: {  	v7 =	vor.u32 $0x9, v1;
	v1 =	vld.idx.msk [tilespmem:v1+s6+$0x0], $0xffff;
	v5 =	vbroadcast v5, $0x0  }
0x283: {  	v4 =	vld.idx.msk [tilespmem:v4+s8+$0x0], $0xffff  }
0x284: {  	v3 =	vld.idx.msk [tilespmem:v3+s6+$0x0], $0xffff  }
0x285: {  	v59 =	vld.idx.msk [tilespmem:v6+s6+$0x0], $0xffff;
	v6 =	vor.u32 $0xB, v2;
	_ =	sdelay $0x1  }
0x286: {  	[tilespmem:$0x1FC70] =	vst v1;
	v1 =	vor.u32 $0x9, v2  }
0x287: {  	v4 =	vshll.u32 v4, $0x4;
	v5 =	vld.idx.msk [tilespmem:v5+s8+$0x0], $0xffff  }
0x288: {  	v58 =	vld.idx.msk [tilespmem:v7+s6+$0x0], $0xffff;
	[tilespmem:$0x1FC60] =	vst v3;
	v3 =	vor.u32 $0x8, v2  }
0x289: {  	v8 =	vor.u32 $0x7, v2;
	v6 =	vld.idx.msk [tilespmem:v6+s6+$0x0], $0xffff  }
0x28a: {  	v7 =	vor.u32 $0x6, v4;
	v2 =	vld.idx.msk [tilespmem:v2+s6+$0x0], $0xffff  }
0x28b: {  	v13 =	vld.idx.msk [tilespmem:v1+s6+$0x0], $0xffff;
	v1 =	vor.u32 $0x8, v4  }
0x28c: {  	v52 =	vld.idx.msk [tilespmem:v4+s6+$0x0], $0xffff;
	v5 =	vshll.u32 v5, $0x4  }
0x28d: {  	v44 =	vld.idx.msk [tilespmem:v3+s6+$0x0], $0xffff;
	v3 =	vor.u32 $0x7, v4  }
0x28e: {  	v61 =	vld.idx.msk [tilespmem:v8+s6+$0x0], $0xffff;
	[tilespmem:$0x1FC80] =	vst v6;
	v6 =	vor.u32 $0x9, v4  }
0x28f: {  	v30 =	vld.idx.msk [tilespmem:v7+s6+$0x0], $0xffff;
	[tilespmem:$0x1FC90] =	vst v2;
	v2 =	vor.u32 $0xB, v4  }
0x290: {  	v40 =	vld.idx.msk [tilespmem:v1+s6+$0x0], $0xffff;
	v1 =	vor.u32 $0x7, v5  }
0x291: {  	v4 =	vor.u32 $0xB, v5;
	v38 =	vld.idx.msk [tilespmem:v5+s6+$0x0], $0xffff  }
0x292: {  	v33 =	vld.idx.msk [tilespmem:v3+s6+$0x0], $0xffff;
	v3 =	vor.u32 $0x6, v5  }
0x293: {  	v12 =	vld.idx.msk [tilespmem:v6+s6+$0x0], $0xffff;
	v6 =	vor.u32 $0x8, v5  }
0x294: {  	v56 =	vld.idx.msk [tilespmem:v2+s6+$0x0], $0xffff;
	v2 =	vor.u32 $0x9, v5  }
.Ltmp12:
0x295: {  	v53 =	vld.idx.msk [tilespmem:v1+s6+$0x0], $0xffff;
	(pc) =	sbr.rel @p0 .LBB2_20-.Ltmp12, $4  }
0x296: {  	v50 =	vld.idx.msk [tilespmem:v4+s6+$0x0], $0xffff  }
0x297: {  	v10 =	vld.idx.msk [tilespmem:v3+s6+$0x0], $0xffff  }
0x298: {  	v14 =	vimm.f32 $-1.000000020e+30;
	v45 =	vimm.f32 $-1.000000020e+30;
	v15 =	vld.idx.msk [tilespmem:v6+s6+$0x0], $0xffff  }
0x299: {  	s21 =	simm.s32 $0x30;
	v7 =	vimm.f32 $-1.000000020e+30;
	v1 =	vimm.f32 $-1.000000020e+30;
	[tilespmem:$0x1FCA0] =	vst v38;
	v11 =	vld.idx.msk [tilespmem:v2+s6+$0x0], $0xffff;
	v2 =	vimm.f32 $-1.000000020e+30  }
0x29a: {  	v1 =	vor.u32 s21, v62;
	_ =	sdelay $0x4  }
0x29b: {  	v2 =	vld.idx.msk [tilespmem:v1+s11+$0x0], $0xffff  }
0x29c: {  	v3 =	vld.idx.msk [tilespmem:v1+s10+$0x0], $0xffff  }
0x29d: {  	s22 =	sadd.s32 $0xFFFFFFD0, s21;
	v4 =	vld.idx.msk [tilespmem:v1+s9+$0x0], $0xffff  }
0x29e: {  	v20 =	vor.u32 s22, v62;
	v5 =	vld.idx.msk [tilespmem:v1+s12+$0x0], $0xffff;
	_ =	sdelay $0x1  }
0x29f: {  	v6 =	vmin.f32 v44, v2;
	v7 =	vmin.f32 v40, v2  }
0x2a0: {  	v8 =	vmin.f32 v15, v2;
	v9 =	vmax.f32 v37, v3;
	v16 =	vmax.f32 v33, v3  }
0x2a1: {  	v17 =	vmax.f32 v53, v3;
	v2 =	vmin.f32 v57, v2;
	v19 =	vmax.f32 v30, v4  }
0x2a2: {  	v24 =	vld.idx.msk [tilespmem:v20+s12+$0x0], $0xffff;
	v18 =	vmax.f32 v54, v4;
	v21 =	vmax.f32 v10, v4;
	v22 =	vmin.f32 v11, v5  }
0x2a3: {  	v23 =	vmin.f32 v58, v5;
	v3 =	vmax.f32 v61, v3;
	v4 =	vmax.f32 v59, v4  }
0x2a4: {  	v2 =	vsub.f32 v2, v18;
	v18 =	vmin.f32 v13, v5;
	v22 =	vsub.f32 v22, v17  }
0x2a5: {  	s30 =	sadd.s32 $0xFFFFFFE0, s21;
	v5 =	vmin.f32 v12, v5;
	v9 =	vsub.f32 v23, v9;
	v4 =	vsub.f32 v6, v4  }
0x2a6: {  	v1 =	vld.idx.msk [tilespmem:v1+s13+$0x0], $0xffff;
	v17 =	vor.u32 s30, v62;
	v6 =	vsub.f32 v8, v21;
	v7 =	vsub.f32 v7, v19  }
0x2a7: {  	v23 =	vld.idx.msk [tilespmem:v20+s11+$0x0], $0xffff;
	v19 =	vmin.f32 v12, v24;
	v3 =	vsub.f32 v18, v3;
	v5 =	vsub.f32 v5, v16  }
0x2a8: {  	v16 =	vmin.f32 v13, v24;
	v2 =	vmax.f32 v2, $0.0e+00;
	v8 =	vmax.f32 v9, $0.0e+00  }
0x2a9: {  	v18 =	vld.idx.msk [tilespmem:v20+s10+$0x0], $0xffff;
	v4 =	vmax.f32 v4, $0.0e+00;
	v9 =	vmax.f32 v22, $0.0e+00;
	v7 =	vmax.f32 v7, $0.0e+00  }
0x2aa: {  	v22 =	vmin.f32 v58, v24;
	v3 =	vmax.f32 v3, $0.0e+00;
	v2 =	vmul.f32 v8, v2  }
0x2ab: {  	v8 =	vld.idx.msk [tilespmem:v20+s9+$0x0], $0xffff;
	v3 =	vmul.f32 v3, v4;
	v4 =	vmax.f32 v6, $0.0e+00;
	v6 =	vmax.f32 v5, $0.0e+00  }
0x2ac: {  	v5 =	vmul.f32 v9, v4;
	v2 =	vsub.f32 v2, v1;
	v26 =	vmin.f32 v57, v23  }
0x2ad: {  	v21 =	vmin.f32 v44, v23;
	v9 =	vmin.f32 v11, v24;
	v24 =	vmin.f32 v40, v23  }
0x2ae: {  	v27 =	vld.idx.msk [tilespmem:v17+s12+$0x0], $0xffff;
	v4 =	vsub.f32 v3, v1;
	v25 =	vmax.f32 v53, v18;
	v34 =	vmax.f32 v37, v18  }
0x2af: {  	v3 =	vsub.f32 v5, v1;
	v29 =	vsub.f32 v9, v25;
	v25 =	vmax.f32 v61, v18  }
0x2b0: {  	v5 =	vmin.f32 v15, v23;
	v28 =	vmax.f32 v59, v8;
	v16 =	vsub.f32 v16, v25  }
0x2b1: {  	v9 =	vld.idx.msk [tilespmem:v20+s13+$0x0], $0xffff;
	v25 =	vmax.f32 v30, v8;
	v20 =	vsub.f32 v21, v28;
	v21 =	vmax.f32 v10, v8  }
0x2b2: {  	v49 =	vmovc v30;
	p1 =	sne.s32 s20, $0x1;
	v36 =	vmax.f32 v54, v8;
	v28 =	vld.idx.msk [tilespmem:v17+s11+$0x0], $0xffff;
	v5 =	vsub.f32 v5, v21;
	v16 =	vmax.f32 v16, $0.0e+00  }
.Ltmp13:
0x2b3: {  	v23 =	vld.idx.msk [tilespmem:v17+s9+$0x0], $0xffff;
	v30 =	vmin.f32 v13, v27;
	v35 =	vmin.f32 v11, v27;
	v38 =	vmin.f32 v58, v27;
	(pc) =	sbr.rel @!p1 .LBB2_19-.Ltmp13, $4  }
0x2b4: {  	s31 =	sadd.s32 $0xFFFFFFF0, s21;
	v21 =	vimm.f32 $-1.000000020e+30;
	v8 =	vmax.f32 v20, $0.0e+00;
	v20 =	vmax.f32 v29, $0.0e+00  }
0x2b5: {  	v29 =	vld.idx.msk [tilespmem:v17+s10+$0x0], $0xffff;
	v8 =	vmul.f32 v16, v8;
	v5 =	vmax.f32 v5, $0.0e+00;
	v16 =	vor.u32 s31, v62  }
0x2b6: {  	v41 =	vmul.f32 v20, v5;
	v20 =	vimm.f32 $-1.000000020e+30;
	v5 =	vimm.f32 $-1.000000020e+30  }
0x2b7: {  	s22 =	sadd.s32 $0xFFFFFFFF, s20;
	v39 =	vsub.f32 v8, v9;
	v32 =	vmin.f32 v15, v28;
	v8 =	vimm.f32 $-1.000000020e+30  }
.LBB2_18:
0x2b8: {  	p1 =	sne.s32 s22, $0x1;
	s22 =	sadd.s32 $0xFFFFFFFF, s22;
	v41 =	vsub.f32 v41, v9;
	v42 =	vmin.f32 v57, v28;
	v43 =	vmax.f32 v59, v23;
	s21 =	sadd.s32 $0x40, s21  }
0x2b9: {  	v27 =	vmin.f32 v12, v27;
	v20 =	vmax.f32 v20, v39;
	v39 =	vmax.f32 v54, v23  }
0x2ba: {  	v45 =	vmax.f32 v10, v23;
	v21 =	vmax.f32 v21, v41;
	v17 =	vld.idx.msk [tilespmem:v17+s13+$0x0], $0xffff;
	v41 =	vmax.f32 v37, v29  }
0x2bb: {  	v46 =	vmin.f32 v40, v28;
	v39 =	vsub.f32 v42, v39;
	v42 =	vmax.f32 v61, v29  }
0x2bc: {  	v26 =	vsub.f32 v26, v36;
	v28 =	vmin.f32 v44, v28;
	v36 =	vmax.f32 v53, v29;
	v47 =	vld.idx.msk [tilespmem:v16+s9+$0x0], $0xffff  }
0x2bd: {  	v29 =	vmax.f32 v33, v29;
	v38 =	vsub.f32 v38, v41;
	v39 =	vmax.f32 v39, $0.0e+00;
	v41 =	vld.idx.msk [tilespmem:v16+s12+$0x0], $0xffff  }
0x2be: {  	v18 =	vmax.f32 v33, v18;
	v35 =	vsub.f32 v35, v36;
	v30 =	vsub.f32 v30, v42;
	v36 =	vld.idx.msk [tilespmem:v16+s11+$0x0], $0xffff  }
0x2bf: {  	v22 =	vsub.f32 v22, v34;
	v26 =	vmax.f32 v26, $0.0e+00;
	v34 =	vmax.f32 v38, $0.0e+00;
	v38 =	vld.idx.msk [tilespmem:v16+s10+$0x0], $0xffff  }
0x2c0: {  	v24 =	vsub.f32 v24, v25;
	v23 =	vmax.f32 v49, v23;
	v25 =	vsub.f32 v32, v45  }
0x2c1: {  	v18 =	vsub.f32 v19, v18;
	v22 =	vmax.f32 v22, $0.0e+00;
	v19 =	vmax.f32 v35, $0.0e+00  }
0x2c2: {  	v25 =	vmax.f32 v25, $0.0e+00;
	v32 =	vmul.f32 v34, v39;
	v34 =	vmax.f32 v49, v47  }
0x2c3: {  	v30 =	vmax.f32 v30, $0.0e+00;
	v35 =	vmax.f32 v54, v47;
	v39 =	vmin.f32 v58, v41  }
0x2c4: {  	v27 =	vsub.f32 v27, v29;
	v19 =	vmul.f32 v19, v25;
	v25 =	vmin.f32 v15, v36  }
0x2c5: {  	v18 =	vmax.f32 v18, $0.0e+00;
	v29 =	vmin.f32 v57, v36;
	v42 =	vmax.f32 v61, v38  }
0x2c6: {  	v24 =	vmax.f32 v24, $0.0e+00;
	v19 =	vsub.f32 v19, v17;
	v45 =	vmax.f32 v10, v47  }
0x2c7: {  	v18 =	vmul.f32 v18, v24;
	v24 =	vmax.f32 v27, $0.0e+00;
	v27 =	vmin.f32 v11, v41  }
0x2c8: {  	v28 =	vsub.f32 v28, v43;
	v19 =	vmax.f32 v21, v19;
	v21 =	vmin.f32 v40, v36  }
0x2c9: {  	v22 =	vmul.f32 v22, v26;
	v26 =	vsub.f32 v29, v35;
	v29 =	vmax.f32 v53, v38  }
0x2ca: {  	v28 =	vmax.f32 v28, $0.0e+00;
	v18 =	vsub.f32 v18, v9;
	v27 =	vsub.f32 v27, v29  }
0x2cb: {  	v23 =	vsub.f32 v46, v23;
	v35 =	vmax.f32 v33, v38;
	v29 =	vmin.f32 v12, v41  }
0x2cc: {  	v8 =	vmax.f32 v8, v18;
	v18 =	vmax.f32 v59, v47;
	v29 =	vsub.f32 v29, v35  }
0x2cd: {  	v23 =	vmax.f32 v23, $0.0e+00;
	v35 =	vmin.f32 v44, v36;
	v36 =	vmin.f32 v13, v41  }
0x2ce: {  	v38 =	vmax.f32 v37, v38;
	v36 =	vsub.f32 v36, v42;
	v29 =	vmax.f32 v29, $0.0e+00  }
0x2cf: {  	v9 =	vsub.f32 v22, v9;
	v18 =	vsub.f32 v35, v18;
	v22 =	vmax.f32 v27, $0.0e+00;
	v16 =	vld.idx.msk [tilespmem:v16+s13+$0x0], $0xffff  }
0x2d0: {  	v26 =	vmax.f32 v26, $0.0e+00;
	v27 =	vsub.f32 v39, v38;
	v35 =	vmax.f32 v36, $0.0e+00  }
0x2d1: {  	v28 =	vmul.f32 v30, v28;
	v25 =	vsub.f32 v25, v45;
	v18 =	vmax.f32 v18, $0.0e+00  }
0x2d2: {  	v6 =	vmul.f32 v6, v7;
	v23 =	vmul.f32 v24, v23;
	v21 =	vsub.f32 v21, v34  }
0x2d3: {  	v7 =	vsub.f32 v28, v17;
	v24 =	vmax.f32 v25, $0.0e+00;
	v18 =	vmul.f32 v35, v18  }
0x2d4: {  	v5 =	vmax.f32 v5, v9;
	v9 =	vmax.f32 v21, $0.0e+00;
	v21 =	vmul.f32 v22, v24  }
0x2d5: {  	v22 =	vsub.f32 v23, v17;
	v9 =	vmul.f32 v29, v9;
	v18 =	vsub.f32 v18, v16  }
0x2d6: {  	v7 =	vmax.f32 v20, v7;
	v17 =	vsub.f32 v32, v17;
	v20 =	vmax.f32 v27, $0.0e+00  }
0x2d7: {  	v8 =	vmax.f32 v8, v22;
	v22 =	vmul.f32 v20, v26;
	v7 =	vmax.f32 v7, v18  }
0x2d8: {  	v9 =	vsub.f32 v9, v16;
	v18 =	vor.u32 s21, v62;
	v20 =	vmax.f32 v7, v4  }
0x2d9: {  	v1 =	vsub.f32 v6, v1;
	v4 =	vsub.f32 v22, v16  }
0x2da: {  	v5 =	vmax.f32 v5, v17;
	v6 =	vmax.f32 v8, v9;
	v7 =	vsub.f32 v21, v16  }
0x2db: {  	v8 =	vmax.f32 v6, v1;
	v4 =	vmax.f32 v5, v4  }
0x2dc: {  	v1 =	vmax.f32 v19, v7;
	v5 =	vmax.f32 v4, v2  }
0x2dd: {  	v21 =	vmax.f32 v1, v3;
	v2 =	vld.idx.msk [tilespmem:v18+s11+$0x0], $0xffff  }
0x2de: {  	v1 =	vld.idx.msk [tilespmem:v18+s10+$0x0], $0xffff  }
0x2df: {  	v3 =	vld.idx.msk [tilespmem:v18+s9+$0x0], $0xffff  }
0x2e0: {  	v4 =	vld.idx.msk [tilespmem:v18+s12+$0x0], $0xffff;
	_ =	sdelay $0x2  }
0x2e1: {  	v6 =	vmin.f32 v44, v2;
	v7 =	vmin.f32 v40, v2;
	v9 =	vmin.f32 v15, v2  }
0x2e2: {  	s23 =	sadd.s32 $0xFFFFFFD0, s21;
	v16 =	vmax.f32 v37, v1;
	v19 =	vmax.f32 v33, v1;
	v17 =	vmax.f32 v53, v1  }
0x2e3: {  	v24 =	vor.u32 s23, v62;
	v2 =	vmin.f32 v57, v2;
	v22 =	vmax.f32 v49, v3  }
0x2e4: {  	v23 =	vmax.f32 v54, v3;
	v25 =	vmax.f32 v10, v3;
	v26 =	vmin.f32 v11, v4  }
0x2e5: {  	v2 =	vsub.f32 v2, v23;
	v23 =	vmin.f32 v13, v4;
	v26 =	vsub.f32 v26, v17  }
0x2e6: {  	v27 =	vmin.f32 v58, v4;
	v4 =	vmin.f32 v12, v4;
	v17 =	vmax.f32 v61, v1  }
0x2e7: {  	s23 =	sadd.s32 $0xFFFFFFE0, s21;
	v3 =	vmax.f32 v59, v3;
	v2 =	vmax.f32 v2, $0.0e+00;
	v1 =	vld.idx.msk [tilespmem:v18+s13+$0x0], $0xffff;
	v18 =	vsub.f32 v23, v17  }
0x2e8: {  	v3 =	vsub.f32 v6, v3;
	v16 =	vsub.f32 v27, v16;
	v17 =	vor.u32 s23, v62;
	v30 =	vld.idx.msk [tilespmem:v24+s12+$0x0], $0xffff  }
0x2e9: {  	v9 =	vsub.f32 v9, v25;
	v4 =	vsub.f32 v4, v19;
	v32 =	vld.idx.msk [tilespmem:v24+s11+$0x0], $0xffff;
	v6 =	vmax.f32 v18, $0.0e+00  }
0x2ea: {  	v3 =	vmax.f32 v3, $0.0e+00;
	v16 =	vmax.f32 v16, $0.0e+00;
	v19 =	vmax.f32 v26, $0.0e+00;
	v18 =	vld.idx.msk [tilespmem:v24+s10+$0x0], $0xffff  }
0x2eb: {  	v9 =	vmax.f32 v9, $0.0e+00;
	v2 =	vmul.f32 v16, v2;
	v3 =	vmul.f32 v6, v3;
	v34 =	vld.idx.msk [tilespmem:v24+s9+$0x0], $0xffff  }
0x2ec: {  	v7 =	vsub.f32 v7, v22;
	v9 =	vmul.f32 v19, v9;
	v6 =	vmax.f32 v4, $0.0e+00  }
0x2ed: {  	v2 =	vsub.f32 v2, v1;
	v4 =	vsub.f32 v3, v1;
	v27 =	vld.idx.msk [tilespmem:v17+s12+$0x0], $0xffff  }
0x2ee: {  	v7 =	vmax.f32 v7, $0.0e+00;
	v16 =	vmin.f32 v13, v30;
	v19 =	vmin.f32 v12, v30;
	v23 =	vld.idx.msk [tilespmem:v17+s9+$0x0], $0xffff  }
0x2ef: {  	v3 =	vsub.f32 v9, v1;
	v26 =	vmin.f32 v57, v32;
	v35 =	vmin.f32 v44, v32;
	v29 =	vld.idx.msk [tilespmem:v17+s10+$0x0], $0xffff  }
0x2f0: {  	v9 =	vmin.f32 v11, v30;
	v38 =	vmin.f32 v15, v32;
	v25 =	vmax.f32 v53, v18;
	v28 =	vld.idx.msk [tilespmem:v17+s11+$0x0], $0xffff  }
0x2f1: {  	v22 =	vmin.f32 v58, v30;
	v30 =	vmax.f32 v59, v34;
	v39 =	vsub.f32 v9, v25  }
0x2f2: {  	v36 =	vmax.f32 v61, v18;
	v25 =	vmax.f32 v49, v34;
	v9 =	vld.idx.msk [tilespmem:v24+s13+$0x0], $0xffff;
	v24 =	vmin.f32 v40, v32  }
0x2f3: {  	v16 =	vsub.f32 v16, v36;
	v30 =	vsub.f32 v35, v30;
	v32 =	vmax.f32 v10, v34  }
.Ltmp14:
0x2f4: {  	v36 =	vmax.f32 v54, v34;
	v32 =	vsub.f32 v38, v32;
	v38 =	vmax.f32 v39, $0.0e+00;
	(pc) =	sbr.rel @p1 .LBB2_18-.Ltmp14, $4  }
0x2f5: {  	s23 =	sadd.s32 $0xFFFFFFF0, s21;
	v16 =	vmax.f32 v16, $0.0e+00;
	v34 =	vmax.f32 v30, $0.0e+00;
	v30 =	vmin.f32 v13, v27  }
0x2f6: {  	v35 =	vmin.f32 v11, v27;
	v16 =	vmul.f32 v16, v34;
	v32 =	vmax.f32 v32, $0.0e+00  }
0x2f7: {  	v34 =	vmax.f32 v37, v18;
	v41 =	vmul.f32 v38, v32;
	v38 =	vmin.f32 v58, v27  }
0x2f8: {  	v32 =	vmin.f32 v15, v28;
	v39 =	vsub.f32 v16, v9;
	v16 =	vor.u32 s23, v62  }
.LBB2_19:
0x2f9: {  	v41 =	vsub.f32 v41, v9;
	v42 =	vmin.f32 v57, v28;
	v43 =	vmax.f32 v59, v23  }
0x2fa: {  	v27 =	vmin.f32 v12, v27;
	v45 =	vmax.f32 v10, v23;
	v46 =	vmin.f32 v40, v28  }
0x2fb: {  	v26 =	vsub.f32 v26, v36;
	v28 =	vmin.f32 v44, v28;
	v18 =	vmax.f32 v33, v18  }
0x2fc: {  	v22 =	vsub.f32 v22, v34;
	v24 =	vsub.f32 v24, v25;
	v6 =	vmul.f32 v6, v7  }
0x2fd: {  	v20 =	vmax.f32 v20, v39;
	v39 =	vmax.f32 v54, v23;
	v23 =	vmax.f32 v49, v23  }
0x2fe: {  	v18 =	vsub.f32 v19, v18;
	v28 =	vsub.f32 v28, v43;
	v21 =	vmax.f32 v21, v41  }
0x2ff: {  	v41 =	vmax.f32 v37, v29;
	v39 =	vsub.f32 v42, v39;
	v42 =	vmax.f32 v61, v29  }
0x300: {  	v36 =	vmax.f32 v53, v29;
	v29 =	vmax.f32 v33, v29;
	v23 =	vsub.f32 v46, v23  }
0x301: {  	v26 =	vmax.f32 v26, $0.0e+00;
	v1 =	vsub.f32 v6, v1;
	v38 =	vsub.f32 v38, v41  }
0x302: {  	v47 =	vld.idx.msk [tilespmem:v16+s9+$0x0], $0xffff;
	v22 =	vmax.f32 v22, $0.0e+00;
	v30 =	vsub.f32 v30, v42;
	v35 =	vsub.f32 v35, v36  }
0x303: {  	v24 =	vmax.f32 v24, $0.0e+00;
	v42 =	vsub.f32 v32, v45;
	v27 =	vsub.f32 v27, v29  }
0x304: {  	v18 =	vmax.f32 v18, $0.0e+00;
	v22 =	vmul.f32 v22, v26;
	v28 =	vmax.f32 v28, $0.0e+00  }
0x305: {  	v41 =	vld.idx.msk [tilespmem:v16+s12+$0x0], $0xffff;
	v39 =	vmax.f32 v39, $0.0e+00;
	v18 =	vmul.f32 v18, v24;
	v23 =	vmax.f32 v23, $0.0e+00  }
0x306: {  	v36 =	vld.idx.msk [tilespmem:v16+s11+$0x0], $0xffff;
	v34 =	vmax.f32 v38, $0.0e+00;
	v45 =	vmax.f32 v35, $0.0e+00;
	v25 =	vmax.f32 v42, $0.0e+00  }
0x307: {  	v17 =	vld.idx.msk [tilespmem:v17+s13+$0x0], $0xffff;
	v30 =	vmax.f32 v30, $0.0e+00;
	v35 =	vmax.f32 v54, v47;
	v24 =	vmax.f32 v27, $0.0e+00  }
0x308: {  	v32 =	vmul.f32 v34, v39;
	v34 =	vmax.f32 v49, v47;
	v19 =	vmul.f32 v45, v25  }
0x309: {  	v45 =	vmax.f32 v10, v47;
	v18 =	vsub.f32 v18, v9;
	v47 =	vmax.f32 v59, v47  }
0x30a: {  	v38 =	vld.idx.msk [tilespmem:v16+s10+$0x0], $0xffff;
	v9 =	vsub.f32 v22, v9;
	v28 =	vmul.f32 v30, v28;
	v23 =	vmul.f32 v24, v23  }
0x30b: {  	v39 =	vmin.f32 v58, v41;
	v25 =	vmin.f32 v15, v36;
	v29 =	vmin.f32 v57, v36  }
0x30c: {  	v19 =	vsub.f32 v19, v17;
	v27 =	vmin.f32 v11, v41;
	v8 =	vmax.f32 v8, v18  }
0x30d: {  	v43 =	vmin.f32 v44, v36;
	v7 =	vsub.f32 v28, v17;
	v26 =	vsub.f32 v29, v35  }
0x30e: {  	v5 =	vmax.f32 v5, v9;
	v18 =	vsub.f32 v43, v47;
	v25 =	vsub.f32 v25, v45  }
0x30f: {  	v45 =	vsub.f32 v23, v17;
	v42 =	vmax.f32 v61, v38;
	v29 =	vmax.f32 v53, v38  }
0x310: {  	v46 =	vmax.f32 v33, v38;
	v27 =	vsub.f32 v27, v29;
	v29 =	vmin.f32 v12, v41  }
0x311: {  	v19 =	vmax.f32 v21, v19;
	v29 =	vsub.f32 v29, v46;
	v46 =	vmin.f32 v13, v41  }
0x312: {  	v16 =	vld.idx.msk [tilespmem:v16+s13+$0x0], $0xffff;
	v21 =	vmin.f32 v40, v36;
	v38 =	vmax.f32 v37, v38;
	v36 =	vsub.f32 v46, v42  }
0x313: {  	v39 =	vsub.f32 v39, v38;
	v26 =	vmax.f32 v26, $0.0e+00;
	v18 =	vmax.f32 v18, $0.0e+00  }
0x314: {  	v21 =	vsub.f32 v21, v34;
	v47 =	vmax.f32 v27, $0.0e+00;
	v41 =	vmax.f32 v36, $0.0e+00  }
0x315: {  	v42 =	vmax.f32 v25, $0.0e+00;
	v46 =	vmax.f32 v39, $0.0e+00;
	v18 =	vmul.f32 v41, v18  }
0x316: {  	v9 =	vmax.f32 v21, $0.0e+00;
	v29 =	vmax.f32 v29, $0.0e+00;
	v23 =	vmul.f32 v46, v26  }
0x317: {  	v43 =	vmul.f32 v47, v42;
	v9 =	vmul.f32 v29, v9;
	v18 =	vsub.f32 v18, v16  }
0x318: {  	v17 =	vsub.f32 v32, v17;
	v7 =	vmax.f32 v20, v7;
	v47 =	vsub.f32 v23, v16  }
0x319: {  	v9 =	vsub.f32 v9, v16;
	v16 =	vsub.f32 v43, v16;
	v7 =	vmax.f32 v7, v18  }
0x31a: {  	v8 =	vmax.f32 v8, v45;
	v7 =	vmax.f32 v7, v4;
	v4 =	vmax.f32 v5, v17  }
0x31b: {  	v35 =	vld [tilespmem:$0x1FDC0];
	v6 =	vmax.f32 v19, v16;
	v5 =	vmax.f32 v8, v9;
	v4 =	vmax.f32 v4, v47  }
0x31c: {  	v30 =	vmovc v49;
	v38 =	vld [tilespmem:$0x1FCA0];
	v45 =	vmax.f32 v6, v3;
	v1 =	vmax.f32 v5, v1;
	v2 =	vmax.f32 v4, v2  }
.LBB2_20:
0x31d: {  	s21 =	sor.u32 $0xC, s17  }
0x31e: {  	[tilespmem:$0x1FBF0] =	vst v1;
	s29 =	sor.u32 $0xD, s17;
	s31 =	sor.u32 $0xF, s17;
	v1 =	vmov s21  }
0x31f: {  	[tilespmem:$0x1FBD0] =	vst v2;
	s30 =	sor.u32 $0xE, s17;
	v2 =	vmov s29;
	v17 =	vmov s31;
	v1 =	vand.u32 $0xFFFFFFFC, v1  }
0x320: {  	v4 =	vmov s30;
	v2 =	vand.u32 $0xFFFFFFFD, v2;
	v1 =	vbroadcast v1, $0x0  }
0x321: {  	v4 =	vand.u32 $0xFFFFFFFE, v4;
	v2 =	vbroadcast v2, $0x0  }
0x322: {  	v4 =	vbroadcast v4, $0x0;
	_ =	sdelay $0x1  }
0x323: {  	v17 =	vld.idx.msk [tilespmem:v17+s8+$0x0], $0xffff;
	_ =	sdelay $0x1  }
0x324: {  	v1 =	vld.idx.msk [tilespmem:v1+s8+$0x0], $0xffff  }
0x325: {  	v2 =	vld.idx.msk [tilespmem:v2+s8+$0x0], $0xffff  }
0x326: {  	v4 =	vld.idx.msk [tilespmem:v4+s8+$0x0], $0xffff  }
0x327: {  	v17 =	vshll.u32 v17, $0x4  }
0x328: {  	v49 =	vor.u32 $0xB, v17  }
0x329: {  	v1 =	vshll.u32 v1, $0x4  }
0x32a: {  	v2 =	vshll.u32 v2, $0x4  }
0x32b: {  	v47 =	vshll.u32 v4, $0x4  }
0x32c: {  	v3 =	vor.u32 $0x6, v1;
	v27 =	vld.idx.msk [tilespmem:v17+s6+$0x0], $0xffff  }
0x32d: {  	v6 =	vor.u32 $0x7, v1;
	v28 =	vld.idx.msk [tilespmem:v49+s6+$0x0], $0xffff  }
0x32e: {  	[tilespmem:$0x1FBE0] =	vst v7;
	v7 =	vor.u32 $0x8, v1;
	v43 =	vld.idx.msk [tilespmem:v1+s6+$0x0], $0xffff  }
0x32f: {  	v9 =	vor.u32 $0x6, v2;
	v39 =	vld.idx.msk [tilespmem:v2+s6+$0x0], $0xffff  }
0x330: {  	v8 =	vor.u32 $0x9, v1;
	v29 =	vld.idx.msk [tilespmem:v47+s6+$0x0], $0xffff  }
0x331: {  	v16 =	vor.u32 $0x7, v2;
	v5 =	vld.idx.msk [tilespmem:v3+s6+$0x0], $0xffff  }
0x332: {  	v4 =	vor.u32 $0x6, v47;
	v6 =	vld.idx.msk [tilespmem:v6+s6+$0x0], $0xffff  }
0x333: {  	v19 =	vor.u32 $0x8, v47;
	v7 =	vld.idx.msk [tilespmem:v7+s6+$0x0], $0xffff  }
0x334: {  	v21 =	vld.idx.msk [tilespmem:v9+s6+$0x0], $0xffff;
	v9 =	vor.u32 $0xB, v2  }
0x335: {  	v22 =	vor.u32 $0xB, v47;
	v8 =	vld.idx.msk [tilespmem:v8+s6+$0x0], $0xffff  }
0x336: {  	v3 =	vor.u32 $0xB, v1;
	v32 =	vld.idx.msk [tilespmem:v16+s6+$0x0], $0xffff  }
0x337: {  	v18 =	vor.u32 $0x7, v47;
	v20 =	vld.idx.msk [tilespmem:v4+s6+$0x0], $0xffff  }
0x338: {  	v1 =	vor.u32 $0x9, v2;
	v4 =	vld.idx.msk [tilespmem:v19+s6+$0x0], $0xffff  }
0x339: {  	v42 =	vld.idx.msk [tilespmem:v9+s6+$0x0], $0xffff;
	v9 =	vor.u32 $0x9, v47  }
0x33a: {  	v19 =	vor.u32 $0x7, v17;
	v36 =	vld.idx.msk [tilespmem:v22+s6+$0x0], $0xffff  }
0x33b: {  	v22 =	vor.u32 $0x9, v17;
	v46 =	vld.idx.msk [tilespmem:v3+s6+$0x0], $0xffff  }
0x33c: {  	v3 =	vor.u32 $0x8, v2;
	v2 =	vld.idx.msk [tilespmem:v18+s6+$0x0], $0xffff;
	v18 =	vor.u32 $0x6, v17  }
0x33d: {  	v1 =	vld.idx.msk [tilespmem:v1+s6+$0x0], $0xffff  }
0x33e: {  	[tilespmem:$0x1FC30] =	vst v63;
	v34 =	vld.idx.msk [tilespmem:v9+s6+$0x0], $0xffff;
	v9 =	vor.u32 $0x8, v17  }
.Ltmp15:
0x33f: {  	[tilespmem:$0x1FC40] =	vst v0;
	v47 =	vld.idx.msk [tilespmem:v19+s6+$0x0], $0xffff;
	(pc) =	sbr.rel @p0 .LBB2_21-.Ltmp15, $4  }
0x340: {  	[tilespmem:$0x1FC50] =	vst v60;
	v60 =	vld.idx.msk [tilespmem:v22+s6+$0x0], $0xffff  }
0x341: {  	[tilespmem:$0x1FC20] =	vst v10;
	v41 =	vld.idx.msk [tilespmem:v18+s6+$0x0], $0xffff  }
0x342: {  	[tilespmem:$0x1FC00] =	vst v15;
	v3 =	vld.idx.msk [tilespmem:v3+s6+$0x0], $0xffff  }
0x343: {  	s21 =	simm.s32 $0x30;
	[tilespmem:$0x1FC10] =	vst v11;
	v63 =	vld.idx.msk [tilespmem:v9+s6+$0x0], $0xffff  }
0x344: {  	v9 =	vor.u32 s21, v62;
	_ =	sdelay $0x4  }
0x345: {  	v16 =	vld.idx.msk [tilespmem:v9+s11+$0x0], $0xffff  }
0x346: {  	s22 =	sadd.s32 $0xFFFFFFD0, s21;
	v17 =	vld.idx.msk [tilespmem:v9+s10+$0x0], $0xffff  }
0x347: {  	[tilespmem:$0x1FB50] =	vst v30;
	v30 =	vor.u32 s22, v62  }
0x348: {  	v18 =	vld.idx.msk [tilespmem:v9+s9+$0x0], $0xffff  }
0x349: {  	[tilespmem:$0x1FB20] =	vst v29;
	v19 =	vld.idx.msk [tilespmem:v9+s12+$0x0], $0xffff  }
0x34a: {  	[tilespmem:$0x1FBA0] =	vst v31;
	v31 =	vlaneseq.u32;
	v22 =	vmin.f32 v3, v16  }
0x34b: {  	[tilespmem:$0x1FB40] =	vst v27;
	v23 =	vmin.f32 v4, v16;
	v24 =	vmin.f32 v63, v16;
	v25 =	vmax.f32 v6, v17  }
0x34c: {  	v38 =	vld.idx.msk [tilespmem:v30+s12+$0x0], $0xffff;
	v26 =	vmax.f32 v2, v17;
	v27 =	vmax.f32 v47, v17;
	v16 =	vmin.f32 v7, v16  }
0x34d: {  	[tilespmem:$0x1FB30] =	vst v28;
	v29 =	vmax.f32 v20, v18;
	v28 =	vmax.f32 v5, v18;
	v35 =	vmax.f32 v41, v18  }
0x34e: {  	[tilespmem:$0x1FBB0] =	vst v55;
	v55 =	vmin.f32 v60, v19;
	v17 =	vmax.f32 v32, v17;
	v18 =	vmax.f32 v21, v18  }
0x34f: {  	[tilespmem:$0x1FB10] =	vst v36;
	v16 =	vsub.f32 v16, v28;
	v28 =	vmin.f32 v1, v19;
	v36 =	vsub.f32 v55, v27  }
0x350: {  	v27 =	vmin.f32 v8, v19;
	v19 =	vmin.f32 v34, v19;
	v18 =	vsub.f32 v22, v18  }
0x351: {  	[tilespmem:$0x1FB60] =	vst v56;
	v22 =	vsub.f32 v24, v35;
	v23 =	vsub.f32 v23, v29;
	v56 =	vmin.f32 v1, v38  }
0x352: {  	s30 =	sadd.s32 $0xFFFFFFE0, s21;
	v9 =	vld.idx.msk [tilespmem:v9+s13+$0x0], $0xffff;
	v29 =	vmin.f32 v34, v38;
	v35 =	vmin.f32 v8, v38;
	v17 =	vsub.f32 v28, v17  }
0x353: {  	[tilespmem:$0x1FAD0] =	vst v45;
	v25 =	vsub.f32 v27, v25;
	v27 =	vor.u32 s30, v62;
	v19 =	vsub.f32 v19, v26;
	v26 =	vld.idx.msk [tilespmem:v30+s11+$0x0], $0xffff  }
0x354: {  	[tilespmem:$0x1FAE0] =	vst v43;
	v28 =	vld.idx.msk [tilespmem:v30+s10+$0x0], $0xffff;
	v16 =	vmax.f32 v16, $0.0e+00;
	v18 =	vmax.f32 v18, $0.0e+00;
	v23 =	vmax.f32 v23, $0.0e+00  }
0x355: {  	[tilespmem:$0x1FAF0] =	vst v42;
	v17 =	vmax.f32 v17, $0.0e+00;
	v24 =	vmax.f32 v25, $0.0e+00;
	v25 =	vmax.f32 v36, $0.0e+00  }
0x356: {  	[tilespmem:$0x1FB70] =	vst v53;
	v16 =	vmul.f32 v24, v16;
	v17 =	vmul.f32 v17, v18;
	v18 =	vmax.f32 v22, $0.0e+00  }
0x357: {  	[tilespmem:$0x1FB80] =	vst v52;
	v24 =	vld.idx.msk [tilespmem:v30+s9+$0x0], $0xffff;
	v22 =	vmax.f32 v19, $0.0e+00;
	v19 =	vmul.f32 v25, v18;
	v25 =	vmin.f32 v60, v38  }
0x358: {  	[tilespmem:$0x1FB90] =	vst v50;
	v16 =	vsub.f32 v16, v9;
	v18 =	vsub.f32 v17, v9;
	v42 =	vmin.f32 v7, v26  }
0x359: {  	v52 =	vmin.f32 v3, v26;
	v43 =	vld.idx.msk [tilespmem:v27+s12+$0x0], $0xffff;
	v53 =	vmax.f32 v47, v28;
	v55 =	vmax.f32 v32, v28  }
0x35a: {  	v45 =	vld.idx.msk [tilespmem:v27+s11+$0x0], $0xffff;
	v38 =	vmin.f32 v4, v26;
	v50 =	vmax.f32 v6, v28;
	v17 =	vsub.f32 v19, v9  }
0x35b: {  	v19 =	vmin.f32 v63, v26;
	v49 =	vsub.f32 v25, v53;
	v25 =	vld.idx.msk [tilespmem:v30+s13+$0x0], $0xffff;
	v30 =	vsub.f32 v56, v55  }
0x35c: {  	[tilespmem:$0x1FB00] =	vst v39;
	v48 =	vmax.f32 v21, v24;
	v39 =	vmax.f32 v20, v24;
	v56 =	vmax.f32 v41, v24  }
0x35d: {  	p0 =	sne.s32 s20, $0x1;
	v30 =	vmax.f32 v30, $0.0e+00;
	v26 =	vsub.f32 v52, v48;
	v52 =	vmax.f32 v5, v24  }
.Ltmp16:
0x35e: {  	v36 =	vld.idx.msk [tilespmem:v27+s9+$0x0], $0xffff;
	v19 =	vsub.f32 v19, v56;
	v24 =	vmax.f32 v49, $0.0e+00;
	v48 =	vmin.f32 v1, v43;
	(pc) =	sbr.rel @!p0 .LBB2_24-.Ltmp16, $4  }
0x35f: {  	v51 =	vmin.f32 v60, v43;
	v53 =	vmin.f32 v8, v43;
	v26 =	vmax.f32 v26, $0.0e+00  }
0x360: {  	[tilespmem:$0x1FAC0] =	vst v46;
	v46 =	vld.idx.msk [tilespmem:v27+s10+$0x0], $0xffff;
	v49 =	vmin.f32 v63, v45;
	v19 =	vmax.f32 v19, $0.0e+00;
	v26 =	vmul.f32 v30, v26  }
0x361: {  	s31 =	sadd.s32 $0xFFFFFFF0, s21;
	v56 =	vmul.f32 v24, v19;
	v30 =	vimm.f32 $-1.000000020e+30;
	v24 =	vimm.f32 $-1.000000020e+30  }
0x362: {  	s20 =	sadd.s32 $0xFFFFFFFF, s20;
	v19 =	vimm.f32 $-1.000000020e+30;
	v55 =	vsub.f32 v26, v25;
	v26 =	vor.u32 s31, v62  }
.LBB2_23:
0x363: {  	p0 =	sne.s32 s20, $0x1;
	s20 =	sadd.s32 $0xFFFFFFFF, s20;
	v56 =	vsub.f32 v56, v25;
	v0 =	vmin.f32 v7, v45;
	v62 =	vmax.f32 v21, v36;
	s21 =	sadd.s32 $0x40, s21  }
0x364: {  	v43 =	vmin.f32 v34, v43;
	v14 =	vmax.f32 v14, v55;
	v55 =	vmax.f32 v5, v36  }
0x365: {  	v10 =	vmax.f32 v41, v36;
	v30 =	vmax.f32 v30, v56;
	v27 =	vld.idx.msk [tilespmem:v27+s13+$0x0], $0xffff;
	v56 =	vmax.f32 v6, v46  }
0x366: {  	v11 =	vmin.f32 v4, v45;
	v0 =	vsub.f32 v0, v55;
	v55 =	vmax.f32 v32, v46  }
0x367: {  	v42 =	vsub.f32 v42, v52;
	v45 =	vmin.f32 v3, v45;
	v52 =	vmax.f32 v47, v46;
	v15 =	vld.idx.msk [tilespmem:v26+s9+$0x0], $0xffff  }
0x368: {  	v46 =	vmax.f32 v2, v46;
	v53 =	vsub.f32 v53, v56;
	v0 =	vmax.f32 v0, $0.0e+00;
	v56 =	vld.idx.msk [tilespmem:v26+s12+$0x0], $0xffff  }
0x369: {  	v28 =	vmax.f32 v2, v28;
	v51 =	vsub.f32 v51, v52;
	v48 =	vsub.f32 v48, v55;
	v52 =	vld.idx.msk [tilespmem:v26+s11+$0x0], $0xffff  }
0x36a: {  	v35 =	vsub.f32 v35, v50;
	v42 =	vmax.f32 v42, $0.0e+00;
	v50 =	vmax.f32 v53, $0.0e+00;
	v53 =	vld.idx.msk [tilespmem:v26+s10+$0x0], $0xffff  }
0x36b: {  	v38 =	vsub.f32 v38, v39;
	v36 =	vmax.f32 v20, v36;
	v10 =	vsub.f32 v49, v10  }
0x36c: {  	v28 =	vsub.f32 v29, v28;
	v35 =	vmax.f32 v35, $0.0e+00;
	v29 =	vmax.f32 v51, $0.0e+00  }
0x36d: {  	v10 =	vmax.f32 v10, $0.0e+00;
	v0 =	vmul.f32 v50, v0;
	v39 =	vmax.f32 v20, v15  }
0x36e: {  	v48 =	vmax.f32 v48, $0.0e+00;
	v49 =	vmax.f32 v5, v15;
	v50 =	vmin.f32 v8, v56  }
0x36f: {  	v43 =	vsub.f32 v43, v46;
	v10 =	vmul.f32 v29, v10;
	v29 =	vmin.f32 v63, v52  }
0x370: {  	v28 =	vmax.f32 v28, $0.0e+00;
	v46 =	vmin.f32 v7, v52;
	v51 =	vmax.f32 v32, v53  }
0x371: {  	v38 =	vmax.f32 v38, $0.0e+00;
	v10 =	vsub.f32 v10, v27;
	v55 =	vmax.f32 v41, v15  }
0x372: {  	v28 =	vmul.f32 v28, v38;
	v38 =	vmax.f32 v43, $0.0e+00;
	v43 =	vmin.f32 v60, v56  }
0x373: {  	v45 =	vsub.f32 v45, v62;
	v10 =	vmax.f32 v30, v10;
	v30 =	vmin.f32 v4, v52  }
0x374: {  	v35 =	vmul.f32 v35, v42;
	v42 =	vsub.f32 v46, v49;
	v46 =	vmax.f32 v47, v53  }
0x375: {  	v45 =	vmax.f32 v45, $0.0e+00;
	v28 =	vsub.f32 v28, v25;
	v43 =	vsub.f32 v43, v46  }
0x376: {  	v11 =	vsub.f32 v11, v36;
	v36 =	vmin.f32 v34, v56;
	v46 =	vmax.f32 v2, v53  }
0x377: {  	v24 =	vmax.f32 v24, v28;
	v15 =	vmax.f32 v21, v15;
	v28 =	vsub.f32 v36, v46  }
0x378: {  	v11 =	vmax.f32 v11, $0.0e+00;
	v36 =	vmin.f32 v3, v52;
	v46 =	vmin.f32 v1, v56  }
0x379: {  	v49 =	vmax.f32 v6, v53;
	v46 =	vsub.f32 v46, v51;
	v28 =	vmax.f32 v28, $0.0e+00  }
0x37a: {  	v25 =	vsub.f32 v35, v25;
	v15 =	vsub.f32 v36, v15;
	v35 =	vmax.f32 v43, $0.0e+00;
	v26 =	vld.idx.msk [tilespmem:v26+s13+$0x0], $0xffff  }
0x37b: {  	v42 =	vmax.f32 v42, $0.0e+00;
	v36 =	vsub.f32 v50, v49;
	v43 =	vmax.f32 v46, $0.0e+00  }
0x37c: {  	v45 =	vmul.f32 v48, v45;
	v29 =	vsub.f32 v29, v55;
	v15 =	vmax.f32 v15, $0.0e+00  }
0x37d: {  	v22 =	vmul.f32 v22, v23;
	v11 =	vmul.f32 v38, v11;
	v30 =	vsub.f32 v30, v39  }
0x37e: {  	v23 =	vsub.f32 v45, v27;
	v29 =	vmax.f32 v29, $0.0e+00;
	v15 =	vmul.f32 v43, v15  }
0x37f: {  	v19 =	vmax.f32 v19, v25;
	v25 =	vmax.f32 v30, $0.0e+00;
	v29 =	vmul.f32 v35, v29  }
0x380: {  	v11 =	vsub.f32 v11, v27;
	v25 =	vmul.f32 v28, v25;
	v15 =	vsub.f32 v15, v26  }
0x381: {  	v0 =	vsub.f32 v0, v27;
	v14 =	vmax.f32 v14, v23;
	v23 =	vmax.f32 v36, $0.0e+00  }
0x382: {  	v11 =	vmax.f32 v24, v11;
	v23 =	vmul.f32 v23, v42;
	v14 =	vmax.f32 v14, v15  }
0x383: {  	v24 =	vsub.f32 v25, v26;
	v15 =	vor.u32 s21, v31;
	v14 =	vmax.f32 v14, v18  }
0x384: {  	v9 =	vsub.f32 v22, v9;
	v18 =	vsub.f32 v23, v26  }
0x385: {  	v0 =	vmax.f32 v19, v0;
	v19 =	vsub.f32 v29, v26;
	v11 =	vmax.f32 v11, v24  }
0x386: {  	v24 =	vmax.f32 v11, v9;
	v0 =	vmax.f32 v0, v18  }
0x387: {  	v9 =	vmax.f32 v10, v19;
	v19 =	vmax.f32 v0, v16  }
0x388: {  	v30 =	vmax.f32 v9, v17;
	v0 =	vld.idx.msk [tilespmem:v15+s11+$0x0], $0xffff  }
0x389: {  	v9 =	vld.idx.msk [tilespmem:v15+s10+$0x0], $0xffff  }
0x38a: {  	v10 =	vld.idx.msk [tilespmem:v15+s9+$0x0], $0xffff  }
0x38b: {  	v11 =	vld.idx.msk [tilespmem:v15+s12+$0x0], $0xffff;
	_ =	sdelay $0x2  }
0x38c: {  	v16 =	vmin.f32 v3, v0;
	v17 =	vmin.f32 v4, v0;
	v18 =	vmin.f32 v63, v0  }
0x38d: {  	s22 =	sadd.s32 $0xFFFFFFD0, s21;
	v22 =	vmax.f32 v6, v9;
	v23 =	vmax.f32 v2, v9;
	v25 =	vmax.f32 v47, v9  }
0x38e: {  	v26 =	vor.u32 s22, v31;
	v0 =	vmin.f32 v7, v0;
	v29 =	vmax.f32 v20, v10  }
0x38f: {  	v27 =	vmax.f32 v5, v10;
	v28 =	vmax.f32 v41, v10;
	v35 =	vmin.f32 v60, v11  }
0x390: {  	v0 =	vsub.f32 v0, v27;
	v27 =	vmin.f32 v1, v11;
	v25 =	vsub.f32 v35, v25  }
0x391: {  	v36 =	vmax.f32 v32, v9;
	v35 =	vmin.f32 v8, v11;
	v11 =	vmin.f32 v34, v11  }
0x392: {  	s22 =	sadd.s32 $0xFFFFFFE0, s21;
	v10 =	vmax.f32 v21, v10;
	v0 =	vmax.f32 v0, $0.0e+00;
	v9 =	vld.idx.msk [tilespmem:v15+s13+$0x0], $0xffff;
	v15 =	vsub.f32 v27, v36  }
0x393: {  	v10 =	vsub.f32 v16, v10;
	v22 =	vsub.f32 v35, v22;
	v27 =	vor.u32 s22, v31;
	v38 =	vld.idx.msk [tilespmem:v26+s12+$0x0], $0xffff  }
0x394: {  	v16 =	vsub.f32 v18, v28;
	v11 =	vsub.f32 v11, v23;
	v39 =	vld.idx.msk [tilespmem:v26+s11+$0x0], $0xffff;
	v15 =	vmax.f32 v15, $0.0e+00  }
0x395: {  	v10 =	vmax.f32 v10, $0.0e+00;
	v23 =	vmax.f32 v25, $0.0e+00;
	v18 =	vmax.f32 v22, $0.0e+00;
	v28 =	vld.idx.msk [tilespmem:v26+s10+$0x0], $0xffff  }
0x396: {  	v0 =	vmul.f32 v18, v0;
	v10 =	vmul.f32 v15, v10;
	v15 =	vmax.f32 v16, $0.0e+00;
	v48 =	vld.idx.msk [tilespmem:v26+s9+$0x0], $0xffff  }
0x397: {  	v17 =	vsub.f32 v17, v29;
	v22 =	vmax.f32 v11, $0.0e+00;
	v11 =	vmul.f32 v23, v15  }
0x398: {  	v16 =	vsub.f32 v0, v9;
	v18 =	vsub.f32 v10, v9;
	v43 =	vld.idx.msk [tilespmem:v27+s12+$0x0], $0xffff  }
0x399: {  	v23 =	vmax.f32 v17, $0.0e+00;
	v0 =	vmin.f32 v1, v38;
	v29 =	vmin.f32 v34, v38;
	v36 =	vld.idx.msk [tilespmem:v27+s9+$0x0], $0xffff  }
0x39a: {  	v17 =	vsub.f32 v11, v9;
	v42 =	vmin.f32 v7, v39;
	v10 =	vmin.f32 v3, v39;
	v46 =	vld.idx.msk [tilespmem:v27+s10+$0x0], $0xffff  }
0x39b: {  	v15 =	vmin.f32 v60, v38;
	v11 =	vmin.f32 v63, v39;
	v25 =	vmax.f32 v47, v28;
	v45 =	vld.idx.msk [tilespmem:v27+s11+$0x0], $0xffff  }
0x39c: {  	v35 =	vmin.f32 v8, v38;
	v49 =	vmax.f32 v21, v48;
	v15 =	vsub.f32 v15, v25  }
0x39d: {  	v38 =	vmin.f32 v4, v39;
	v39 =	vmax.f32 v20, v48;
	v25 =	vld.idx.msk [tilespmem:v26+s13+$0x0], $0xffff;
	v26 =	vmax.f32 v32, v28  }
0x39e: {  	v10 =	vsub.f32 v10, v49;
	v0 =	vsub.f32 v0, v26;
	v26 =	vmax.f32 v41, v48  }
.Ltmp17:
0x39f: {  	v52 =	vmax.f32 v5, v48;
	v15 =	vmax.f32 v15, $0.0e+00;
	v11 =	vsub.f32 v11, v26;
	(pc) =	sbr.rel @p0 .LBB2_23-.Ltmp17, $4  }
0x3a0: {  	s22 =	sadd.s32 $0xFFFFFFF0, s21;
	v10 =	vmax.f32 v10, $0.0e+00;
	v48 =	vmin.f32 v1, v43;
	v0 =	vmax.f32 v0, $0.0e+00  }
0x3a1: {  	v51 =	vmin.f32 v60, v43;
	v0 =	vmul.f32 v0, v10;
	v10 =	vmax.f32 v11, $0.0e+00  }
0x3a2: {  	v50 =	vmax.f32 v6, v28;
	v53 =	vmin.f32 v8, v43;
	v56 =	vmul.f32 v15, v10  }
0x3a3: {  	v26 =	vor.u32 s22, v31;
	v49 =	vmin.f32 v63, v45;
	v55 =	vsub.f32 v0, v25  }
.LBB2_24:
0x3a4: {  	v0 =	vsub.f32 v56, v25;
	v10 =	vmin.f32 v7, v45  }
0x3a5: {  	v11 =	vmax.f32 v21, v36;
	v15 =	vmax.f32 v5, v36;
	v43 =	vmin.f32 v34, v43  }
0x3a6: {  	v56 =	vmin.f32 v4, v45;
	v42 =	vsub.f32 v42, v52;
	v45 =	vmin.f32 v3, v45  }
0x3a7: {  	v28 =	vmax.f32 v2, v28;
	v35 =	vsub.f32 v35, v50;
	v38 =	vsub.f32 v38, v39  }
0x3a8: {  	v22 =	vmul.f32 v22, v23;
	v14 =	vmax.f32 v14, v55;
	v55 =	vmax.f32 v41, v36  }
0x3a9: {  	v10 =	vsub.f32 v10, v15;
	v36 =	vmax.f32 v20, v36;
	v28 =	vsub.f32 v29, v28  }
0x3aa: {  	v11 =	vsub.f32 v45, v11;
	v0 =	vmax.f32 v30, v0;
	v30 =	vmax.f32 v6, v46  }
0x3ab: {  	v15 =	vmax.f32 v32, v46;
	v52 =	vmax.f32 v47, v46;
	v46 =	vmax.f32 v2, v46  }
0x3ac: {  	v62 =	vld.idx.msk [tilespmem:v26+s9+$0x0], $0xffff;
	v42 =	vmax.f32 v42, $0.0e+00;
	v55 =	vsub.f32 v49, v55;
	v35 =	vmax.f32 v35, $0.0e+00  }
0x3ad: {  	v50 =	vld.idx.msk [tilespmem:v26+s10+$0x0], $0xffff;
	v38 =	vmax.f32 v38, $0.0e+00;
	v36 =	vsub.f32 v56, v36;
	v9 =	vsub.f32 v22, v9  }
0x3ae: {  	v30 =	vsub.f32 v53, v30;
	v10 =	vmax.f32 v10, $0.0e+00;
	v15 =	vsub.f32 v48, v15  }
0x3af: {  	v48 =	vsub.f32 v51, v52;
	v51 =	vld.idx.msk [tilespmem:v26+s11+$0x0], $0xffff;
	v43 =	vsub.f32 v43, v46;
	v28 =	vmax.f32 v28, $0.0e+00  }
0x3b0: {  	v53 =	vld.idx.msk [tilespmem:v26+s12+$0x0], $0xffff;
	v35 =	vmul.f32 v35, v42;
	v28 =	vmul.f32 v28, v38;
	v30 =	vmax.f32 v30, $0.0e+00  }
0x3b1: {  	v27 =	vld.idx.msk [tilespmem:v27+s13+$0x0], $0xffff;
	v29 =	vmax.f32 v48, $0.0e+00;
	v39 =	vmax.f32 v20, v62;
	v48 =	vmax.f32 v5, v62  }
0x3b2: {  	v52 =	vmax.f32 v32, v50;
	v38 =	vmax.f32 v43, $0.0e+00;
	v10 =	vmul.f32 v30, v10  }
0x3b3: {  	v30 =	vmax.f32 v55, $0.0e+00;
	v55 =	vmax.f32 v41, v62;
	v28 =	vsub.f32 v28, v25  }
0x3b4: {  	v31 =	vld [tilespmem:$0x1FBA0];
	v25 =	vsub.f32 v35, v25;
	v29 =	vmul.f32 v29, v30;
	v30 =	vmin.f32 v63, v51  }
0x3b5: {  	v22 =	vld [tilespmem:$0x1FF50];
	v46 =	vmin.f32 v7, v51;
	v43 =	vmin.f32 v60, v53;
	v56 =	vmin.f32 v34, v53  }
0x3b6: {  	v26 =	vld.idx.msk [tilespmem:v26+s13+$0x0], $0xffff;
	v24 =	vmax.f32 v24, v28;
	v28 =	vmax.f32 v21, v62;
	v10 =	vsub.f32 v10, v27  }
0x3b7: {  	v35 =	vld [tilespmem:$0x1FDC0];
	v29 =	vsub.f32 v29, v27;
	v42 =	vsub.f32 v46, v48;
	v48 =	vmax.f32 v47, v50  }
0x3b8: {  	v62 =	vmin.f32 v1, v53;
	v19 =	vmax.f32 v19, v25;
	v46 =	vld [tilespmem:$0x1FAC0];
	v43 =	vsub.f32 v43, v48  }
0x3b9: {  	v48 =	vmax.f32 v2, v50;
	v10 =	vmax.f32 v19, v10;
	v19 =	vld [tilespmem:$0x1FFF0];
	v0 =	vmax.f32 v0, v29  }
0x3ba: {  	v29 =	vmin.f32 v4, v51;
	v45 =	vsub.f32 v56, v48;
	v56 =	vmin.f32 v3, v51;
	v51 =	vld [tilespmem:$0x1FDE0]  }
0x3bb: {  	v49 =	vmin.f32 v8, v53;
	v50 =	vmax.f32 v6, v50;
	v48 =	vsub.f32 v62, v52;
	v52 =	vld [tilespmem:$0x1FB80]  }
0x3bc: {  	v28 =	vsub.f32 v56, v28;
	v56 =	vsub.f32 v49, v50;
	v50 =	vld [tilespmem:$0x1FB90]  }
0x3bd: {  	v11 =	vmax.f32 v11, $0.0e+00;
	v29 =	vsub.f32 v29, v39;
	v39 =	vld [tilespmem:$0x1FB00]  }
0x3be: {  	v36 =	vmax.f32 v36, $0.0e+00;
	v15 =	vmax.f32 v15, $0.0e+00;
	v53 =	vmax.f32 v43, $0.0e+00;
	v43 =	vld [tilespmem:$0x1FAE0]  }
0x3bf: {  	v11 =	vmul.f32 v15, v11;
	v15 =	vmax.f32 v28, $0.0e+00;
	v28 =	vsub.f32 v30, v55;
	v55 =	vld [tilespmem:$0x1FBB0]  }
0x3c0: {  	v30 =	vmul.f32 v38, v36;
	v38 =	vld [tilespmem:$0x1FCA0]  }
0x3c1: {  	v25 =	vmax.f32 v29, $0.0e+00;
	v29 =	vmax.f32 v56, $0.0e+00;
	v56 =	vld [tilespmem:$0x1FB60]  }
0x3c2: {  	v45 =	vmax.f32 v45, $0.0e+00;
	v36 =	vld [tilespmem:$0x1FB10]  }
0x3c3: {  	v42 =	vmax.f32 v42, $0.0e+00;
	v25 =	vmul.f32 v45, v25;
	v45 =	vld [tilespmem:$0x1FAD0]  }
0x3c4: {  	v62 =	vmax.f32 v48, $0.0e+00;
	v23 =	vmax.f32 v28, $0.0e+00;
	v28 =	vsub.f32 v30, v27;
	v30 =	vld [tilespmem:$0x1FB50]  }
0x3c5: {  	v11 =	vsub.f32 v11, v27;
	v15 =	vmul.f32 v62, v15;
	v27 =	vmul.f32 v29, v42;
	v29 =	vld [tilespmem:$0x1FB20]  }
0x3c6: {  	v42 =	vld [tilespmem:$0x1FAF0]  }
0x3c7: {  	v23 =	vmul.f32 v53, v23;
	v15 =	vsub.f32 v15, v26;
	v53 =	vld [tilespmem:$0x1FB70]  }
.Ltmp18:
0x3c8: {  	v11 =	vmax.f32 v14, v11;
	v14 =	vmax.f32 v24, v28;
	v24 =	vsub.f32 v25, v26;
	v25 =	vld [tilespmem:$0x1FF70];
	(pc) =	sbr.rel .LBB2_25-.Ltmp18, $4  }
0x3c9: {  	v28 =	vld [tilespmem:$0x1FB30];
	v11 =	vmax.f32 v11, v15;
	v15 =	vsub.f32 v27, v26;
	v23 =	vsub.f32 v23, v26  }
0x3ca: {  	v48 =	vimm.s32 $0x0;
	v62 =	vlaneseq.u32;
	v27 =	vld [tilespmem:$0x1FB40];
	v11 =	vmax.f32 v11, v18  }
0x3cb: {  	[tilespmem:$0x1FBC0] =	vst v11;
	v11 =	vmax.f32 v14, v24;
	v10 =	vmax.f32 v10, v15;
	v0 =	vmax.f32 v0, v23;
	v23 =	vld [tilespmem:$0x1FF40]  }
0x3cc: {  	v24 =	vld [tilespmem:$0x1FF60];
	v9 =	vmax.f32 v11, v9;
	v14 =	vmax.f32 v10, v16;
	v49 =	vmax.f32 v0, v17  }
.LBB2_26:
0x3cd: {  	s17 =	simm.s32 $0x0  }
0x3ce: {  	v0 =	vor.u32 s17, v62;
	_ =	sdelay $0x4  }
0x3cf: {  	v2 =	vld.idx.msk [tilespmem:v0+s14+$0x0], $0xffff;
	_ =	sdelay $0x4  }
0x3d0: {  	v3 =	vadd.s32 $0x2, v2;
	_ =	sdelay $0x2  }
0x3d1: {  	v1 =	vmov s18  }
0x3d2: {  	vm2 =	vlt.s32 v0, v1;
	v0 =	vmul.u32 $0x6, v0  }
0x3d3: {  	v3 =	vld.idx.msk [tilespmem:v3+s6+$0x0], $0xffff  }
0x3d4: {  	v4 =	vadd.s32 $0x3, v2;
	_ =	sdelay $0x3  }
0x3d5: {  	[tilespmem:v0+s15+$0x0] =	vst.idx.msk vm2, v3  }
0x3d6: {  	v3 =	vld.idx.msk [tilespmem:v4+s6+$0x0], $0xffff;
	v4 =	vor.u32 $0x1, v0  }
0x3d7: {  	v5 =	vadd.s32 $0x4, v2;
	_ =	sdelay $0x3  }
0x3d8: {  	[tilespmem:v4+s15+$0x0] =	vst.idx.msk vm2, v3  }
0x3d9: {  	v4 =	vadd.s32 $0x2, v0;
	v3 =	vld.idx.msk [tilespmem:v5+s6+$0x0], $0xffff  }
0x3da: {  	v5 =	vadd.s32 $0x5, v2;
	_ =	sdelay $0x3  }
0x3db: {  	[tilespmem:v4+s15+$0x0] =	vst.idx.msk vm2, v3  }
0x3dc: {  	v4 =	vadd.s32 $0x3, v0;
	v3 =	vld.idx.msk [tilespmem:v5+s6+$0x0], $0xffff;
	_ =	sdelay $0x4  }
0x3dd: {  	[tilespmem:v4+s15+$0x0] =	vst.idx.msk vm2, v3  }
0x3de: {  	v4 =	vadd.s32 $0x4, v0;
	v3 =	vld.idx.msk [tilespmem:v2+s6+$0x0], $0xffff  }
0x3df: {  	v2 =	vadd.s32 $0x1, v2;
	_ =	sdelay $0x3  }
0x3e0: {  	[tilespmem:v4+s15+$0x0] =	vst.idx.msk vm2, v3  }
0x3e1: {  	s31 =	simm.s32 $0x10;
	v4 =	vadd.s32 $0x5, v0;
	v3 =	vld.idx.msk [tilespmem:v2+s6+$0x0], $0xffff  }
0x3e2: {  	s17 =	simm.s32 $0x20;
	v2 =	vor.u32 s31, v62  }
.LBB2_27:
0x3e3: {  	_ =	sdelay $0x2  }
0x3e4: {  	p0 =	sne.s32 s17, $0x120;
	s18 =	smov.u32 s17;
	s17 =	sadd.s32 $0x10, s17;
	[tilespmem:v4+s15+$0x0] =	vst.idx.msk vm2, v3  }
0x3e5: {  	v0 =	vld.idx.msk [tilespmem:v2+s14+$0x0], $0xffff;
	_ =	sdelay $0x5  }
0x3e6: {  	v3 =	vadd.s32 $0x2, v0;
	_ =	sdelay $0x4  }
0x3e7: {  	vm2 =	vlt.s32 v2, v1;
	v2 =	vmul.u32 $0x6, v2;
	v3 =	vld.idx.msk [tilespmem:v3+s6+$0x0], $0xffff;
	_ =	sdelay $0x1  }
0x3e8: {  	v4 =	vadd.s32 $0x3, v0;
	_ =	sdelay $0x3  }
0x3e9: {  	[tilespmem:v2+s15+$0x0] =	vst.idx.msk vm2, v3  }
0x3ea: {  	v3 =	vld.idx.msk [tilespmem:v4+s6+$0x0], $0xffff  }
0x3eb: {  	v4 =	vor.u32 $0x1, v2  }
0x3ec: {  	v5 =	vadd.s32 $0x4, v0;
	_ =	sdelay $0x3  }
0x3ed: {  	[tilespmem:v4+s15+$0x0] =	vst.idx.msk vm2, v3  }
0x3ee: {  	v3 =	vld.idx.msk [tilespmem:v5+s6+$0x0], $0xffff  }
0x3ef: {  	v4 =	vadd.s32 $0x2, v2  }
0x3f0: {  	v5 =	vadd.s32 $0x5, v0;
	_ =	sdelay $0x3  }
0x3f1: {  	[tilespmem:v4+s15+$0x0] =	vst.idx.msk vm2, v3  }
0x3f2: {  	v3 =	vld.idx.msk [tilespmem:v5+s6+$0x0], $0xffff  }
0x3f3: {  	v4 =	vadd.s32 $0x3, v2;
	_ =	sdelay $0x4  }
0x3f4: {  	[tilespmem:v4+s15+$0x0] =	vst.idx.msk vm2, v3  }
0x3f5: {  	v3 =	vld.idx.msk [tilespmem:v0+s6+$0x0], $0xffff  }
0x3f6: {  	v4 =	vadd.s32 $0x4, v2  }
0x3f7: {  	v0 =	vadd.s32 $0x1, v0;
	_ =	sdelay $0x2  }
.Ltmp19:
0x3f8: {  	(pc) =	sbr.rel @p0 .LBB2_27-.Ltmp19, $4  }
0x3f9: {  	[tilespmem:v4+s15+$0x0] =	vst.idx.msk vm2, v3  }
0x3fa: {  	v3 =	vld.idx.msk [tilespmem:v0+s6+$0x0], $0xffff  }
0x3fb: {  	v4 =	vadd.s32 $0x5, v2  }
0x3fc: {  	v2 =	vor.u32 s18, v62  }
0x3fd: {  	_ =	sdelay $0x4  }
0x3fe: {  	[tilespmem:v4+s15+$0x0] =	vst.idx.msk vm2, v3  }
0x3ff: {  	v0 =	vld.idx.msk [tilespmem:v2+s14+$0x0], $0xffff;
	_ =	sdelay $0x4  }
0x400: {  	v3 =	vadd.s32 $0x2, v0;
	_ =	sdelay $0x3  }
0x401: {  	vm2 =	vlt.s32 v2, v1;
	v1 =	vmul.u32 $0x6, v2  }
0x402: {  	v2 =	vld.idx.msk [tilespmem:v3+s6+$0x0], $0xffff  }
0x403: {  	v3 =	vadd.s32 $0x3, v0;
	_ =	sdelay $0x3  }
0x404: {  	[tilespmem:v1+s15+$0x0] =	vst.idx.msk vm2, v2  }
0x405: {  	v2 =	vld.idx.msk [tilespmem:v3+s6+$0x0], $0xffff;
	v3 =	vor.u32 $0x1, v1  }
0x406: {  	v4 =	vadd.s32 $0x4, v0;
	_ =	sdelay $0x3  }
0x407: {  	[tilespmem:v3+s15+$0x0] =	vst.idx.msk vm2, v2  }
0x408: {  	v3 =	vadd.s32 $0x2, v1;
	v2 =	vld.idx.msk [tilespmem:v4+s6+$0x0], $0xffff  }
0x409: {  	v4 =	vadd.s32 $0x5, v0;
	_ =	sdelay $0x3  }
0x40a: {  	[tilespmem:v3+s15+$0x0] =	vst.idx.msk vm2, v2  }
0x40b: {  	v3 =	vadd.s32 $0x3, v1;
	v2 =	vld.idx.msk [tilespmem:v4+s6+$0x0], $0xffff;
	_ =	sdelay $0x4  }
0x40c: {  	[tilespmem:v3+s15+$0x0] =	vst.idx.msk vm2, v2  }
0x40d: {  	v3 =	vadd.s32 $0x4, v1;
	v2 =	vld.idx.msk [tilespmem:v0+s6+$0x0], $0xffff  }
0x40e: {  	v0 =	vadd.s32 $0x1, v0;
	_ =	sdelay $0x3  }
0x40f: {  	[tilespmem:v3+s15+$0x0] =	vst.idx.msk vm2, v2  }
0x410: {  	v1 =	vadd.s32 $0x5, v1;
	v0 =	vld.idx.msk [tilespmem:v0+s6+$0x0], $0xffff;
	_ =	sdelay $0x2  }
0x411: {  	s16 =	sadd.s32 $0x1, s16  }
0x412: {  	p0 =	sne.s32 s16, s5  }
.Ltmp20:
0x413: {  	[tilespmem:v1+s15+$0x0] =	vst.idx.msk vm2, v0;
	(pc) =	sbr.rel @p0 .LBB2_2-.Ltmp20, $4  }
0x414: {  	[hbm4b:s3+s6] =	stream.linear.scatter [tilespmem:s15], [sflag:$0x1], $0x708, $0x38;
	[tilespmem:$0x15D00] =	vst v63  }
0x415: {  	_ =	swait.ge [sflag:s7], $0x708  }
0x416: {  	[sflag:s7] =	ssyncset.done $0x0  }
0x417: {  	v5 =	vimm.f32 $0.0e+00;
	v0 =	vimm.f32 $1.000000000e+08;
	[sflag:s7] =	ssyncadd.s32 $0xFFFFF8F8  }
.LBB2_29:
0x418: {  	_ =	sfence.sel $0x180000  }
0x419: {  	[bflag:$0x0] =	sbarrier.arrive $0xFFFF  }
0x41a: {  	p0 =	sne.s32 s0, $0x0;
	_ =	strace $0x90000047  }
0x41b: {  	s0 =	sadd.s32 @!p0 $0x100000, s1;
	[bflag:$0x2] =	sbarrier.arrive $0xFFFF  }
0x41c: {  	[sflag:s0] =	ssyncadd.tile.s32 @!p0 $0x1;
	_ =	shalt  }
.Lfunc_end2:
_tile_overlayer_lowered:
.L_overlay_start_2:
0x41d: {  	(tag) =	ssettag $0x2  }
0x41e: {  	s0 =	rddreg [dreg:$0x0];
	s2 =	stileid.u32  }
0x41f: {  	s1 =	rddreg [dreg:$0x1];
	p0 =	sne.s32 s2, $0x0  }
0x420: {  	s3 =	rddreg [dreg:$0x2];
	[bflag:$0x3] =	sbarrier.arrive $0xFFFF;
	s2 =	simm.s32 @!p0 $0x1C01  }
0x421: {  	[timem:s3], [sflag:s2] =	dma.local @!p0 [hbm:s0], s1  }
0x422: {  	s0 =	simm.s32 @!p0 $0x1  }
0x423: {  	_ =	swait.ge @!p0 [sflag:s0], s1  }
0x424: {  	s1 =	ssub.s32 @!p0 $0x0, s1;
	[sflag:s0] =	ssyncset.done @!p0 $0x0  }
0x425: {  	[sflag:s0] =	ssyncadd.s32 @!p0 s1  }
0x426: {  	[bflag:$0x3] =	sbarrier.arrive $0xFFFF  }
0x427: {  	_ =	shalt  }

</sc_bundles>
